<compile_context>
chip_gen: v7x
topology: tpu7x:2x2x1
jax: 0.10.2.dev20260603
libtpu: 0.0.44.dev20260713+nightly
codegen_flags: <defaults>
</compile_context>

<pallas_src>
import functools

import jax
import jax.numpy as jnp
from jax import lax
from jax.experimental import pallas as pl
from jax.experimental.pallas import tpu as pltpu
from jax.experimental.pallas import tpu_sc as plsc

N = 10000
E = 320000
H = 128
OUT = 64
EPS = 1e-5

NSC = 2
NTEC = 16
NW = NSC * NTEC
K = 100
NCH = E // (NW * K)
CPG = 20
NG = NCH // CPG
RING = 3
NP = 10240
ZR = NP // NTEC
ZB = 80
EPT = E // NW

_mesh = plsc.VectorSubcoreMesh(core_axis_name="c", subcore_axis_name="s")


@functools.partial(
    pl.kernel,
    mesh=_mesh,
    out_type=jax.ShapeDtypeStruct((NW, N), jnp.float32),
    scratch_types=[
        pltpu.VMEM((EPT,), jnp.int32),
        pltpu.VMEM((N,), jnp.float32),
    ],
    compiler_params=pltpu.CompilerParams(needs_layout_passes=False),
)
def _deg_kernel(dst_hbm, out_hbm, dv, hist):
    c = lax.axis_index("c")
    s = lax.axis_index("s")
    w = c * NTEC + s
    pltpu.sync_copy(dst_hbm.at[pl.ds(w * EPT, EPT)], dv)
    zeros = jnp.zeros((16,), jnp.float32)

    def zbody(i, _):
        hist[pl.ds(i * 16, 16)] = zeros
        return 0

    lax.fori_loop(0, N // 16, zbody, 0, unroll=8)
    ones = jnp.ones((16,), jnp.float32)

    def body(i, _):
        idx = dv[pl.ds(i * 16, 16)]
        plsc.addupdate_scatter(hist, [idx], ones)
        return 0

    lax.fori_loop(0, EPT // 16, body, 0, unroll=8)
    pltpu.sync_copy(hist, out_hbm.at[w])


@functools.partial(
    pl.kernel,
    mesh=_mesh,
    out_type=jax.ShapeDtypeStruct((NSC, NP, H), jnp.float32),
    scratch_types=[
        pltpu.VMEM((CPG, K), jnp.int32),
        pltpu.VMEM((CPG, K), jnp.int32),
        pltpu.VMEM((RING, K, H), jnp.float32),
        pltpu.VMEM_SHARED((NP, H), jnp.float32),
        pltpu.SemaphoreType.DMA((RING,)),
        pltpu.SemaphoreType.DMA((RING,)),
    ],
    compiler_params=pltpu.CompilerParams(needs_layout_passes=False),
)
def _scatter_kernel(table_hbm, src_hbm, dst_hbm, z_hbm, out_hbm, src_v, dst_v, rows, acc, gsem, ssem):
    c = lax.axis_index("c")
    s = lax.axis_index("s")
    w = c * NTEC + s

    pltpu.sync_copy(z_hbm, rows.at[0, pl.ds(0, ZB)])
    for k in range(ZR // ZB):
        pltpu.sync_copy(rows.at[0, pl.ds(0, ZB)], acc.at[pl.ds(s * ZR + k * ZB, ZB)])
    plsc.subcore_barrier()

    def _gather(j, buf):
        pltpu.async_copy(table_hbm.at[src_v.at[j]], rows.at[buf], gsem.at[buf])

    def _gwait(buf):
        pltpu.make_async_copy(table_hbm.at[src_v.at[0]], rows.at[buf], gsem.at[buf]).wait()

    def _scat(j, buf):
        pltpu.async_copy(rows.at[buf], acc.at[dst_v.at[j]], ssem.at[buf], add=True)

    def _swait(buf):
        pltpu.make_async_copy(rows.at[buf], acc.at[dst_v.at[0]], ssem.at[buf]).wait()

    def gbody(g, _):
        pltpu.sync_copy(src_hbm.at[w, g], src_v)
        pltpu.sync_copy(dst_hbm.at[w, g], dst_v)
        for b in range(RING):
            _gather(b, b)

        def jbody(j, _):
            b = lax.rem(j, RING)
            _gwait(b)
            _scat(j, b)

            @pl.when(j + RING < CPG)
            def _():
                _swait(b)
                _gather(j + RING, b)

            return 0

        lax.fori_loop(0, CPG, jbody, 0)
        for o in range(RING):
            _swait((CPG - RING + o) % RING)
        return 0

    lax.fori_loop(0, NG, gbody, 0)
    plsc.subcore_barrier()
    for k in range(ZR // ZB):
        pltpu.sync_copy(acc.at[pl.ds(s * ZR + k * ZB, ZB)], rows.at[0, pl.ds(0, ZB)])
        pltpu.sync_copy(rows.at[0, pl.ds(0, ZB)], out_hbm.at[c, pl.ds(s * ZR + k * ZB, ZB)])


def _dinv_from_blk(dp_blk):
    deg = 1.0 + jnp.sum(dp_blk[0], axis=0)
    return lax.rsqrt(jnp.maximum(deg, 1.0))[:, None]


def _proj_body(x_ref, wc_ref, bc_ref, w1_ref, dp_ref, o_ref):
    xf = x_ref[...] @ wc_ref[...] + bc_ref[...]
    h1 = xf @ w1_ref[...]
    o_ref[...] = h1 * _dinv_from_blk(dp_ref[...])


def _mid_body(yp_ref, ht_ref, dp_ref, s_ref, t_ref, w2_ref, o_ref):
    dinv = _dinv_from_blk(dp_ref[...])
    agg = yp_ref[0] + yp_ref[1] + ht_ref[...]
    z = jnp.maximum(agg * dinv * s_ref[...] + t_ref[...], 0.0)
    o_ref[...] = (z @ w2_ref[...]) * dinv


def _final_body(yp_ref, ht_ref, dp_ref, s_ref, t_ref, wf_ref, bf_ref, o_ref):
    dinv = _dinv_from_blk(dp_ref[...])
    agg = yp_ref[0] + yp_ref[1] + ht_ref[...]
    z = jnp.maximum(agg * dinv * s_ref[...] + t_ref[...], 0.0)
    o = z @ wf_ref[...] + bf_ref[...]
    m = jnp.max(o, axis=1, keepdims=True)
    lse = jnp.log(jnp.sum(jnp.exp(o - m), axis=1, keepdims=True)) + m
    o_ref[...] = o - lse


_GRID = 10
_BLK = N // _GRID


def _row_spec(width):
    return pl.BlockSpec((_BLK, width), lambda i: (i, 0))


def _full_spec(r, cdim):
    return pl.BlockSpec((r, cdim), lambda i: (0, 0))


def kernel(x, edge_index, W_proj0, b_proj0, W_proj1, b_proj1, alpha, W1, b1, g1, be1, W2, b2, g2, be2, Wf, bf):
    aw = jax.nn.softmax(alpha)
    Wc = jnp.concatenate([aw[0] * W_proj0, aw[1] * W_proj1], axis=0)
    bc = (aw[0] * b_proj0 + aw[1] * b_proj1).reshape(1, H)
    gs1 = (g1 / jnp.sqrt(1.0 + EPS)).reshape(1, H)
    t1 = (b1 * gs1[0] + be1).reshape(1, H)
    gs2 = (g2 / jnp.sqrt(1.0 + EPS)).reshape(1, H)
    t2 = (b2 * gs2[0] + be2).reshape(1, H)
    bf2 = bf.reshape(1, OUT)
    src_r = edge_index[0].reshape(NW, NG, CPG, K)
    dst_r = edge_index[1].reshape(NW, NG, CPG, K)
    dst1d = edge_index[1]
    zbuf = jnp.zeros((ZB, H), jnp.float32)

    dp = _deg_kernel(dst1d)
    dpt = dp.reshape(NW, _GRID, _BLK).transpose(1, 0, 2)
    _dp_spec = pl.BlockSpec((1, NW, _BLK), lambda i: (i, 0, 0))

    ht1 = pl.pallas_call(
        _proj_body,
        out_shape=jax.ShapeDtypeStruct((N, H), jnp.float32),
        grid=(_GRID,),
        in_specs=[
            _row_spec(H),
            _full_spec(H, H),
            _full_spec(1, H),
            _full_spec(H, H),
            _dp_spec,
        ],
        out_specs=_row_spec(H),
    )(x, Wc, bc, W1, dpt)

    yp1 = _scatter_kernel(ht1, src_r, dst_r, zbuf)

    ht2 = pl.pallas_call(
        _mid_body,
        out_shape=jax.ShapeDtypeStruct((N, H), jnp.float32),
        grid=(_GRID,),
        in_specs=[
            pl.BlockSpec((NSC, _BLK, H), lambda i: (0, i, 0)),
            _row_spec(H),
            _dp_spec,
            _full_spec(1, H),
            _full_spec(1, H),
            _full_spec(H, H),
        ],
        out_specs=_row_spec(H),
    )(yp1, ht1, dpt, gs1, t1, W2)

    yp2 = _scatter_kernel(ht2, src_r, dst_r, zbuf)

    out = pl.pallas_call(
        _final_body,
        out_shape=jax.ShapeDtypeStruct((N, OUT), jnp.float32),
        grid=(_GRID,),
        in_specs=[
            pl.BlockSpec((NSC, _BLK, H), lambda i: (0, i, 0)),
            _row_spec(H),
            _dp_spec,
            _full_spec(1, H),
            _full_spec(1, H),
            _full_spec(H, OUT),
            _full_spec(1, OUT),
        ],
        out_specs=pl.BlockSpec((_BLK, OUT), lambda i: (i, 0)),
    )(yp2, ht2, dpt, gs2, t2, Wf, bf2)
    return out

# --- scband reference (transcript-rebuilt; emitter-appended) ---
"""Pipeline reference for scband-adaptive-fusion-gnn-24945170055622 (READ-ONLY COPY).

The authoritative reference and input builder live on the scoring server;
editing this copy changes nothing except your own understanding.
"""

import jax, jax.numpy as jnp
import numpy as np

N = 10000
E = 320000
D = 128
H = 128
OUT = 64
EPS = 1e-5


def _gcn(x, src, dst, W, b):
    n = x.shape[0]
    loop = jnp.arange(n, dtype=src.dtype)
    s = jnp.concatenate([src, loop])
    d = jnp.concatenate([dst, loop])
    deg = jnp.zeros((n,), dtype=x.dtype).at[d].add(1.0)
    dinv = jax.lax.rsqrt(jnp.maximum(deg, 1.0))
    norm = dinv[s] * dinv[d]
    h = x @ W
    msg = h[s] * norm[:, None]
    out = jax.ops.segment_sum(msg, d, num_segments=n)
    return out + b


def _bn(x, g, b):
    # eval-mode BatchNorm1d with running_mean=0, running_var=1
    return x * (g / jnp.sqrt(1.0 + EPS)) + b


def setup_inputs(seed: int = 0):
    key = jax.random.key(seed)
    ks = jax.random.split(key, 12)
    inp = {}
    inp["x"] = jax.random.normal(ks[0], (N, D), dtype=jnp.float32)
    inp["edge_index"] = jax.random.randint(ks[1], (2, E), 0, N, dtype=jnp.int32)
    inp["W_proj0"] = jax.random.normal(ks[2], (64, H), dtype=jnp.float32) * 0.05
    inp["b_proj0"] = jnp.zeros((H,), dtype=jnp.float32)
    inp["W_proj1"] = jax.random.normal(ks[3], (64, H), dtype=jnp.float32) * 0.05
    inp["b_proj1"] = jnp.zeros((H,), dtype=jnp.float32)
    inp["alpha"] = jnp.ones((2,), dtype=jnp.float32)
    inp["W1"] = jax.random.normal(ks[4], (H, H), dtype=jnp.float32) * 0.05
    inp["b1"] = jnp.zeros((H,), dtype=jnp.float32)
    inp["g1"] = jnp.ones((H,), dtype=jnp.float32)
    inp["be1"] = jnp.zeros((H,), dtype=jnp.float32)
    inp["W2"] = jax.random.normal(ks[5], (H, H), dtype=jnp.float32) * 0.05
    inp["b2"] = jnp.zeros((H,), dtype=jnp.float32)
    inp["g2"] = jnp.ones((H,), dtype=jnp.float32)
    inp["be2"] = jnp.zeros((H,), dtype=jnp.float32)
    inp["Wf"] = jax.random.normal(ks[6], (H, OUT), dtype=jnp.float32) * 0.05
    inp["bf"] = jnp.zeros((OUT,), dtype=jnp.float32)
    return inp


def reference(x, edge_index, W_proj0, b_proj0, W_proj1, b_proj1, alpha, W1, b1, g1, be1, W2, b2, g2, be2, Wf, bf):
    src, dst = edge_index[0], edge_index[1]
    aw = jax.nn.softmax(alpha)
    x0 = x[:, 0:64] @ W_proj0 + b_proj0
    x1 = x[:, 64:128] @ W_proj1 + b_proj1
    xf = aw[0] * x0 + aw[1] * x1
    h = jax.nn.relu(_bn(_gcn(xf, src, dst, W1, b1), g1, be1))
    # dropout is identity in eval mode
    h = jax.nn.relu(_bn(_gcn(h, src, dst, W2, b2), g2, be2))
    out = h @ Wf + bf
    return jax.nn.log_softmax(out, axis=1)

if __name__ == "__main__":
    import jax
    _d = setup_inputs()
    print(jax.jit(kernel)(*tuple(_d.values())))

</pallas_src>

<mosaic_0001>
#map = affine_map<(d0, d1) -> (0, 0)>
#map1 = affine_map<(d0, d1) -> (0, 0, 0, 0)>
#map2 = affine_map<(d0, d1) -> (0, 0, 0)>
module attributes {stable_mosaic.version = 14 : i64} {
  func.func @_scatter_kernel(%arg0: i32, %arg1: i32, %arg2: memref<10000x128xf32, #tpu.memory_space<hbm>>, %arg3: memref<32x5x20x100xi32, #tpu.memory_space<hbm>>, %arg4: memref<32x5x20x100xi32, #tpu.memory_space<hbm>>, %arg5: memref<80x128xf32, #tpu.memory_space<hbm>>, %arg6: memref<2x10240x128xf32, #tpu.memory_space<hbm>>, %arg7: memref<20x100xi32, #tpu.memory_space<vmem>>, %arg8: memref<20x100xi32, #tpu.memory_space<vmem>>, %arg9: memref<3x100x128xf32, #tpu.memory_space<vmem>>, %arg10: memref<10240x128xf32, #tpu.memory_space<vmem_shared>>, %arg11: memref<3x!tpu.dma_semaphore, #tpu.memory_space<semaphore_mem>>, %arg12: memref<3x!tpu.dma_semaphore, #tpu.memory_space<semaphore_mem>>) attributes {dimension_semantics = [#tpu.dimension_semantics<core_parallel>, #tpu.dimension_semantics<subcore_parallel>], iteration_bounds = array<i64: 2, 16>, scalar_prefetch = 0 : i64, scratch_operands = 6 : i64, tpu.core_type = #tpu.core_type<sc_vector_subcore>, window_params = [{transform_indices = #map}, {transform_indices = #map1}, {transform_indices = #map1}, {transform_indices = #map}, {transform_indices = #map2}]} {
    %mul3A = arith.constant 16 : i32
    %mul3A_0 = arith.muli %arg0, %mul3A : i32
    %add3A = arith.addi %mul3A_0, %arg1 : i32
    %run_scoped3A = arith.constant 0 : i32
    "tpu.region"() ({
      %run_scoped3A_128 = tpu.sem_alloc : memref<!tpu.dma_semaphore, #tpu.memory_space<semaphore_mem>>
      %dma_start3A = arith.constant 0 : i32
      %dma_start3A_129 = arith.constant 0 : i32
      %dma_start3A_130 = tpu.memref_slice %arg9[%run_scoped3A, %dma_start3A, %dma_start3A_129] : memref<3x100x128xf32, #tpu.memory_space<vmem>> -> memref<1x80x128xf32, #tpu.memory_space<vmem>>
      %dma_start3A_131 = tpu.memref_squeeze %dma_start3A_130 : memref<1x80x128xf32, #tpu.memory_space<vmem>> -> memref<80x128xf32, #tpu.memory_space<vmem>>
      %dma_start3A_132 = arith.constant 0 : i32
      %dma_start3A_133 = arith.constant 0 : i32
      %dma_start3A_134 = tpu.memref_slice %arg9[%run_scoped3A, %dma_start3A_132, %dma_start3A_133] : memref<3x100x128xf32, #tpu.memory_space<vmem>> -> memref<1x80x128xf32, #tpu.memory_space<vmem>>
      %dma_start3A_135 = tpu.memref_squeeze %dma_start3A_134 : memref<1x80x128xf32, #tpu.memory_space<vmem>> -> memref<80x128xf32, #tpu.memory_space<vmem>>
      tpu.enqueue_dma source(%arg5 : memref<80x128xf32, #tpu.memory_space<hbm>>) target(%dma_start3A_135 : memref<80x128xf32, #tpu.memory_space<vmem>>) target_semaphore(%run_scoped3A_128 : memref<!tpu.dma_semaphore, #tpu.memory_space<semaphore_mem>>)
      %dma_wait3A = arith.constant 0 : i32
      %dma_wait3A_136 = arith.constant 0 : i32
      %dma_wait3A_137 = tpu.memref_slice %arg9[%run_scoped3A, %dma_wait3A, %dma_wait3A_136] : memref<3x100x128xf32, #tpu.memory_space<vmem>> -> memref<1x80x128xf32, #tpu.memory_space<vmem>>
      %dma_wait3A_138 = tpu.memref_squeeze %dma_wait3A_137 : memref<1x80x128xf32, #tpu.memory_space<vmem>> -> memref<80x128xf32, #tpu.memory_space<vmem>>
      %dma_wait3A_139 = arith.constant 0 : i32
      %dma_wait3A_140 = arith.constant 0 : i32
      %dma_wait3A_141 = tpu.memref_slice %arg9[%run_scoped3A, %dma_wait3A_139, %dma_wait3A_140] : memref<3x100x128xf32, #tpu.memory_space<vmem>> -> memref<1x80x128xf32, #tpu.memory_space<vmem>>
      %dma_wait3A_142 = tpu.memref_squeeze %dma_wait3A_141 : memref<1x80x128xf32, #tpu.memory_space<vmem>> -> memref<80x128xf32, #tpu.memory_space<vmem>>
      tpu.wait_dma2 semaphore(%run_scoped3A_128 : memref<!tpu.dma_semaphore, #tpu.memory_space<semaphore_mem>>) src(%arg5 : memref<80x128xf32, #tpu.memory_space<hbm>>) dst(%dma_wait3A_142 : memref<80x128xf32, #tpu.memory_space<vmem>>)
      tpu.yield
    }) : () -> ()
    %mul3A_1 = arith.constant 640 : i32
    %mul3A_2 = arith.muli %arg1, %mul3A_1 : i32
    %add3A_3 = arith.constant 0 : i32
    %add3A_4 = arith.addi %mul3A_2, %add3A_3 : i32
    %run_scoped3A_5 = arith.constant 0 : i32
    "tpu.region"() ({
      %run_scoped3A_128 = tpu.sem_alloc : memref<!tpu.dma_semaphore, #tpu.memory_space<semaphore_mem>>
      %dma_start3A = arith.constant 0 : i32
      %dma_start3A_129 = arith.constant 0 : i32
      %dma_start3A_130 = tpu.memref_slice %arg9[%run_scoped3A_5, %dma_start3A, %dma_start3A_129] : memref<3x100x128xf32, #tpu.memory_space<vmem>> -> memref<1x80x128xf32, #tpu.memory_space<vmem>>
      %dma_start3A_131 = tpu.memref_squeeze %dma_start3A_130 : memref<1x80x128xf32, #tpu.memory_space<vmem>> -> memref<80x128xf32, #tpu.memory_space<vmem>>
      %dma_start3A_132 = arith.constant 0 : i32
      %dma_start3A_133 = tpu.memref_slice %arg10[%add3A_4, %dma_start3A_132] : memref<10240x128xf32, #tpu.memory_space<vmem_shared>> -> memref<80x128xf32, #tpu.memory_space<vmem_shared>>
      %dma_start3A_134 = arith.constant 0 : i32
      %dma_start3A_135 = tpu.memref_slice %arg10[%add3A_4, %dma_start3A_134] : memref<10240x128xf32, #tpu.memory_space<vmem_shared>> -> memref<80x128xf32, #tpu.memory_space<vmem_shared>>
      %dma_start3A_136 = arith.constant 0 : i32
      %dma_start3A_137 = arith.constant 0 : i32
      %dma_start3A_138 = tpu.memref_slice %arg9[%run_scoped3A_5, %dma_start3A_136, %dma_start3A_137] : memref<3x100x128xf32, #tpu.memory_space<vmem>> -> memref<1x80x128xf32, #tpu.memory_space<vmem>>
      %dma_start3A_139 = tpu.memref_squeeze %dma_start3A_138 : memref<1x80x128xf32, #tpu.memory_space<vmem>> -> memref<80x128xf32, #tpu.memory_space<vmem>>
      tpu.enqueue_dma source(%dma_start3A_139 : memref<80x128xf32, #tpu.memory_space<vmem>>) target(%dma_start3A_135 : memref<80x128xf32, #tpu.memory_space<vmem_shared>>) target_semaphore(%run_scoped3A_128 : memref<!tpu.dma_semaphore, #tpu.memory_space<semaphore_mem>>)
      %dma_wait3A = arith.constant 0 : i32
      %dma_wait3A_140 = arith.constant 0 : i32
      %dma_wait3A_141 = tpu.memref_slice %arg9[%run_scoped3A_5, %dma_wait3A, %dma_wait3A_140] : memref<3x100x128xf32, #tpu.memory_space<vmem>> -> memref<1x80x128xf32, #tpu.memory_space<vmem>>
      %dma_wait3A_142 = tpu.memref_squeeze %dma_wait3A_141 : memref<1x80x128xf32, #tpu.memory_space<vmem>> -> memref<80x128xf32, #tpu.memory_space<vmem>>
      %dma_wait3A_143 = arith.constant 0 : i32
      %dma_wait3A_144 = tpu.memref_slice %arg10[%add3A_4, %dma_wait3A_143] : memref<10240x128xf32, #tpu.memory_space<vmem_shared>> -> memref<80x128xf32, #tpu.memory_space<vmem_shared>>
      %dma_wait3A_145 = arith.constant 0 : i32
      %dma_wait3A_146 = tpu.memref_slice %arg10[%add3A_4, %dma_wait3A_145] : memref<10240x128xf32, #tpu.memory_space<vmem_shared>> -> memref<80x128xf32, #tpu.memory_space<vmem_shared>>
      %dma_wait3A_147 = arith.constant 0 : i32
      %dma_wait3A_148 = arith.constant 0 : i32
      %dma_wait3A_149 = tpu.memref_slice %arg9[%run_scoped3A_5, %dma_wait3A_147, %dma_wait3A_148] : memref<3x100x128xf32, #tpu.memory_space<vmem>> -> memref<1x80x128xf32, #tpu.memory_space<vmem>>
      %dma_wait3A_150 = tpu.memref_squeeze %dma_wait3A_149 : memref<1x80x128xf32, #tpu.memory_space<vmem>> -> memref<80x128xf32, #tpu.memory_space<vmem>>
      tpu.wait_dma2 semaphore(%run_scoped3A_128 : memref<!tpu.dma_semaphore, #tpu.memory_space<semaphore_mem>>) src(%dma_wait3A_150 : memref<80x128xf32, #tpu.memory_space<vmem>>) dst(%dma_wait3A_146 : memref<80x128xf32, #tpu.memory_space<vmem_shared>>)
      tpu.yield
    }) : () -> ()
    %mul3A_6 = arith.constant 640 : i32
    %mul3A_7 = arith.muli %arg1, %mul3A_6 : i32
    %add3A_8 = arith.constant 80 : i32
    %add3A_9 = arith.addi %mul3A_7, %add3A_8 : i32
    %run_scoped3A_10 = arith.constant 0 : i32
    "tpu.region"() ({
      %run_scoped3A_128 = tpu.sem_alloc : memref<!tpu.dma_semaphore, #tpu.memory_space<semaphore_mem>>
      %dma_start3A = arith.constant 0 : i32
      %dma_start3A_129 = arith.constant 0 : i32
      %dma_start3A_130 = tpu.memref_slice %arg9[%run_scoped3A_10, %dma_start3A, %dma_start3A_129] : memref<3x100x128xf32, #tpu.memory_space<vmem>> -> memref<1x80x128xf32, #tpu.memory_space<vmem>>
      %dma_start3A_131 = tpu.memref_squeeze %dma_start3A_130 : memref<1x80x128xf32, #tpu.memory_space<vmem>> -> memref<80x128xf32, #tpu.memory_space<vmem>>
      %dma_start3A_132 = arith.constant 0 : i32
      %dma_start3A_133 = tpu.memref_slice %arg10[%add3A_9, %dma_start3A_132] : memref<10240x128xf32, #tpu.memory_space<vmem_shared>> -> memref<80x128xf32, #tpu.memory_space<vmem_shared>>
      %dma_start3A_134 = arith.constant 0 : i32
      %dma_start3A_135 = tpu.memref_slice %arg10[%add3A_9, %dma_start3A_134] : memref<10240x128xf32, #tpu.memory_space<vmem_shared>> -> memref<80x128xf32, #tpu.memory_space<vmem_shared>>
      %dma_start3A_136 = arith.constant 0 : i32
      %dma_start3A_137 = arith.constant 0 : i32
      %dma_start3A_138 = tpu.memref_slice %arg9[%run_scoped3A_10, %dma_start3A_136, %dma_start3A_137] : memref<3x100x128xf32, #tpu.memory_space<vmem>> -> memref<1x80x128xf32, #tpu.memory_space<vmem>>
      %dma_start3A_139 = tpu.memref_squeeze %dma_start3A_138 : memref<1x80x128xf32, #tpu.memory_space<vmem>> -> memref<80x128xf32, #tpu.memory_space<vmem>>
      tpu.enqueue_dma source(%dma_start3A_139 : memref<80x128xf32, #tpu.memory_space<vmem>>) target(%dma_start3A_135 : memref<80x128xf32, #tpu.memory_space<vmem_shared>>) target_semaphore(%run_scoped3A_128 : memref<!tpu.dma_semaphore, #tpu.memory_space<semaphore_mem>>)
      %dma_wait3A = arith.constant 0 : i32
      %dma_wait3A_140 = arith.constant 0 : i32
      %dma_wait3A_141 = tpu.memref_slice %arg9[%run_scoped3A_10, %dma_wait3A, %dma_wait3A_140] : memref<3x100x128xf32, #tpu.memory_space<vmem>> -> memref<1x80x128xf32, #tpu.memory_space<vmem>>
      %dma_wait3A_142 = tpu.memref_squeeze %dma_wait3A_141 : memref<1x80x128xf32, #tpu.memory_space<vmem>> -> memref<80x128xf32, #tpu.memory_space<vmem>>
      %dma_wait3A_143 = arith.constant 0 : i32
      %dma_wait3A_144 = tpu.memref_slice %arg10[%add3A_9, %dma_wait3A_143] : memref<10240x128xf32, #tpu.memory_space<vmem_shared>> -> memref<80x128xf32, #tpu.memory_space<vmem_shared>>
      %dma_wait3A_145 = arith.constant 0 : i32
      %dma_wait3A_146 = tpu.memref_slice %arg10[%add3A_9, %dma_wait3A_145] : memref<10240x128xf32, #tpu.memory_space<vmem_shared>> -> memref<80x128xf32, #tpu.memory_space<vmem_shared>>
      %dma_wait3A_147 = arith.constant 0 : i32
      %dma_wait3A_148 = arith.constant 0 : i32
      %dma_wait3A_149 = tpu.memref_slice %arg9[%run_scoped3A_10, %dma_wait3A_147, %dma_wait3A_148] : memref<3x100x128xf32, #tpu.memory_space<vmem>> -> memref<1x80x128xf32, #tpu.memory_space<vmem>>
      %dma_wait3A_150 = tpu.memref_squeeze %dma_wait3A_149 : memref<1x80x128xf32, #tpu.memory_space<vmem>> -> memref<80x128xf32, #tpu.memory_space<vmem>>
      tpu.wait_dma2 semaphore(%run_scoped3A_128 : memref<!tpu.dma_semaphore, #tpu.memory_space<semaphore_mem>>) src(%dma_wait3A_150 : memref<80x128xf32, #tpu.memory_space<vmem>>) dst(%dma_wait3A_146 : memref<80x128xf32, #tpu.memory_space<vmem_shared>>)
      tpu.yield
    }) : () -> ()
    %mul3A_11 = arith.constant 640 : i32
    %mul3A_12 = arith.muli %arg1, %mul3A_11 : i32
    %add3A_13 = arith.constant 160 : i32
    %add3A_14 = arith.addi %mul3A_12, %add3A_13 : i32
    %run_scoped3A_15 = arith.constant 0 : i32
    "tpu.region"() ({
      %run_scoped3A_128 = tpu.sem_alloc : memref<!tpu.dma_semaphore, #tpu.memory_space<semaphore_mem>>
      %dma_start3A = arith.constant 0 : i32
      %dma_start3A_129 = arith.constant 0 : i32
      %dma_start3A_130 = tpu.memref_slice %arg9[%run_scoped3A_15, %dma_start3A, %dma_start3A_129] : memref<3x100x128xf32, #tpu.memory_space<vmem>> -> memref<1x80x128xf32, #tpu.memory_space<vmem>>
      %dma_start3A_131 = tpu.memref_squeeze %dma_start3A_130 : memref<1x80x128xf32, #tpu.memory_space<vmem>> -> memref<80x128xf32, #tpu.memory_space<vmem>>
      %dma_start3A_132 = arith.constant 0 : i32
      %dma_start3A_133 = tpu.memref_slice %arg10[%add3A_14, %dma_start3A_132] : memref<10240x128xf32, #tpu.memory_space<vmem_shared>> -> memref<80x128xf32, #tpu.memory_space<vmem_shared>>
      %dma_start3A_134 = arith.constant 0 : i32
      %dma_start3A_135 = tpu.memref_slice %arg10[%add3A_14, %dma_start3A_134] : memref<10240x128xf32, #tpu.memory_space<vmem_shared>> -> memref<80x128xf32, #tpu.memory_space<vmem_shared>>
      %dma_start3A_136 = arith.constant 0 : i32
      %dma_start3A_137 = arith.constant 0 : i32
      %dma_start3A_138 = tpu.memref_slice %arg9[%run_scoped3A_15, %dma_start3A_136, %dma_start3A_137] : memref<3x100x128xf32, #tpu.memory_space<vmem>> -> memref<1x80x128xf32, #tpu.memory_space<vmem>>
      %dma_start3A_139 = tpu.memref_squeeze %dma_start3A_138 : memref<1x80x128xf32, #tpu.memory_space<vmem>> -> memref<80x128xf32, #tpu.memory_space<vmem>>
      tpu.enqueue_dma source(%dma_start3A_139 : memref<80x128xf32, #tpu.memory_space<vmem>>) target(%dma_start3A_135 : memref<80x128xf32, #tpu.memory_space<vmem_shared>>) target_semaphore(%run_scoped3A_128 : memref<!tpu.dma_semaphore, #tpu.memory_space<semaphore_mem>>)
      %dma_wait3A = arith.constant 0 : i32
      %dma_wait3A_140 = arith.constant 0 : i32
      %dma_wait3A_141 = tpu.memref_slice %arg9[%run_scoped3A_15, %dma_wait3A, %dma_wait3A_140] : memref<3x100x128xf32, #tpu.memory_space<vmem>> -> memref<1x80x128xf32, #tpu.memory_space<vmem>>
      %dma_wait3A_142 = tpu.memref_squeeze %dma_wait3A_141 : memref<1x80x128xf32, #tpu.memory_space<vmem>> -> memref<80x128xf32, #tpu.memory_space<vmem>>
      %dma_wait3A_143 = arith.constant 0 : i32
      %dma_wait3A_144 = tpu.memref_slice %arg10[%add3A_14, %dma_wait3A_143] : memref<10240x128xf32, #tpu.memory_space<vmem_shared>> -> memref<80x128xf32, #tpu.memory_space<vmem_shared>>
      %dma_wait3A_145 = arith.constant 0 : i32
      %dma_wait3A_146 = tpu.memref_slice %arg10[%add3A_14, %dma_wait3A_145] : memref<10240x128xf32, #tpu.memory_space<vmem_shared>> -> memref<80x128xf32, #tpu.memory_space<vmem_shared>>
      %dma_wait3A_147 = arith.constant 0 : i32
      %dma_wait3A_148 = arith.constant 0 : i32
      %dma_wait3A_149 = tpu.memref_slice %arg9[%run_scoped3A_15, %dma_wait3A_147, %dma_wait3A_148] : memref<3x100x128xf32, #tpu.memory_space<vmem>> -> memref<1x80x128xf32, #tpu.memory_space<vmem>>
      %dma_wait3A_150 = tpu.memref_squeeze %dma_wait3A_149 : memref<1x80x128xf32, #tpu.memory_space<vmem>> -> memref<80x128xf32, #tpu.memory_space<vmem>>
      tpu.wait_dma2 semaphore(%run_scoped3A_128 : memref<!tpu.dma_semaphore, #tpu.memory_space<semaphore_mem>>) src(%dma_wait3A_150 : memref<80x128xf32, #tpu.memory_space<vmem>>) dst(%dma_wait3A_146 : memref<80x128xf32, #tpu.memory_space<vmem_shared>>)
      tpu.yield
    }) : () -> ()
    %mul3A_16 = arith.constant 640 : i32
    %mul3A_17 = arith.muli %arg1, %mul3A_16 : i32
    %add3A_18 = arith.constant 240 : i32
    %add3A_19 = arith.addi %mul3A_17, %add3A_18 : i32
    %run_scoped3A_20 = arith.constant 0 : i32
    "tpu.region"() ({
      %run_scoped3A_128 = tpu.sem_alloc : memref<!tpu.dma_semaphore, #tpu.memory_space<semaphore_mem>>
      %dma_start3A = arith.constant 0 : i32
      %dma_start3A_129 = arith.constant 0 : i32
      %dma_start3A_130 = tpu.memref_slice %arg9[%run_scoped3A_20, %dma_start3A, %dma_start3A_129] : memref<3x100x128xf32, #tpu.memory_space<vmem>> -> memref<1x80x128xf32, #tpu.memory_space<vmem>>
      %dma_start3A_131 = tpu.memref_squeeze %dma_start3A_130 : memref<1x80x128xf32, #tpu.memory_space<vmem>> -> memref<80x128xf32, #tpu.memory_space<vmem>>
      %dma_start3A_132 = arith.constant 0 : i32
      %dma_start3A_133 = tpu.memref_slice %arg10[%add3A_19, %dma_start3A_132] : memref<10240x128xf32, #tpu.memory_space<vmem_shared>> -> memref<80x128xf32, #tpu.memory_space<vmem_shared>>
      %dma_start3A_134 = arith.constant 0 : i32
      %dma_start3A_135 = tpu.memref_slice %arg10[%add3A_19, %dma_start3A_134] : memref<10240x128xf32, #tpu.memory_space<vmem_shared>> -> memref<80x128xf32, #tpu.memory_space<vmem_shared>>
      %dma_start3A_136 = arith.constant 0 : i32
      %dma_start3A_137 = arith.constant 0 : i32
      %dma_start3A_138 = tpu.memref_slice %arg9[%run_scoped3A_20, %dma_start3A_136, %dma_start3A_137] : memref<3x100x128xf32, #tpu.memory_space<vmem>> -> memref<1x80x128xf32, #tpu.memory_space<vmem>>
      %dma_start3A_139 = tpu.memref_squeeze %dma_start3A_138 : memref<1x80x128xf32, #tpu.memory_space<vmem>> -> memref<80x128xf32, #tpu.memory_space<vmem>>
      tpu.enqueue_dma source(%dma_start3A_139 : memref<80x128xf32, #tpu.memory_space<vmem>>) target(%dma_start3A_135 : memref<80x128xf32, #tpu.memory_space<vmem_shared>>) target_semaphore(%run_scoped3A_128 : memref<!tpu.dma_semaphore, #tpu.memory_space<semaphore_mem>>)
      %dma_wait3A = arith.constant 0 : i32
      %dma_wait3A_140 = arith.constant 0 : i32
      %dma_wait3A_141 = tpu.memref_slice %arg9[%run_scoped3A_20, %dma_wait3A, %dma_wait3A_140] : memref<3x100x128xf32, #tpu.memory_space<vmem>> -> memref<1x80x128xf32, #tpu.memory_space<vmem>>
      %dma_wait3A_142 = tpu.memref_squeeze %dma_wait3A_141 : memref<1x80x128xf32, #tpu.memory_space<vmem>> -> memref<80x128xf32, #tpu.memory_space<vmem>>
      %dma_wait3A_143 = arith.constant 0 : i32
      %dma_wait3A_144 = tpu.memref_slice %arg10[%add3A_19, %dma_wait3A_143] : memref<10240x128xf32, #tpu.memory_space<vmem_shared>> -> memref<80x128xf32, #tpu.memory_space<vmem_shared>>
      %dma_wait3A_145 = arith.constant 0 : i32
      %dma_wait3A_146 = tpu.memref_slice %arg10[%add3A_19, %dma_wait3A_145] : memref<10240x128xf32, #tpu.memory_space<vmem_shared>> -> memref<80x128xf32, #tpu.memory_space<vmem_shared>>
      %dma_wait3A_147 = arith.constant 0 : i32
      %dma_wait3A_148 = arith.constant 0 : i32
      %dma_wait3A_149 = tpu.memref_slice %arg9[%run_scoped3A_20, %dma_wait3A_147, %dma_wait3A_148] : memref<3x100x128xf32, #tpu.memory_space<vmem>> -> memref<1x80x128xf32, #tpu.memory_space<vmem>>
      %dma_wait3A_150 = tpu.memref_squeeze %dma_wait3A_149 : memref<1x80x128xf32, #tpu.memory_space<vmem>> -> memref<80x128xf32, #tpu.memory_space<vmem>>
      tpu.wait_dma2 semaphore(%run_scoped3A_128 : memref<!tpu.dma_semaphore, #tpu.memory_space<semaphore_mem>>) src(%dma_wait3A_150 : memref<80x128xf32, #tpu.memory_space<vmem>>) dst(%dma_wait3A_146 : memref<80x128xf32, #tpu.memory_space<vmem_shared>>)
      tpu.yield
    }) : () -> ()
    %mul3A_21 = arith.constant 640 : i32
    %mul3A_22 = arith.muli %arg1, %mul3A_21 : i32
    %add3A_23 = arith.constant 320 : i32
    %add3A_24 = arith.addi %mul3A_22, %add3A_23 : i32
    %run_scoped3A_25 = arith.constant 0 : i32
    "tpu.region"() ({
      %run_scoped3A_128 = tpu.sem_alloc : memref<!tpu.dma_semaphore, #tpu.memory_space<semaphore_mem>>
      %dma_start3A = arith.constant 0 : i32
      %dma_start3A_129 = arith.constant 0 : i32
      %dma_start3A_130 = tpu.memref_slice %arg9[%run_scoped3A_25, %dma_start3A, %dma_start3A_129] : memref<3x100x128xf32, #tpu.memory_space<vmem>> -> memref<1x80x128xf32, #tpu.memory_space<vmem>>
      %dma_start3A_131 = tpu.memref_squeeze %dma_start3A_130 : memref<1x80x128xf32, #tpu.memory_space<vmem>> -> memref<80x128xf32, #tpu.memory_space<vmem>>
      %dma_start3A_132 = arith.constant 0 : i32
      %dma_start3A_133 = tpu.memref_slice %arg10[%add3A_24, %dma_start3A_132] : memref<10240x128xf32, #tpu.memory_space<vmem_shared>> -> memref<80x128xf32, #tpu.memory_space<vmem_shared>>
      %dma_start3A_134 = arith.constant 0 : i32
      %dma_start3A_135 = tpu.memref_slice %arg10[%add3A_24, %dma_start3A_134] : memref<10240x128xf32, #tpu.memory_space<vmem_shared>> -> memref<80x128xf32, #tpu.memory_space<vmem_shared>>
      %dma_start3A_136 = arith.constant 0 : i32
      %dma_start3A_137 = arith.constant 0 : i32
      %dma_start3A_138 = tpu.memref_slice %arg9[%run_scoped3A_25, %dma_start3A_136, %dma_start3A_137] : memref<3x100x128xf32, #tpu.memory_space<vmem>> -> memref<1x80x128xf32, #tpu.memory_space<vmem>>
      %dma_start3A_139 = tpu.memref_squeeze %dma_start3A_138 : memref<1x80x128xf32, #tpu.memory_space<vmem>> -> memref<80x128xf32, #tpu.memory_space<vmem>>
      tpu.enqueue_dma source(%dma_start3A_139 : memref<80x128xf32, #tpu.memory_space<vmem>>) target(%dma_start3A_135 : memref<80x128xf32, #tpu.memory_space<vmem_shared>>) target_semaphore(%run_scoped3A_128 : memref<!tpu.dma_semaphore, #tpu.memory_space<semaphore_mem>>)
      %dma_wait3A = arith.constant 0 : i32
      %dma_wait3A_140 = arith.constant 0 : i32
      %dma_wait3A_141 = tpu.memref_slice %arg9[%run_scoped3A_25, %dma_wait3A, %dma_wait3A_140] : memref<3x100x128xf32, #tpu.memory_space<vmem>> -> memref<1x80x128xf32, #tpu.memory_space<vmem>>
      %dma_wait3A_142 = tpu.memref_squeeze %dma_wait3A_141 : memref<1x80x128xf32, #tpu.memory_space<vmem>> -> memref<80x128xf32, #tpu.memory_space<vmem>>
      %dma_wait3A_143 = arith.constant 0 : i32
      %dma_wait3A_144 = tpu.memref_slice %arg10[%add3A_24, %dma_wait3A_143] : memref<10240x128xf32, #tpu.memory_space<vmem_shared>> -> memref<80x128xf32, #tpu.memory_space<vmem_shared>>
      %dma_wait3A_145 = arith.constant 0 : i32
      %dma_wait3A_146 = tpu.memref_slice %arg10[%add3A_24, %dma_wait3A_145] : memref<10240x128xf32, #tpu.memory_space<vmem_shared>> -> memref<80x128xf32, #tpu.memory_space<vmem_shared>>
      %dma_wait3A_147 = arith.constant 0 : i32
      %dma_wait3A_148 = arith.constant 0 : i32
      %dma_wait3A_149 = tpu.memref_slice %arg9[%run_scoped3A_25, %dma_wait3A_147, %dma_wait3A_148] : memref<3x100x128xf32, #tpu.memory_space<vmem>> -> memref<1x80x128xf32, #tpu.memory_space<vmem>>
      %dma_wait3A_150 = tpu.memref_squeeze %dma_wait3A_149 : memref<1x80x128xf32, #tpu.memory_space<vmem>> -> memref<80x128xf32, #tpu.memory_space<vmem>>
      tpu.wait_dma2 semaphore(%run_scoped3A_128 : memref<!tpu.dma_semaphore, #tpu.memory_space<semaphore_mem>>) src(%dma_wait3A_150 : memref<80x128xf32, #tpu.memory_space<vmem>>) dst(%dma_wait3A_146 : memref<80x128xf32, #tpu.memory_space<vmem_shared>>)
      tpu.yield
    }) : () -> ()
    %mul3A_26 = arith.constant 640 : i32
    %mul3A_27 = arith.muli %arg1, %mul3A_26 : i32
    %add3A_28 = arith.constant 400 : i32
    %add3A_29 = arith.addi %mul3A_27, %add3A_28 : i32
    %run_scoped3A_30 = arith.constant 0 : i32
    "tpu.region"() ({
      %run_scoped3A_128 = tpu.sem_alloc : memref<!tpu.dma_semaphore, #tpu.memory_space<semaphore_mem>>
      %dma_start3A = arith.constant 0 : i32
      %dma_start3A_129 = arith.constant 0 : i32
      %dma_start3A_130 = tpu.memref_slice %arg9[%run_scoped3A_30, %dma_start3A, %dma_start3A_129] : memref<3x100x128xf32, #tpu.memory_space<vmem>> -> memref<1x80x128xf32, #tpu.memory_space<vmem>>
      %dma_start3A_131 = tpu.memref_squeeze %dma_start3A_130 : memref<1x80x128xf32, #tpu.memory_space<vmem>> -> memref<80x128xf32, #tpu.memory_space<vmem>>
      %dma_start3A_132 = arith.constant 0 : i32
      %dma_start3A_133 = tpu.memref_slice %arg10[%add3A_29, %dma_start3A_132] : memref<10240x128xf32, #tpu.memory_space<vmem_shared>> -> memref<80x128xf32, #tpu.memory_space<vmem_shared>>
      %dma_start3A_134 = arith.constant 0 : i32
      %dma_start3A_135 = tpu.memref_slice %arg10[%add3A_29, %dma_start3A_134] : memref<10240x128xf32, #tpu.memory_space<vmem_shared>> -> memref<80x128xf32, #tpu.memory_space<vmem_shared>>
      %dma_start3A_136 = arith.constant 0 : i32
      %dma_start3A_137 = arith.constant 0 : i32
      %dma_start3A_138 = tpu.memref_slice %arg9[%run_scoped3A_30, %dma_start3A_136, %dma_start3A_137] : memref<3x100x128xf32, #tpu.memory_space<vmem>> -> memref<1x80x128xf32, #tpu.memory_space<vmem>>
      %dma_start3A_139 = tpu.memref_squeeze %dma_start3A_138 : memref<1x80x128xf32, #tpu.memory_space<vmem>> -> memref<80x128xf32, #tpu.memory_space<vmem>>
      tpu.enqueue_dma source(%dma_start3A_139 : memref<80x128xf32, #tpu.memory_space<vmem>>) target(%dma_start3A_135 : memref<80x128xf32, #tpu.memory_space<vmem_shared>>) target_semaphore(%run_scoped3A_128 : memref<!tpu.dma_semaphore, #tpu.memory_space<semaphore_mem>>)
      %dma_wait3A = arith.constant 0 : i32
      %dma_wait3A_140 = arith.constant 0 : i32
      %dma_wait3A_141 = tpu.memref_slice %arg9[%run_scoped3A_30, %dma_wait3A, %dma_wait3A_140] : memref<3x100x128xf32, #tpu.memory_space<vmem>> -> memref<1x80x128xf32, #tpu.memory_space<vmem>>
      %dma_wait3A_142 = tpu.memref_squeeze %dma_wait3A_141 : memref<1x80x128xf32, #tpu.memory_space<vmem>> -> memref<80x128xf32, #tpu.memory_space<vmem>>
      %dma_wait3A_143 = arith.constant 0 : i32
      %dma_wait3A_144 = tpu.memref_slice %arg10[%add3A_29, %dma_wait3A_143] : memref<10240x128xf32, #tpu.memory_space<vmem_shared>> -> memref<80x128xf32, #tpu.memory_space<vmem_shared>>
      %dma_wait3A_145 = arith.constant 0 : i32
      %dma_wait3A_146 = tpu.memref_slice %arg10[%add3A_29, %dma_wait3A_145] : memref<10240x128xf32, #tpu.memory_space<vmem_shared>> -> memref<80x128xf32, #tpu.memory_space<vmem_shared>>
      %dma_wait3A_147 = arith.constant 0 : i32
      %dma_wait3A_148 = arith.constant 0 : i32
      %dma_wait3A_149 = tpu.memref_slice %arg9[%run_scoped3A_30, %dma_wait3A_147, %dma_wait3A_148] : memref<3x100x128xf32, #tpu.memory_space<vmem>> -> memref<1x80x128xf32, #tpu.memory_space<vmem>>
      %dma_wait3A_150 = tpu.memref_squeeze %dma_wait3A_149 : memref<1x80x128xf32, #tpu.memory_space<vmem>> -> memref<80x128xf32, #tpu.memory_space<vmem>>
      tpu.wait_dma2 semaphore(%run_scoped3A_128 : memref<!tpu.dma_semaphore, #tpu.memory_space<semaphore_mem>>) src(%dma_wait3A_150 : memref<80x128xf32, #tpu.memory_space<vmem>>) dst(%dma_wait3A_146 : memref<80x128xf32, #tpu.memory_space<vmem_shared>>)
      tpu.yield
    }) : () -> ()
    %mul3A_31 = arith.constant 640 : i32
    %mul3A_32 = arith.muli %arg1, %mul3A_31 : i32
    %add3A_33 = arith.constant 480 : i32
    %add3A_34 = arith.addi %mul3A_32, %add3A_33 : i32
    %run_scoped3A_35 = arith.constant 0 : i32
    "tpu.region"() ({
      %run_scoped3A_128 = tpu.sem_alloc : memref<!tpu.dma_semaphore, #tpu.memory_space<semaphore_mem>>
      %dma_start3A = arith.constant 0 : i32
      %dma_start3A_129 = arith.constant 0 : i32
      %dma_start3A_130 = tpu.memref_slice %arg9[%run_scoped3A_35, %dma_start3A, %dma_start3A_129] : memref<3x100x128xf32, #tpu.memory_space<vmem>> -> memref<1x80x128xf32, #tpu.memory_space<vmem>>
      %dma_start3A_131 = tpu.memref_squeeze %dma_start3A_130 : memref<1x80x128xf32, #tpu.memory_space<vmem>> -> memref<80x128xf32, #tpu.memory_space<vmem>>
      %dma_start3A_132 = arith.constant 0 : i32
      %dma_start3A_133 = tpu.memref_slice %arg10[%add3A_34, %dma_start3A_132] : memref<10240x128xf32, #tpu.memory_space<vmem_shared>> -> memref<80x128xf32, #tpu.memory_space<vmem_shared>>
      %dma_start3A_134 = arith.constant 0 : i32
      %dma_start3A_135 = tpu.memref_slice %arg10[%add3A_34, %dma_start3A_134] : memref<10240x128xf32, #tpu.memory_space<vmem_shared>> -> memref<80x128xf32, #tpu.memory_space<vmem_shared>>
      %dma_start3A_136 = arith.constant 0 : i32
      %dma_start3A_137 = arith.constant 0 : i32
      %dma_start3A_138 = tpu.memref_slice %arg9[%run_scoped3A_35, %dma_start3A_136, %dma_start3A_137] : memref<3x100x128xf32, #tpu.memory_space<vmem>> -> memref<1x80x128xf32, #tpu.memory_space<vmem>>
      %dma_start3A_139 = tpu.memref_squeeze %dma_start3A_138 : memref<1x80x128xf32, #tpu.memory_space<vmem>> -> memref<80x128xf32, #tpu.memory_space<vmem>>
      tpu.enqueue_dma source(%dma_start3A_139 : memref<80x128xf32, #tpu.memory_space<vmem>>) target(%dma_start3A_135 : memref<80x128xf32, #tpu.memory_space<vmem_shared>>) target_semaphore(%run_scoped3A_128 : memref<!tpu.dma_semaphore, #tpu.memory_space<semaphore_mem>>)
      %dma_wait3A = arith.constant 0 : i32
      %dma_wait3A_140 = arith.constant 0 : i32
      %dma_wait3A_141 = tpu.memref_slice %arg9[%run_scoped3A_35, %dma_wait3A, %dma_wait3A_140] : memref<3x100x128xf32, #tpu.memory_space<vmem>> -> memref<1x80x128xf32, #tpu.memory_space<vmem>>
      %dma_wait3A_142 = tpu.memref_squeeze %dma_wait3A_141 : memref<1x80x128xf32, #tpu.memory_space<vmem>> -> memref<80x128xf32, #tpu.memory_space<vmem>>
      %dma_wait3A_143 = arith.constant 0 : i32
      %dma_wait3A_144 = tpu.memref_slice %arg10[%add3A_34, %dma_wait3A_143] : memref<10240x128xf32, #tpu.memory_space<vmem_shared>> -> memref<80x128xf32, #tpu.memory_space<vmem_shared>>
      %dma_wait3A_145 = arith.constant 0 : i32
      %dma_wait3A_146 = tpu.memref_slice %arg10[%add3A_34, %dma_wait3A_145] : memref<10240x128xf32, #tpu.memory_space<vmem_shared>> -> memref<80x128xf32, #tpu.memory_space<vmem_shared>>
      %dma_wait3A_147 = arith.constant 0 : i32
      %dma_wait3A_148 = arith.constant 0 : i32
      %dma_wait3A_149 = tpu.memref_slice %arg9[%run_scoped3A_35, %dma_wait3A_147, %dma_wait3A_148] : memref<3x100x128xf32, #tpu.memory_space<vmem>> -> memref<1x80x128xf32, #tpu.memory_space<vmem>>
      %dma_wait3A_150 = tpu.memref_squeeze %dma_wait3A_149 : memref<1x80x128xf32, #tpu.memory_space<vmem>> -> memref<80x128xf32, #tpu.memory_space<vmem>>
      tpu.wait_dma2 semaphore(%run_scoped3A_128 : memref<!tpu.dma_semaphore, #tpu.memory_space<semaphore_mem>>) src(%dma_wait3A_150 : memref<80x128xf32, #tpu.memory_space<vmem>>) dst(%dma_wait3A_146 : memref<80x128xf32, #tpu.memory_space<vmem_shared>>)
      tpu.yield
    }) : () -> ()
    %mul3A_36 = arith.constant 640 : i32
    %mul3A_37 = arith.muli %arg1, %mul3A_36 : i32
    %add3A_38 = arith.constant 560 : i32
    %add3A_39 = arith.addi %mul3A_37, %add3A_38 : i32
    %run_scoped3A_40 = arith.constant 0 : i32
    "tpu.region"() ({
      %run_scoped3A_128 = tpu.sem_alloc : memref<!tpu.dma_semaphore, #tpu.memory_space<semaphore_mem>>
      %dma_start3A = arith.constant 0 : i32
      %dma_start3A_129 = arith.constant 0 : i32
      %dma_start3A_130 = tpu.memref_slice %arg9[%run_scoped3A_40, %dma_start3A, %dma_start3A_129] : memref<3x100x128xf32, #tpu.memory_space<vmem>> -> memref<1x80x128xf32, #tpu.memory_space<vmem>>
      %dma_start3A_131 = tpu.memref_squeeze %dma_start3A_130 : memref<1x80x128xf32, #tpu.memory_space<vmem>> -> memref<80x128xf32, #tpu.memory_space<vmem>>
      %dma_start3A_132 = arith.constant 0 : i32
      %dma_start3A_133 = tpu.memref_slice %arg10[%add3A_39, %dma_start3A_132] : memref<10240x128xf32, #tpu.memory_space<vmem_shared>> -> memref<80x128xf32, #tpu.memory_space<vmem_shared>>
      %dma_start3A_134 = arith.constant 0 : i32
      %dma_start3A_135 = tpu.memref_slice %arg10[%add3A_39, %dma_start3A_134] : memref<10240x128xf32, #tpu.memory_space<vmem_shared>> -> memref<80x128xf32, #tpu.memory_space<vmem_shared>>
      %dma_start3A_136 = arith.constant 0 : i32
      %dma_start3A_137 = arith.constant 0 : i32
      %dma_start3A_138 = tpu.memref_slice %arg9[%run_scoped3A_40, %dma_start3A_136, %dma_start3A_137] : memref<3x100x128xf32, #tpu.memory_space<vmem>> -> memref<1x80x128xf32, #tpu.memory_space<vmem>>
      %dma_start3A_139 = tpu.memref_squeeze %dma_start3A_138 : memref<1x80x128xf32, #tpu.memory_space<vmem>> -> memref<80x128xf32, #tpu.memory_space<vmem>>
      tpu.enqueue_dma source(%dma_start3A_139 : memref<80x128xf32, #tpu.memory_space<vmem>>) target(%dma_start3A_135 : memref<80x128xf32, #tpu.memory_space<vmem_shared>>) target_semaphore(%run_scoped3A_128 : memref<!tpu.dma_semaphore, #tpu.memory_space<semaphore_mem>>)
      %dma_wait3A = arith.constant 0 : i32
      %dma_wait3A_140 = arith.constant 0 : i32
      %dma_wait3A_141 = tpu.memref_slice %arg9[%run_scoped3A_40, %dma_wait3A, %dma_wait3A_140] : memref<3x100x128xf32, #tpu.memory_space<vmem>> -> memref<1x80x128xf32, #tpu.memory_space<vmem>>
      %dma_wait3A_142 = tpu.memref_squeeze %dma_wait3A_141 : memref<1x80x128xf32, #tpu.memory_space<vmem>> -> memref<80x128xf32, #tpu.memory_space<vmem>>
      %dma_wait3A_143 = arith.constant 0 : i32
      %dma_wait3A_144 = tpu.memref_slice %arg10[%add3A_39, %dma_wait3A_143] : memref<10240x128xf32, #tpu.memory_space<vmem_shared>> -> memref<80x128xf32, #tpu.memory_space<vmem_shared>>
      %dma_wait3A_145 = arith.constant 0 : i32
      %dma_wait3A_146 = tpu.memref_slice %arg10[%add3A_39, %dma_wait3A_145] : memref<10240x128xf32, #tpu.memory_space<vmem_shared>> -> memref<80x128xf32, #tpu.memory_space<vmem_shared>>
      %dma_wait3A_147 = arith.constant 0 : i32
      %dma_wait3A_148 = arith.constant 0 : i32
      %dma_wait3A_149 = tpu.memref_slice %arg9[%run_scoped3A_40, %dma_wait3A_147, %dma_wait3A_148] : memref<3x100x128xf32, #tpu.memory_space<vmem>> -> memref<1x80x128xf32, #tpu.memory_space<vmem>>
      %dma_wait3A_150 = tpu.memref_squeeze %dma_wait3A_149 : memref<1x80x128xf32, #tpu.memory_space<vmem>> -> memref<80x128xf32, #tpu.memory_space<vmem>>
      tpu.wait_dma2 semaphore(%run_scoped3A_128 : memref<!tpu.dma_semaphore, #tpu.memory_space<semaphore_mem>>) src(%dma_wait3A_150 : memref<80x128xf32, #tpu.memory_space<vmem>>) dst(%dma_wait3A_146 : memref<80x128xf32, #tpu.memory_space<vmem_shared>>)
      tpu.yield
    }) : () -> ()
    %barrier3A = arith.constant 0 : index
    tpu.barrier barrier_id(%barrier3A)
    %scan3A = arith.constant 0 : i32
    %scan3A_41 = arith.constant 0 : i32
    %scan3A_42 = arith.constant 5 : i32
    %scan3A_43 = arith.addi %scan3A_41, %scan3A_42 : i32
    %scan3A_44 = arith.constant 1 : i32
    %scan3A_45 = scf.for %scan3A_128 = %scan3A_41 to %scan3A_43 step %scan3A_44 iter_args(%scan3A_129 = %scan3A) -> (i32)  : i32 {
      "tpu.region"() ({
        %run_scoped3A_226 = tpu.sem_alloc : memref<!tpu.dma_semaphore, #tpu.memory_space<semaphore_mem>>
        %dma_start3A_227 = arith.constant 0 : i32
        %dma_start3A_228 = arith.constant 0 : i32
        %dma_start3A_229 = tpu.memref_slice %arg3[%add3A, %scan3A_128, %dma_start3A_227, %dma_start3A_228] : memref<32x5x20x100xi32, #tpu.memory_space<hbm>> -> memref<1x1x20x100xi32, #tpu.memory_space<hbm>>
        %dma_start3A_230 = tpu.memref_squeeze %dma_start3A_229 : memref<1x1x20x100xi32, #tpu.memory_space<hbm>> -> memref<20x100xi32, #tpu.memory_space<hbm>>
        %dma_start3A_231 = arith.constant 0 : i32
        %dma_start3A_232 = arith.constant 0 : i32
        %dma_start3A_233 = tpu.memref_slice %arg3[%add3A, %scan3A_128, %dma_start3A_231, %dma_start3A_232] : memref<32x5x20x100xi32, #tpu.memory_space<hbm>> -> memref<1x1x20x100xi32, #tpu.memory_space<hbm>>
        %dma_start3A_234 = tpu.memref_squeeze %dma_start3A_233 : memref<1x1x20x100xi32, #tpu.memory_space<hbm>> -> memref<20x100xi32, #tpu.memory_space<hbm>>
        tpu.enqueue_dma source(%dma_start3A_234 : memref<20x100xi32, #tpu.memory_space<hbm>>) target(%arg7 : memref<20x100xi32, #tpu.memory_space<vmem>>) target_semaphore(%run_scoped3A_226 : memref<!tpu.dma_semaphore, #tpu.memory_space<semaphore_mem>>)
        %dma_wait3A_235 = arith.constant 0 : i32
        %dma_wait3A_236 = arith.constant 0 : i32
        %dma_wait3A_237 = tpu.memref_slice %arg3[%add3A, %scan3A_128, %dma_wait3A_235, %dma_wait3A_236] : memref<32x5x20x100xi32, #tpu.memory_space<hbm>> -> memref<1x1x20x100xi32, #tpu.memory_space<hbm>>
        %dma_wait3A_238 = tpu.memref_squeeze %dma_wait3A_237 : memref<1x1x20x100xi32, #tpu.memory_space<hbm>> -> memref<20x100xi32, #tpu.memory_space<hbm>>
        %dma_wait3A_239 = arith.constant 0 : i32
        %dma_wait3A_240 = arith.constant 0 : i32
        %dma_wait3A_241 = tpu.memref_slice %arg3[%add3A, %scan3A_128, %dma_wait3A_239, %dma_wait3A_240] : memref<32x5x20x100xi32, #tpu.memory_space<hbm>> -> memref<1x1x20x100xi32, #tpu.memory_space<hbm>>
        %dma_wait3A_242 = tpu.memref_squeeze %dma_wait3A_241 : memref<1x1x20x100xi32, #tpu.memory_space<hbm>> -> memref<20x100xi32, #tpu.memory_space<hbm>>
        tpu.wait_dma2 semaphore(%run_scoped3A_226 : memref<!tpu.dma_semaphore, #tpu.memory_space<semaphore_mem>>) src(%dma_wait3A_242 : memref<20x100xi32, #tpu.memory_space<hbm>>) dst(%arg7 : memref<20x100xi32, #tpu.memory_space<vmem>>)
        tpu.yield
      }) : () -> ()
      "tpu.region"() ({
        %run_scoped3A_226 = tpu.sem_alloc : memref<!tpu.dma_semaphore, #tpu.memory_space<semaphore_mem>>
        %dma_start3A_227 = arith.constant 0 : i32
        %dma_start3A_228 = arith.constant 0 : i32
        %dma_start3A_229 = tpu.memref_slice %arg4[%add3A, %scan3A_128, %dma_start3A_227, %dma_start3A_228] : memref<32x5x20x100xi32, #tpu.memory_space<hbm>> -> memref<1x1x20x100xi32, #tpu.memory_space<hbm>>
        %dma_start3A_230 = tpu.memref_squeeze %dma_start3A_229 : memref<1x1x20x100xi32, #tpu.memory_space<hbm>> -> memref<20x100xi32, #tpu.memory_space<hbm>>
        %dma_start3A_231 = arith.constant 0 : i32
        %dma_start3A_232 = arith.constant 0 : i32
        %dma_start3A_233 = tpu.memref_slice %arg4[%add3A, %scan3A_128, %dma_start3A_231, %dma_start3A_232] : memref<32x5x20x100xi32, #tpu.memory_space<hbm>> -> memref<1x1x20x100xi32, #tpu.memory_space<hbm>>
        %dma_start3A_234 = tpu.memref_squeeze %dma_start3A_233 : memref<1x1x20x100xi32, #tpu.memory_space<hbm>> -> memref<20x100xi32, #tpu.memory_space<hbm>>
        tpu.enqueue_dma source(%dma_start3A_234 : memref<20x100xi32, #tpu.memory_space<hbm>>) target(%arg8 : memref<20x100xi32, #tpu.memory_space<vmem>>) target_semaphore(%run_scoped3A_226 : memref<!tpu.dma_semaphore, #tpu.memory_space<semaphore_mem>>)
        %dma_wait3A_235 = arith.constant 0 : i32
        %dma_wait3A_236 = arith.constant 0 : i32
        %dma_wait3A_237 = tpu.memref_slice %arg4[%add3A, %scan3A_128, %dma_wait3A_235, %dma_wait3A_236] : memref<32x5x20x100xi32, #tpu.memory_space<hbm>> -> memref<1x1x20x100xi32, #tpu.memory_space<hbm>>
        %dma_wait3A_238 = tpu.memref_squeeze %dma_wait3A_237 : memref<1x1x20x100xi32, #tpu.memory_space<hbm>> -> memref<20x100xi32, #tpu.memory_space<hbm>>
        %dma_wait3A_239 = arith.constant 0 : i32
        %dma_wait3A_240 = arith.constant 0 : i32
        %dma_wait3A_241 = tpu.memref_slice %arg4[%add3A, %scan3A_128, %dma_wait3A_239, %dma_wait3A_240] : memref<32x5x20x100xi32, #tpu.memory_space<hbm>> -> memref<1x1x20x100xi32, #tpu.memory_space<hbm>>
        %dma_wait3A_242 = tpu.memref_squeeze %dma_wait3A_241 : memref<1x1x20x100xi32, #tpu.memory_space<hbm>> -> memref<20x100xi32, #tpu.memory_space<hbm>>
        tpu.wait_dma2 semaphore(%run_scoped3A_226 : memref<!tpu.dma_semaphore, #tpu.memory_space<semaphore_mem>>) src(%dma_wait3A_242 : memref<20x100xi32, #tpu.memory_space<hbm>>) dst(%arg8 : memref<20x100xi32, #tpu.memory_space<vmem>>)
        tpu.yield
      }) : () -> ()
      %dma_start3A = arith.constant 0 : i32
      %dma_start3A_130 = arith.constant 0 : i32
      %dma_start3A_131 = arith.constant 0 : i32
      %dma_start3A_132 = arith.constant 0 : i32
      %dma_start3A_133 = arith.constant 0 : i32
      %dma_start3A_134 = tpu.memref_slice %arg9[%dma_start3A_130, %dma_start3A_132, %dma_start3A_133] : memref<3x100x128xf32, #tpu.memory_space<vmem>> -> memref<1x100x128xf32, #tpu.memory_space<vmem>>
      %dma_start3A_135 = tpu.memref_squeeze %dma_start3A_134 : memref<1x100x128xf32, #tpu.memory_space<vmem>> -> memref<100x128xf32, #tpu.memory_space<vmem>>
      %dma_start3A_136 = arith.constant 0 : i32
      %dma_start3A_137 = tpu.memref_slice %arg7[%dma_start3A, %dma_start3A_136] : memref<20x100xi32, #tpu.memory_space<vmem>> -> memref<1x100xi32, #tpu.memory_space<vmem>>
      %dma_start3A_138 = tpu.memref_squeeze %dma_start3A_137 : memref<1x100xi32, #tpu.memory_space<vmem>> -> memref<100xi32, #tpu.memory_space<vmem>>
      %dma_start3A_139 = arith.constant 0 : i32
      %dma_start3A_140 = arith.constant 0 : i32
      %dma_start3A_141 = tpu.memref_slice %arg2[%dma_start3A_139, %dma_start3A_140] : memref<10000x128xf32, #tpu.memory_space<hbm>> -> memref<10000x128xf32, #tpu.memory_space<hbm>>
      %dma_start3A_142 = tpu.memref_slice %arg11[%dma_start3A_131] : memref<3x!tpu.dma_semaphore, #tpu.memory_space<semaphore_mem>> -> memref<1x!tpu.dma_semaphore, #tpu.memory_space<semaphore_mem>>
      %dma_start3A_143 = tpu.memref_squeeze %dma_start3A_142 : memref<1x!tpu.dma_semaphore, #tpu.memory_space<semaphore_mem>> -> memref<!tpu.dma_semaphore, #tpu.memory_space<semaphore_mem>>
      tpu.enqueue_indirect_dma source(%dma_start3A_141 : memref<10000x128xf32, #tpu.memory_space<hbm>>) target(%dma_start3A_135 : memref<100x128xf32, #tpu.memory_space<vmem>>) offsets(%dma_start3A_138 : memref<100xi32, #tpu.memory_space<vmem>>) semaphore(%dma_start3A_143 : memref<!tpu.dma_semaphore, #tpu.memory_space<semaphore_mem>>)
      %dma_start3A_144 = arith.constant 1 : i32
      %dma_start3A_145 = arith.constant 1 : i32
      %dma_start3A_146 = arith.constant 1 : i32
      %dma_start3A_147 = arith.constant 0 : i32
      %dma_start3A_148 = arith.constant 0 : i32
      %dma_start3A_149 = tpu.memref_slice %arg9[%dma_start3A_145, %dma_start3A_147, %dma_start3A_148] : memref<3x100x128xf32, #tpu.memory_space<vmem>> -> memref<1x100x128xf32, #tpu.memory_space<vmem>>
      %dma_start3A_150 = tpu.memref_squeeze %dma_start3A_149 : memref<1x100x128xf32, #tpu.memory_space<vmem>> -> memref<100x128xf32, #tpu.memory_space<vmem>>
      %dma_start3A_151 = arith.constant 0 : i32
      %dma_start3A_152 = tpu.memref_slice %arg7[%dma_start3A_144, %dma_start3A_151] : memref<20x100xi32, #tpu.memory_space<vmem>> -> memref<1x100xi32, #tpu.memory_space<vmem>>
      %dma_start3A_153 = tpu.memref_squeeze %dma_start3A_152 : memref<1x100xi32, #tpu.memory_space<vmem>> -> memref<100xi32, #tpu.memory_space<vmem>>
      %dma_start3A_154 = arith.constant 0 : i32
      %dma_start3A_155 = arith.constant 0 : i32
      %dma_start3A_156 = tpu.memref_slice %arg2[%dma_start3A_154, %dma_start3A_155] : memref<10000x128xf32, #tpu.memory_space<hbm>> -> memref<10000x128xf32, #tpu.memory_space<hbm>>
      %dma_start3A_157 = tpu.memref_slice %arg11[%dma_start3A_146] : memref<3x!tpu.dma_semaphore, #tpu.memory_space<semaphore_mem>> -> memref<1x!tpu.dma_semaphore, #tpu.memory_space<semaphore_mem>>
      %dma_start3A_158 = tpu.memref_squeeze %dma_start3A_157 : memref<1x!tpu.dma_semaphore, #tpu.memory_space<semaphore_mem>> -> memref<!tpu.dma_semaphore, #tpu.memory_space<semaphore_mem>>
      tpu.enqueue_indirect_dma source(%dma_start3A_156 : memref<10000x128xf32, #tpu.memory_space<hbm>>) target(%dma_start3A_150 : memref<100x128xf32, #tpu.memory_space<vmem>>) offsets(%dma_start3A_153 : memref<100xi32, #tpu.memory_space<vmem>>) semaphore(%dma_start3A_158 : memref<!tpu.dma_semaphore, #tpu.memory_space<semaphore_mem>>)
      %dma_start3A_159 = arith.constant 2 : i32
      %dma_start3A_160 = arith.constant 2 : i32
      %dma_start3A_161 = arith.constant 2 : i32
      %dma_start3A_162 = arith.constant 0 : i32
      %dma_start3A_163 = arith.constant 0 : i32
      %dma_start3A_164 = tpu.memref_slice %arg9[%dma_start3A_160, %dma_start3A_162, %dma_start3A_163] : memref<3x100x128xf32, #tpu.memory_space<vmem>> -> memref<1x100x128xf32, #tpu.memory_space<vmem>>
      %dma_start3A_165 = tpu.memref_squeeze %dma_start3A_164 : memref<1x100x128xf32, #tpu.memory_space<vmem>> -> memref<100x128xf32, #tpu.memory_space<vmem>>
      %dma_start3A_166 = arith.constant 0 : i32
      %dma_start3A_167 = tpu.memref_slice %arg7[%dma_start3A_159, %dma_start3A_166] : memref<20x100xi32, #tpu.memory_space<vmem>> -> memref<1x100xi32, #tpu.memory_space<vmem>>
      %dma_start3A_168 = tpu.memref_squeeze %dma_start3A_167 : memref<1x100xi32, #tpu.memory_space<vmem>> -> memref<100xi32, #tpu.memory_space<vmem>>
      %dma_start3A_169 = arith.constant 0 : i32
      %dma_start3A_170 = arith.constant 0 : i32
      %dma_start3A_171 = tpu.memref_slice %arg2[%dma_start3A_169, %dma_start3A_170] : memref<10000x128xf32, #tpu.memory_space<hbm>> -> memref<10000x128xf32, #tpu.memory_space<hbm>>
      %dma_start3A_172 = tpu.memref_slice %arg11[%dma_start3A_161] : memref<3x!tpu.dma_semaphore, #tpu.memory_space<semaphore_mem>> -> memref<1x!tpu.dma_semaphore, #tpu.memory_space<semaphore_mem>>
      %dma_start3A_173 = tpu.memref_squeeze %dma_start3A_172 : memref<1x!tpu.dma_semaphore, #tpu.memory_space<semaphore_mem>> -> memref<!tpu.dma_semaphore, #tpu.memory_space<semaphore_mem>>
      tpu.enqueue_indirect_dma source(%dma_start3A_171 : memref<10000x128xf32, #tpu.memory_space<hbm>>) target(%dma_start3A_165 : memref<100x128xf32, #tpu.memory_space<vmem>>) offsets(%dma_start3A_168 : memref<100xi32, #tpu.memory_space<vmem>>) semaphore(%dma_start3A_173 : memref<!tpu.dma_semaphore, #tpu.memory_space<semaphore_mem>>)
      %scan3A_174 = arith.constant 0 : i32
      %scan3A_175 = arith.constant 0 : i32
      %scan3A_176 = arith.constant 20 : i32
      %scan3A_177 = arith.addi %scan3A_175, %scan3A_176 : i32
      %scan3A_178 = arith.constant 1 : i32
      %scan3A_179 = scf.for %scan3A_226 = %scan3A_175 to %scan3A_177 step %scan3A_178 iter_args(%scan3A_227 = %scan3A_174) -> (i32)  : i32 {
        %rem3A = arith.constant 3 : i32
        %rem3A_228 = arith.remsi %scan3A_226, %rem3A : i32
        %dma_wait3A_229 = arith.constant 0 : i32
        %dma_wait3A_230 = arith.constant 0 : i32
        %dma_wait3A_231 = arith.constant 0 : i32
        %dma_wait3A_232 = tpu.memref_slice %arg9[%rem3A_228, %dma_wait3A_230, %dma_wait3A_231] : memref<3x100x128xf32, #tpu.memory_space<vmem>> -> memref<1x100x128xf32, #tpu.memory_space<vmem>>
        %dma_wait3A_233 = tpu.memref_squeeze %dma_wait3A_232 : memref<1x100x128xf32, #tpu.memory_space<vmem>> -> memref<100x128xf32, #tpu.memory_space<vmem>>
        %dma_wait3A_234 = arith.constant 0 : i32
        %dma_wait3A_235 = tpu.memref_slice %arg7[%dma_wait3A_229, %dma_wait3A_234] : memref<20x100xi32, #tpu.memory_space<vmem>> -> memref<1x100xi32, #tpu.memory_space<vmem>>
        %dma_wait3A_236 = tpu.memref_squeeze %dma_wait3A_235 : memref<1x100xi32, #tpu.memory_space<vmem>> -> memref<100xi32, #tpu.memory_space<vmem>>
        %dma_wait3A_237 = arith.constant 0 : i32
        %dma_wait3A_238 = arith.constant 0 : i32
        %dma_wait3A_239 = tpu.memref_slice %arg2[%dma_wait3A_237, %dma_wait3A_238] : memref<10000x128xf32, #tpu.memory_space<hbm>> -> memref<10000x128xf32, #tpu.memory_space<hbm>>
        %dma_wait3A_240 = tpu.memref_slice %arg11[%rem3A_228] : memref<3x!tpu.dma_semaphore, #tpu.memory_space<semaphore_mem>> -> memref<1x!tpu.dma_semaphore, #tpu.memory_space<semaphore_mem>>
        %dma_wait3A_241 = tpu.memref_squeeze %dma_wait3A_240 : memref<1x!tpu.dma_semaphore, #tpu.memory_space<semaphore_mem>> -> memref<!tpu.dma_semaphore, #tpu.memory_space<semaphore_mem>>
        tpu.wait_indirect_dma semaphore(%dma_wait3A_241 : memref<!tpu.dma_semaphore, #tpu.memory_space<semaphore_mem>>) src(%dma_wait3A_239 : memref<10000x128xf32, #tpu.memory_space<hbm>>) dst(%dma_wait3A_233 : memref<100x128xf32, #tpu.memory_space<vmem>>)
        %dma_start3A_242 = arith.constant 0 : i32
        %dma_start3A_243 = arith.constant 0 : i32
        %dma_start3A_244 = tpu.memref_slice %arg9[%rem3A_228, %dma_start3A_242, %dma_start3A_243] : memref<3x100x128xf32, #tpu.memory_space<vmem>> -> memref<1x100x128xf32, #tpu.memory_space<vmem>>
        %dma_start3A_245 = tpu.memref_squeeze %dma_start3A_244 : memref<1x100x128xf32, #tpu.memory_space<vmem>> -> memref<100x128xf32, #tpu.memory_space<vmem>>
        %dma_start3A_246 = arith.constant 0 : i32
        %dma_start3A_247 = tpu.memref_slice %arg8[%scan3A_226, %dma_start3A_246] : memref<20x100xi32, #tpu.memory_space<vmem>> -> memref<1x100xi32, #tpu.memory_space<vmem>>
        %dma_start3A_248 = tpu.memref_squeeze %dma_start3A_247 : memref<1x100xi32, #tpu.memory_space<vmem>> -> memref<100xi32, #tpu.memory_space<vmem>>
        %dma_start3A_249 = arith.constant 0 : i32
        %dma_start3A_250 = arith.constant 0 : i32
        %dma_start3A_251 = tpu.memref_slice %arg10[%dma_start3A_249, %dma_start3A_250] : memref<10240x128xf32, #tpu.memory_space<vmem_shared>> -> memref<10240x128xf32, #tpu.memory_space<vmem_shared>>
        %dma_start3A_252 = tpu.memref_slice %arg12[%rem3A_228] : memref<3x!tpu.dma_semaphore, #tpu.memory_space<semaphore_mem>> -> memref<1x!tpu.dma_semaphore, #tpu.memory_space<semaphore_mem>>
        %dma_start3A_253 = tpu.memref_squeeze %dma_start3A_252 : memref<1x!tpu.dma_semaphore, #tpu.memory_space<semaphore_mem>> -> memref<!tpu.dma_semaphore, #tpu.memory_space<semaphore_mem>>
        tpu.enqueue_indirect_dma source(%dma_start3A_245 : memref<100x128xf32, #tpu.memory_space<vmem>>) target(%dma_start3A_251 : memref<10240x128xf32, #tpu.memory_space<vmem_shared>>) offsets(%dma_start3A_248 : memref<100xi32, #tpu.memory_space<vmem>>) semaphore(%dma_start3A_253 : memref<!tpu.dma_semaphore, #tpu.memory_space<semaphore_mem>>) {add = true}
        %add3A_254 = arith.constant 3 : i32
        %add3A_255 = arith.addi %scan3A_226, %add3A_254 : i32
        %lt3A = arith.constant 20 : i32
        %lt3A_256 = arith.cmpi slt, %add3A_255, %lt3A : i32
        %convert_element_type3A = arith.extui %lt3A_256 : i1 to i32
        %cond3A = arith.constant 0 : i32
        %cond3A_257 = arith.cmpi ne, %convert_element_type3A, %cond3A : i32
        scf.if %cond3A_257 {
          %dma_wait3A_259 = arith.constant 0 : i32
          %dma_wait3A_260 = arith.constant 0 : i32
          %dma_wait3A_261 = arith.constant 0 : i32
          %dma_wait3A_262 = tpu.memref_slice %arg9[%rem3A_228, %dma_wait3A_260, %dma_wait3A_261] : memref<3x100x128xf32, #tpu.memory_space<vmem>> -> memref<1x100x128xf32, #tpu.memory_space<vmem>>
          %dma_wait3A_263 = tpu.memref_squeeze %dma_wait3A_262 : memref<1x100x128xf32, #tpu.memory_space<vmem>> -> memref<100x128xf32, #tpu.memory_space<vmem>>
          %dma_wait3A_264 = arith.constant 0 : i32
          %dma_wait3A_265 = tpu.memref_slice %arg8[%dma_wait3A_259, %dma_wait3A_264] : memref<20x100xi32, #tpu.memory_space<vmem>> -> memref<1x100xi32, #tpu.memory_space<vmem>>
          %dma_wait3A_266 = tpu.memref_squeeze %dma_wait3A_265 : memref<1x100xi32, #tpu.memory_space<vmem>> -> memref<100xi32, #tpu.memory_space<vmem>>
          %dma_wait3A_267 = arith.constant 0 : i32
          %dma_wait3A_268 = arith.constant 0 : i32
          %dma_wait3A_269 = tpu.memref_slice %arg10[%dma_wait3A_267, %dma_wait3A_268] : memref<10240x128xf32, #tpu.memory_space<vmem_shared>> -> memref<10240x128xf32, #tpu.memory_space<vmem_shared>>
          %dma_wait3A_270 = tpu.memref_slice %arg12[%rem3A_228] : memref<3x!tpu.dma_semaphore, #tpu.memory_space<semaphore_mem>> -> memref<1x!tpu.dma_semaphore, #tpu.memory_space<semaphore_mem>>
          %dma_wait3A_271 = tpu.memref_squeeze %dma_wait3A_270 : memref<1x!tpu.dma_semaphore, #tpu.memory_space<semaphore_mem>> -> memref<!tpu.dma_semaphore, #tpu.memory_space<semaphore_mem>>
          tpu.wait_indirect_dma semaphore(%dma_wait3A_271 : memref<!tpu.dma_semaphore, #tpu.memory_space<semaphore_mem>>) src(%dma_wait3A_263 : memref<100x128xf32, #tpu.memory_space<vmem>>) dst(%dma_wait3A_269 : memref<10240x128xf32, #tpu.memory_space<vmem_shared>>)
          %add3A_272 = arith.constant 3 : i32
          %add3A_273 = arith.addi %scan3A_226, %add3A_272 : i32
          %dma_start3A_274 = arith.constant 0 : i32
          %dma_start3A_275 = arith.constant 0 : i32
          %dma_start3A_276 = tpu.memref_slice %arg9[%rem3A_228, %dma_start3A_274, %dma_start3A_275] : memref<3x100x128xf32, #tpu.memory_space<vmem>> -> memref<1x100x128xf32, #tpu.memory_space<vmem>>
          %dma_start3A_277 = tpu.memref_squeeze %dma_start3A_276 : memref<1x100x128xf32, #tpu.memory_space<vmem>> -> memref<100x128xf32, #tpu.memory_space<vmem>>
          %dma_start3A_278 = arith.constant 0 : i32
          %dma_start3A_279 = tpu.memref_slice %arg7[%add3A_273, %dma_start3A_278] : memref<20x100xi32, #tpu.memory_space<vmem>> -> memref<1x100xi32, #tpu.memory_space<vmem>>
          %dma_start3A_280 = tpu.memref_squeeze %dma_start3A_279 : memref<1x100xi32, #tpu.memory_space<vmem>> -> memref<100xi32, #tpu.memory_space<vmem>>
          %dma_start3A_281 = arith.constant 0 : i32
          %dma_start3A_282 = arith.constant 0 : i32
          %dma_start3A_283 = tpu.memref_slice %arg2[%dma_start3A_281, %dma_start3A_282] : memref<10000x128xf32, #tpu.memory_space<hbm>> -> memref<10000x128xf32, #tpu.memory_space<hbm>>
          %dma_start3A_284 = tpu.memref_slice %arg11[%rem3A_228] : memref<3x!tpu.dma_semaphore, #tpu.memory_space<semaphore_mem>> -> memref<1x!tpu.dma_semaphore, #tpu.memory_space<semaphore_mem>>
          %dma_start3A_285 = tpu.memref_squeeze %dma_start3A_284 : memref<1x!tpu.dma_semaphore, #tpu.memory_space<semaphore_mem>> -> memref<!tpu.dma_semaphore, #tpu.memory_space<semaphore_mem>>
          tpu.enqueue_indirect_dma source(%dma_start3A_283 : memref<10000x128xf32, #tpu.memory_space<hbm>>) target(%dma_start3A_277 : memref<100x128xf32, #tpu.memory_space<vmem>>) offsets(%dma_start3A_280 : memref<100xi32, #tpu.memory_space<vmem>>) semaphore(%dma_start3A_285 : memref<!tpu.dma_semaphore, #tpu.memory_space<semaphore_mem>>)
        } else {
        }
        %scan3A_258 = arith.constant 0 : i32
        scf.yield %scan3A_258 : i32
      }
      %scan3A_180 = arith.constant 20 : i32
      %dma_wait3A = arith.constant 2 : i32
      %dma_wait3A_181 = arith.constant 0 : i32
      %dma_wait3A_182 = arith.constant 2 : i32
      %dma_wait3A_183 = arith.constant 0 : i32
      %dma_wait3A_184 = arith.constant 0 : i32
      %dma_wait3A_185 = tpu.memref_slice %arg9[%dma_wait3A, %dma_wait3A_183, %dma_wait3A_184] : memref<3x100x128xf32, #tpu.memory_space<vmem>> -> memref<1x100x128xf32, #tpu.memory_space<vmem>>
      %dma_wait3A_186 = tpu.memref_squeeze %dma_wait3A_185 : memref<1x100x128xf32, #tpu.memory_space<vmem>> -> memref<100x128xf32, #tpu.memory_space<vmem>>
      %dma_wait3A_187 = arith.constant 0 : i32
      %dma_wait3A_188 = tpu.memref_slice %arg8[%dma_wait3A_181, %dma_wait3A_187] : memref<20x100xi32, #tpu.memory_space<vmem>> -> memref<1x100xi32, #tpu.memory_space<vmem>>
      %dma_wait3A_189 = tpu.memref_squeeze %dma_wait3A_188 : memref<1x100xi32, #tpu.memory_space<vmem>> -> memref<100xi32, #tpu.memory_space<vmem>>
      %dma_wait3A_190 = arith.constant 0 : i32
      %dma_wait3A_191 = arith.constant 0 : i32
      %dma_wait3A_192 = tpu.memref_slice %arg10[%dma_wait3A_190, %dma_wait3A_191] : memref<10240x128xf32, #tpu.memory_space<vmem_shared>> -> memref<10240x128xf32, #tpu.memory_space<vmem_shared>>
      %dma_wait3A_193 = tpu.memref_slice %arg12[%dma_wait3A_182] : memref<3x!tpu.dma_semaphore, #tpu.memory_space<semaphore_mem>> -> memref<1x!tpu.dma_semaphore, #tpu.memory_space<semaphore_mem>>
      %dma_wait3A_194 = tpu.memref_squeeze %dma_wait3A_193 : memref<1x!tpu.dma_semaphore, #tpu.memory_space<semaphore_mem>> -> memref<!tpu.dma_semaphore, #tpu.memory_space<semaphore_mem>>
      tpu.wait_indirect_dma semaphore(%dma_wait3A_194 : memref<!tpu.dma_semaphore, #tpu.memory_space<semaphore_mem>>) src(%dma_wait3A_186 : memref<100x128xf32, #tpu.memory_space<vmem>>) dst(%dma_wait3A_192 : memref<10240x128xf32, #tpu.memory_space<vmem_shared>>)
      %dma_wait3A_195 = arith.constant 0 : i32
      %dma_wait3A_196 = arith.constant 0 : i32
      %dma_wait3A_197 = arith.constant 0 : i32
      %dma_wait3A_198 = arith.constant 0 : i32
      %dma_wait3A_199 = arith.constant 0 : i32
      %dma_wait3A_200 = tpu.memref_slice %arg9[%dma_wait3A_195, %dma_wait3A_198, %dma_wait3A_199] : memref<3x100x128xf32, #tpu.memory_space<vmem>> -> memref<1x100x128xf32, #tpu.memory_space<vmem>>
      %dma_wait3A_201 = tpu.memref_squeeze %dma_wait3A_200 : memref<1x100x128xf32, #tpu.memory_space<vmem>> -> memref<100x128xf32, #tpu.memory_space<vmem>>
      %dma_wait3A_202 = arith.constant 0 : i32
      %dma_wait3A_203 = tpu.memref_slice %arg8[%dma_wait3A_196, %dma_wait3A_202] : memref<20x100xi32, #tpu.memory_space<vmem>> -> memref<1x100xi32, #tpu.memory_space<vmem>>
      %dma_wait3A_204 = tpu.memref_squeeze %dma_wait3A_203 : memref<1x100xi32, #tpu.memory_space<vmem>> -> memref<100xi32, #tpu.memory_space<vmem>>
      %dma_wait3A_205 = arith.constant 0 : i32
      %dma_wait3A_206 = arith.constant 0 : i32
      %dma_wait3A_207 = tpu.memref_slice %arg10[%dma_wait3A_205, %dma_wait3A_206] : memref<10240x128xf32, #tpu.memory_space<vmem_shared>> -> memref<10240x128xf32, #tpu.memory_space<vmem_shared>>
      %dma_wait3A_208 = tpu.memref_slice %arg12[%dma_wait3A_197] : memref<3x!tpu.dma_semaphore, #tpu.memory_space<semaphore_mem>> -> memref<1x!tpu.dma_semaphore, #tpu.memory_space<semaphore_mem>>
      %dma_wait3A_209 = tpu.memref_squeeze %dma_wait3A_208 : memref<1x!tpu.dma_semaphore, #tpu.memory_space<semaphore_mem>> -> memref<!tpu.dma_semaphore, #tpu.memory_space<semaphore_mem>>
      tpu.wait_indirect_dma semaphore(%dma_wait3A_209 : memref<!tpu.dma_semaphore, #tpu.memory_space<semaphore_mem>>) src(%dma_wait3A_201 : memref<100x128xf32, #tpu.memory_space<vmem>>) dst(%dma_wait3A_207 : memref<10240x128xf32, #tpu.memory_space<vmem_shared>>)
      %dma_wait3A_210 = arith.constant 1 : i32
      %dma_wait3A_211 = arith.constant 0 : i32
      %dma_wait3A_212 = arith.constant 1 : i32
      %dma_wait3A_213 = arith.constant 0 : i32
      %dma_wait3A_214 = arith.constant 0 : i32
      %dma_wait3A_215 = tpu.memref_slice %arg9[%dma_wait3A_210, %dma_wait3A_213, %dma_wait3A_214] : memref<3x100x128xf32, #tpu.memory_space<vmem>> -> memref<1x100x128xf32, #tpu.memory_space<vmem>>
      %dma_wait3A_216 = tpu.memref_squeeze %dma_wait3A_215 : memref<1x100x128xf32, #tpu.memory_space<vmem>> -> memref<100x128xf32, #tpu.memory_space<vmem>>
      %dma_wait3A_217 = arith.constant 0 : i32
      %dma_wait3A_218 = tpu.memref_slice %arg8[%dma_wait3A_211, %dma_wait3A_217] : memref<20x100xi32, #tpu.memory_space<vmem>> -> memref<1x100xi32, #tpu.memory_space<vmem>>
      %dma_wait3A_219 = tpu.memref_squeeze %dma_wait3A_218 : memref<1x100xi32, #tpu.memory_space<vmem>> -> memref<100xi32, #tpu.memory_space<vmem>>
      %dma_wait3A_220 = arith.constant 0 : i32
      %dma_wait3A_221 = arith.constant 0 : i32
      %dma_wait3A_222 = tpu.memref_slice %arg10[%dma_wait3A_220, %dma_wait3A_221] : memref<10240x128xf32, #tpu.memory_space<vmem_shared>> -> memref<10240x128xf32, #tpu.memory_space<vmem_shared>>
      %dma_wait3A_223 = tpu.memref_slice %arg12[%dma_wait3A_212] : memref<3x!tpu.dma_semaphore, #tpu.memory_space<semaphore_mem>> -> memref<1x!tpu.dma_semaphore, #tpu.memory_space<semaphore_mem>>
      %dma_wait3A_224 = tpu.memref_squeeze %dma_wait3A_223 : memref<1x!tpu.dma_semaphore, #tpu.memory_space<semaphore_mem>> -> memref<!tpu.dma_semaphore, #tpu.memory_space<semaphore_mem>>
      tpu.wait_indirect_dma semaphore(%dma_wait3A_224 : memref<!tpu.dma_semaphore, #tpu.memory_space<semaphore_mem>>) src(%dma_wait3A_216 : memref<100x128xf32, #tpu.memory_space<vmem>>) dst(%dma_wait3A_222 : memref<10240x128xf32, #tpu.memory_space<vmem_shared>>)
      %scan3A_225 = arith.constant 0 : i32
      scf.yield %scan3A_225 : i32
    }
    %scan3A_46 = arith.constant 5 : i32
    %barrier3A_47 = arith.constant 0 : index
    tpu.barrier barrier_id(%barrier3A_47)
    %mul3A_48 = arith.constant 640 : i32
    %mul3A_49 = arith.muli %arg1, %mul3A_48 : i32
    %add3A_50 = arith.constant 0 : i32
    %add3A_51 = arith.addi %mul3A_49, %add3A_50 : i32
    %run_scoped3A_52 = arith.constant 0 : i32
    "tpu.region"() ({
      %run_scoped3A_128 = tpu.sem_alloc : memref<!tpu.dma_semaphore, #tpu.memory_space<semaphore_mem>>
      %dma_start3A = arith.constant 0 : i32
      %dma_start3A_129 = arith.constant 0 : i32
      %dma_start3A_130 = tpu.memref_slice %arg9[%run_scoped3A_52, %dma_start3A, %dma_start3A_129] : memref<3x100x128xf32, #tpu.memory_space<vmem>> -> memref<1x80x128xf32, #tpu.memory_space<vmem>>
      %dma_start3A_131 = tpu.memref_squeeze %dma_start3A_130 : memref<1x80x128xf32, #tpu.memory_space<vmem>> -> memref<80x128xf32, #tpu.memory_space<vmem>>
      %dma_start3A_132 = arith.constant 0 : i32
      %dma_start3A_133 = tpu.memref_slice %arg10[%add3A_51, %dma_start3A_132] : memref<10240x128xf32, #tpu.memory_space<vmem_shared>> -> memref<80x128xf32, #tpu.memory_space<vmem_shared>>
      %dma_start3A_134 = arith.constant 0 : i32
      %dma_start3A_135 = arith.constant 0 : i32
      %dma_start3A_136 = tpu.memref_slice %arg9[%run_scoped3A_52, %dma_start3A_134, %dma_start3A_135] : memref<3x100x128xf32, #tpu.memory_space<vmem>> -> memref<1x80x128xf32, #tpu.memory_space<vmem>>
      %dma_start3A_137 = tpu.memref_squeeze %dma_start3A_136 : memref<1x80x128xf32, #tpu.memory_space<vmem>> -> memref<80x128xf32, #tpu.memory_space<vmem>>
      %dma_start3A_138 = arith.constant 0 : i32
      %dma_start3A_139 = tpu.memref_slice %arg10[%add3A_51, %dma_start3A_138] : memref<10240x128xf32, #tpu.memory_space<vmem_shared>> -> memref<80x128xf32, #tpu.memory_space<vmem_shared>>
      tpu.enqueue_dma source(%dma_start3A_139 : memref<80x128xf32, #tpu.memory_space<vmem_shared>>) target(%dma_start3A_137 : memref<80x128xf32, #tpu.memory_space<vmem>>) target_semaphore(%run_scoped3A_128 : memref<!tpu.dma_semaphore, #tpu.memory_space<semaphore_mem>>)
      %dma_wait3A = arith.constant 0 : i32
      %dma_wait3A_140 = arith.constant 0 : i32
      %dma_wait3A_141 = tpu.memref_slice %arg9[%run_scoped3A_52, %dma_wait3A, %dma_wait3A_140] : memref<3x100x128xf32, #tpu.memory_space<vmem>> -> memref<1x80x128xf32, #tpu.memory_space<vmem>>
      %dma_wait3A_142 = tpu.memref_squeeze %dma_wait3A_141 : memref<1x80x128xf32, #tpu.memory_space<vmem>> -> memref<80x128xf32, #tpu.memory_space<vmem>>
      %dma_wait3A_143 = arith.constant 0 : i32
      %dma_wait3A_144 = tpu.memref_slice %arg10[%add3A_51, %dma_wait3A_143] : memref<10240x128xf32, #tpu.memory_space<vmem_shared>> -> memref<80x128xf32, #tpu.memory_space<vmem_shared>>
      %dma_wait3A_145 = arith.constant 0 : i32
      %dma_wait3A_146 = arith.constant 0 : i32
      %dma_wait3A_147 = tpu.memref_slice %arg9[%run_scoped3A_52, %dma_wait3A_145, %dma_wait3A_146] : memref<3x100x128xf32, #tpu.memory_space<vmem>> -> memref<1x80x128xf32, #tpu.memory_space<vmem>>
      %dma_wait3A_148 = tpu.memref_squeeze %dma_wait3A_147 : memref<1x80x128xf32, #tpu.memory_space<vmem>> -> memref<80x128xf32, #tpu.memory_space<vmem>>
      %dma_wait3A_149 = arith.constant 0 : i32
      %dma_wait3A_150 = tpu.memref_slice %arg10[%add3A_51, %dma_wait3A_149] : memref<10240x128xf32, #tpu.memory_space<vmem_shared>> -> memref<80x128xf32, #tpu.memory_space<vmem_shared>>
      tpu.wait_dma2 semaphore(%run_scoped3A_128 : memref<!tpu.dma_semaphore, #tpu.memory_space<semaphore_mem>>) src(%dma_wait3A_150 : memref<80x128xf32, #tpu.memory_space<vmem_shared>>) dst(%dma_wait3A_148 : memref<80x128xf32, #tpu.memory_space<vmem>>)
      tpu.yield
    }) : () -> ()
    %mul3A_53 = arith.constant 640 : i32
    %mul3A_54 = arith.muli %arg1, %mul3A_53 : i32
    %add3A_55 = arith.constant 0 : i32
    %add3A_56 = arith.addi %mul3A_54, %add3A_55 : i32
    %run_scoped3A_57 = arith.constant 0 : i32
    "tpu.region"() ({
      %run_scoped3A_128 = tpu.sem_alloc : memref<!tpu.dma_semaphore, #tpu.memory_space<semaphore_mem>>
      %dma_start3A = arith.constant 0 : i32
      %dma_start3A_129 = arith.constant 0 : i32
      %dma_start3A_130 = tpu.memref_slice %arg9[%run_scoped3A_57, %dma_start3A, %dma_start3A_129] : memref<3x100x128xf32, #tpu.memory_space<vmem>> -> memref<1x80x128xf32, #tpu.memory_space<vmem>>
      %dma_start3A_131 = tpu.memref_squeeze %dma_start3A_130 : memref<1x80x128xf32, #tpu.memory_space<vmem>> -> memref<80x128xf32, #tpu.memory_space<vmem>>
      %dma_start3A_132 = arith.constant 0 : i32
      %dma_start3A_133 = tpu.memref_slice %arg6[%arg0, %add3A_56, %dma_start3A_132] : memref<2x10240x128xf32, #tpu.memory_space<hbm>> -> memref<1x80x128xf32, #tpu.memory_space<hbm>>
      %dma_start3A_134 = tpu.memref_squeeze %dma_start3A_133 : memref<1x80x128xf32, #tpu.memory_space<hbm>> -> memref<80x128xf32, #tpu.memory_space<hbm>>
      %dma_start3A_135 = arith.constant 0 : i32
      %dma_start3A_136 = tpu.memref_slice %arg6[%arg0, %add3A_56, %dma_start3A_135] : memref<2x10240x128xf32, #tpu.memory_space<hbm>> -> memref<1x80x128xf32, #tpu.memory_space<hbm>>
      %dma_start3A_137 = tpu.memref_squeeze %dma_start3A_136 : memref<1x80x128xf32, #tpu.memory_space<hbm>> -> memref<80x128xf32, #tpu.memory_space<hbm>>
      %dma_start3A_138 = arith.constant 0 : i32
      %dma_start3A_139 = arith.constant 0 : i32
      %dma_start3A_140 = tpu.memref_slice %arg9[%run_scoped3A_57, %dma_start3A_138, %dma_start3A_139] : memref<3x100x128xf32, #tpu.memory_space<vmem>> -> memref<1x80x128xf32, #tpu.memory_space<vmem>>
      %dma_start3A_141 = tpu.memref_squeeze %dma_start3A_140 : memref<1x80x128xf32, #tpu.memory_space<vmem>> -> memref<80x128xf32, #tpu.memory_space<vmem>>
      tpu.enqueue_dma source(%dma_start3A_141 : memref<80x128xf32, #tpu.memory_space<vmem>>) target(%dma_start3A_137 : memref<80x128xf32, #tpu.memory_space<hbm>>) target_semaphore(%run_scoped3A_128 : memref<!tpu.dma_semaphore, #tpu.memory_space<semaphore_mem>>)
      %dma_wait3A = arith.constant 0 : i32
      %dma_wait3A_142 = arith.constant 0 : i32
      %dma_wait3A_143 = tpu.memref_slice %arg9[%run_scoped3A_57, %dma_wait3A, %dma_wait3A_142] : memref<3x100x128xf32, #tpu.memory_space<vmem>> -> memref<1x80x128xf32, #tpu.memory_space<vmem>>
      %dma_wait3A_144 = tpu.memref_squeeze %dma_wait3A_143 : memref<1x80x128xf32, #tpu.memory_space<vmem>> -> memref<80x128xf32, #tpu.memory_space<vmem>>
      %dma_wait3A_145 = arith.constant 0 : i32
      %dma_wait3A_146 = tpu.memref_slice %arg6[%arg0, %add3A_56, %dma_wait3A_145] : memref<2x10240x128xf32, #tpu.memory_space<hbm>> -> memref<1x80x128xf32, #tpu.memory_space<hbm>>
      %dma_wait3A_147 = tpu.memref_squeeze %dma_wait3A_146 : memref<1x80x128xf32, #tpu.memory_space<hbm>> -> memref<80x128xf32, #tpu.memory_space<hbm>>
      %dma_wait3A_148 = arith.constant 0 : i32
      %dma_wait3A_149 = tpu.memref_slice %arg6[%arg0, %add3A_56, %dma_wait3A_148] : memref<2x10240x128xf32, #tpu.memory_space<hbm>> -> memref<1x80x128xf32, #tpu.memory_space<hbm>>
      %dma_wait3A_150 = tpu.memref_squeeze %dma_wait3A_149 : memref<1x80x128xf32, #tpu.memory_space<hbm>> -> memref<80x128xf32, #tpu.memory_space<hbm>>
      %dma_wait3A_151 = arith.constant 0 : i32
      %dma_wait3A_152 = arith.constant 0 : i32
      %dma_wait3A_153 = tpu.memref_slice %arg9[%run_scoped3A_57, %dma_wait3A_151, %dma_wait3A_152] : memref<3x100x128xf32, #tpu.memory_space<vmem>> -> memref<1x80x128xf32, #tpu.memory_space<vmem>>
      %dma_wait3A_154 = tpu.memref_squeeze %dma_wait3A_153 : memref<1x80x128xf32, #tpu.memory_space<vmem>> -> memref<80x128xf32, #tpu.memory_space<vmem>>
      tpu.wait_dma2 semaphore(%run_scoped3A_128 : memref<!tpu.dma_semaphore, #tpu.memory_space<semaphore_mem>>) src(%dma_wait3A_154 : memref<80x128xf32, #tpu.memory_space<vmem>>) dst(%dma_wait3A_150 : memref<80x128xf32, #tpu.memory_space<hbm>>)
      tpu.yield
    }) : () -> ()
    %mul3A_58 = arith.constant 640 : i32
    %mul3A_59 = arith.muli %arg1, %mul3A_58 : i32
    %add3A_60 = arith.constant 80 : i32
    %add3A_61 = arith.addi %mul3A_59, %add3A_60 : i32
    %run_scoped3A_62 = arith.constant 0 : i32
    "tpu.region"() ({
      %run_scoped3A_128 = tpu.sem_alloc : memref<!tpu.dma_semaphore, #tpu.memory_space<semaphore_mem>>
      %dma_start3A = arith.constant 0 : i32
      %dma_start3A_129 = arith.constant 0 : i32
      %dma_start3A_130 = tpu.memref_slice %arg9[%run_scoped3A_62, %dma_start3A, %dma_start3A_129] : memref<3x100x128xf32, #tpu.memory_space<vmem>> -> memref<1x80x128xf32, #tpu.memory_space<vmem>>
      %dma_start3A_131 = tpu.memref_squeeze %dma_start3A_130 : memref<1x80x128xf32, #tpu.memory_space<vmem>> -> memref<80x128xf32, #tpu.memory_space<vmem>>
      %dma_start3A_132 = arith.constant 0 : i32
      %dma_start3A_133 = tpu.memref_slice %arg10[%add3A_61, %dma_start3A_132] : memref<10240x128xf32, #tpu.memory_space<vmem_shared>> -> memref<80x128xf32, #tpu.memory_space<vmem_shared>>
      %dma_start3A_134 = arith.constant 0 : i32
      %dma_start3A_135 = arith.constant 0 : i32
      %dma_start3A_136 = tpu.memref_slice %arg9[%run_scoped3A_62, %dma_start3A_134, %dma_start3A_135] : memref<3x100x128xf32, #tpu.memory_space<vmem>> -> memref<1x80x128xf32, #tpu.memory_space<vmem>>
      %dma_start3A_137 = tpu.memref_squeeze %dma_start3A_136 : memref<1x80x128xf32, #tpu.memory_space<vmem>> -> memref<80x128xf32, #tpu.memory_space<vmem>>
      %dma_start3A_138 = arith.constant 0 : i32
      %dma_start3A_139 = tpu.memref_slice %arg10[%add3A_61, %dma_start3A_138] : memref<10240x128xf32, #tpu.memory_space<vmem_shared>> -> memref<80x128xf32, #tpu.memory_space<vmem_shared>>
      tpu.enqueue_dma source(%dma_start3A_139 : memref<80x128xf32, #tpu.memory_space<vmem_shared>>) target(%dma_start3A_137 : memref<80x128xf32, #tpu.memory_space<vmem>>) target_semaphore(%run_scoped3A_128 : memref<!tpu.dma_semaphore, #tpu.memory_space<semaphore_mem>>)
      %dma_wait3A = arith.constant 0 : i32
      %dma_wait3A_140 = arith.constant 0 : i32
      %dma_wait3A_141 = tpu.memref_slice %arg9[%run_scoped3A_62, %dma_wait3A, %dma_wait3A_140] : memref<3x100x128xf32, #tpu.memory_space<vmem>> -> memref<1x80x128xf32, #tpu.memory_space<vmem>>
      %dma_wait3A_142 = tpu.memref_squeeze %dma_wait3A_141 : memref<1x80x128xf32, #tpu.memory_space<vmem>> -> memref<80x128xf32, #tpu.memory_space<vmem>>
      %dma_wait3A_143 = arith.constant 0 : i32
      %dma_wait3A_144 = tpu.memref_slice %arg10[%add3A_61, %dma_wait3A_143] : memref<10240x128xf32, #tpu.memory_space<vmem_shared>> -> memref<80x128xf32, #tpu.memory_space<vmem_shared>>
      %dma_wait3A_145 = arith.constant 0 : i32
      %dma_wait3A_146 = arith.constant 0 : i32
      %dma_wait3A_147 = tpu.memref_slice %arg9[%run_scoped3A_62, %dma_wait3A_145, %dma_wait3A_146] : memref<3x100x128xf32, #tpu.memory_space<vmem>> -> memref<1x80x128xf32, #tpu.memory_space<vmem>>
      %dma_wait3A_148 = tpu.memref_squeeze %dma_wait3A_147 : memref<1x80x128xf32, #tpu.memory_space<vmem>> -> memref<80x128xf32, #tpu.memory_space<vmem>>
      %dma_wait3A_149 = arith.constant 0 : i32
      %dma_wait3A_150 = tpu.memref_slice %arg10[%add3A_61, %dma_wait3A_149] : memref<10240x128xf32, #tpu.memory_space<vmem_shared>> -> memref<80x128xf32, #tpu.memory_space<vmem_shared>>
      tpu.wait_dma2 semaphore(%run_scoped3A_128 : memref<!tpu.dma_semaphore, #tpu.memory_space<semaphore_mem>>) src(%dma_wait3A_150 : memref<80x128xf32, #tpu.memory_space<vmem_shared>>) dst(%dma_wait3A_148 : memref<80x128xf32, #tpu.memory_space<vmem>>)
      tpu.yield
    }) : () -> ()
    %mul3A_63 = arith.constant 640 : i32
    %mul3A_64 = arith.muli %arg1, %mul3A_63 : i32
    %add3A_65 = arith.constant 80 : i32
    %add3A_66 = arith.addi %mul3A_64, %add3A_65 : i32
    %run_scoped3A_67 = arith.constant 0 : i32
    "tpu.region"() ({
      %run_scoped3A_128 = tpu.sem_alloc : memref<!tpu.dma_semaphore, #tpu.memory_space<semaphore_mem>>
      %dma_start3A = arith.constant 0 : i32
      %dma_start3A_129 = arith.constant 0 : i32
      %dma_start3A_130 = tpu.memref_slice %arg9[%run_scoped3A_67, %dma_start3A, %dma_start3A_129] : memref<3x100x128xf32, #tpu.memory_space<vmem>> -> memref<1x80x128xf32, #tpu.memory_space<vmem>>
      %dma_start3A_131 = tpu.memref_squeeze %dma_start3A_130 : memref<1x80x128xf32, #tpu.memory_space<vmem>> -> memref<80x128xf32, #tpu.memory_space<vmem>>
      %dma_start3A_132 = arith.constant 0 : i32
      %dma_start3A_133 = tpu.memref_slice %arg6[%arg0, %add3A_66, %dma_start3A_132] : memref<2x10240x128xf32, #tpu.memory_space<hbm>> -> memref<1x80x128xf32, #tpu.memory_space<hbm>>
      %dma_start3A_134 = tpu.memref_squeeze %dma_start3A_133 : memref<1x80x128xf32, #tpu.memory_space<hbm>> -> memref<80x128xf32, #tpu.memory_space<hbm>>
      %dma_start3A_135 = arith.constant 0 : i32
      %dma_start3A_136 = tpu.memref_slice %arg6[%arg0, %add3A_66, %dma_start3A_135] : memref<2x10240x128xf32, #tpu.memory_space<hbm>> -> memref<1x80x128xf32, #tpu.memory_space<hbm>>
      %dma_start3A_137 = tpu.memref_squeeze %dma_start3A_136 : memref<1x80x128xf32, #tpu.memory_space<hbm>> -> memref<80x128xf32, #tpu.memory_space<hbm>>
      %dma_start3A_138 = arith.constant 0 : i32
      %dma_start3A_139 = arith.constant 0 : i32
      %dma_start3A_140 = tpu.memref_slice %arg9[%run_scoped3A_67, %dma_start3A_138, %dma_start3A_139] : memref<3x100x128xf32, #tpu.memory_space<vmem>> -> memref<1x80x128xf32, #tpu.memory_space<vmem>>
      %dma_start3A_141 = tpu.memref_squeeze %dma_start3A_140 : memref<1x80x128xf32, #tpu.memory_space<vmem>> -> memref<80x128xf32, #tpu.memory_space<vmem>>
      tpu.enqueue_dma source(%dma_start3A_141 : memref<80x128xf32, #tpu.memory_space<vmem>>) target(%dma_start3A_137 : memref<80x128xf32, #tpu.memory_space<hbm>>) target_semaphore(%run_scoped3A_128 : memref<!tpu.dma_semaphore, #tpu.memory_space<semaphore_mem>>)
      %dma_wait3A = arith.constant 0 : i32
      %dma_wait3A_142 = arith.constant 0 : i32
      %dma_wait3A_143 = tpu.memref_slice %arg9[%run_scoped3A_67, %dma_wait3A, %dma_wait3A_142] : memref<3x100x128xf32, #tpu.memory_space<vmem>> -> memref<1x80x128xf32, #tpu.memory_space<vmem>>
      %dma_wait3A_144 = tpu.memref_squeeze %dma_wait3A_143 : memref<1x80x128xf32, #tpu.memory_space<vmem>> -> memref<80x128xf32, #tpu.memory_space<vmem>>
      %dma_wait3A_145 = arith.constant 0 : i32
      %dma_wait3A_146 = tpu.memref_slice %arg6[%arg0, %add3A_66, %dma_wait3A_145] : memref<2x10240x128xf32, #tpu.memory_space<hbm>> -> memref<1x80x128xf32, #tpu.memory_space<hbm>>
      %dma_wait3A_147 = tpu.memref_squeeze %dma_wait3A_146 : memref<1x80x128xf32, #tpu.memory_space<hbm>> -> memref<80x128xf32, #tpu.memory_space<hbm>>
      %dma_wait3A_148 = arith.constant 0 : i32
      %dma_wait3A_149 = tpu.memref_slice %arg6[%arg0, %add3A_66, %dma_wait3A_148] : memref<2x10240x128xf32, #tpu.memory_space<hbm>> -> memref<1x80x128xf32, #tpu.memory_space<hbm>>
      %dma_wait3A_150 = tpu.memref_squeeze %dma_wait3A_149 : memref<1x80x128xf32, #tpu.memory_space<hbm>> -> memref<80x128xf32, #tpu.memory_space<hbm>>
      %dma_wait3A_151 = arith.constant 0 : i32
      %dma_wait3A_152 = arith.constant 0 : i32
      %dma_wait3A_153 = tpu.memref_slice %arg9[%run_scoped3A_67, %dma_wait3A_151, %dma_wait3A_152] : memref<3x100x128xf32, #tpu.memory_space<vmem>> -> memref<1x80x128xf32, #tpu.memory_space<vmem>>
      %dma_wait3A_154 = tpu.memref_squeeze %dma_wait3A_153 : memref<1x80x128xf32, #tpu.memory_space<vmem>> -> memref<80x128xf32, #tpu.memory_space<vmem>>
      tpu.wait_dma2 semaphore(%run_scoped3A_128 : memref<!tpu.dma_semaphore, #tpu.memory_space<semaphore_mem>>) src(%dma_wait3A_154 : memref<80x128xf32, #tpu.memory_space<vmem>>) dst(%dma_wait3A_150 : memref<80x128xf32, #tpu.memory_space<hbm>>)
      tpu.yield
    }) : () -> ()
    %mul3A_68 = arith.constant 640 : i32
    %mul3A_69 = arith.muli %arg1, %mul3A_68 : i32
    %add3A_70 = arith.constant 160 : i32
    %add3A_71 = arith.addi %mul3A_69, %add3A_70 : i32
    %run_scoped3A_72 = arith.constant 0 : i32
    "tpu.region"() ({
      %run_scoped3A_128 = tpu.sem_alloc : memref<!tpu.dma_semaphore, #tpu.memory_space<semaphore_mem>>
      %dma_start3A = arith.constant 0 : i32
      %dma_start3A_129 = arith.constant 0 : i32
      %dma_start3A_130 = tpu.memref_slice %arg9[%run_scoped3A_72, %dma_start3A, %dma_start3A_129] : memref<3x100x128xf32, #tpu.memory_space<vmem>> -> memref<1x80x128xf32, #tpu.memory_space<vmem>>
      %dma_start3A_131 = tpu.memref_squeeze %dma_start3A_130 : memref<1x80x128xf32, #tpu.memory_space<vmem>> -> memref<80x128xf32, #tpu.memory_space<vmem>>
      %dma_start3A_132 = arith.constant 0 : i32
      %dma_start3A_133 = tpu.memref_slice %arg10[%add3A_71, %dma_start3A_132] : memref<10240x128xf32, #tpu.memory_space<vmem_shared>> -> memref<80x128xf32, #tpu.memory_space<vmem_shared>>
      %dma_start3A_134 = arith.constant 0 : i32
      %dma_start3A_135 = arith.constant 0 : i32
      %dma_start3A_136 = tpu.memref_slice %arg9[%run_scoped3A_72, %dma_start3A_134, %dma_start3A_135] : memref<3x100x128xf32, #tpu.memory_space<vmem>> -> memref<1x80x128xf32, #tpu.memory_space<vmem>>
      %dma_start3A_137 = tpu.memref_squeeze %dma_start3A_136 : memref<1x80x128xf32, #tpu.memory_space<vmem>> -> memref<80x128xf32, #tpu.memory_space<vmem>>
      %dma_start3A_138 = arith.constant 0 : i32
      %dma_start3A_139 = tpu.memref_slice %arg10[%add3A_71, %dma_start3A_138] : memref<10240x128xf32, #tpu.memory_space<vmem_shared>> -> memref<80x128xf32, #tpu.memory_space<vmem_shared>>
      tpu.enqueue_dma source(%dma_start3A_139 : memref<80x128xf32, #tpu.memory_space<vmem_shared>>) target(%dma_start3A_137 : memref<80x128xf32, #tpu.memory_space<vmem>>) target_semaphore(%run_scoped3A_128 : memref<!tpu.dma_semaphore, #tpu.memory_space<semaphore_mem>>)
      %dma_wait3A = arith.constant 0 : i32
      %dma_wait3A_140 = arith.constant 0 : i32
      %dma_wait3A_141 = tpu.memref_slice %arg9[%run_scoped3A_72, %dma_wait3A, %dma_wait3A_140] : memref<3x100x128xf32, #tpu.memory_space<vmem>> -> memref<1x80x128xf32, #tpu.memory_space<vmem>>
      %dma_wait3A_142 = tpu.memref_squeeze %dma_wait3A_141 : memref<1x80x128xf32, #tpu.memory_space<vmem>> -> memref<80x128xf32, #tpu.memory_space<vmem>>
      %dma_wait3A_143 = arith.constant 0 : i32
      %dma_wait3A_144 = tpu.memref_slice %arg10[%add3A_71, %dma_wait3A_143] : memref<10240x128xf32, #tpu.memory_space<vmem_shared>> -> memref<80x128xf32, #tpu.memory_space<vmem_shared>>
      %dma_wait3A_145 = arith.constant 0 : i32
      %dma_wait3A_146 = arith.constant 0 : i32
      %dma_wait3A_147 = tpu.memref_slice %arg9[%run_scoped3A_72, %dma_wait3A_145, %dma_wait3A_146] : memref<3x100x128xf32, #tpu.memory_space<vmem>> -> memref<1x80x128xf32, #tpu.memory_space<vmem>>
      %dma_wait3A_148 = tpu.memref_squeeze %dma_wait3A_147 : memref<1x80x128xf32, #tpu.memory_space<vmem>> -> memref<80x128xf32, #tpu.memory_space<vmem>>
      %dma_wait3A_149 = arith.constant 0 : i32
      %dma_wait3A_150 = tpu.memref_slice %arg10[%add3A_71, %dma_wait3A_149] : memref<10240x128xf32, #tpu.memory_space<vmem_shared>> -> memref<80x128xf32, #tpu.memory_space<vmem_shared>>
      tpu.wait_dma2 semaphore(%run_scoped3A_128 : memref<!tpu.dma_semaphore, #tpu.memory_space<semaphore_mem>>) src(%dma_wait3A_150 : memref<80x128xf32, #tpu.memory_space<vmem_shared>>) dst(%dma_wait3A_148 : memref<80x128xf32, #tpu.memory_space<vmem>>)
      tpu.yield
    }) : () -> ()
    %mul3A_73 = arith.constant 640 : i32
    %mul3A_74 = arith.muli %arg1, %mul3A_73 : i32
    %add3A_75 = arith.constant 160 : i32
    %add3A_76 = arith.addi %mul3A_74, %add3A_75 : i32
    %run_scoped3A_77 = arith.constant 0 : i32
    "tpu.region"() ({
      %run_scoped3A_128 = tpu.sem_alloc : memref<!tpu.dma_semaphore, #tpu.memory_space<semaphore_mem>>
      %dma_start3A = arith.constant 0 : i32
      %dma_start3A_129 = arith.constant 0 : i32
      %dma_start3A_130 = tpu.memref_slice %arg9[%run_scoped3A_77, %dma_start3A, %dma_start3A_129] : memref<3x100x128xf32, #tpu.memory_space<vmem>> -> memref<1x80x128xf32, #tpu.memory_space<vmem>>
      %dma_start3A_131 = tpu.memref_squeeze %dma_start3A_130 : memref<1x80x128xf32, #tpu.memory_space<vmem>> -> memref<80x128xf32, #tpu.memory_space<vmem>>
      %dma_start3A_132 = arith.constant 0 : i32
      %dma_start3A_133 = tpu.memref_slice %arg6[%arg0, %add3A_76, %dma_start3A_132] : memref<2x10240x128xf32, #tpu.memory_space<hbm>> -> memref<1x80x128xf32, #tpu.memory_space<hbm>>
      %dma_start3A_134 = tpu.memref_squeeze %dma_start3A_133 : memref<1x80x128xf32, #tpu.memory_space<hbm>> -> memref<80x128xf32, #tpu.memory_space<hbm>>
      %dma_start3A_135 = arith.constant 0 : i32
      %dma_start3A_136 = tpu.memref_slice %arg6[%arg0, %add3A_76, %dma_start3A_135] : memref<2x10240x128xf32, #tpu.memory_space<hbm>> -> memref<1x80x128xf32, #tpu.memory_space<hbm>>
      %dma_start3A_137 = tpu.memref_squeeze %dma_start3A_136 : memref<1x80x128xf32, #tpu.memory_space<hbm>> -> memref<80x128xf32, #tpu.memory_space<hbm>>
      %dma_start3A_138 = arith.constant 0 : i32
      %dma_start3A_139 = arith.constant 0 : i32
      %dma_start3A_140 = tpu.memref_slice %arg9[%run_scoped3A_77, %dma_start3A_138, %dma_start3A_139] : memref<3x100x128xf32, #tpu.memory_space<vmem>> -> memref<1x80x128xf32, #tpu.memory_space<vmem>>
      %dma_start3A_141 = tpu.memref_squeeze %dma_start3A_140 : memref<1x80x128xf32, #tpu.memory_space<vmem>> -> memref<80x128xf32, #tpu.memory_space<vmem>>
      tpu.enqueue_dma source(%dma_start3A_141 : memref<80x128xf32, #tpu.memory_space<vmem>>) target(%dma_start3A_137 : memref<80x128xf32, #tpu.memory_space<hbm>>) target_semaphore(%run_scoped3A_128 : memref<!tpu.dma_semaphore, #tpu.memory_space<semaphore_mem>>)
      %dma_wait3A = arith.constant 0 : i32
      %dma_wait3A_142 = arith.constant 0 : i32
      %dma_wait3A_143 = tpu.memref_slice %arg9[%run_scoped3A_77, %dma_wait3A, %dma_wait3A_142] : memref<3x100x128xf32, #tpu.memory_space<vmem>> -> memref<1x80x128xf32, #tpu.memory_space<vmem>>
      %dma_wait3A_144 = tpu.memref_squeeze %dma_wait3A_143 : memref<1x80x128xf32, #tpu.memory_space<vmem>> -> memref<80x128xf32, #tpu.memory_space<vmem>>
      %dma_wait3A_145 = arith.constant 0 : i32
      %dma_wait3A_146 = tpu.memref_slice %arg6[%arg0, %add3A_76, %dma_wait3A_145] : memref<2x10240x128xf32, #tpu.memory_space<hbm>> -> memref<1x80x128xf32, #tpu.memory_space<hbm>>
      %dma_wait3A_147 = tpu.memref_squeeze %dma_wait3A_146 : memref<1x80x128xf32, #tpu.memory_space<hbm>> -> memref<80x128xf32, #tpu.memory_space<hbm>>
      %dma_wait3A_148 = arith.constant 0 : i32
      %dma_wait3A_149 = tpu.memref_slice %arg6[%arg0, %add3A_76, %dma_wait3A_148] : memref<2x10240x128xf32, #tpu.memory_space<hbm>> -> memref<1x80x128xf32, #tpu.memory_space<hbm>>
      %dma_wait3A_150 = tpu.memref_squeeze %dma_wait3A_149 : memref<1x80x128xf32, #tpu.memory_space<hbm>> -> memref<80x128xf32, #tpu.memory_space<hbm>>
      %dma_wait3A_151 = arith.constant 0 : i32
      %dma_wait3A_152 = arith.constant 0 : i32
      %dma_wait3A_153 = tpu.memref_slice %arg9[%run_scoped3A_77, %dma_wait3A_151, %dma_wait3A_152] : memref<3x100x128xf32, #tpu.memory_space<vmem>> -> memref<1x80x128xf32, #tpu.memory_space<vmem>>
      %dma_wait3A_154 = tpu.memref_squeeze %dma_wait3A_153 : memref<1x80x128xf32, #tpu.memory_space<vmem>> -> memref<80x128xf32, #tpu.memory_space<vmem>>
      tpu.wait_dma2 semaphore(%run_scoped3A_128 : memref<!tpu.dma_semaphore, #tpu.memory_space<semaphore_mem>>) src(%dma_wait3A_154 : memref<80x128xf32, #tpu.memory_space<vmem>>) dst(%dma_wait3A_150 : memref<80x128xf32, #tpu.memory_space<hbm>>)
      tpu.yield
    }) : () -> ()
    %mul3A_78 = arith.constant 640 : i32
    %mul3A_79 = arith.muli %arg1, %mul3A_78 : i32
    %add3A_80 = arith.constant 240 : i32
    %add3A_81 = arith.addi %mul3A_79, %add3A_80 : i32
    %run_scoped3A_82 = arith.constant 0 : i32
    "tpu.region"() ({
      %run_scoped3A_128 = tpu.sem_alloc : memref<!tpu.dma_semaphore, #tpu.memory_space<semaphore_mem>>
      %dma_start3A = arith.constant 0 : i32
      %dma_start3A_129 = arith.constant 0 : i32
      %dma_start3A_130 = tpu.memref_slice %arg9[%run_scoped3A_82, %dma_start3A, %dma_start3A_129] : memref<3x100x128xf32, #tpu.memory_space<vmem>> -> memref<1x80x128xf32, #tpu.memory_space<vmem>>
      %dma_start3A_131 = tpu.memref_squeeze %dma_start3A_130 : memref<1x80x128xf32, #tpu.memory_space<vmem>> -> memref<80x128xf32, #tpu.memory_space<vmem>>
      %dma_start3A_132 = arith.constant 0 : i32
      %dma_start3A_133 = tpu.memref_slice %arg10[%add3A_81, %dma_start3A_132] : memref<10240x128xf32, #tpu.memory_space<vmem_shared>> -> memref<80x128xf32, #tpu.memory_space<vmem_shared>>
      %dma_start3A_134 = arith.constant 0 : i32
      %dma_start3A_135 = arith.constant 0 : i32
      %dma_start3A_136 = tpu.memref_slice %arg9[%run_scoped3A_82, %dma_start3A_134, %dma_start3A_135] : memref<3x100x128xf32, #tpu.memory_space<vmem>> -> memref<1x80x128xf32, #tpu.memory_space<vmem>>
      %dma_start3A_137 = tpu.memref_squeeze %dma_start3A_136 : memref<1x80x128xf32, #tpu.memory_space<vmem>> -> memref<80x128xf32, #tpu.memory_space<vmem>>
      %dma_start3A_138 = arith.constant 0 : i32
      %dma_start3A_139 = tpu.memref_slice %arg10[%add3A_81, %dma_start3A_138] : memref<10240x128xf32, #tpu.memory_space<vmem_shared>> -> memref<80x128xf32, #tpu.memory_space<vmem_shared>>
      tpu.enqueue_dma source(%dma_start3A_139 : memref<80x128xf32, #tpu.memory_space<vmem_shared>>) target(%dma_start3A_137 : memref<80x128xf32, #tpu.memory_space<vmem>>) target_semaphore(%run_scoped3A_128 : memref<!tpu.dma_semaphore, #tpu.memory_space<semaphore_mem>>)
      %dma_wait3A = arith.constant 0 : i32
      %dma_wait3A_140 = arith.constant 0 : i32
      %dma_wait3A_141 = tpu.memref_slice %arg9[%run_scoped3A_82, %dma_wait3A, %dma_wait3A_140] : memref<3x100x128xf32, #tpu.memory_space<vmem>> -> memref<1x80x128xf32, #tpu.memory_space<vmem>>
      %dma_wait3A_142 = tpu.memref_squeeze %dma_wait3A_141 : memref<1x80x128xf32, #tpu.memory_space<vmem>> -> memref<80x128xf32, #tpu.memory_space<vmem>>
      %dma_wait3A_143 = arith.constant 0 : i32
      %dma_wait3A_144 = tpu.memref_slice %arg10[%add3A_81, %dma_wait3A_143] : memref<10240x128xf32, #tpu.memory_space<vmem_shared>> -> memref<80x128xf32, #tpu.memory_space<vmem_shared>>
      %dma_wait3A_145 = arith.constant 0 : i32
      %dma_wait3A_146 = arith.constant 0 : i32
      %dma_wait3A_147 = tpu.memref_slice %arg9[%run_scoped3A_82, %dma_wait3A_145, %dma_wait3A_146] : memref<3x100x128xf32, #tpu.memory_space<vmem>> -> memref<1x80x128xf32, #tpu.memory_space<vmem>>
      %dma_wait3A_148 = tpu.memref_squeeze %dma_wait3A_147 : memref<1x80x128xf32, #tpu.memory_space<vmem>> -> memref<80x128xf32, #tpu.memory_space<vmem>>
      %dma_wait3A_149 = arith.constant 0 : i32
      %dma_wait3A_150 = tpu.memref_slice %arg10[%add3A_81, %dma_wait3A_149] : memref<10240x128xf32, #tpu.memory_space<vmem_shared>> -> memref<80x128xf32, #tpu.memory_space<vmem_shared>>
      tpu.wait_dma2 semaphore(%run_scoped3A_128 : memref<!tpu.dma_semaphore, #tpu.memory_space<semaphore_mem>>) src(%dma_wait3A_150 : memref<80x128xf32, #tpu.memory_space<vmem_shared>>) dst(%dma_wait3A_148 : memref<80x128xf32, #tpu.memory_space<vmem>>)
      tpu.yield
    }) : () -> ()
    %mul3A_83 = arith.constant 640 : i32
    %mul3A_84 = arith.muli %arg1, %mul3A_83 : i32
    %add3A_85 = arith.constant 240 : i32
    %add3A_86 = arith.addi %mul3A_84, %add3A_85 : i32
    %run_scoped3A_87 = arith.constant 0 : i32
    "tpu.region"() ({
      %run_scoped3A_128 = tpu.sem_alloc : memref<!tpu.dma_semaphore, #tpu.memory_space<semaphore_mem>>
      %dma_start3A = arith.constant 0 : i32
      %dma_start3A_129 = arith.constant 0 : i32
      %dma_start3A_130 = tpu.memref_slice %arg9[%run_scoped3A_87, %dma_start3A, %dma_start3A_129] : memref<3x100x128xf32, #tpu.memory_space<vmem>> -> memref<1x80x128xf32, #tpu.memory_space<vmem>>
      %dma_start3A_131 = tpu.memref_squeeze %dma_start3A_130 : memref<1x80x128xf32, #tpu.memory_space<vmem>> -> memref<80x128xf32, #tpu.memory_space<vmem>>
      %dma_start3A_132 = arith.constant 0 : i32
      %dma_start3A_133 = tpu.memref_slice %arg6[%arg0, %add3A_86, %dma_start3A_132] : memref<2x10240x128xf32, #tpu.memory_space<hbm>> -> memref<1x80x128xf32, #tpu.memory_space<hbm>>
      %dma_start3A_134 = tpu.memref_squeeze %dma_start3A_133 : memref<1x80x128xf32, #tpu.memory_space<hbm>> -> memref<80x128xf32, #tpu.memory_space<hbm>>
      %dma_start3A_135 = arith.constant 0 : i32
      %dma_start3A_136 = tpu.memref_slice %arg6[%arg0, %add3A_86, %dma_start3A_135] : memref<2x10240x128xf32, #tpu.memory_space<hbm>> -> memref<1x80x128xf32, #tpu.memory_space<hbm>>
      %dma_start3A_137 = tpu.memref_squeeze %dma_start3A_136 : memref<1x80x128xf32, #tpu.memory_space<hbm>> -> memref<80x128xf32, #tpu.memory_space<hbm>>
      %dma_start3A_138 = arith.constant 0 : i32
      %dma_start3A_139 = arith.constant 0 : i32
      %dma_start3A_140 = tpu.memref_slice %arg9[%run_scoped3A_87, %dma_start3A_138, %dma_start3A_139] : memref<3x100x128xf32, #tpu.memory_space<vmem>> -> memref<1x80x128xf32, #tpu.memory_space<vmem>>
      %dma_start3A_141 = tpu.memref_squeeze %dma_start3A_140 : memref<1x80x128xf32, #tpu.memory_space<vmem>> -> memref<80x128xf32, #tpu.memory_space<vmem>>
      tpu.enqueue_dma source(%dma_start3A_141 : memref<80x128xf32, #tpu.memory_space<vmem>>) target(%dma_start3A_137 : memref<80x128xf32, #tpu.memory_space<hbm>>) target_semaphore(%run_scoped3A_128 : memref<!tpu.dma_semaphore, #tpu.memory_space<semaphore_mem>>)
      %dma_wait3A = arith.constant 0 : i32
      %dma_wait3A_142 = arith.constant 0 : i32
      %dma_wait3A_143 = tpu.memref_slice %arg9[%run_scoped3A_87, %dma_wait3A, %dma_wait3A_142] : memref<3x100x128xf32, #tpu.memory_space<vmem>> -> memref<1x80x128xf32, #tpu.memory_space<vmem>>
      %dma_wait3A_144 = tpu.memref_squeeze %dma_wait3A_143 : memref<1x80x128xf32, #tpu.memory_space<vmem>> -> memref<80x128xf32, #tpu.memory_space<vmem>>
      %dma_wait3A_145 = arith.constant 0 : i32
      %dma_wait3A_146 = tpu.memref_slice %arg6[%arg0, %add3A_86, %dma_wait3A_145] : memref<2x10240x128xf32, #tpu.memory_space<hbm>> -> memref<1x80x128xf32, #tpu.memory_space<hbm>>
      %dma_wait3A_147 = tpu.memref_squeeze %dma_wait3A_146 : memref<1x80x128xf32, #tpu.memory_space<hbm>> -> memref<80x128xf32, #tpu.memory_space<hbm>>
      %dma_wait3A_148 = arith.constant 0 : i32
      %dma_wait3A_149 = tpu.memref_slice %arg6[%arg0, %add3A_86, %dma_wait3A_148] : memref<2x10240x128xf32, #tpu.memory_space<hbm>> -> memref<1x80x128xf32, #tpu.memory_space<hbm>>
      %dma_wait3A_150 = tpu.memref_squeeze %dma_wait3A_149 : memref<1x80x128xf32, #tpu.memory_space<hbm>> -> memref<80x128xf32, #tpu.memory_space<hbm>>
      %dma_wait3A_151 = arith.constant 0 : i32
      %dma_wait3A_152 = arith.constant 0 : i32
      %dma_wait3A_153 = tpu.memref_slice %arg9[%run_scoped3A_87, %dma_wait3A_151, %dma_wait3A_152] : memref<3x100x128xf32, #tpu.memory_space<vmem>> -> memref<1x80x128xf32, #tpu.memory_space<vmem>>
      %dma_wait3A_154 = tpu.memref_squeeze %dma_wait3A_153 : memref<1x80x128xf32, #tpu.memory_space<vmem>> -> memref<80x128xf32, #tpu.memory_space<vmem>>
      tpu.wait_dma2 semaphore(%run_scoped3A_128 : memref<!tpu.dma_semaphore, #tpu.memory_space<semaphore_mem>>) src(%dma_wait3A_154 : memref<80x128xf32, #tpu.memory_space<vmem>>) dst(%dma_wait3A_150 : memref<80x128xf32, #tpu.memory_space<hbm>>)
      tpu.yield
    }) : () -> ()
    %mul3A_88 = arith.constant 640 : i32
    %mul3A_89 = arith.muli %arg1, %mul3A_88 : i32
    %add3A_90 = arith.constant 320 : i32
    %add3A_91 = arith.addi %mul3A_89, %add3A_90 : i32
    %run_scoped3A_92 = arith.constant 0 : i32
    "tpu.region"() ({
      %run_scoped3A_128 = tpu.sem_alloc : memref<!tpu.dma_semaphore, #tpu.memory_space<semaphore_mem>>
      %dma_start3A = arith.constant 0 : i32
      %dma_start3A_129 = arith.constant 0 : i32
      %dma_start3A_130 = tpu.memref_slice %arg9[%run_scoped3A_92, %dma_start3A, %dma_start3A_129] : memref<3x100x128xf32, #tpu.memory_space<vmem>> -> memref<1x80x128xf32, #tpu.memory_space<vmem>>
      %dma_start3A_131 = tpu.memref_squeeze %dma_start3A_130 : memref<1x80x128xf32, #tpu.memory_space<vmem>> -> memref<80x128xf32, #tpu.memory_space<vmem>>
      %dma_start3A_132 = arith.constant 0 : i32
      %dma_start3A_133 = tpu.memref_slice %arg10[%add3A_91, %dma_start3A_132] : memref<10240x128xf32, #tpu.memory_space<vmem_shared>> -> memref<80x128xf32, #tpu.memory_space<vmem_shared>>
      %dma_start3A_134 = arith.constant 0 : i32
      %dma_start3A_135 = arith.constant 0 : i32
      %dma_start3A_136 = tpu.memref_slice %arg9[%run_scoped3A_92, %dma_start3A_134, %dma_start3A_135] : memref<3x100x128xf32, #tpu.memory_space<vmem>> -> memref<1x80x128xf32, #tpu.memory_space<vmem>>
      %dma_start3A_137 = tpu.memref_squeeze %dma_start3A_136 : memref<1x80x128xf32, #tpu.memory_space<vmem>> -> memref<80x128xf32, #tpu.memory_space<vmem>>
      %dma_start3A_138 = arith.constant 0 : i32
      %dma_start3A_139 = tpu.memref_slice %arg10[%add3A_91, %dma_start3A_138] : memref<10240x128xf32, #tpu.memory_space<vmem_shared>> -> memref<80x128xf32, #tpu.memory_space<vmem_shared>>
      tpu.enqueue_dma source(%dma_start3A_139 : memref<80x128xf32, #tpu.memory_space<vmem_shared>>) target(%dma_start3A_137 : memref<80x128xf32, #tpu.memory_space<vmem>>) target_semaphore(%run_scoped3A_128 : memref<!tpu.dma_semaphore, #tpu.memory_space<semaphore_mem>>)
      %dma_wait3A = arith.constant 0 : i32
      %dma_wait3A_140 = arith.constant 0 : i32
      %dma_wait3A_141 = tpu.memref_slice %arg9[%run_scoped3A_92, %dma_wait3A, %dma_wait3A_140] : memref<3x100x128xf32, #tpu.memory_space<vmem>> -> memref<1x80x128xf32, #tpu.memory_space<vmem>>
      %dma_wait3A_142 = tpu.memref_squeeze %dma_wait3A_141 : memref<1x80x128xf32, #tpu.memory_space<vmem>> -> memref<80x128xf32, #tpu.memory_space<vmem>>
      %dma_wait3A_143 = arith.constant 0 : i32
      %dma_wait3A_144 = tpu.memref_slice %arg10[%add3A_91, %dma_wait3A_143] : memref<10240x128xf32, #tpu.memory_space<vmem_shared>> -> memref<80x128xf32, #tpu.memory_space<vmem_shared>>
      %dma_wait3A_145 = arith.constant 0 : i32
      %dma_wait3A_146 = arith.constant 0 : i32
      %dma_wait3A_147 = tpu.memref_slice %arg9[%run_scoped3A_92, %dma_wait3A_145, %dma_wait3A_146] : memref<3x100x128xf32, #tpu.memory_space<vmem>> -> memref<1x80x128xf32, #tpu.memory_space<vmem>>
      %dma_wait3A_148 = tpu.memref_squeeze %dma_wait3A_147 : memref<1x80x128xf32, #tpu.memory_space<vmem>> -> memref<80x128xf32, #tpu.memory_space<vmem>>
      %dma_wait3A_149 = arith.constant 0 : i32
      %dma_wait3A_150 = tpu.memref_slice %arg10[%add3A_91, %dma_wait3A_149] : memref<10240x128xf32, #tpu.memory_space<vmem_shared>> -> memref<80x128xf32, #tpu.memory_space<vmem_shared>>
      tpu.wait_dma2 semaphore(%run_scoped3A_128 : memref<!tpu.dma_semaphore, #tpu.memory_space<semaphore_mem>>) src(%dma_wait3A_150 : memref<80x128xf32, #tpu.memory_space<vmem_shared>>) dst(%dma_wait3A_148 : memref<80x128xf32, #tpu.memory_space<vmem>>)
      tpu.yield
    }) : () -> ()
    %mul3A_93 = arith.constant 640 : i32
    %mul3A_94 = arith.muli %arg1, %mul3A_93 : i32
    %add3A_95 = arith.constant 320 : i32
    %add3A_96 = arith.addi %mul3A_94, %add3A_95 : i32
    %run_scoped3A_97 = arith.constant 0 : i32
    "tpu.region"() ({
      %run_scoped3A_128 = tpu.sem_alloc : memref<!tpu.dma_semaphore, #tpu.memory_space<semaphore_mem>>
      %dma_start3A = arith.constant 0 : i32
      %dma_start3A_129 = arith.constant 0 : i32
      %dma_start3A_130 = tpu.memref_slice %arg9[%run_scoped3A_97, %dma_start3A, %dma_start3A_129] : memref<3x100x128xf32, #tpu.memory_space<vmem>> -> memref<1x80x128xf32, #tpu.memory_space<vmem>>
      %dma_start3A_131 = tpu.memref_squeeze %dma_start3A_130 : memref<1x80x128xf32, #tpu.memory_space<vmem>> -> memref<80x128xf32, #tpu.memory_space<vmem>>
      %dma_start3A_132 = arith.constant 0 : i32
      %dma_start3A_133 = tpu.memref_slice %arg6[%arg0, %add3A_96, %dma_start3A_132] : memref<2x10240x128xf32, #tpu.memory_space<hbm>> -> memref<1x80x128xf32, #tpu.memory_space<hbm>>
      %dma_start3A_134 = tpu.memref_squeeze %dma_start3A_133 : memref<1x80x128xf32, #tpu.memory_space<hbm>> -> memref<80x128xf32, #tpu.memory_space<hbm>>
      %dma_start3A_135 = arith.constant 0 : i32
      %dma_start3A_136 = tpu.memref_slice %arg6[%arg0, %add3A_96, %dma_start3A_135] : memref<2x10240x128xf32, #tpu.memory_space<hbm>> -> memref<1x80x128xf32, #tpu.memory_space<hbm>>
      %dma_start3A_137 = tpu.memref_squeeze %dma_start3A_136 : memref<1x80x128xf32, #tpu.memory_space<hbm>> -> memref<80x128xf32, #tpu.memory_space<hbm>>
      %dma_start3A_138 = arith.constant 0 : i32
      %dma_start3A_139 = arith.constant 0 : i32
      %dma_start3A_140 = tpu.memref_slice %arg9[%run_scoped3A_97, %dma_start3A_138, %dma_start3A_139] : memref<3x100x128xf32, #tpu.memory_space<vmem>> -> memref<1x80x128xf32, #tpu.memory_space<vmem>>
      %dma_start3A_141 = tpu.memref_squeeze %dma_start3A_140 : memref<1x80x128xf32, #tpu.memory_space<vmem>> -> memref<80x128xf32, #tpu.memory_space<vmem>>
      tpu.enqueue_dma source(%dma_start3A_141 : memref<80x128xf32, #tpu.memory_space<vmem>>) target(%dma_start3A_137 : memref<80x128xf32, #tpu.memory_space<hbm>>) target_semaphore(%run_scoped3A_128 : memref<!tpu.dma_semaphore, #tpu.memory_space<semaphore_mem>>)
      %dma_wait3A = arith.constant 0 : i32
      %dma_wait3A_142 = arith.constant 0 : i32
      %dma_wait3A_143 = tpu.memref_slice %arg9[%run_scoped3A_97, %dma_wait3A, %dma_wait3A_142] : memref<3x100x128xf32, #tpu.memory_space<vmem>> -> memref<1x80x128xf32, #tpu.memory_space<vmem>>
      %dma_wait3A_144 = tpu.memref_squeeze %dma_wait3A_143 : memref<1x80x128xf32, #tpu.memory_space<vmem>> -> memref<80x128xf32, #tpu.memory_space<vmem>>
      %dma_wait3A_145 = arith.constant 0 : i32
      %dma_wait3A_146 = tpu.memref_slice %arg6[%arg0, %add3A_96, %dma_wait3A_145] : memref<2x10240x128xf32, #tpu.memory_space<hbm>> -> memref<1x80x128xf32, #tpu.memory_space<hbm>>
      %dma_wait3A_147 = tpu.memref_squeeze %dma_wait3A_146 : memref<1x80x128xf32, #tpu.memory_space<hbm>> -> memref<80x128xf32, #tpu.memory_space<hbm>>
      %dma_wait3A_148 = arith.constant 0 : i32
      %dma_wait3A_149 = tpu.memref_slice %arg6[%arg0, %add3A_96, %dma_wait3A_148] : memref<2x10240x128xf32, #tpu.memory_space<hbm>> -> memref<1x80x128xf32, #tpu.memory_space<hbm>>
      %dma_wait3A_150 = tpu.memref_squeeze %dma_wait3A_149 : memref<1x80x128xf32, #tpu.memory_space<hbm>> -> memref<80x128xf32, #tpu.memory_space<hbm>>
      %dma_wait3A_151 = arith.constant 0 : i32
      %dma_wait3A_152 = arith.constant 0 : i32
      %dma_wait3A_153 = tpu.memref_slice %arg9[%run_scoped3A_97, %dma_wait3A_151, %dma_wait3A_152] : memref<3x100x128xf32, #tpu.memory_space<vmem>> -> memref<1x80x128xf32, #tpu.memory_space<vmem>>
      %dma_wait3A_154 = tpu.memref_squeeze %dma_wait3A_153 : memref<1x80x128xf32, #tpu.memory_space<vmem>> -> memref<80x128xf32, #tpu.memory_space<vmem>>
      tpu.wait_dma2 semaphore(%run_scoped3A_128 : memref<!tpu.dma_semaphore, #tpu.memory_space<semaphore_mem>>) src(%dma_wait3A_154 : memref<80x128xf32, #tpu.memory_space<vmem>>) dst(%dma_wait3A_150 : memref<80x128xf32, #tpu.memory_space<hbm>>)
      tpu.yield
    }) : () -> ()
    %mul3A_98 = arith.constant 640 : i32
    %mul3A_99 = arith.muli %arg1, %mul3A_98 : i32
    %add3A_100 = arith.constant 400 : i32
    %add3A_101 = arith.addi %mul3A_99, %add3A_100 : i32
    %run_scoped3A_102 = arith.constant 0 : i32
    "tpu.region"() ({
      %run_scoped3A_128 = tpu.sem_alloc : memref<!tpu.dma_semaphore, #tpu.memory_space<semaphore_mem>>
      %dma_start3A = arith.constant 0 : i32
      %dma_start3A_129 = arith.constant 0 : i32
      %dma_start3A_130 = tpu.memref_slice %arg9[%run_scoped3A_102, %dma_start3A, %dma_start3A_129] : memref<3x100x128xf32, #tpu.memory_space<vmem>> -> memref<1x80x128xf32, #tpu.memory_space<vmem>>
      %dma_start3A_131 = tpu.memref_squeeze %dma_start3A_130 : memref<1x80x128xf32, #tpu.memory_space<vmem>> -> memref<80x128xf32, #tpu.memory_space<vmem>>
      %dma_start3A_132 = arith.constant 0 : i32
      %dma_start3A_133 = tpu.memref_slice %arg10[%add3A_101, %dma_start3A_132] : memref<10240x128xf32, #tpu.memory_space<vmem_shared>> -> memref<80x128xf32, #tpu.memory_space<vmem_shared>>
      %dma_start3A_134 = arith.constant 0 : i32
      %dma_start3A_135 = arith.constant 0 : i32
      %dma_start3A_136 = tpu.memref_slice %arg9[%run_scoped3A_102, %dma_start3A_134, %dma_start3A_135] : memref<3x100x128xf32, #tpu.memory_space<vmem>> -> memref<1x80x128xf32, #tpu.memory_space<vmem>>
      %dma_start3A_137 = tpu.memref_squeeze %dma_start3A_136 : memref<1x80x128xf32, #tpu.memory_space<vmem>> -> memref<80x128xf32, #tpu.memory_space<vmem>>
      %dma_start3A_138 = arith.constant 0 : i32
      %dma_start3A_139 = tpu.memref_slice %arg10[%add3A_101, %dma_start3A_138] : memref<10240x128xf32, #tpu.memory_space<vmem_shared>> -> memref<80x128xf32, #tpu.memory_space<vmem_shared>>
      tpu.enqueue_dma source(%dma_start3A_139 : memref<80x128xf32, #tpu.memory_space<vmem_shared>>) target(%dma_start3A_137 : memref<80x128xf32, #tpu.memory_space<vmem>>) target_semaphore(%run_scoped3A_128 : memref<!tpu.dma_semaphore, #tpu.memory_space<semaphore_mem>>)
      %dma_wait3A = arith.constant 0 : i32
      %dma_wait3A_140 = arith.constant 0 : i32
      %dma_wait3A_141 = tpu.memref_slice %arg9[%run_scoped3A_102, %dma_wait3A, %dma_wait3A_140] : memref<3x100x128xf32, #tpu.memory_space<vmem>> -> memref<1x80x128xf32, #tpu.memory_space<vmem>>
      %dma_wait3A_142 = tpu.memref_squeeze %dma_wait3A_141 : memref<1x80x128xf32, #tpu.memory_space<vmem>> -> memref<80x128xf32, #tpu.memory_space<vmem>>
      %dma_wait3A_143 = arith.constant 0 : i32
      %dma_wait3A_144 = tpu.memref_slice %arg10[%add3A_101, %dma_wait3A_143] : memref<10240x128xf32, #tpu.memory_space<vmem_shared>> -> memref<80x128xf32, #tpu.memory_space<vmem_shared>>
      %dma_wait3A_145 = arith.constant 0 : i32
      %dma_wait3A_146 = arith.constant 0 : i32
      %dma_wait3A_147 = tpu.memref_slice %arg9[%run_scoped3A_102, %dma_wait3A_145, %dma_wait3A_146] : memref<3x100x128xf32, #tpu.memory_space<vmem>> -> memref<1x80x128xf32, #tpu.memory_space<vmem>>
      %dma_wait3A_148 = tpu.memref_squeeze %dma_wait3A_147 : memref<1x80x128xf32, #tpu.memory_space<vmem>> -> memref<80x128xf32, #tpu.memory_space<vmem>>
      %dma_wait3A_149 = arith.constant 0 : i32
      %dma_wait3A_150 = tpu.memref_slice %arg10[%add3A_101, %dma_wait3A_149] : memref<10240x128xf32, #tpu.memory_space<vmem_shared>> -> memref<80x128xf32, #tpu.memory_space<vmem_shared>>
      tpu.wait_dma2 semaphore(%run_scoped3A_128 : memref<!tpu.dma_semaphore, #tpu.memory_space<semaphore_mem>>) src(%dma_wait3A_150 : memref<80x128xf32, #tpu.memory_space<vmem_shared>>) dst(%dma_wait3A_148 : memref<80x128xf32, #tpu.memory_space<vmem>>)
      tpu.yield
    }) : () -> ()
    %mul3A_103 = arith.constant 640 : i32
    %mul3A_104 = arith.muli %arg1, %mul3A_103 : i32
    %add3A_105 = arith.constant 400 : i32
    %add3A_106 = arith.addi %mul3A_104, %add3A_105 : i32
    %run_scoped3A_107 = arith.constant 0 : i32
    "tpu.region"() ({
      %run_scoped3A_128 = tpu.sem_alloc : memref<!tpu.dma_semaphore, #tpu.memory_space<semaphore_mem>>
      %dma_start3A = arith.constant 0 : i32
      %dma_start3A_129 = arith.constant 0 : i32
      %dma_start3A_130 = tpu.memref_slice %arg9[%run_scoped3A_107, %dma_start3A, %dma_start3A_129] : memref<3x100x128xf32, #tpu.memory_space<vmem>> -> memref<1x80x128xf32, #tpu.memory_space<vmem>>
      %dma_start3A_131 = tpu.memref_squeeze %dma_start3A_130 : memref<1x80x128xf32, #tpu.memory_space<vmem>> -> memref<80x128xf32, #tpu.memory_space<vmem>>
      %dma_start3A_132 = arith.constant 0 : i32
      %dma_start3A_133 = tpu.memref_slice %arg6[%arg0, %add3A_106, %dma_start3A_132] : memref<2x10240x128xf32, #tpu.memory_space<hbm>> -> memref<1x80x128xf32, #tpu.memory_space<hbm>>
      %dma_start3A_134 = tpu.memref_squeeze %dma_start3A_133 : memref<1x80x128xf32, #tpu.memory_space<hbm>> -> memref<80x128xf32, #tpu.memory_space<hbm>>
      %dma_start3A_135 = arith.constant 0 : i32
      %dma_start3A_136 = tpu.memref_slice %arg6[%arg0, %add3A_106, %dma_start3A_135] : memref<2x10240x128xf32, #tpu.memory_space<hbm>> -> memref<1x80x128xf32, #tpu.memory_space<hbm>>
      %dma_start3A_137 = tpu.memref_squeeze %dma_start3A_136 : memref<1x80x128xf32, #tpu.memory_space<hbm>> -> memref<80x128xf32, #tpu.memory_space<hbm>>
      %dma_start3A_138 = arith.constant 0 : i32
      %dma_start3A_139 = arith.constant 0 : i32
      %dma_start3A_140 = tpu.memref_slice %arg9[%run_scoped3A_107, %dma_start3A_138, %dma_start3A_139] : memref<3x100x128xf32, #tpu.memory_space<vmem>> -> memref<1x80x128xf32, #tpu.memory_space<vmem>>
      %dma_start3A_141 = tpu.memref_squeeze %dma_start3A_140 : memref<1x80x128xf32, #tpu.memory_space<vmem>> -> memref<80x128xf32, #tpu.memory_space<vmem>>
      tpu.enqueue_dma source(%dma_start3A_141 : memref<80x128xf32, #tpu.memory_space<vmem>>) target(%dma_start3A_137 : memref<80x128xf32, #tpu.memory_space<hbm>>) target_semaphore(%run_scoped3A_128 : memref<!tpu.dma_semaphore, #tpu.memory_space<semaphore_mem>>)
      %dma_wait3A = arith.constant 0 : i32
      %dma_wait3A_142 = arith.constant 0 : i32
      %dma_wait3A_143 = tpu.memref_slice %arg9[%run_scoped3A_107, %dma_wait3A, %dma_wait3A_142] : memref<3x100x128xf32, #tpu.memory_space<vmem>> -> memref<1x80x128xf32, #tpu.memory_space<vmem>>
      %dma_wait3A_144 = tpu.memref_squeeze %dma_wait3A_143 : memref<1x80x128xf32, #tpu.memory_space<vmem>> -> memref<80x128xf32, #tpu.memory_space<vmem>>
      %dma_wait3A_145 = arith.constant 0 : i32
      %dma_wait3A_146 = tpu.memref_slice %arg6[%arg0, %add3A_106, %dma_wait3A_145] : memref<2x10240x128xf32, #tpu.memory_space<hbm>> -> memref<1x80x128xf32, #tpu.memory_space<hbm>>
      %dma_wait3A_147 = tpu.memref_squeeze %dma_wait3A_146 : memref<1x80x128xf32, #tpu.memory_space<hbm>> -> memref<80x128xf32, #tpu.memory_space<hbm>>
      %dma_wait3A_148 = arith.constant 0 : i32
      %dma_wait3A_149 = tpu.memref_slice %arg6[%arg0, %add3A_106, %dma_wait3A_148] : memref<2x10240x128xf32, #tpu.memory_space<hbm>> -> memref<1x80x128xf32, #tpu.memory_space<hbm>>
      %dma_wait3A_150 = tpu.memref_squeeze %dma_wait3A_149 : memref<1x80x128xf32, #tpu.memory_space<hbm>> -> memref<80x128xf32, #tpu.memory_space<hbm>>
      %dma_wait3A_151 = arith.constant 0 : i32
      %dma_wait3A_152 = arith.constant 0 : i32
      %dma_wait3A_153 = tpu.memref_slice %arg9[%run_scoped3A_107, %dma_wait3A_151, %dma_wait3A_152] : memref<3x100x128xf32, #tpu.memory_space<vmem>> -> memref<1x80x128xf32, #tpu.memory_space<vmem>>
      %dma_wait3A_154 = tpu.memref_squeeze %dma_wait3A_153 : memref<1x80x128xf32, #tpu.memory_space<vmem>> -> memref<80x128xf32, #tpu.memory_space<vmem>>
      tpu.wait_dma2 semaphore(%run_scoped3A_128 : memref<!tpu.dma_semaphore, #tpu.memory_space<semaphore_mem>>) src(%dma_wait3A_154 : memref<80x128xf32, #tpu.memory_space<vmem>>) dst(%dma_wait3A_150 : memref<80x128xf32, #tpu.memory_space<hbm>>)
      tpu.yield
    }) : () -> ()
    %mul3A_108 = arith.constant 640 : i32
    %mul3A_109 = arith.muli %arg1, %mul3A_108 : i32
    %add3A_110 = arith.constant 480 : i32
    %add3A_111 = arith.addi %mul3A_109, %add3A_110 : i32
    %run_scoped3A_112 = arith.constant 0 : i32
    "tpu.region"() ({
      %run_scoped3A_128 = tpu.sem_alloc : memref<!tpu.dma_semaphore, #tpu.memory_space<semaphore_mem>>
      %dma_start3A = arith.constant 0 : i32
      %dma_start3A_129 = arith.constant 0 : i32
      %dma_start3A_130 = tpu.memref_slice %arg9[%run_scoped3A_112, %dma_start3A, %dma_start3A_129] : memref<3x100x128xf32, #tpu.memory_space<vmem>> -> memref<1x80x128xf32, #tpu.memory_space<vmem>>
      %dma_start3A_131 = tpu.memref_squeeze %dma_start3A_130 : memref<1x80x128xf32, #tpu.memory_space<vmem>> -> memref<80x128xf32, #tpu.memory_space<vmem>>
      %dma_start3A_132 = arith.constant 0 : i32
      %dma_start3A_133 = tpu.memref_slice %arg10[%add3A_111, %dma_start3A_132] : memref<10240x128xf32, #tpu.memory_space<vmem_shared>> -> memref<80x128xf32, #tpu.memory_space<vmem_shared>>
      %dma_start3A_134 = arith.constant 0 : i32
      %dma_start3A_135 = arith.constant 0 : i32
      %dma_start3A_136 = tpu.memref_slice %arg9[%run_scoped3A_112, %dma_start3A_134, %dma_start3A_135] : memref<3x100x128xf32, #tpu.memory_space<vmem>> -> memref<1x80x128xf32, #tpu.memory_space<vmem>>
      %dma_start3A_137 = tpu.memref_squeeze %dma_start3A_136 : memref<1x80x128xf32, #tpu.memory_space<vmem>> -> memref<80x128xf32, #tpu.memory_space<vmem>>
      %dma_start3A_138 = arith.constant 0 : i32
      %dma_start3A_139 = tpu.memref_slice %arg10[%add3A_111, %dma_start3A_138] : memref<10240x128xf32, #tpu.memory_space<vmem_shared>> -> memref<80x128xf32, #tpu.memory_space<vmem_shared>>
      tpu.enqueue_dma source(%dma_start3A_139 : memref<80x128xf32, #tpu.memory_space<vmem_shared>>) target(%dma_start3A_137 : memref<80x128xf32, #tpu.memory_space<vmem>>) target_semaphore(%run_scoped3A_128 : memref<!tpu.dma_semaphore, #tpu.memory_space<semaphore_mem>>)
      %dma_wait3A = arith.constant 0 : i32
      %dma_wait3A_140 = arith.constant 0 : i32
      %dma_wait3A_141 = tpu.memref_slice %arg9[%run_scoped3A_112, %dma_wait3A, %dma_wait3A_140] : memref<3x100x128xf32, #tpu.memory_space<vmem>> -> memref<1x80x128xf32, #tpu.memory_space<vmem>>
      %dma_wait3A_142 = tpu.memref_squeeze %dma_wait3A_141 : memref<1x80x128xf32, #tpu.memory_space<vmem>> -> memref<80x128xf32, #tpu.memory_space<vmem>>
      %dma_wait3A_143 = arith.constant 0 : i32
      %dma_wait3A_144 = tpu.memref_slice %arg10[%add3A_111, %dma_wait3A_143] : memref<10240x128xf32, #tpu.memory_space<vmem_shared>> -> memref<80x128xf32, #tpu.memory_space<vmem_shared>>
      %dma_wait3A_145 = arith.constant 0 : i32
      %dma_wait3A_146 = arith.constant 0 : i32
      %dma_wait3A_147 = tpu.memref_slice %arg9[%run_scoped3A_112, %dma_wait3A_145, %dma_wait3A_146] : memref<3x100x128xf32, #tpu.memory_space<vmem>> -> memref<1x80x128xf32, #tpu.memory_space<vmem>>
      %dma_wait3A_148 = tpu.memref_squeeze %dma_wait3A_147 : memref<1x80x128xf32, #tpu.memory_space<vmem>> -> memref<80x128xf32, #tpu.memory_space<vmem>>
      %dma_wait3A_149 = arith.constant 0 : i32
      %dma_wait3A_150 = tpu.memref_slice %arg10[%add3A_111, %dma_wait3A_149] : memref<10240x128xf32, #tpu.memory_space<vmem_shared>> -> memref<80x128xf32, #tpu.memory_space<vmem_shared>>
      tpu.wait_dma2 semaphore(%run_scoped3A_128 : memref<!tpu.dma_semaphore, #tpu.memory_space<semaphore_mem>>) src(%dma_wait3A_150 : memref<80x128xf32, #tpu.memory_space<vmem_shared>>) dst(%dma_wait3A_148 : memref<80x128xf32, #tpu.memory_space<vmem>>)
      tpu.yield
    }) : () -> ()
    %mul3A_113 = arith.constant 640 : i32
    %mul3A_114 = arith.muli %arg1, %mul3A_113 : i32
    %add3A_115 = arith.constant 480 : i32
    %add3A_116 = arith.addi %mul3A_114, %add3A_115 : i32
    %run_scoped3A_117 = arith.constant 0 : i32
    "tpu.region"() ({
      %run_scoped3A_128 = tpu.sem_alloc : memref<!tpu.dma_semaphore, #tpu.memory_space<semaphore_mem>>
      %dma_start3A = arith.constant 0 : i32
      %dma_start3A_129 = arith.constant 0 : i32
      %dma_start3A_130 = tpu.memref_slice %arg9[%run_scoped3A_117, %dma_start3A, %dma_start3A_129] : memref<3x100x128xf32, #tpu.memory_space<vmem>> -> memref<1x80x128xf32, #tpu.memory_space<vmem>>
      %dma_start3A_131 = tpu.memref_squeeze %dma_start3A_130 : memref<1x80x128xf32, #tpu.memory_space<vmem>> -> memref<80x128xf32, #tpu.memory_space<vmem>>
      %dma_start3A_132 = arith.constant 0 : i32
      %dma_start3A_133 = tpu.memref_slice %arg6[%arg0, %add3A_116, %dma_start3A_132] : memref<2x10240x128xf32, #tpu.memory_space<hbm>> -> memref<1x80x128xf32, #tpu.memory_space<hbm>>
      %dma_start3A_134 = tpu.memref_squeeze %dma_start3A_133 : memref<1x80x128xf32, #tpu.memory_space<hbm>> -> memref<80x128xf32, #tpu.memory_space<hbm>>
      %dma_start3A_135 = arith.constant 0 : i32
      %dma_start3A_136 = tpu.memref_slice %arg6[%arg0, %add3A_116, %dma_start3A_135] : memref<2x10240x128xf32, #tpu.memory_space<hbm>> -> memref<1x80x128xf32, #tpu.memory_space<hbm>>
      %dma_start3A_137 = tpu.memref_squeeze %dma_start3A_136 : memref<1x80x128xf32, #tpu.memory_space<hbm>> -> memref<80x128xf32, #tpu.memory_space<hbm>>
      %dma_start3A_138 = arith.constant 0 : i32
      %dma_start3A_139 = arith.constant 0 : i32
      %dma_start3A_140 = tpu.memref_slice %arg9[%run_scoped3A_117, %dma_start3A_138, %dma_start3A_139] : memref<3x100x128xf32, #tpu.memory_space<vmem>> -> memref<1x80x128xf32, #tpu.memory_space<vmem>>
      %dma_start3A_141 = tpu.memref_squeeze %dma_start3A_140 : memref<1x80x128xf32, #tpu.memory_space<vmem>> -> memref<80x128xf32, #tpu.memory_space<vmem>>
      tpu.enqueue_dma source(%dma_start3A_141 : memref<80x128xf32, #tpu.memory_space<vmem>>) target(%dma_start3A_137 : memref<80x128xf32, #tpu.memory_space<hbm>>) target_semaphore(%run_scoped3A_128 : memref<!tpu.dma_semaphore, #tpu.memory_space<semaphore_mem>>)
      %dma_wait3A = arith.constant 0 : i32
      %dma_wait3A_142 = arith.constant 0 : i32
      %dma_wait3A_143 = tpu.memref_slice %arg9[%run_scoped3A_117, %dma_wait3A, %dma_wait3A_142] : memref<3x100x128xf32, #tpu.memory_space<vmem>> -> memref<1x80x128xf32, #tpu.memory_space<vmem>>
      %dma_wait3A_144 = tpu.memref_squeeze %dma_wait3A_143 : memref<1x80x128xf32, #tpu.memory_space<vmem>> -> memref<80x128xf32, #tpu.memory_space<vmem>>
      %dma_wait3A_145 = arith.constant 0 : i32
      %dma_wait3A_146 = tpu.memref_slice %arg6[%arg0, %add3A_116, %dma_wait3A_145] : memref<2x10240x128xf32, #tpu.memory_space<hbm>> -> memref<1x80x128xf32, #tpu.memory_space<hbm>>
      %dma_wait3A_147 = tpu.memref_squeeze %dma_wait3A_146 : memref<1x80x128xf32, #tpu.memory_space<hbm>> -> memref<80x128xf32, #tpu.memory_space<hbm>>
      %dma_wait3A_148 = arith.constant 0 : i32
      %dma_wait3A_149 = tpu.memref_slice %arg6[%arg0, %add3A_116, %dma_wait3A_148] : memref<2x10240x128xf32, #tpu.memory_space<hbm>> -> memref<1x80x128xf32, #tpu.memory_space<hbm>>
      %dma_wait3A_150 = tpu.memref_squeeze %dma_wait3A_149 : memref<1x80x128xf32, #tpu.memory_space<hbm>> -> memref<80x128xf32, #tpu.memory_space<hbm>>
      %dma_wait3A_151 = arith.constant 0 : i32
      %dma_wait3A_152 = arith.constant 0 : i32
      %dma_wait3A_153 = tpu.memref_slice %arg9[%run_scoped3A_117, %dma_wait3A_151, %dma_wait3A_152] : memref<3x100x128xf32, #tpu.memory_space<vmem>> -> memref<1x80x128xf32, #tpu.memory_space<vmem>>
      %dma_wait3A_154 = tpu.memref_squeeze %dma_wait3A_153 : memref<1x80x128xf32, #tpu.memory_space<vmem>> -> memref<80x128xf32, #tpu.memory_space<vmem>>
      tpu.wait_dma2 semaphore(%run_scoped3A_128 : memref<!tpu.dma_semaphore, #tpu.memory_space<semaphore_mem>>) src(%dma_wait3A_154 : memref<80x128xf32, #tpu.memory_space<vmem>>) dst(%dma_wait3A_150 : memref<80x128xf32, #tpu.memory_space<hbm>>)
      tpu.yield
    }) : () -> ()
    %mul3A_118 = arith.constant 640 : i32
    %mul3A_119 = arith.muli %arg1, %mul3A_118 : i32
    %add3A_120 = arith.constant 560 : i32
    %add3A_121 = arith.addi %mul3A_119, %add3A_120 : i32
    %run_scoped3A_122 = arith.constant 0 : i32
    "tpu.region"() ({
      %run_scoped3A_128 = tpu.sem_alloc : memref<!tpu.dma_semaphore, #tpu.memory_space<semaphore_mem>>
      %dma_start3A = arith.constant 0 : i32
      %dma_start3A_129 = arith.constant 0 : i32
      %dma_start3A_130 = tpu.memref_slice %arg9[%run_scoped3A_122, %dma_start3A, %dma_start3A_129] : memref<3x100x128xf32, #tpu.memory_space<vmem>> -> memref<1x80x128xf32, #tpu.memory_space<vmem>>
      %dma_start3A_131 = tpu.memref_squeeze %dma_start3A_130 : memref<1x80x128xf32, #tpu.memory_space<vmem>> -> memref<80x128xf32, #tpu.memory_space<vmem>>
      %dma_start3A_132 = arith.constant 0 : i32
      %dma_start3A_133 = tpu.memref_slice %arg10[%add3A_121, %dma_start3A_132] : memref<10240x128xf32, #tpu.memory_space<vmem_shared>> -> memref<80x128xf32, #tpu.memory_space<vmem_shared>>
      %dma_start3A_134 = arith.constant 0 : i32
      %dma_start3A_135 = arith.constant 0 : i32
      %dma_start3A_136 = tpu.memref_slice %arg9[%run_scoped3A_122, %dma_start3A_134, %dma_start3A_135] : memref<3x100x128xf32, #tpu.memory_space<vmem>> -> memref<1x80x128xf32, #tpu.memory_space<vmem>>
      %dma_start3A_137 = tpu.memref_squeeze %dma_start3A_136 : memref<1x80x128xf32, #tpu.memory_space<vmem>> -> memref<80x128xf32, #tpu.memory_space<vmem>>
      %dma_start3A_138 = arith.constant 0 : i32
      %dma_start3A_139 = tpu.memref_slice %arg10[%add3A_121, %dma_start3A_138] : memref<10240x128xf32, #tpu.memory_space<vmem_shared>> -> memref<80x128xf32, #tpu.memory_space<vmem_shared>>
      tpu.enqueue_dma source(%dma_start3A_139 : memref<80x128xf32, #tpu.memory_space<vmem_shared>>) target(%dma_start3A_137 : memref<80x128xf32, #tpu.memory_space<vmem>>) target_semaphore(%run_scoped3A_128 : memref<!tpu.dma_semaphore, #tpu.memory_space<semaphore_mem>>)
      %dma_wait3A = arith.constant 0 : i32
      %dma_wait3A_140 = arith.constant 0 : i32
      %dma_wait3A_141 = tpu.memref_slice %arg9[%run_scoped3A_122, %dma_wait3A, %dma_wait3A_140] : memref<3x100x128xf32, #tpu.memory_space<vmem>> -> memref<1x80x128xf32, #tpu.memory_space<vmem>>
      %dma_wait3A_142 = tpu.memref_squeeze %dma_wait3A_141 : memref<1x80x128xf32, #tpu.memory_space<vmem>> -> memref<80x128xf32, #tpu.memory_space<vmem>>
      %dma_wait3A_143 = arith.constant 0 : i32
      %dma_wait3A_144 = tpu.memref_slice %arg10[%add3A_121, %dma_wait3A_143] : memref<10240x128xf32, #tpu.memory_space<vmem_shared>> -> memref<80x128xf32, #tpu.memory_space<vmem_shared>>
      %dma_wait3A_145 = arith.constant 0 : i32
      %dma_wait3A_146 = arith.constant 0 : i32
      %dma_wait3A_147 = tpu.memref_slice %arg9[%run_scoped3A_122, %dma_wait3A_145, %dma_wait3A_146] : memref<3x100x128xf32, #tpu.memory_space<vmem>> -> memref<1x80x128xf32, #tpu.memory_space<vmem>>
      %dma_wait3A_148 = tpu.memref_squeeze %dma_wait3A_147 : memref<1x80x128xf32, #tpu.memory_space<vmem>> -> memref<80x128xf32, #tpu.memory_space<vmem>>
      %dma_wait3A_149 = arith.constant 0 : i32
      %dma_wait3A_150 = tpu.memref_slice %arg10[%add3A_121, %dma_wait3A_149] : memref<10240x128xf32, #tpu.memory_space<vmem_shared>> -> memref<80x128xf32, #tpu.memory_space<vmem_shared>>
      tpu.wait_dma2 semaphore(%run_scoped3A_128 : memref<!tpu.dma_semaphore, #tpu.memory_space<semaphore_mem>>) src(%dma_wait3A_150 : memref<80x128xf32, #tpu.memory_space<vmem_shared>>) dst(%dma_wait3A_148 : memref<80x128xf32, #tpu.memory_space<vmem>>)
      tpu.yield
    }) : () -> ()
    %mul3A_123 = arith.constant 640 : i32
    %mul3A_124 = arith.muli %arg1, %mul3A_123 : i32
    %add3A_125 = arith.constant 560 : i32
    %add3A_126 = arith.addi %mul3A_124, %add3A_125 : i32
    %run_scoped3A_127 = arith.constant 0 : i32
    "tpu.region"() ({
      %run_scoped3A_128 = tpu.sem_alloc : memref<!tpu.dma_semaphore, #tpu.memory_space<semaphore_mem>>
      %dma_start3A = arith.constant 0 : i32
      %dma_start3A_129 = arith.constant 0 : i32
      %dma_start3A_130 = tpu.memref_slice %arg9[%run_scoped3A_127, %dma_start3A, %dma_start3A_129] : memref<3x100x128xf32, #tpu.memory_space<vmem>> -> memref<1x80x128xf32, #tpu.memory_space<vmem>>
      %dma_start3A_131 = tpu.memref_squeeze %dma_start3A_130 : memref<1x80x128xf32, #tpu.memory_space<vmem>> -> memref<80x128xf32, #tpu.memory_space<vmem>>
      %dma_start3A_132 = arith.constant 0 : i32
      %dma_start3A_133 = tpu.memref_slice %arg6[%arg0, %add3A_126, %dma_start3A_132] : memref<2x10240x128xf32, #tpu.memory_space<hbm>> -> memref<1x80x128xf32, #tpu.memory_space<hbm>>
      %dma_start3A_134 = tpu.memref_squeeze %dma_start3A_133 : memref<1x80x128xf32, #tpu.memory_space<hbm>> -> memref<80x128xf32, #tpu.memory_space<hbm>>
      %dma_start3A_135 = arith.constant 0 : i32
      %dma_start3A_136 = tpu.memref_slice %arg6[%arg0, %add3A_126, %dma_start3A_135] : memref<2x10240x128xf32, #tpu.memory_space<hbm>> -> memref<1x80x128xf32, #tpu.memory_space<hbm>>
      %dma_start3A_137 = tpu.memref_squeeze %dma_start3A_136 : memref<1x80x128xf32, #tpu.memory_space<hbm>> -> memref<80x128xf32, #tpu.memory_space<hbm>>
      %dma_start3A_138 = arith.constant 0 : i32
      %dma_start3A_139 = arith.constant 0 : i32
      %dma_start3A_140 = tpu.memref_slice %arg9[%run_scoped3A_127, %dma_start3A_138, %dma_start3A_139] : memref<3x100x128xf32, #tpu.memory_space<vmem>> -> memref<1x80x128xf32, #tpu.memory_space<vmem>>
      %dma_start3A_141 = tpu.memref_squeeze %dma_start3A_140 : memref<1x80x128xf32, #tpu.memory_space<vmem>> -> memref<80x128xf32, #tpu.memory_space<vmem>>
      tpu.enqueue_dma source(%dma_start3A_141 : memref<80x128xf32, #tpu.memory_space<vmem>>) target(%dma_start3A_137 : memref<80x128xf32, #tpu.memory_space<hbm>>) target_semaphore(%run_scoped3A_128 : memref<!tpu.dma_semaphore, #tpu.memory_space<semaphore_mem>>)
      %dma_wait3A = arith.constant 0 : i32
      %dma_wait3A_142 = arith.constant 0 : i32
      %dma_wait3A_143 = tpu.memref_slice %arg9[%run_scoped3A_127, %dma_wait3A, %dma_wait3A_142] : memref<3x100x128xf32, #tpu.memory_space<vmem>> -> memref<1x80x128xf32, #tpu.memory_space<vmem>>
      %dma_wait3A_144 = tpu.memref_squeeze %dma_wait3A_143 : memref<1x80x128xf32, #tpu.memory_space<vmem>> -> memref<80x128xf32, #tpu.memory_space<vmem>>
      %dma_wait3A_145 = arith.constant 0 : i32
      %dma_wait3A_146 = tpu.memref_slice %arg6[%arg0, %add3A_126, %dma_wait3A_145] : memref<2x10240x128xf32, #tpu.memory_space<hbm>> -> memref<1x80x128xf32, #tpu.memory_space<hbm>>
      %dma_wait3A_147 = tpu.memref_squeeze %dma_wait3A_146 : memref<1x80x128xf32, #tpu.memory_space<hbm>> -> memref<80x128xf32, #tpu.memory_space<hbm>>
      %dma_wait3A_148 = arith.constant 0 : i32
      %dma_wait3A_149 = tpu.memref_slice %arg6[%arg0, %add3A_126, %dma_wait3A_148] : memref<2x10240x128xf32, #tpu.memory_space<hbm>> -> memref<1x80x128xf32, #tpu.memory_space<hbm>>
      %dma_wait3A_150 = tpu.memref_squeeze %dma_wait3A_149 : memref<1x80x128xf32, #tpu.memory_space<hbm>> -> memref<80x128xf32, #tpu.memory_space<hbm>>
      %dma_wait3A_151 = arith.constant 0 : i32
      %dma_wait3A_152 = arith.constant 0 : i32
      %dma_wait3A_153 = tpu.memref_slice %arg9[%run_scoped3A_127, %dma_wait3A_151, %dma_wait3A_152] : memref<3x100x128xf32, #tpu.memory_space<vmem>> -> memref<1x80x128xf32, #tpu.memory_space<vmem>>
      %dma_wait3A_154 = tpu.memref_squeeze %dma_wait3A_153 : memref<1x80x128xf32, #tpu.memory_space<vmem>> -> memref<80x128xf32, #tpu.memory_space<vmem>>
      tpu.wait_dma2 semaphore(%run_scoped3A_128 : memref<!tpu.dma_semaphore, #tpu.memory_space<semaphore_mem>>) src(%dma_wait3A_154 : memref<80x128xf32, #tpu.memory_space<vmem>>) dst(%dma_wait3A_150 : memref<80x128xf32, #tpu.memory_space<hbm>>)
      tpu.yield
    }) : () -> ()
    return
  }
}

#map = affine_map<(d0, d1) -> (0)>
#map1 = affine_map<(d0, d1) -> (0, 0)>
module attributes {stable_mosaic.version = 14 : i64} {
  func.func @_deg_kernel(%arg0: i32, %arg1: i32, %arg2: memref<320000xi32, #tpu.memory_space<hbm>>, %arg3: memref<32x10000xf32, #tpu.memory_space<hbm>>, %arg4: memref<10000xi32, #tpu.memory_space<vmem>>, %arg5: memref<10000xf32, #tpu.memory_space<vmem>>) attributes {dimension_semantics = [#tpu.dimension_semantics<core_parallel>, #tpu.dimension_semantics<subcore_parallel>], iteration_bounds = array<i64: 2, 16>, scalar_prefetch = 0 : i64, scratch_operands = 2 : i64, tpu.core_type = #tpu.core_type<sc_vector_subcore>, window_params = [{transform_indices = #map}, {transform_indices = #map1}]} {
    %mul3A = arith.constant 16 : i32
    %mul3A_0 = arith.muli %arg0, %mul3A : i32
    %add3A = arith.addi %mul3A_0, %arg1 : i32
    %mul3A_1 = arith.constant 10000 : i32
    %mul3A_2 = arith.muli %add3A, %mul3A_1 : i32
    "tpu.region"() ({
      %run_scoped3A = tpu.sem_alloc : memref<!tpu.dma_semaphore, #tpu.memory_space<semaphore_mem>>
      %dma_start3A = tpu.memref_slice %arg2[%mul3A_2] : memref<320000xi32, #tpu.memory_space<hbm>> -> memref<10000xi32, #tpu.memory_space<hbm>>
      %dma_start3A_31 = tpu.memref_slice %arg2[%mul3A_2] : memref<320000xi32, #tpu.memory_space<hbm>> -> memref<10000xi32, #tpu.memory_space<hbm>>
      tpu.enqueue_dma source(%dma_start3A_31 : memref<10000xi32, #tpu.memory_space<hbm>>) target(%arg4 : memref<10000xi32, #tpu.memory_space<vmem>>) target_semaphore(%run_scoped3A : memref<!tpu.dma_semaphore, #tpu.memory_space<semaphore_mem>>)
      %dma_wait3A = tpu.memref_slice %arg2[%mul3A_2] : memref<320000xi32, #tpu.memory_space<hbm>> -> memref<10000xi32, #tpu.memory_space<hbm>>
      %dma_wait3A_32 = tpu.memref_slice %arg2[%mul3A_2] : memref<320000xi32, #tpu.memory_space<hbm>> -> memref<10000xi32, #tpu.memory_space<hbm>>
      tpu.wait_dma2 semaphore(%run_scoped3A : memref<!tpu.dma_semaphore, #tpu.memory_space<semaphore_mem>>) src(%dma_wait3A_32 : memref<10000xi32, #tpu.memory_space<hbm>>) dst(%arg4 : memref<10000xi32, #tpu.memory_space<vmem>>)
      tpu.yield
    }) : () -> ()
    %broadcast_in_dim3A = arith.constant 0.000000e+00 : f32
    %broadcast_in_dim3A_3 = vector.broadcast %broadcast_in_dim3A : f32 to vector<16xf32>
    %scan3A = arith.constant 0 : i32
    %scan3A_4 = arith.constant 0 : i32
    %scan3A_5 = arith.constant 624 : i32
    %scan3A_6 = arith.addi %scan3A_4, %scan3A_5 : i32
    %scan3A_7 = arith.constant 8 : i32
    %scan3A_8 = scf.for %scan3A_31 = %scan3A_4 to %scan3A_6 step %scan3A_7 iter_args(%scan3A_32 = %scan3A) -> (i32)  : i32 {
      %mul3A_33 = arith.constant 16 : i32
      %mul3A_34 = arith.muli %scan3A_31, %mul3A_33 : i32
      %swap3A_35 = arith.index_cast %mul3A_34 : i32 to index
      %swap3A_36 = tpu.vector_load %arg5[%swap3A_35] {strides = array<i32>} : memref<10000xf32, #tpu.memory_space<vmem>>, vector<16xf32>,
      tpu.vector_store %arg5[%swap3A_35], %broadcast_in_dim3A_3 {strides = array<i32>} : memref<10000xf32, #tpu.memory_space<vmem>>, vector<16xf32>,
      %scan3A_37 = arith.constant 0 : i32
      %scan3A_38 = arith.constant 1 : i32
      %scan3A_39 = arith.addi %scan3A_31, %scan3A_38 : i32
      %mul3A_40 = arith.constant 16 : i32
      %mul3A_41 = arith.muli %scan3A_39, %mul3A_40 : i32
      %swap3A_42 = arith.index_cast %mul3A_41 : i32 to index
      %swap3A_43 = tpu.vector_load %arg5[%swap3A_42] {strides = array<i32>} : memref<10000xf32, #tpu.memory_space<vmem>>, vector<16xf32>,
      tpu.vector_store %arg5[%swap3A_42], %broadcast_in_dim3A_3 {strides = array<i32>} : memref<10000xf32, #tpu.memory_space<vmem>>, vector<16xf32>,
      %scan3A_44 = arith.constant 0 : i32
      %scan3A_45 = arith.constant 2 : i32
      %scan3A_46 = arith.addi %scan3A_31, %scan3A_45 : i32
      %mul3A_47 = arith.constant 16 : i32
      %mul3A_48 = arith.muli %scan3A_46, %mul3A_47 : i32
      %swap3A_49 = arith.index_cast %mul3A_48 : i32 to index
      %swap3A_50 = tpu.vector_load %arg5[%swap3A_49] {strides = array<i32>} : memref<10000xf32, #tpu.memory_space<vmem>>, vector<16xf32>,
      tpu.vector_store %arg5[%swap3A_49], %broadcast_in_dim3A_3 {strides = array<i32>} : memref<10000xf32, #tpu.memory_space<vmem>>, vector<16xf32>,
      %scan3A_51 = arith.constant 0 : i32
      %scan3A_52 = arith.constant 3 : i32
      %scan3A_53 = arith.addi %scan3A_31, %scan3A_52 : i32
      %mul3A_54 = arith.constant 16 : i32
      %mul3A_55 = arith.muli %scan3A_53, %mul3A_54 : i32
      %swap3A_56 = arith.index_cast %mul3A_55 : i32 to index
      %swap3A_57 = tpu.vector_load %arg5[%swap3A_56] {strides = array<i32>} : memref<10000xf32, #tpu.memory_space<vmem>>, vector<16xf32>,
      tpu.vector_store %arg5[%swap3A_56], %broadcast_in_dim3A_3 {strides = array<i32>} : memref<10000xf32, #tpu.memory_space<vmem>>, vector<16xf32>,
      %scan3A_58 = arith.constant 0 : i32
      %scan3A_59 = arith.constant 4 : i32
      %scan3A_60 = arith.addi %scan3A_31, %scan3A_59 : i32
      %mul3A_61 = arith.constant 16 : i32
      %mul3A_62 = arith.muli %scan3A_60, %mul3A_61 : i32
      %swap3A_63 = arith.index_cast %mul3A_62 : i32 to index
      %swap3A_64 = tpu.vector_load %arg5[%swap3A_63] {strides = array<i32>} : memref<10000xf32, #tpu.memory_space<vmem>>, vector<16xf32>,
      tpu.vector_store %arg5[%swap3A_63], %broadcast_in_dim3A_3 {strides = array<i32>} : memref<10000xf32, #tpu.memory_space<vmem>>, vector<16xf32>,
      %scan3A_65 = arith.constant 0 : i32
      %scan3A_66 = arith.constant 5 : i32
      %scan3A_67 = arith.addi %scan3A_31, %scan3A_66 : i32
      %mul3A_68 = arith.constant 16 : i32
      %mul3A_69 = arith.muli %scan3A_67, %mul3A_68 : i32
      %swap3A_70 = arith.index_cast %mul3A_69 : i32 to index
      %swap3A_71 = tpu.vector_load %arg5[%swap3A_70] {strides = array<i32>} : memref<10000xf32, #tpu.memory_space<vmem>>, vector<16xf32>,
      tpu.vector_store %arg5[%swap3A_70], %broadcast_in_dim3A_3 {strides = array<i32>} : memref<10000xf32, #tpu.memory_space<vmem>>, vector<16xf32>,
      %scan3A_72 = arith.constant 0 : i32
      %scan3A_73 = arith.constant 6 : i32
      %scan3A_74 = arith.addi %scan3A_31, %scan3A_73 : i32
      %mul3A_75 = arith.constant 16 : i32
      %mul3A_76 = arith.muli %scan3A_74, %mul3A_75 : i32
      %swap3A_77 = arith.index_cast %mul3A_76 : i32 to index
      %swap3A_78 = tpu.vector_load %arg5[%swap3A_77] {strides = array<i32>} : memref<10000xf32, #tpu.memory_space<vmem>>, vector<16xf32>,
      tpu.vector_store %arg5[%swap3A_77], %broadcast_in_dim3A_3 {strides = array<i32>} : memref<10000xf32, #tpu.memory_space<vmem>>, vector<16xf32>,
      %scan3A_79 = arith.constant 0 : i32
      %scan3A_80 = arith.constant 7 : i32
      %scan3A_81 = arith.addi %scan3A_31, %scan3A_80 : i32
      %mul3A_82 = arith.constant 16 : i32
      %mul3A_83 = arith.muli %scan3A_81, %mul3A_82 : i32
      %swap3A_84 = arith.index_cast %mul3A_83 : i32 to index
      %swap3A_85 = tpu.vector_load %arg5[%swap3A_84] {strides = array<i32>} : memref<10000xf32, #tpu.memory_space<vmem>>, vector<16xf32>,
      tpu.vector_store %arg5[%swap3A_84], %broadcast_in_dim3A_3 {strides = array<i32>} : memref<10000xf32, #tpu.memory_space<vmem>>, vector<16xf32>,
      %scan3A_86 = arith.constant 0 : i32
      scf.yield %scan3A_86 : i32
    }
    %scan3A_9 = arith.constant 624 : i32
    %scan3A_10 = arith.addi %scan3A_4, %scan3A_9 : i32
    %mul3A_11 = arith.constant 16 : i32
    %mul3A_12 = arith.muli %scan3A_10, %mul3A_11 : i32
    %swap3A = arith.index_cast %mul3A_12 : i32 to index
    %swap3A_13 = tpu.vector_load %arg5[%swap3A] {strides = array<i32>} : memref<10000xf32, #tpu.memory_space<vmem>>, vector<16xf32>,
    tpu.vector_store %arg5[%swap3A], %broadcast_in_dim3A_3 {strides = array<i32>} : memref<10000xf32, #tpu.memory_space<vmem>>, vector<16xf32>,
    %scan3A_14 = arith.constant 0 : i32
    %scan3A_15 = arith.constant 625 : i32
    %broadcast_in_dim3A_16 = arith.constant 1.000000e+00 : f32
    %broadcast_in_dim3A_17 = vector.broadcast %broadcast_in_dim3A_16 : f32 to vector<16xf32>
    %scan3A_18 = arith.constant 0 : i32
    %scan3A_19 = arith.constant 0 : i32
    %scan3A_20 = arith.constant 624 : i32
    %scan3A_21 = arith.addi %scan3A_19, %scan3A_20 : i32
    %scan3A_22 = arith.constant 8 : i32
    %scan3A_23 = scf.for %scan3A_31 = %scan3A_19 to %scan3A_21 step %scan3A_22 iter_args(%scan3A_32 = %scan3A_18) -> (i32)  : i32 {
      %mul3A_33 = arith.constant 16 : i32
      %mul3A_34 = arith.muli %scan3A_31, %mul3A_33 : i32
      %get3A_35 = arith.index_cast %mul3A_34 : i32 to index
      %get3A_36 = tpu.vector_load %arg4[%get3A_35] {strides = array<i32>} : memref<10000xi32, #tpu.memory_space<vmem>>, vector<16xi32>,
      tpu.vector_store_idx %arg5[%get3A_36], %broadcast_in_dim3A_17 {add = true} : memref<10000xf32, #tpu.memory_space<vmem>>[vector<16xi32>], vector<16xf32>,
      %scan3A_37 = arith.constant 0 : i32
      %scan3A_38 = arith.constant 1 : i32
      %scan3A_39 = arith.addi %scan3A_31, %scan3A_38 : i32
      %mul3A_40 = arith.constant 16 : i32
      %mul3A_41 = arith.muli %scan3A_39, %mul3A_40 : i32
      %get3A_42 = arith.index_cast %mul3A_41 : i32 to index
      %get3A_43 = tpu.vector_load %arg4[%get3A_42] {strides = array<i32>} : memref<10000xi32, #tpu.memory_space<vmem>>, vector<16xi32>,
      tpu.vector_store_idx %arg5[%get3A_43], %broadcast_in_dim3A_17 {add = true} : memref<10000xf32, #tpu.memory_space<vmem>>[vector<16xi32>], vector<16xf32>,
      %scan3A_44 = arith.constant 0 : i32
      %scan3A_45 = arith.constant 2 : i32
      %scan3A_46 = arith.addi %scan3A_31, %scan3A_45 : i32
      %mul3A_47 = arith.constant 16 : i32
      %mul3A_48 = arith.muli %scan3A_46, %mul3A_47 : i32
      %get3A_49 = arith.index_cast %mul3A_48 : i32 to index
      %get3A_50 = tpu.vector_load %arg4[%get3A_49] {strides = array<i32>} : memref<10000xi32, #tpu.memory_space<vmem>>, vector<16xi32>,
      tpu.vector_store_idx %arg5[%get3A_50], %broadcast_in_dim3A_17 {add = true} : memref<10000xf32, #tpu.memory_space<vmem>>[vector<16xi32>], vector<16xf32>,
      %scan3A_51 = arith.constant 0 : i32
      %scan3A_52 = arith.constant 3 : i32
      %scan3A_53 = arith.addi %scan3A_31, %scan3A_52 : i32
      %mul3A_54 = arith.constant 16 : i32
      %mul3A_55 = arith.muli %scan3A_53, %mul3A_54 : i32
      %get3A_56 = arith.index_cast %mul3A_55 : i32 to index
      %get3A_57 = tpu.vector_load %arg4[%get3A_56] {strides = array<i32>} : memref<10000xi32, #tpu.memory_space<vmem>>, vector<16xi32>,
      tpu.vector_store_idx %arg5[%get3A_57], %broadcast_in_dim3A_17 {add = true} : memref<10000xf32, #tpu.memory_space<vmem>>[vector<16xi32>], vector<16xf32>,
      %scan3A_58 = arith.constant 0 : i32
      %scan3A_59 = arith.constant 4 : i32
      %scan3A_60 = arith.addi %scan3A_31, %scan3A_59 : i32
      %mul3A_61 = arith.constant 16 : i32
      %mul3A_62 = arith.muli %scan3A_60, %mul3A_61 : i32
      %get3A_63 = arith.index_cast %mul3A_62 : i32 to index
      %get3A_64 = tpu.vector_load %arg4[%get3A_63] {strides = array<i32>} : memref<10000xi32, #tpu.memory_space<vmem>>, vector<16xi32>,
      tpu.vector_store_idx %arg5[%get3A_64], %broadcast_in_dim3A_17 {add = true} : memref<10000xf32, #tpu.memory_space<vmem>>[vector<16xi32>], vector<16xf32>,
      %scan3A_65 = arith.constant 0 : i32
      %scan3A_66 = arith.constant 5 : i32
      %scan3A_67 = arith.addi %scan3A_31, %scan3A_66 : i32
      %mul3A_68 = arith.constant 16 : i32
      %mul3A_69 = arith.muli %scan3A_67, %mul3A_68 : i32
      %get3A_70 = arith.index_cast %mul3A_69 : i32 to index
      %get3A_71 = tpu.vector_load %arg4[%get3A_70] {strides = array<i32>} : memref<10000xi32, #tpu.memory_space<vmem>>, vector<16xi32>,
      tpu.vector_store_idx %arg5[%get3A_71], %broadcast_in_dim3A_17 {add = true} : memref<10000xf32, #tpu.memory_space<vmem>>[vector<16xi32>], vector<16xf32>,
      %scan3A_72 = arith.constant 0 : i32
      %scan3A_73 = arith.constant 6 : i32
      %scan3A_74 = arith.addi %scan3A_31, %scan3A_73 : i32
      %mul3A_75 = arith.constant 16 : i32
      %mul3A_76 = arith.muli %scan3A_74, %mul3A_75 : i32
      %get3A_77 = arith.index_cast %mul3A_76 : i32 to index
      %get3A_78 = tpu.vector_load %arg4[%get3A_77] {strides = array<i32>} : memref<10000xi32, #tpu.memory_space<vmem>>, vector<16xi32>,
      tpu.vector_store_idx %arg5[%get3A_78], %broadcast_in_dim3A_17 {add = true} : memref<10000xf32, #tpu.memory_space<vmem>>[vector<16xi32>], vector<16xf32>,
      %scan3A_79 = arith.constant 0 : i32
      %scan3A_80 = arith.constant 7 : i32
      %scan3A_81 = arith.addi %scan3A_31, %scan3A_80 : i32
      %mul3A_82 = arith.constant 16 : i32
      %mul3A_83 = arith.muli %scan3A_81, %mul3A_82 : i32
      %get3A_84 = arith.index_cast %mul3A_83 : i32 to index
      %get3A_85 = tpu.vector_load %arg4[%get3A_84] {strides = array<i32>} : memref<10000xi32, #tpu.memory_space<vmem>>, vector<16xi32>,
      tpu.vector_store_idx %arg5[%get3A_85], %broadcast_in_dim3A_17 {add = true} : memref<10000xf32, #tpu.memory_space<vmem>>[vector<16xi32>], vector<16xf32>,
      %scan3A_86 = arith.constant 0 : i32
      scf.yield %scan3A_86 : i32
    }
    %scan3A_24 = arith.constant 624 : i32
    %scan3A_25 = arith.addi %scan3A_19, %scan3A_24 : i32
    %mul3A_26 = arith.constant 16 : i32
    %mul3A_27 = arith.muli %scan3A_25, %mul3A_26 : i32
    %get3A = arith.index_cast %mul3A_27 : i32 to index
    %get3A_28 = tpu.vector_load %arg4[%get3A] {strides = array<i32>} : memref<10000xi32, #tpu.memory_space<vmem>>, vector<16xi32>,
    tpu.vector_store_idx %arg5[%get3A_28], %broadcast_in_dim3A_17 {add = true} : memref<10000xf32, #tpu.memory_space<vmem>>[vector<16xi32>], vector<16xf32>,
    %scan3A_29 = arith.constant 0 : i32
    %scan3A_30 = arith.constant 625 : i32
    "tpu.region"() ({
      %run_scoped3A = tpu.sem_alloc : memref<!tpu.dma_semaphore, #tpu.memory_space<semaphore_mem>>
      %dma_start3A = arith.constant 0 : i32
      %dma_start3A_31 = tpu.memref_slice %arg3[%add3A, %dma_start3A] : memref<32x10000xf32, #tpu.memory_space<hbm>> -> memref<1x10000xf32, #tpu.memory_space<hbm>>
      %dma_start3A_32 = tpu.memref_squeeze %dma_start3A_31 : memref<1x10000xf32, #tpu.memory_space<hbm>> -> memref<10000xf32, #tpu.memory_space<hbm>>
      %dma_start3A_33 = arith.constant 0 : i32
      %dma_start3A_34 = tpu.memref_slice %arg3[%add3A, %dma_start3A_33] : memref<32x10000xf32, #tpu.memory_space<hbm>> -> memref<1x10000xf32, #tpu.memory_space<hbm>>
      %dma_start3A_35 = tpu.memref_squeeze %dma_start3A_34 : memref<1x10000xf32, #tpu.memory_space<hbm>> -> memref<10000xf32, #tpu.memory_space<hbm>>
      tpu.enqueue_dma source(%arg5 : memref<10000xf32, #tpu.memory_space<vmem>>) target(%dma_start3A_35 : memref<10000xf32, #tpu.memory_space<hbm>>) target_semaphore(%run_scoped3A : memref<!tpu.dma_semaphore, #tpu.memory_space<semaphore_mem>>)
      %dma_wait3A = arith.constant 0 : i32
      %dma_wait3A_36 = tpu.memref_slice %arg3[%add3A, %dma_wait3A] : memref<32x10000xf32, #tpu.memory_space<hbm>> -> memref<1x10000xf32, #tpu.memory_space<hbm>>
      %dma_wait3A_37 = tpu.memref_squeeze %dma_wait3A_36 : memref<1x10000xf32, #tpu.memory_space<hbm>> -> memref<10000xf32, #tpu.memory_space<hbm>>
      %dma_wait3A_38 = arith.constant 0 : i32
      %dma_wait3A_39 = tpu.memref_slice %arg3[%add3A, %dma_wait3A_38] : memref<32x10000xf32, #tpu.memory_space<hbm>> -> memref<1x10000xf32, #tpu.memory_space<hbm>>
      %dma_wait3A_40 = tpu.memref_squeeze %dma_wait3A_39 : memref<1x10000xf32, #tpu.memory_space<hbm>> -> memref<10000xf32, #tpu.memory_space<hbm>>
      tpu.wait_dma2 semaphore(%run_scoped3A : memref<!tpu.dma_semaphore, #tpu.memory_space<semaphore_mem>>) src(%arg5 : memref<10000xf32, #tpu.memory_space<vmem>>) dst(%dma_wait3A_40 : memref<10000xf32, #tpu.memory_space<hbm>>)
      tpu.yield
    }) : () -> ()
    return
  }
}

#map = affine_map<(d0, d1) -> (0, 0)>
#map1 = affine_map<(d0, d1) -> (0, 0, 0, 0)>
#map2 = affine_map<(d0, d1) -> (0, 0, 0)>
module attributes {stable_mosaic.version = 14 : i64} {
  func.func @_scatter_kernel(%arg0: i32, %arg1: i32, %arg2: memref<10000x128xf32, #tpu.memory_space<hbm>>, %arg3: memref<32x5x20x100xi32, #tpu.memory_space<hbm>>, %arg4: memref<32x5x20x100xi32, #tpu.memory_space<hbm>>, %arg5: memref<80x128xf32, #tpu.memory_space<hbm>>, %arg6: memref<2x10240x128xf32, #tpu.memory_space<hbm>>, %arg7: memref<20x100xi32, #tpu.memory_space<vmem>>, %arg8: memref<20x100xi32, #tpu.memory_space<vmem>>, %arg9: memref<3x100x128xf32, #tpu.memory_space<vmem>>, %arg10: memref<10240x128xf32, #tpu.memory_space<vmem_shared>>, %arg11: memref<3x!tpu.dma_semaphore, #tpu.memory_space<semaphore_mem>>, %arg12: memref<3x!tpu.dma_semaphore, #tpu.memory_space<semaphore_mem>>) attributes {dimension_semantics = [#tpu.dimension_semantics<core_parallel>, #tpu.dimension_semantics<subcore_parallel>], iteration_bounds = array<i64: 2, 16>, scalar_prefetch = 0 : i64, scratch_operands = 6 : i64, tpu.core_type = #tpu.core_type<sc_vector_subcore>, window_params = [{transform_indices = #map}, {transform_indices = #map1}, {transform_indices = #map1}, {transform_indices = #map}, {transform_indices = #map2}]} {
    %mul3A = arith.constant 16 : i32
    %mul3A_0 = arith.muli %arg0, %mul3A : i32
    %add3A = arith.addi %mul3A_0, %arg1 : i32
    %run_scoped3A = arith.constant 0 : i32
    "tpu.region"() ({
      %run_scoped3A_128 = tpu.sem_alloc : memref<!tpu.dma_semaphore, #tpu.memory_space<semaphore_mem>>
      %dma_start3A = arith.constant 0 : i32
      %dma_start3A_129 = arith.constant 0 : i32
      %dma_start3A_130 = tpu.memref_slice %arg9[%run_scoped3A, %dma_start3A, %dma_start3A_129] : memref<3x100x128xf32, #tpu.memory_space<vmem>> -> memref<1x80x128xf32, #tpu.memory_space<vmem>>
      %dma_start3A_131 = tpu.memref_squeeze %dma_start3A_130 : memref<1x80x128xf32, #tpu.memory_space<vmem>> -> memref<80x128xf32, #tpu.memory_space<vmem>>
      %dma_start3A_132 = arith.constant 0 : i32
      %dma_start3A_133 = arith.constant 0 : i32
      %dma_start3A_134 = tpu.memref_slice %arg9[%run_scoped3A, %dma_start3A_132, %dma_start3A_133] : memref<3x100x128xf32, #tpu.memory_space<vmem>> -> memref<1x80x128xf32, #tpu.memory_space<vmem>>
      %dma_start3A_135 = tpu.memref_squeeze %dma_start3A_134 : memref<1x80x128xf32, #tpu.memory_space<vmem>> -> memref<80x128xf32, #tpu.memory_space<vmem>>
      tpu.enqueue_dma source(%arg5 : memref<80x128xf32, #tpu.memory_space<hbm>>) target(%dma_start3A_135 : memref<80x128xf32, #tpu.memory_space<vmem>>) target_semaphore(%run_scoped3A_128 : memref<!tpu.dma_semaphore, #tpu.memory_space<semaphore_mem>>)
      %dma_wait3A = arith.constant 0 : i32
      %dma_wait3A_136 = arith.constant 0 : i32
      %dma_wait3A_137 = tpu.memref_slice %arg9[%run_scoped3A, %dma_wait3A, %dma_wait3A_136] : memref<3x100x128xf32, #tpu.memory_space<vmem>> -> memref<1x80x128xf32, #tpu.memory_space<vmem>>
      %dma_wait3A_138 = tpu.memref_squeeze %dma_wait3A_137 : memref<1x80x128xf32, #tpu.memory_space<vmem>> -> memref<80x128xf32, #tpu.memory_space<vmem>>
      %dma_wait3A_139 = arith.constant 0 : i32
      %dma_wait3A_140 = arith.constant 0 : i32
      %dma_wait3A_141 = tpu.memref_slice %arg9[%run_scoped3A, %dma_wait3A_139, %dma_wait3A_140] : memref<3x100x128xf32, #tpu.memory_space<vmem>> -> memref<1x80x128xf32, #tpu.memory_space<vmem>>
      %dma_wait3A_142 = tpu.memref_squeeze %dma_wait3A_141 : memref<1x80x128xf32, #tpu.memory_space<vmem>> -> memref<80x128xf32, #tpu.memory_space<vmem>>
      tpu.wait_dma2 semaphore(%run_scoped3A_128 : memref<!tpu.dma_semaphore, #tpu.memory_space<semaphore_mem>>) src(%arg5 : memref<80x128xf32, #tpu.memory_space<hbm>>) dst(%dma_wait3A_142 : memref<80x128xf32, #tpu.memory_space<vmem>>)
      tpu.yield
    }) : () -> ()
    %mul3A_1 = arith.constant 640 : i32
    %mul3A_2 = arith.muli %arg1, %mul3A_1 : i32
    %add3A_3 = arith.constant 0 : i32
    %add3A_4 = arith.addi %mul3A_2, %add3A_3 : i32
    %run_scoped3A_5 = arith.constant 0 : i32
    "tpu.region"() ({
      %run_scoped3A_128 = tpu.sem_alloc : memref<!tpu.dma_semaphore, #tpu.memory_space<semaphore_mem>>
      %dma_start3A = arith.constant 0 : i32
      %dma_start3A_129 = arith.constant 0 : i32
      %dma_start3A_130 = tpu.memref_slice %arg9[%run_scoped3A_5, %dma_start3A, %dma_start3A_129] : memref<3x100x128xf32, #tpu.memory_space<vmem>> -> memref<1x80x128xf32, #tpu.memory_space<vmem>>
      %dma_start3A_131 = tpu.memref_squeeze %dma_start3A_130 : memref<1x80x128xf32, #tpu.memory_space<vmem>> -> memref<80x128xf32, #tpu.memory_space<vmem>>
      %dma_start3A_132 = arith.constant 0 : i32
      %dma_start3A_133 = tpu.memref_slice %arg10[%add3A_4, %dma_start3A_132] : memref<10240x128xf32, #tpu.memory_space<vmem_shared>> -> memref<80x128xf32, #tpu.memory_space<vmem_shared>>
      %dma_start3A_134 = arith.constant 0 : i32
      %dma_start3A_135 = tpu.memref_slice %arg10[%add3A_4, %dma_start3A_134] : memref<10240x128xf32, #tpu.memory_space<vmem_shared>> -> memref<80x128xf32, #tpu.memory_space<vmem_shared>>
      %dma_start3A_136 = arith.constant 0 : i32
      %dma_start3A_137 = arith.constant 0 : i32
      %dma_start3A_138 = tpu.memref_slice %arg9[%run_scoped3A_5, %dma_start3A_136, %dma_start3A_137] : memref<3x100x128xf32, #tpu.memory_space<vmem>> -> memref<1x80x128xf32, #tpu.memory_space<vmem>>
      %dma_start3A_139 = tpu.memref_squeeze %dma_start3A_138 : memref<1x80x128xf32, #tpu.memory_space<vmem>> -> memref<80x128xf32, #tpu.memory_space<vmem>>
      tpu.enqueue_dma source(%dma_start3A_139 : memref<80x128xf32, #tpu.memory_space<vmem>>) target(%dma_start3A_135 : memref<80x128xf32, #tpu.memory_space<vmem_shared>>) target_semaphore(%run_scoped3A_128 : memref<!tpu.dma_semaphore, #tpu.memory_space<semaphore_mem>>)
      %dma_wait3A = arith.constant 0 : i32
      %dma_wait3A_140 = arith.constant 0 : i32
      %dma_wait3A_141 = tpu.memref_slice %arg9[%run_scoped3A_5, %dma_wait3A, %dma_wait3A_140] : memref<3x100x128xf32, #tpu.memory_space<vmem>> -> memref<1x80x128xf32, #tpu.memory_space<vmem>>
      %dma_wait3A_142 = tpu.memref_squeeze %dma_wait3A_141 : memref<1x80x128xf32, #tpu.memory_space<vmem>> -> memref<80x128xf32, #tpu.memory_space<vmem>>
      %dma_wait3A_143 = arith.constant 0 : i32
      %dma_wait3A_144 = tpu.memref_slice %arg10[%add3A_4, %dma_wait3A_143] : memref<10240x128xf32, #tpu.memory_space<vmem_shared>> -> memref<80x128xf32, #tpu.memory_space<vmem_shared>>
      %dma_wait3A_145 = arith.constant 0 : i32
      %dma_wait3A_146 = tpu.memref_slice %arg10[%add3A_4, %dma_wait3A_145] : memref<10240x128xf32, #tpu.memory_space<vmem_shared>> -> memref<80x128xf32, #tpu.memory_space<vmem_shared>>
      %dma_wait3A_147 = arith.constant 0 : i32
      %dma_wait3A_148 = arith.constant 0 : i32
      %dma_wait3A_149 = tpu.memref_slice %arg9[%run_scoped3A_5, %dma_wait3A_147, %dma_wait3A_148] : memref<3x100x128xf32, #tpu.memory_space<vmem>> -> memref<1x80x128xf32, #tpu.memory_space<vmem>>
      %dma_wait3A_150 = tpu.memref_squeeze %dma_wait3A_149 : memref<1x80x128xf32, #tpu.memory_space<vmem>> -> memref<80x128xf32, #tpu.memory_space<vmem>>
      tpu.wait_dma2 semaphore(%run_scoped3A_128 : memref<!tpu.dma_semaphore, #tpu.memory_space<semaphore_mem>>) src(%dma_wait3A_150 : memref<80x128xf32, #tpu.memory_space<vmem>>) dst(%dma_wait3A_146 : memref<80x128xf32, #tpu.memory_space<vmem_shared>>)
      tpu.yield
    }) : () -> ()
    %mul3A_6 = arith.constant 640 : i32
    %mul3A_7 = arith.muli %arg1, %mul3A_6 : i32
    %add3A_8 = arith.constant 80 : i32
    %add3A_9 = arith.addi %mul3A_7, %add3A_8 : i32
    %run_scoped3A_10 = arith.constant 0 : i32
    "tpu.region"() ({
      %run_scoped3A_128 = tpu.sem_alloc : memref<!tpu.dma_semaphore, #tpu.memory_space<semaphore_mem>>
      %dma_start3A = arith.constant 0 : i32
      %dma_start3A_129 = arith.constant 0 : i32
      %dma_start3A_130 = tpu.memref_slice %arg9[%run_scoped3A_10, %dma_start3A, %dma_start3A_129] : memref<3x100x128xf32, #tpu.memory_space<vmem>> -> memref<1x80x128xf32, #tpu.memory_space<vmem>>
      %dma_start3A_131 = tpu.memref_squeeze %dma_start3A_130 : memref<1x80x128xf32, #tpu.memory_space<vmem>> -> memref<80x128xf32, #tpu.memory_space<vmem>>
      %dma_start3A_132 = arith.constant 0 : i32
      %dma_start3A_133 = tpu.memref_slice %arg10[%add3A_9, %dma_start3A_132] : memref<10240x128xf32, #tpu.memory_space<vmem_shared>> -> memref<80x128xf32, #tpu.memory_space<vmem_shared>>
      %dma_start3A_134 = arith.constant 0 : i32
      %dma_start3A_135 = tpu.memref_slice %arg10[%add3A_9, %dma_start3A_134] : memref<10240x128xf32, #tpu.memory_space<vmem_shared>> -> memref<80x128xf32, #tpu.memory_space<vmem_shared>>
      %dma_start3A_136 = arith.constant 0 : i32
      %dma_start3A_137 = arith.constant 0 : i32
      %dma_start3A_138 = tpu.memref_slice %arg9[%run_scoped3A_10, %dma_start3A_136, %dma_start3A_137] : memref<3x100x128xf32, #tpu.memory_space<vmem>> -> memref<1x80x128xf32, #tpu.memory_space<vmem>>
      %dma_start3A_139 = tpu.memref_squeeze %dma_start3A_138 : memref<1x80x128xf32, #tpu.memory_space<vmem>> -> memref<80x128xf32, #tpu.memory_space<vmem>>
      tpu.enqueue_dma source(%dma_start3A_139 : memref<80x128xf32, #tpu.memory_space<vmem>>) target(%dma_start3A_135 : memref<80x128xf32, #tpu.memory_space<vmem_shared>>) target_semaphore(%run_scoped3A_128 : memref<!tpu.dma_semaphore, #tpu.memory_space<semaphore_mem>>)
      %dma_wait3A = arith.constant 0 : i32
      %dma_wait3A_140 = arith.constant 0 : i32
      %dma_wait3A_141 = tpu.memref_slice %arg9[%run_scoped3A_10, %dma_wait3A, %dma_wait3A_140] : memref<3x100x128xf32, #tpu.memory_space<vmem>> -> memref<1x80x128xf32, #tpu.memory_space<vmem>>
      %dma_wait3A_142 = tpu.memref_squeeze %dma_wait3A_141 : memref<1x80x128xf32, #tpu.memory_space<vmem>> -> memref<80x128xf32, #tpu.memory_space<vmem>>
      %dma_wait3A_143 = arith.constant 0 : i32
      %dma_wait3A_144 = tpu.memref_slice %arg10[%add3A_9, %dma_wait3A_143] : memref<10240x128xf32, #tpu.memory_space<vmem_shared>> -> memref<80x128xf32, #tpu.memory_space<vmem_shared>>
      %dma_wait3A_145 = arith.constant 0 : i32
      %dma_wait3A_146 = tpu.memref_slice %arg10[%add3A_9, %dma_wait3A_145] : memref<10240x128xf32, #tpu.memory_space<vmem_shared>> -> memref<80x128xf32, #tpu.memory_space<vmem_shared>>
      %dma_wait3A_147 = arith.constant 0 : i32
      %dma_wait3A_148 = arith.constant 0 : i32
      %dma_wait3A_149 = tpu.memref_slice %arg9[%run_scoped3A_10, %dma_wait3A_147, %dma_wait3A_148] : memref<3x100x128xf32, #tpu.memory_space<vmem>> -> memref<1x80x128xf32, #tpu.memory_space<vmem>>
      %dma_wait3A_150 = tpu.memref_squeeze %dma_wait3A_149 : memref<1x80x128xf32, #tpu.memory_space<vmem>> -> memref<80x128xf32, #tpu.memory_space<vmem>>
      tpu.wait_dma2 semaphore(%run_scoped3A_128 : memref<!tpu.dma_semaphore, #tpu.memory_space<semaphore_mem>>) src(%dma_wait3A_150 : memref<80x128xf32, #tpu.memory_space<vmem>>) dst(%dma_wait3A_146 : memref<80x128xf32, #tpu.memory_space<vmem_shared>>)
      tpu.yield
    }) : () -> ()
    %mul3A_11 = arith.constant 640 : i32
    %mul3A_12 = arith.muli %arg1, %mul3A_11 : i32
    %add3A_13 = arith.constant 160 : i32
    %add3A_14 = arith.addi %mul3A_12, %add3A_13 : i32
    %run_scoped3A_15 = arith.constant 0 : i32
    "tpu.region"() ({
      %run_scoped3A_128 = tpu.sem_alloc : memref<!tpu.dma_semaphore, #tpu.memory_space<semaphore_mem>>
      %dma_start3A = arith.constant 0 : i32
      %dma_start3A_129 = arith.constant 0 : i32
      %dma_start3A_130 = tpu.memref_slice %arg9[%run_scoped3A_15, %dma_start3A, %dma_start3A_129] : memref<3x100x128xf32, #tpu.memory_space<vmem>> -> memref<1x80x128xf32, #tpu.memory_space<vmem>>
      %dma_start3A_131 = tpu.memref_squeeze %dma_start3A_130 : memref<1x80x128xf32, #tpu.memory_space<vmem>> -> memref<80x128xf32, #tpu.memory_space<vmem>>
      %dma_start3A_132 = arith.constant 0 : i32
      %dma_start3A_133 = tpu.memref_slice %arg10[%add3A_14, %dma_start3A_132] : memref<10240x128xf32, #tpu.memory_space<vmem_shared>> -> memref<80x128xf32, #tpu.memory_space<vmem_shared>>
      %dma_start3A_134 = arith.constant 0 : i32
      %dma_start3A_135 = tpu.memref_slice %arg10[%add3A_14, %dma_start3A_134] : memref<10240x128xf32, #tpu.memory_space<vmem_shared>> -> memref<80x128xf32, #tpu.memory_space<vmem_shared>>
      %dma_start3A_136 = arith.constant 0 : i32
      %dma_start3A_137 = arith.constant 0 : i32
      %dma_start3A_138 = tpu.memref_slice %arg9[%run_scoped3A_15, %dma_start3A_136, %dma_start3A_137] : memref<3x100x128xf32, #tpu.memory_space<vmem>> -> memref<1x80x128xf32, #tpu.memory_space<vmem>>
      %dma_start3A_139 = tpu.memref_squeeze %dma_start3A_138 : memref<1x80x128xf32, #tpu.memory_space<vmem>> -> memref<80x128xf32, #tpu.memory_space<vmem>>
      tpu.enqueue_dma source(%dma_start3A_139 : memref<80x128xf32, #tpu.memory_space<vmem>>) target(%dma_start3A_135 : memref<80x128xf32, #tpu.memory_space<vmem_shared>>) target_semaphore(%run_scoped3A_128 : memref<!tpu.dma_semaphore, #tpu.memory_space<semaphore_mem>>)
      %dma_wait3A = arith.constant 0 : i32
      %dma_wait3A_140 = arith.constant 0 : i32
      %dma_wait3A_141 = tpu.memref_slice %arg9[%run_scoped3A_15, %dma_wait3A, %dma_wait3A_140] : memref<3x100x128xf32, #tpu.memory_space<vmem>> -> memref<1x80x128xf32, #tpu.memory_space<vmem>>
      %dma_wait3A_142 = tpu.memref_squeeze %dma_wait3A_141 : memref<1x80x128xf32, #tpu.memory_space<vmem>> -> memref<80x128xf32, #tpu.memory_space<vmem>>
      %dma_wait3A_143 = arith.constant 0 : i32
      %dma_wait3A_144 = tpu.memref_slice %arg10[%add3A_14, %dma_wait3A_143] : memref<10240x128xf32, #tpu.memory_space<vmem_shared>> -> memref<80x128xf32, #tpu.memory_space<vmem_shared>>
      %dma_wait3A_145 = arith.constant 0 : i32
      %dma_wait3A_146 = tpu.memref_slice %arg10[%add3A_14, %dma_wait3A_145] : memref<10240x128xf32, #tpu.memory_space<vmem_shared>> -> memref<80x128xf32, #tpu.memory_space<vmem_shared>>
      %dma_wait3A_147 = arith.constant 0 : i32
      %dma_wait3A_148 = arith.constant 0 : i32
      %dma_wait3A_149 = tpu.memref_slice %arg9[%run_scoped3A_15, %dma_wait3A_147, %dma_wait3A_148] : memref<3x100x128xf32, #tpu.memory_space<vmem>> -> memref<1x80x128xf32, #tpu.memory_space<vmem>>
      %dma_wait3A_150 = tpu.memref_squeeze %dma_wait3A_149 : memref<1x80x128xf32, #tpu.memory_space<vmem>> -> memref<80x128xf32, #tpu.memory_space<vmem>>
      tpu.wait_dma2 semaphore(%run_scoped3A_128 : memref<!tpu.dma_semaphore, #tpu.memory_space<semaphore_mem>>) src(%dma_wait3A_150 : memref<80x128xf32, #tpu.memory_space<vmem>>) dst(%dma_wait3A_146 : memref<80x128xf32, #tpu.memory_space<vmem_shared>>)
      tpu.yield
    }) : () -> ()
    %mul3A_16 = arith.constant 640 : i32
    %mul3A_17 = arith.muli %arg1, %mul3A_16 : i32
    %add3A_18 = arith.constant 240 : i32
    %add3A_19 = arith.addi %mul3A_17, %add3A_18 : i32
    %run_scoped3A_20 = arith.constant 0 : i32
    "tpu.region"() ({
      %run_scoped3A_128 = tpu.sem_alloc : memref<!tpu.dma_semaphore, #tpu.memory_space<semaphore_mem>>
      %dma_start3A = arith.constant 0 : i32
      %dma_start3A_129 = arith.constant 0 : i32
      %dma_start3A_130 = tpu.memref_slice %arg9[%run_scoped3A_20, %dma_start3A, %dma_start3A_129] : memref<3x100x128xf32, #tpu.memory_space<vmem>> -> memref<1x80x128xf32, #tpu.memory_space<vmem>>
      %dma_start3A_131 = tpu.memref_squeeze %dma_start3A_130 : memref<1x80x128xf32, #tpu.memory_space<vmem>> -> memref<80x128xf32, #tpu.memory_space<vmem>>
      %dma_start3A_132 = arith.constant 0 : i32
      %dma_start3A_133 = tpu.memref_slice %arg10[%add3A_19, %dma_start3A_132] : memref<10240x128xf32, #tpu.memory_space<vmem_shared>> -> memref<80x128xf32, #tpu.memory_space<vmem_shared>>
      %dma_start3A_134 = arith.constant 0 : i32
      %dma_start3A_135 = tpu.memref_slice %arg10[%add3A_19, %dma_start3A_134] : memref<10240x128xf32, #tpu.memory_space<vmem_shared>> -> memref<80x128xf32, #tpu.memory_space<vmem_shared>>
      %dma_start3A_136 = arith.constant 0 : i32
      %dma_start3A_137 = arith.constant 0 : i32
      %dma_start3A_138 = tpu.memref_slice %arg9[%run_scoped3A_20, %dma_start3A_136, %dma_start3A_137] : memref<3x100x128xf32, #tpu.memory_space<vmem>> -> memref<1x80x128xf32, #tpu.memory_space<vmem>>
      %dma_start3A_139 = tpu.memref_squeeze %dma_start3A_138 : memref<1x80x128xf32, #tpu.memory_space<vmem>> -> memref<80x128xf32, #tpu.memory_space<vmem>>
      tpu.enqueue_dma source(%dma_start3A_139 : memref<80x128xf32, #tpu.memory_space<vmem>>) target(%dma_start3A_135 : memref<80x128xf32, #tpu.memory_space<vmem_shared>>) target_semaphore(%run_scoped3A_128 : memref<!tpu.dma_semaphore, #tpu.memory_space<semaphore_mem>>)
      %dma_wait3A = arith.constant 0 : i32
      %dma_wait3A_140 = arith.constant 0 : i32
      %dma_wait3A_141 = tpu.memref_slice %arg9[%run_scoped3A_20, %dma_wait3A, %dma_wait3A_140] : memref<3x100x128xf32, #tpu.memory_space<vmem>> -> memref<1x80x128xf32, #tpu.memory_space<vmem>>
      %dma_wait3A_142 = tpu.memref_squeeze %dma_wait3A_141 : memref<1x80x128xf32, #tpu.memory_space<vmem>> -> memref<80x128xf32, #tpu.memory_space<vmem>>
      %dma_wait3A_143 = arith.constant 0 : i32
      %dma_wait3A_144 = tpu.memref_slice %arg10[%add3A_19, %dma_wait3A_143] : memref<10240x128xf32, #tpu.memory_space<vmem_shared>> -> memref<80x128xf32, #tpu.memory_space<vmem_shared>>
      %dma_wait3A_145 = arith.constant 0 : i32
      %dma_wait3A_146 = tpu.memref_slice %arg10[%add3A_19, %dma_wait3A_145] : memref<10240x128xf32, #tpu.memory_space<vmem_shared>> -> memref<80x128xf32, #tpu.memory_space<vmem_shared>>
      %dma_wait3A_147 = arith.constant 0 : i32
      %dma_wait3A_148 = arith.constant 0 : i32
      %dma_wait3A_149 = tpu.memref_slice %arg9[%run_scoped3A_20, %dma_wait3A_147, %dma_wait3A_148] : memref<3x100x128xf32, #tpu.memory_space<vmem>> -> memref<1x80x128xf32, #tpu.memory_space<vmem>>
      %dma_wait3A_150 = tpu.memref_squeeze %dma_wait3A_149 : memref<1x80x128xf32, #tpu.memory_space<vmem>> -> memref<80x128xf32, #tpu.memory_space<vmem>>
      tpu.wait_dma2 semaphore(%run_scoped3A_128 : memref<!tpu.dma_semaphore, #tpu.memory_space<semaphore_mem>>) src(%dma_wait3A_150 : memref<80x128xf32, #tpu.memory_space<vmem>>) dst(%dma_wait3A_146 : memref<80x128xf32, #tpu.memory_space<vmem_shared>>)
      tpu.yield
    }) : () -> ()
    %mul3A_21 = arith.constant 640 : i32
    %mul3A_22 = arith.muli %arg1, %mul3A_21 : i32
    %add3A_23 = arith.constant 320 : i32
    %add3A_24 = arith.addi %mul3A_22, %add3A_23 : i32
    %run_scoped3A_25 = arith.constant 0 : i32
    "tpu.region"() ({
      %run_scoped3A_128 = tpu.sem_alloc : memref<!tpu.dma_semaphore, #tpu.memory_space<semaphore_mem>>
      %dma_start3A = arith.constant 0 : i32
      %dma_start3A_129 = arith.constant 0 : i32
      %dma_start3A_130 = tpu.memref_slice %arg9[%run_scoped3A_25, %dma_start3A, %dma_start3A_129] : memref<3x100x128xf32, #tpu.memory_space<vmem>> -> memref<1x80x128xf32, #tpu.memory_space<vmem>>
      %dma_start3A_131 = tpu.memref_squeeze %dma_start3A_130 : memref<1x80x128xf32, #tpu.memory_space<vmem>> -> memref<80x128xf32, #tpu.memory_space<vmem>>
      %dma_start3A_132 = arith.constant 0 : i32
      %dma_start3A_133 = tpu.memref_slice %arg10[%add3A_24, %dma_start3A_132] : memref<10240x128xf32, #tpu.memory_space<vmem_shared>> -> memref<80x128xf32, #tpu.memory_space<vmem_shared>>
      %dma_start3A_134 = arith.constant 0 : i32
      %dma_start3A_135 = tpu.memref_slice %arg10[%add3A_24, %dma_start3A_134] : memref<10240x128xf32, #tpu.memory_space<vmem_shared>> -> memref<80x128xf32, #tpu.memory_space<vmem_shared>>
      %dma_start3A_136 = arith.constant 0 : i32
      %dma_start3A_137 = arith.constant 0 : i32
      %dma_start3A_138 = tpu.memref_slice %arg9[%run_scoped3A_25, %dma_start3A_136, %dma_start3A_137] : memref<3x100x128xf32, #tpu.memory_space<vmem>> -> memref<1x80x128xf32, #tpu.memory_space<vmem>>
      %dma_start3A_139 = tpu.memref_squeeze %dma_start3A_138 : memref<1x80x128xf32, #tpu.memory_space<vmem>> -> memref<80x128xf32, #tpu.memory_space<vmem>>
      tpu.enqueue_dma source(%dma_start3A_139 : memref<80x128xf32, #tpu.memory_space<vmem>>) target(%dma_start3A_135 : memref<80x128xf32, #tpu.memory_space<vmem_shared>>) target_semaphore(%run_scoped3A_128 : memref<!tpu.dma_semaphore, #tpu.memory_space<semaphore_mem>>)
      %dma_wait3A = arith.constant 0 : i32
      %dma_wait3A_140 = arith.constant 0 : i32
      %dma_wait3A_141 = tpu.memref_slice %arg9[%run_scoped3A_25, %dma_wait3A, %dma_wait3A_140] : memref<3x100x128xf32, #tpu.memory_space<vmem>> -> memref<1x80x128xf32, #tpu.memory_space<vmem>>
      %dma_wait3A_142 = tpu.memref_squeeze %dma_wait3A_141 : memref<1x80x128xf32, #tpu.memory_space<vmem>> -> memref<80x128xf32, #tpu.memory_space<vmem>>
      %dma_wait3A_143 = arith.constant 0 : i32
      %dma_wait3A_144 = tpu.memref_slice %arg10[%add3A_24, %dma_wait3A_143] : memref<10240x128xf32, #tpu.memory_space<vmem_shared>> -> memref<80x128xf32, #tpu.memory_space<vmem_shared>>
      %dma_wait3A_145 = arith.constant 0 : i32
      %dma_wait3A_146 = tpu.memref_slice %arg10[%add3A_24, %dma_wait3A_145] : memref<10240x128xf32, #tpu.memory_space<vmem_shared>> -> memref<80x128xf32, #tpu.memory_space<vmem_shared>>
      %dma_wait3A_147 = arith.constant 0 : i32
      %dma_wait3A_148 = arith.constant 0 : i32
      %dma_wait3A_149 = tpu.memref_slice %arg9[%run_scoped3A_25, %dma_wait3A_147, %dma_wait3A_148] : memref<3x100x128xf32, #tpu.memory_space<vmem>> -> memref<1x80x128xf32, #tpu.memory_space<vmem>>
      %dma_wait3A_150 = tpu.memref_squeeze %dma_wait3A_149 : memref<1x80x128xf32, #tpu.memory_space<vmem>> -> memref<80x128xf32, #tpu.memory_space<vmem>>
      tpu.wait_dma2 semaphore(%run_scoped3A_128 : memref<!tpu.dma_semaphore, #tpu.memory_space<semaphore_mem>>) src(%dma_wait3A_150 : memref<80x128xf32, #tpu.memory_space<vmem>>) dst(%dma_wait3A_146 : memref<80x128xf32, #tpu.memory_space<vmem_shared>>)
      tpu.yield
    }) : () -> ()
    %mul3A_26 = arith.constant 640 : i32
    %mul3A_27 = arith.muli %arg1, %mul3A_26 : i32
    %add3A_28 = arith.constant 400 : i32
    %add3A_29 = arith.addi %mul3A_27, %add3A_28 : i32
    %run_scoped3A_30 = arith.constant 0 : i32
    "tpu.region"() ({
      %run_scoped3A_128 = tpu.sem_alloc : memref<!tpu.dma_semaphore, #tpu.memory_space<semaphore_mem>>
      %dma_start3A = arith.constant 0 : i32
      %dma_start3A_129 = arith.constant 0 : i32
      %dma_start3A_130 = tpu.memref_slice %arg9[%run_scoped3A_30, %dma_start3A, %dma_start3A_129] : memref<3x100x128xf32, #tpu.memory_space<vmem>> -> memref<1x80x128xf32, #tpu.memory_space<vmem>>
      %dma_start3A_131 = tpu.memref_squeeze %dma_start3A_130 : memref<1x80x128xf32, #tpu.memory_space<vmem>> -> memref<80x128xf32, #tpu.memory_space<vmem>>
      %dma_start3A_132 = arith.constant 0 : i32
      %dma_start3A_133 = tpu.memref_slice %arg10[%add3A_29, %dma_start3A_132] : memref<10240x128xf32, #tpu.memory_space<vmem_shared>> -> memref<80x128xf32, #tpu.memory_space<vmem_shared>>
      %dma_start3A_134 = arith.constant 0 : i32
      %dma_start3A_135 = tpu.memref_slice %arg10[%add3A_29, %dma_start3A_134] : memref<10240x128xf32, #tpu.memory_space<vmem_shared>> -> memref<80x128xf32, #tpu.memory_space<vmem_shared>>
      %dma_start3A_136 = arith.constant 0 : i32
      %dma_start3A_137 = arith.constant 0 : i32
      %dma_start3A_138 = tpu.memref_slice %arg9[%run_scoped3A_30, %dma_start3A_136, %dma_start3A_137] : memref<3x100x128xf32, #tpu.memory_space<vmem>> -> memref<1x80x128xf32, #tpu.memory_space<vmem>>
      %dma_start3A_139 = tpu.memref_squeeze %dma_start3A_138 : memref<1x80x128xf32, #tpu.memory_space<vmem>> -> memref<80x128xf32, #tpu.memory_space<vmem>>
      tpu.enqueue_dma source(%dma_start3A_139 : memref<80x128xf32, #tpu.memory_space<vmem>>) target(%dma_start3A_135 : memref<80x128xf32, #tpu.memory_space<vmem_shared>>) target_semaphore(%run_scoped3A_128 : memref<!tpu.dma_semaphore, #tpu.memory_space<semaphore_mem>>)
      %dma_wait3A = arith.constant 0 : i32
      %dma_wait3A_140 = arith.constant 0 : i32
      %dma_wait3A_141 = tpu.memref_slice %arg9[%run_scoped3A_30, %dma_wait3A, %dma_wait3A_140] : memref<3x100x128xf32, #tpu.memory_space<vmem>> -> memref<1x80x128xf32, #tpu.memory_space<vmem>>
      %dma_wait3A_142 = tpu.memref_squeeze %dma_wait3A_141 : memref<1x80x128xf32, #tpu.memory_space<vmem>> -> memref<80x128xf32, #tpu.memory_space<vmem>>
      %dma_wait3A_143 = arith.constant 0 : i32
      %dma_wait3A_144 = tpu.memref_slice %arg10[%add3A_29, %dma_wait3A_143] : memref<10240x128xf32, #tpu.memory_space<vmem_shared>> -> memref<80x128xf32, #tpu.memory_space<vmem_shared>>
      %dma_wait3A_145 = arith.constant 0 : i32
      %dma_wait3A_146 = tpu.memref_slice %arg10[%add3A_29, %dma_wait3A_145] : memref<10240x128xf32, #tpu.memory_space<vmem_shared>> -> memref<80x128xf32, #tpu.memory_space<vmem_shared>>
      %dma_wait3A_147 = arith.constant 0 : i32
      %dma_wait3A_148 = arith.constant 0 : i32
      %dma_wait3A_149 = tpu.memref_slice %arg9[%run_scoped3A_30, %dma_wait3A_147, %dma_wait3A_148] : memref<3x100x128xf32, #tpu.memory_space<vmem>> -> memref<1x80x128xf32, #tpu.memory_space<vmem>>
      %dma_wait3A_150 = tpu.memref_squeeze %dma_wait3A_149 : memref<1x80x128xf32, #tpu.memory_space<vmem>> -> memref<80x128xf32, #tpu.memory_space<vmem>>
      tpu.wait_dma2 semaphore(%run_scoped3A_128 : memref<!tpu.dma_semaphore, #tpu.memory_space<semaphore_mem>>) src(%dma_wait3A_150 : memref<80x128xf32, #tpu.memory_space<vmem>>) dst(%dma_wait3A_146 : memref<80x128xf32, #tpu.memory_space<vmem_shared>>)
      tpu.yield
    }) : () -> ()
    %mul3A_31 = arith.constant 640 : i32
    %mul3A_32 = arith.muli %arg1, %mul3A_31 : i32
    %add3A_33 = arith.constant 480 : i32
    %add3A_34 = arith.addi %mul3A_32, %add3A_33 : i32
    %run_scoped3A_35 = arith.constant 0 : i32
    "tpu.region"() ({
      %run_scoped3A_128 = tpu.sem_alloc : memref<!tpu.dma_semaphore, #tpu.memory_space<semaphore_mem>>
      %dma_start3A = arith.constant 0 : i32
      %dma_start3A_129 = arith.constant 0 : i32
      %dma_start3A_130 = tpu.memref_slice %arg9[%run_scoped3A_35, %dma_start3A, %dma_start3A_129] : memref<3x100x128xf32, #tpu.memory_space<vmem>> -> memref<1x80x128xf32, #tpu.memory_space<vmem>>
      %dma_start3A_131 = tpu.memref_squeeze %dma_start3A_130 : memref<1x80x128xf32, #tpu.memory_space<vmem>> -> memref<80x128xf32, #tpu.memory_space<vmem>>
      %dma_start3A_132 = arith.constant 0 : i32
      %dma_start3A_133 = tpu.memref_slice %arg10[%add3A_34, %dma_start3A_132] : memref<10240x128xf32, #tpu.memory_space<vmem_shared>> -> memref<80x128xf32, #tpu.memory_space<vmem_shared>>
      %dma_start3A_134 = arith.constant 0 : i32
      %dma_start3A_135 = tpu.memref_slice %arg10[%add3A_34, %dma_start3A_134] : memref<10240x128xf32, #tpu.memory_space<vmem_shared>> -> memref<80x128xf32, #tpu.memory_space<vmem_shared>>
      %dma_start3A_136 = arith.constant 0 : i32
      %dma_start3A_137 = arith.constant 0 : i32
      %dma_start3A_138 = tpu.memref_slice %arg9[%run_scoped3A_35, %dma_start3A_136, %dma_start3A_137] : memref<3x100x128xf32, #tpu.memory_space<vmem>> -> memref<1x80x128xf32, #tpu.memory_space<vmem>>
      %dma_start3A_139 = tpu.memref_squeeze %dma_start3A_138 : memref<1x80x128xf32, #tpu.memory_space<vmem>> -> memref<80x128xf32, #tpu.memory_space<vmem>>
      tpu.enqueue_dma source(%dma_start3A_139 : memref<80x128xf32, #tpu.memory_space<vmem>>) target(%dma_start3A_135 : memref<80x128xf32, #tpu.memory_space<vmem_shared>>) target_semaphore(%run_scoped3A_128 : memref<!tpu.dma_semaphore, #tpu.memory_space<semaphore_mem>>)
      %dma_wait3A = arith.constant 0 : i32
      %dma_wait3A_140 = arith.constant 0 : i32
      %dma_wait3A_141 = tpu.memref_slice %arg9[%run_scoped3A_35, %dma_wait3A, %dma_wait3A_140] : memref<3x100x128xf32, #tpu.memory_space<vmem>> -> memref<1x80x128xf32, #tpu.memory_space<vmem>>
      %dma_wait3A_142 = tpu.memref_squeeze %dma_wait3A_141 : memref<1x80x128xf32, #tpu.memory_space<vmem>> -> memref<80x128xf32, #tpu.memory_space<vmem>>
      %dma_wait3A_143 = arith.constant 0 : i32
      %dma_wait3A_144 = tpu.memref_slice %arg10[%add3A_34, %dma_wait3A_143] : memref<10240x128xf32, #tpu.memory_space<vmem_shared>> -> memref<80x128xf32, #tpu.memory_space<vmem_shared>>
      %dma_wait3A_145 = arith.constant 0 : i32
      %dma_wait3A_146 = tpu.memref_slice %arg10[%add3A_34, %dma_wait3A_145] : memref<10240x128xf32, #tpu.memory_space<vmem_shared>> -> memref<80x128xf32, #tpu.memory_space<vmem_shared>>
      %dma_wait3A_147 = arith.constant 0 : i32
      %dma_wait3A_148 = arith.constant 0 : i32
      %dma_wait3A_149 = tpu.memref_slice %arg9[%run_scoped3A_35, %dma_wait3A_147, %dma_wait3A_148] : memref<3x100x128xf32, #tpu.memory_space<vmem>> -> memref<1x80x128xf32, #tpu.memory_space<vmem>>
      %dma_wait3A_150 = tpu.memref_squeeze %dma_wait3A_149 : memref<1x80x128xf32, #tpu.memory_space<vmem>> -> memref<80x128xf32, #tpu.memory_space<vmem>>
      tpu.wait_dma2 semaphore(%run_scoped3A_128 : memref<!tpu.dma_semaphore, #tpu.memory_space<semaphore_mem>>) src(%dma_wait3A_150 : memref<80x128xf32, #tpu.memory_space<vmem>>) dst(%dma_wait3A_146 : memref<80x128xf32, #tpu.memory_space<vmem_shared>>)
      tpu.yield
    }) : () -> ()
    %mul3A_36 = arith.constant 640 : i32
    %mul3A_37 = arith.muli %arg1, %mul3A_36 : i32
    %add3A_38 = arith.constant 560 : i32
    %add3A_39 = arith.addi %mul3A_37, %add3A_38 : i32
    %run_scoped3A_40 = arith.constant 0 : i32
    "tpu.region"() ({
      %run_scoped3A_128 = tpu.sem_alloc : memref<!tpu.dma_semaphore, #tpu.memory_space<semaphore_mem>>
      %dma_start3A = arith.constant 0 : i32
      %dma_start3A_129 = arith.constant 0 : i32
      %dma_start3A_130 = tpu.memref_slice %arg9[%run_scoped3A_40, %dma_start3A, %dma_start3A_129] : memref<3x100x128xf32, #tpu.memory_space<vmem>> -> memref<1x80x128xf32, #tpu.memory_space<vmem>>
      %dma_start3A_131 = tpu.memref_squeeze %dma_start3A_130 : memref<1x80x128xf32, #tpu.memory_space<vmem>> -> memref<80x128xf32, #tpu.memory_space<vmem>>
      %dma_start3A_132 = arith.constant 0 : i32
      %dma_start3A_133 = tpu.memref_slice %arg10[%add3A_39, %dma_start3A_132] : memref<10240x128xf32, #tpu.memory_space<vmem_shared>> -> memref<80x128xf32, #tpu.memory_space<vmem_shared>>
      %dma_start3A_134 = arith.constant 0 : i32
      %dma_start3A_135 = tpu.memref_slice %arg10[%add3A_39, %dma_start3A_134] : memref<10240x128xf32, #tpu.memory_space<vmem_shared>> -> memref<80x128xf32, #tpu.memory_space<vmem_shared>>
      %dma_start3A_136 = arith.constant 0 : i32
      %dma_start3A_137 = arith.constant 0 : i32
      %dma_start3A_138 = tpu.memref_slice %arg9[%run_scoped3A_40, %dma_start3A_136, %dma_start3A_137] : memref<3x100x128xf32, #tpu.memory_space<vmem>> -> memref<1x80x128xf32, #tpu.memory_space<vmem>>
      %dma_start3A_139 = tpu.memref_squeeze %dma_start3A_138 : memref<1x80x128xf32, #tpu.memory_space<vmem>> -> memref<80x128xf32, #tpu.memory_space<vmem>>
      tpu.enqueue_dma source(%dma_start3A_139 : memref<80x128xf32, #tpu.memory_space<vmem>>) target(%dma_start3A_135 : memref<80x128xf32, #tpu.memory_space<vmem_shared>>) target_semaphore(%run_scoped3A_128 : memref<!tpu.dma_semaphore, #tpu.memory_space<semaphore_mem>>)
      %dma_wait3A = arith.constant 0 : i32
      %dma_wait3A_140 = arith.constant 0 : i32
      %dma_wait3A_141 = tpu.memref_slice %arg9[%run_scoped3A_40, %dma_wait3A, %dma_wait3A_140] : memref<3x100x128xf32, #tpu.memory_space<vmem>> -> memref<1x80x128xf32, #tpu.memory_space<vmem>>
      %dma_wait3A_142 = tpu.memref_squeeze %dma_wait3A_141 : memref<1x80x128xf32, #tpu.memory_space<vmem>> -> memref<80x128xf32, #tpu.memory_space<vmem>>
      %dma_wait3A_143 = arith.constant 0 : i32
      %dma_wait3A_144 = tpu.memref_slice %arg10[%add3A_39, %dma_wait3A_143] : memref<10240x128xf32, #tpu.memory_space<vmem_shared>> -> memref<80x128xf32, #tpu.memory_space<vmem_shared>>
      %dma_wait3A_145 = arith.constant 0 : i32
      %dma_wait3A_146 = tpu.memref_slice %arg10[%add3A_39, %dma_wait3A_145] : memref<10240x128xf32, #tpu.memory_space<vmem_shared>> -> memref<80x128xf32, #tpu.memory_space<vmem_shared>>
      %dma_wait3A_147 = arith.constant 0 : i32
      %dma_wait3A_148 = arith.constant 0 : i32
      %dma_wait3A_149 = tpu.memref_slice %arg9[%run_scoped3A_40, %dma_wait3A_147, %dma_wait3A_148] : memref<3x100x128xf32, #tpu.memory_space<vmem>> -> memref<1x80x128xf32, #tpu.memory_space<vmem>>
      %dma_wait3A_150 = tpu.memref_squeeze %dma_wait3A_149 : memref<1x80x128xf32, #tpu.memory_space<vmem>> -> memref<80x128xf32, #tpu.memory_space<vmem>>
      tpu.wait_dma2 semaphore(%run_scoped3A_128 : memref<!tpu.dma_semaphore, #tpu.memory_space<semaphore_mem>>) src(%dma_wait3A_150 : memref<80x128xf32, #tpu.memory_space<vmem>>) dst(%dma_wait3A_146 : memref<80x128xf32, #tpu.memory_space<vmem_shared>>)
      tpu.yield
    }) : () -> ()
    %barrier3A = arith.constant 0 : index
    tpu.barrier barrier_id(%barrier3A)
    %scan3A = arith.constant 0 : i32
    %scan3A_41 = arith.constant 0 : i32
    %scan3A_42 = arith.constant 5 : i32
    %scan3A_43 = arith.addi %scan3A_41, %scan3A_42 : i32
    %scan3A_44 = arith.constant 1 : i32
    %scan3A_45 = scf.for %scan3A_128 = %scan3A_41 to %scan3A_43 step %scan3A_44 iter_args(%scan3A_129 = %scan3A) -> (i32)  : i32 {
      "tpu.region"() ({
        %run_scoped3A_226 = tpu.sem_alloc : memref<!tpu.dma_semaphore, #tpu.memory_space<semaphore_mem>>
        %dma_start3A_227 = arith.constant 0 : i32
        %dma_start3A_228 = arith.constant 0 : i32
        %dma_start3A_229 = tpu.memref_slice %arg3[%add3A, %scan3A_128, %dma_start3A_227, %dma_start3A_228] : memref<32x5x20x100xi32, #tpu.memory_space<hbm>> -> memref<1x1x20x100xi32, #tpu.memory_space<hbm>>
        %dma_start3A_230 = tpu.memref_squeeze %dma_start3A_229 : memref<1x1x20x100xi32, #tpu.memory_space<hbm>> -> memref<20x100xi32, #tpu.memory_space<hbm>>
        %dma_start3A_231 = arith.constant 0 : i32
        %dma_start3A_232 = arith.constant 0 : i32
        %dma_start3A_233 = tpu.memref_slice %arg3[%add3A, %scan3A_128, %dma_start3A_231, %dma_start3A_232] : memref<32x5x20x100xi32, #tpu.memory_space<hbm>> -> memref<1x1x20x100xi32, #tpu.memory_space<hbm>>
        %dma_start3A_234 = tpu.memref_squeeze %dma_start3A_233 : memref<1x1x20x100xi32, #tpu.memory_space<hbm>> -> memref<20x100xi32, #tpu.memory_space<hbm>>
        tpu.enqueue_dma source(%dma_start3A_234 : memref<20x100xi32, #tpu.memory_space<hbm>>) target(%arg7 : memref<20x100xi32, #tpu.memory_space<vmem>>) target_semaphore(%run_scoped3A_226 : memref<!tpu.dma_semaphore, #tpu.memory_space<semaphore_mem>>)
        %dma_wait3A_235 = arith.constant 0 : i32
        %dma_wait3A_236 = arith.constant 0 : i32
        %dma_wait3A_237 = tpu.memref_slice %arg3[%add3A, %scan3A_128, %dma_wait3A_235, %dma_wait3A_236] : memref<32x5x20x100xi32, #tpu.memory_space<hbm>> -> memref<1x1x20x100xi32, #tpu.memory_space<hbm>>
        %dma_wait3A_238 = tpu.memref_squeeze %dma_wait3A_237 : memref<1x1x20x100xi32, #tpu.memory_space<hbm>> -> memref<20x100xi32, #tpu.memory_space<hbm>>
        %dma_wait3A_239 = arith.constant 0 : i32
        %dma_wait3A_240 = arith.constant 0 : i32
        %dma_wait3A_241 = tpu.memref_slice %arg3[%add3A, %scan3A_128, %dma_wait3A_239, %dma_wait3A_240] : memref<32x5x20x100xi32, #tpu.memory_space<hbm>> -> memref<1x1x20x100xi32, #tpu.memory_space<hbm>>
        %dma_wait3A_242 = tpu.memref_squeeze %dma_wait3A_241 : memref<1x1x20x100xi32, #tpu.memory_space<hbm>> -> memref<20x100xi32, #tpu.memory_space<hbm>>
        tpu.wait_dma2 semaphore(%run_scoped3A_226 : memref<!tpu.dma_semaphore, #tpu.memory_space<semaphore_mem>>) src(%dma_wait3A_242 : memref<20x100xi32, #tpu.memory_space<hbm>>) dst(%arg7 : memref<20x100xi32, #tpu.memory_space<vmem>>)
        tpu.yield
      }) : () -> ()
      "tpu.region"() ({
        %run_scoped3A_226 = tpu.sem_alloc : memref<!tpu.dma_semaphore, #tpu.memory_space<semaphore_mem>>
        %dma_start3A_227 = arith.constant 0 : i32
        %dma_start3A_228 = arith.constant 0 : i32
        %dma_start3A_229 = tpu.memref_slice %arg4[%add3A, %scan3A_128, %dma_start3A_227, %dma_start3A_228] : memref<32x5x20x100xi32, #tpu.memory_space<hbm>> -> memref<1x1x20x100xi32, #tpu.memory_space<hbm>>
        %dma_start3A_230 = tpu.memref_squeeze %dma_start3A_229 : memref<1x1x20x100xi32, #tpu.memory_space<hbm>> -> memref<20x100xi32, #tpu.memory_space<hbm>>
        %dma_start3A_231 = arith.constant 0 : i32
        %dma_start3A_232 = arith.constant 0 : i32
        %dma_start3A_233 = tpu.memref_slice %arg4[%add3A, %scan3A_128, %dma_start3A_231, %dma_start3A_232] : memref<32x5x20x100xi32, #tpu.memory_space<hbm>> -> memref<1x1x20x100xi32, #tpu.memory_space<hbm>>
        %dma_start3A_234 = tpu.memref_squeeze %dma_start3A_233 : memref<1x1x20x100xi32, #tpu.memory_space<hbm>> -> memref<20x100xi32, #tpu.memory_space<hbm>>
        tpu.enqueue_dma source(%dma_start3A_234 : memref<20x100xi32, #tpu.memory_space<hbm>>) target(%arg8 : memref<20x100xi32, #tpu.memory_space<vmem>>) target_semaphore(%run_scoped3A_226 : memref<!tpu.dma_semaphore, #tpu.memory_space<semaphore_mem>>)
        %dma_wait3A_235 = arith.constant 0 : i32
        %dma_wait3A_236 = arith.constant 0 : i32
        %dma_wait3A_237 = tpu.memref_slice %arg4[%add3A, %scan3A_128, %dma_wait3A_235, %dma_wait3A_236] : memref<32x5x20x100xi32, #tpu.memory_space<hbm>> -> memref<1x1x20x100xi32, #tpu.memory_space<hbm>>
        %dma_wait3A_238 = tpu.memref_squeeze %dma_wait3A_237 : memref<1x1x20x100xi32, #tpu.memory_space<hbm>> -> memref<20x100xi32, #tpu.memory_space<hbm>>
        %dma_wait3A_239 = arith.constant 0 : i32
        %dma_wait3A_240 = arith.constant 0 : i32
        %dma_wait3A_241 = tpu.memref_slice %arg4[%add3A, %scan3A_128, %dma_wait3A_239, %dma_wait3A_240] : memref<32x5x20x100xi32, #tpu.memory_space<hbm>> -> memref<1x1x20x100xi32, #tpu.memory_space<hbm>>
        %dma_wait3A_242 = tpu.memref_squeeze %dma_wait3A_241 : memref<1x1x20x100xi32, #tpu.memory_space<hbm>> -> memref<20x100xi32, #tpu.memory_space<hbm>>
        tpu.wait_dma2 semaphore(%run_scoped3A_226 : memref<!tpu.dma_semaphore, #tpu.memory_space<semaphore_mem>>) src(%dma_wait3A_242 : memref<20x100xi32, #tpu.memory_space<hbm>>) dst(%arg8 : memref<20x100xi32, #tpu.memory_space<vmem>>)
        tpu.yield
      }) : () -> ()
      %dma_start3A = arith.constant 0 : i32
      %dma_start3A_130 = arith.constant 0 : i32
      %dma_start3A_131 = arith.constant 0 : i32
      %dma_start3A_132 = arith.constant 0 : i32
      %dma_start3A_133 = arith.constant 0 : i32
      %dma_start3A_134 = tpu.memref_slice %arg9[%dma_start3A_130, %dma_start3A_132, %dma_start3A_133] : memref<3x100x128xf32, #tpu.memory_space<vmem>> -> memref<1x100x128xf32, #tpu.memory_space<vmem>>
      %dma_start3A_135 = tpu.memref_squeeze %dma_start3A_134 : memref<1x100x128xf32, #tpu.memory_space<vmem>> -> memref<100x128xf32, #tpu.memory_space<vmem>>
      %dma_start3A_136 = arith.constant 0 : i32
      %dma_start3A_137 = tpu.memref_slice %arg7[%dma_start3A, %dma_start3A_136] : memref<20x100xi32, #tpu.memory_space<vmem>> -> memref<1x100xi32, #tpu.memory_space<vmem>>
      %dma_start3A_138 = tpu.memref_squeeze %dma_start3A_137 : memref<1x100xi32, #tpu.memory_space<vmem>> -> memref<100xi32, #tpu.memory_space<vmem>>
      %dma_start3A_139 = arith.constant 0 : i32
      %dma_start3A_140 = arith.constant 0 : i32
      %dma_start3A_141 = tpu.memref_slice %arg2[%dma_start3A_139, %dma_start3A_140] : memref<10000x128xf32, #tpu.memory_space<hbm>> -> memref<10000x128xf32, #tpu.memory_space<hbm>>
      %dma_start3A_142 = tpu.memref_slice %arg11[%dma_start3A_131] : memref<3x!tpu.dma_semaphore, #tpu.memory_space<semaphore_mem>> -> memref<1x!tpu.dma_semaphore, #tpu.memory_space<semaphore_mem>>
      %dma_start3A_143 = tpu.memref_squeeze %dma_start3A_142 : memref<1x!tpu.dma_semaphore, #tpu.memory_space<semaphore_mem>> -> memref<!tpu.dma_semaphore, #tpu.memory_space<semaphore_mem>>
      tpu.enqueue_indirect_dma source(%dma_start3A_141 : memref<10000x128xf32, #tpu.memory_space<hbm>>) target(%dma_start3A_135 : memref<100x128xf32, #tpu.memory_space<vmem>>) offsets(%dma_start3A_138 : memref<100xi32, #tpu.memory_space<vmem>>) semaphore(%dma_start3A_143 : memref<!tpu.dma_semaphore, #tpu.memory_space<semaphore_mem>>)
      %dma_start3A_144 = arith.constant 1 : i32
      %dma_start3A_145 = arith.constant 1 : i32
      %dma_start3A_146 = arith.constant 1 : i32
      %dma_start3A_147 = arith.constant 0 : i32
      %dma_start3A_148 = arith.constant 0 : i32
      %dma_start3A_149 = tpu.memref_slice %arg9[%dma_start3A_145, %dma_start3A_147, %dma_start3A_148] : memref<3x100x128xf32, #tpu.memory_space<vmem>> -> memref<1x100x128xf32, #tpu.memory_space<vmem>>
      %dma_start3A_150 = tpu.memref_squeeze %dma_start3A_149 : memref<1x100x128xf32, #tpu.memory_space<vmem>> -> memref<100x128xf32, #tpu.memory_space<vmem>>
      %dma_start3A_151 = arith.constant 0 : i32
      %dma_start3A_152 = tpu.memref_slice %arg7[%dma_start3A_144, %dma_start3A_151] : memref<20x100xi32, #tpu.memory_space<vmem>> -> memref<1x100xi32, #tpu.memory_space<vmem>>
      %dma_start3A_153 = tpu.memref_squeeze %dma_start3A_152 : memref<1x100xi32, #tpu.memory_space<vmem>> -> memref<100xi32, #tpu.memory_space<vmem>>
      %dma_start3A_154 = arith.constant 0 : i32
      %dma_start3A_155 = arith.constant 0 : i32
      %dma_start3A_156 = tpu.memref_slice %arg2[%dma_start3A_154, %dma_start3A_155] : memref<10000x128xf32, #tpu.memory_space<hbm>> -> memref<10000x128xf32, #tpu.memory_space<hbm>>
      %dma_start3A_157 = tpu.memref_slice %arg11[%dma_start3A_146] : memref<3x!tpu.dma_semaphore, #tpu.memory_space<semaphore_mem>> -> memref<1x!tpu.dma_semaphore, #tpu.memory_space<semaphore_mem>>
      %dma_start3A_158 = tpu.memref_squeeze %dma_start3A_157 : memref<1x!tpu.dma_semaphore, #tpu.memory_space<semaphore_mem>> -> memref<!tpu.dma_semaphore, #tpu.memory_space<semaphore_mem>>
      tpu.enqueue_indirect_dma source(%dma_start3A_156 : memref<10000x128xf32, #tpu.memory_space<hbm>>) target(%dma_start3A_150 : memref<100x128xf32, #tpu.memory_space<vmem>>) offsets(%dma_start3A_153 : memref<100xi32, #tpu.memory_space<vmem>>) semaphore(%dma_start3A_158 : memref<!tpu.dma_semaphore, #tpu.memory_space<semaphore_mem>>)
      %dma_start3A_159 = arith.constant 2 : i32
      %dma_start3A_160 = arith.constant 2 : i32
      %dma_start3A_161 = arith.constant 2 : i32
      %dma_start3A_162 = arith.constant 0 : i32
      %dma_start3A_163 = arith.constant 0 : i32
      %dma_start3A_164 = tpu.memref_slice %arg9[%dma_start3A_160, %dma_start3A_162, %dma_start3A_163] : memref<3x100x128xf32, #tpu.memory_space<vmem>> -> memref<1x100x128xf32, #tpu.memory_space<vmem>>
      %dma_start3A_165 = tpu.memref_squeeze %dma_start3A_164 : memref<1x100x128xf32, #tpu.memory_space<vmem>> -> memref<100x128xf32, #tpu.memory_space<vmem>>
      %dma_start3A_166 = arith.constant 0 : i32
      %dma_start3A_167 = tpu.memref_slice %arg7[%dma_start3A_159, %dma_start3A_166] : memref<20x100xi32, #tpu.memory_space<vmem>> -> memref<1x100xi32, #tpu.memory_space<vmem>>
      %dma_start3A_168 = tpu.memref_squeeze %dma_start3A_167 : memref<1x100xi32, #tpu.memory_space<vmem>> -> memref<100xi32, #tpu.memory_space<vmem>>
      %dma_start3A_169 = arith.constant 0 : i32
      %dma_start3A_170 = arith.constant 0 : i32
      %dma_start3A_171 = tpu.memref_slice %arg2[%dma_start3A_169, %dma_start3A_170] : memref<10000x128xf32, #tpu.memory_space<hbm>> -> memref<10000x128xf32, #tpu.memory_space<hbm>>
      %dma_start3A_172 = tpu.memref_slice %arg11[%dma_start3A_161] : memref<3x!tpu.dma_semaphore, #tpu.memory_space<semaphore_mem>> -> memref<1x!tpu.dma_semaphore, #tpu.memory_space<semaphore_mem>>
      %dma_start3A_173 = tpu.memref_squeeze %dma_start3A_172 : memref<1x!tpu.dma_semaphore, #tpu.memory_space<semaphore_mem>> -> memref<!tpu.dma_semaphore, #tpu.memory_space<semaphore_mem>>
      tpu.enqueue_indirect_dma source(%dma_start3A_171 : memref<10000x128xf32, #tpu.memory_space<hbm>>) target(%dma_start3A_165 : memref<100x128xf32, #tpu.memory_space<vmem>>) offsets(%dma_start3A_168 : memref<100xi32, #tpu.memory_space<vmem>>) semaphore(%dma_start3A_173 : memref<!tpu.dma_semaphore, #tpu.memory_space<semaphore_mem>>)
      %scan3A_174 = arith.constant 0 : i32
      %scan3A_175 = arith.constant 0 : i32
      %scan3A_176 = arith.constant 20 : i32
      %scan3A_177 = arith.addi %scan3A_175, %scan3A_176 : i32
      %scan3A_178 = arith.constant 1 : i32
      %scan3A_179 = scf.for %scan3A_226 = %scan3A_175 to %scan3A_177 step %scan3A_178 iter_args(%scan3A_227 = %scan3A_174) -> (i32)  : i32 {
        %rem3A = arith.constant 3 : i32
        %rem3A_228 = arith.remsi %scan3A_226, %rem3A : i32
        %dma_wait3A_229 = arith.constant 0 : i32
        %dma_wait3A_230 = arith.constant 0 : i32
        %dma_wait3A_231 = arith.constant 0 : i32
        %dma_wait3A_232 = tpu.memref_slice %arg9[%rem3A_228, %dma_wait3A_230, %dma_wait3A_231] : memref<3x100x128xf32, #tpu.memory_space<vmem>> -> memref<1x100x128xf32, #tpu.memory_space<vmem>>
        %dma_wait3A_233 = tpu.memref_squeeze %dma_wait3A_232 : memref<1x100x128xf32, #tpu.memory_space<vmem>> -> memref<100x128xf32, #tpu.memory_space<vmem>>
        %dma_wait3A_234 = arith.constant 0 : i32
        %dma_wait3A_235 = tpu.memref_slice %arg7[%dma_wait3A_229, %dma_wait3A_234] : memref<20x100xi32, #tpu.memory_space<vmem>> -> memref<1x100xi32, #tpu.memory_space<vmem>>
        %dma_wait3A_236 = tpu.memref_squeeze %dma_wait3A_235 : memref<1x100xi32, #tpu.memory_space<vmem>> -> memref<100xi32, #tpu.memory_space<vmem>>
        %dma_wait3A_237 = arith.constant 0 : i32
        %dma_wait3A_238 = arith.constant 0 : i32
        %dma_wait3A_239 = tpu.memref_slice %arg2[%dma_wait3A_237, %dma_wait3A_238] : memref<10000x128xf32, #tpu.memory_space<hbm>> -> memref<10000x128xf32, #tpu.memory_space<hbm>>
        %dma_wait3A_240 = tpu.memref_slice %arg11[%rem3A_228] : memref<3x!tpu.dma_semaphore, #tpu.memory_space<semaphore_mem>> -> memref<1x!tpu.dma_semaphore, #tpu.memory_space<semaphore_mem>>
        %dma_wait3A_241 = tpu.memref_squeeze %dma_wait3A_240 : memref<1x!tpu.dma_semaphore, #tpu.memory_space<semaphore_mem>> -> memref<!tpu.dma_semaphore, #tpu.memory_space<semaphore_mem>>
        tpu.wait_indirect_dma semaphore(%dma_wait3A_241 : memref<!tpu.dma_semaphore, #tpu.memory_space<semaphore_mem>>) src(%dma_wait3A_239 : memref<10000x128xf32, #tpu.memory_space<hbm>>) dst(%dma_wait3A_233 : memref<100x128xf32, #tpu.memory_space<vmem>>)
        %dma_start3A_242 = arith.constant 0 : i32
        %dma_start3A_243 = arith.constant 0 : i32
        %dma_start3A_244 = tpu.memref_slice %arg9[%rem3A_228, %dma_start3A_242, %dma_start3A_243] : memref<3x100x128xf32, #tpu.memory_space<vmem>> -> memref<1x100x128xf32, #tpu.memory_space<vmem>>
        %dma_start3A_245 = tpu.memref_squeeze %dma_start3A_244 : memref<1x100x128xf32, #tpu.memory_space<vmem>> -> memref<100x128xf32, #tpu.memory_space<vmem>>
        %dma_start3A_246 = arith.constant 0 : i32
        %dma_start3A_247 = tpu.memref_slice %arg8[%scan3A_226, %dma_start3A_246] : memref<20x100xi32, #tpu.memory_space<vmem>> -> memref<1x100xi32, #tpu.memory_space<vmem>>
        %dma_start3A_248 = tpu.memref_squeeze %dma_start3A_247 : memref<1x100xi32, #tpu.memory_space<vmem>> -> memref<100xi32, #tpu.memory_space<vmem>>
        %dma_start3A_249 = arith.constant 0 : i32
        %dma_start3A_250 = arith.constant 0 : i32
        %dma_start3A_251 = tpu.memref_slice %arg10[%dma_start3A_249, %dma_start3A_250] : memref<10240x128xf32, #tpu.memory_space<vmem_shared>> -> memref<10240x128xf32, #tpu.memory_space<vmem_shared>>
        %dma_start3A_252 = tpu.memref_slice %arg12[%rem3A_228] : memref<3x!tpu.dma_semaphore, #tpu.memory_space<semaphore_mem>> -> memref<1x!tpu.dma_semaphore, #tpu.memory_space<semaphore_mem>>
        %dma_start3A_253 = tpu.memref_squeeze %dma_start3A_252 : memref<1x!tpu.dma_semaphore, #tpu.memory_space<semaphore_mem>> -> memref<!tpu.dma_semaphore, #tpu.memory_space<semaphore_mem>>
        tpu.enqueue_indirect_dma source(%dma_start3A_245 : memref<100x128xf32, #tpu.memory_space<vmem>>) target(%dma_start3A_251 : memref<10240x128xf32, #tpu.memory_space<vmem_shared>>) offsets(%dma_start3A_248 : memref<100xi32, #tpu.memory_space<vmem>>) semaphore(%dma_start3A_253 : memref<!tpu.dma_semaphore, #tpu.memory_space<semaphore_mem>>) {add = true}
        %add3A_254 = arith.constant 3 : i32
        %add3A_255 = arith.addi %scan3A_226, %add3A_254 : i32
        %lt3A = arith.constant 20 : i32
        %lt3A_256 = arith.cmpi slt, %add3A_255, %lt3A : i32
        %convert_element_type3A = arith.extui %lt3A_256 : i1 to i32
        %cond3A = arith.constant 0 : i32
        %cond3A_257 = arith.cmpi ne, %convert_element_type3A, %cond3A : i32
        scf.if %cond3A_257 {
          %dma_wait3A_259 = arith.constant 0 : i32
          %dma_wait3A_260 = arith.constant 0 : i32
          %dma_wait3A_261 = arith.constant 0 : i32
          %dma_wait3A_262 = tpu.memref_slice %arg9[%rem3A_228, %dma_wait3A_260, %dma_wait3A_261] : memref<3x100x128xf32, #tpu.memory_space<vmem>> -> memref<1x100x128xf32, #tpu.memory_space<vmem>>
          %dma_wait3A_263 = tpu.memref_squeeze %dma_wait3A_262 : memref<1x100x128xf32, #tpu.memory_space<vmem>> -> memref<100x128xf32, #tpu.memory_space<vmem>>
          %dma_wait3A_264 = arith.constant 0 : i32
          %dma_wait3A_265 = tpu.memref_slice %arg8[%dma_wait3A_259, %dma_wait3A_264] : memref<20x100xi32, #tpu.memory_space<vmem>> -> memref<1x100xi32, #tpu.memory_space<vmem>>
          %dma_wait3A_266 = tpu.memref_squeeze %dma_wait3A_265 : memref<1x100xi32, #tpu.memory_space<vmem>> -> memref<100xi32, #tpu.memory_space<vmem>>
          %dma_wait3A_267 = arith.constant 0 : i32
          %dma_wait3A_268 = arith.constant 0 : i32
          %dma_wait3A_269 = tpu.memref_slice %arg10[%dma_wait3A_267, %dma_wait3A_268] : memref<10240x128xf32, #tpu.memory_space<vmem_shared>> -> memref<10240x128xf32, #tpu.memory_space<vmem_shared>>
          %dma_wait3A_270 = tpu.memref_slice %arg12[%rem3A_228] : memref<3x!tpu.dma_semaphore, #tpu.memory_space<semaphore_mem>> -> memref<1x!tpu.dma_semaphore, #tpu.memory_space<semaphore_mem>>
          %dma_wait3A_271 = tpu.memref_squeeze %dma_wait3A_270 : memref<1x!tpu.dma_semaphore, #tpu.memory_space<semaphore_mem>> -> memref<!tpu.dma_semaphore, #tpu.memory_space<semaphore_mem>>
          tpu.wait_indirect_dma semaphore(%dma_wait3A_271 : memref<!tpu.dma_semaphore, #tpu.memory_space<semaphore_mem>>) src(%dma_wait3A_263 : memref<100x128xf32, #tpu.memory_space<vmem>>) dst(%dma_wait3A_269 : memref<10240x128xf32, #tpu.memory_space<vmem_shared>>)
          %add3A_272 = arith.constant 3 : i32
          %add3A_273 = arith.addi %scan3A_226, %add3A_272 : i32
          %dma_start3A_274 = arith.constant 0 : i32
          %dma_start3A_275 = arith.constant 0 : i32
          %dma_start3A_276 = tpu.memref_slice %arg9[%rem3A_228, %dma_start3A_274, %dma_start3A_275] : memref<3x100x128xf32, #tpu.memory_space<vmem>> -> memref<1x100x128xf32, #tpu.memory_space<vmem>>
          %dma_start3A_277 = tpu.memref_squeeze %dma_start3A_276 : memref<1x100x128xf32, #tpu.memory_space<vmem>> -> memref<100x128xf32, #tpu.memory_space<vmem>>
          %dma_start3A_278 = arith.constant 0 : i32
          %dma_start3A_279 = tpu.memref_slice %arg7[%add3A_273, %dma_start3A_278] : memref<20x100xi32, #tpu.memory_space<vmem>> -> memref<1x100xi32, #tpu.memory_space<vmem>>
          %dma_start3A_280 = tpu.memref_squeeze %dma_start3A_279 : memref<1x100xi32, #tpu.memory_space<vmem>> -> memref<100xi32, #tpu.memory_space<vmem>>
          %dma_start3A_281 = arith.constant 0 : i32
          %dma_start3A_282 = arith.constant 0 : i32
          %dma_start3A_283 = tpu.memref_slice %arg2[%dma_start3A_281, %dma_start3A_282] : memref<10000x128xf32, #tpu.memory_space<hbm>> -> memref<10000x128xf32, #tpu.memory_space<hbm>>
          %dma_start3A_284 = tpu.memref_slice %arg11[%rem3A_228] : memref<3x!tpu.dma_semaphore, #tpu.memory_space<semaphore_mem>> -> memref<1x!tpu.dma_semaphore, #tpu.memory_space<semaphore_mem>>
          %dma_start3A_285 = tpu.memref_squeeze %dma_start3A_284 : memref<1x!tpu.dma_semaphore, #tpu.memory_space<semaphore_mem>> -> memref<!tpu.dma_semaphore, #tpu.memory_space<semaphore_mem>>
          tpu.enqueue_indirect_dma source(%dma_start3A_283 : memref<10000x128xf32, #tpu.memory_space<hbm>>) target(%dma_start3A_277 : memref<100x128xf32, #tpu.memory_space<vmem>>) offsets(%dma_start3A_280 : memref<100xi32, #tpu.memory_space<vmem>>) semaphore(%dma_start3A_285 : memref<!tpu.dma_semaphore, #tpu.memory_space<semaphore_mem>>)
        } else {
        }
        %scan3A_258 = arith.constant 0 : i32
        scf.yield %scan3A_258 : i32
      }
      %scan3A_180 = arith.constant 20 : i32
      %dma_wait3A = arith.constant 2 : i32
      %dma_wait3A_181 = arith.constant 0 : i32
      %dma_wait3A_182 = arith.constant 2 : i32
      %dma_wait3A_183 = arith.constant 0 : i32
      %dma_wait3A_184 = arith.constant 0 : i32
      %dma_wait3A_185 = tpu.memref_slice %arg9[%dma_wait3A, %dma_wait3A_183, %dma_wait3A_184] : memref<3x100x128xf32, #tpu.memory_space<vmem>> -> memref<1x100x128xf32, #tpu.memory_space<vmem>>
      %dma_wait3A_186 = tpu.memref_squeeze %dma_wait3A_185 : memref<1x100x128xf32, #tpu.memory_space<vmem>> -> memref<100x128xf32, #tpu.memory_space<vmem>>
      %dma_wait3A_187 = arith.constant 0 : i32
      %dma_wait3A_188 = tpu.memref_slice %arg8[%dma_wait3A_181, %dma_wait3A_187] : memref<20x100xi32, #tpu.memory_space<vmem>> -> memref<1x100xi32, #tpu.memory_space<vmem>>
      %dma_wait3A_189 = tpu.memref_squeeze %dma_wait3A_188 : memref<1x100xi32, #tpu.memory_space<vmem>> -> memref<100xi32, #tpu.memory_space<vmem>>
      %dma_wait3A_190 = arith.constant 0 : i32
      %dma_wait3A_191 = arith.constant 0 : i32
      %dma_wait3A_192 = tpu.memref_slice %arg10[%dma_wait3A_190, %dma_wait3A_191] : memref<10240x128xf32, #tpu.memory_space<vmem_shared>> -> memref<10240x128xf32, #tpu.memory_space<vmem_shared>>
      %dma_wait3A_193 = tpu.memref_slice %arg12[%dma_wait3A_182] : memref<3x!tpu.dma_semaphore, #tpu.memory_space<semaphore_mem>> -> memref<1x!tpu.dma_semaphore, #tpu.memory_space<semaphore_mem>>
      %dma_wait3A_194 = tpu.memref_squeeze %dma_wait3A_193 : memref<1x!tpu.dma_semaphore, #tpu.memory_space<semaphore_mem>> -> memref<!tpu.dma_semaphore, #tpu.memory_space<semaphore_mem>>
      tpu.wait_indirect_dma semaphore(%dma_wait3A_194 : memref<!tpu.dma_semaphore, #tpu.memory_space<semaphore_mem>>) src(%dma_wait3A_186 : memref<100x128xf32, #tpu.memory_space<vmem>>) dst(%dma_wait3A_192 : memref<10240x128xf32, #tpu.memory_space<vmem_shared>>)
      %dma_wait3A_195 = arith.constant 0 : i32
      %dma_wait3A_196 = arith.constant 0 : i32
      %dma_wait3A_197 = arith.constant 0 : i32
      %dma_wait3A_198 = arith.constant 0 : i32
      %dma_wait3A_199 = arith.constant 0 : i32
      %dma_wait3A_200 = tpu.memref_slice %arg9[%dma_wait3A_195, %dma_wait3A_198, %dma_wait3A_199] : memref<3x100x128xf32, #tpu.memory_space<vmem>> -> memref<1x100x128xf32, #tpu.memory_space<vmem>>
      %dma_wait3A_201 = tpu.memref_squeeze %dma_wait3A_200 : memref<1x100x128xf32, #tpu.memory_space<vmem>> -> memref<100x128xf32, #tpu.memory_space<vmem>>
      %dma_wait3A_202 = arith.constant 0 : i32
      %dma_wait3A_203 = tpu.memref_slice %arg8[%dma_wait3A_196, %dma_wait3A_202] : memref<20x100xi32, #tpu.memory_space<vmem>> -> memref<1x100xi32, #tpu.memory_space<vmem>>
      %dma_wait3A_204 = tpu.memref_squeeze %dma_wait3A_203 : memref<1x100xi32, #tpu.memory_space<vmem>> -> memref<100xi32, #tpu.memory_space<vmem>>
      %dma_wait3A_205 = arith.constant 0 : i32
      %dma_wait3A_206 = arith.constant 0 : i32
      %dma_wait3A_207 = tpu.memref_slice %arg10[%dma_wait3A_205, %dma_wait3A_206] : memref<10240x128xf32, #tpu.memory_space<vmem_shared>> -> memref<10240x128xf32, #tpu.memory_space<vmem_shared>>
      %dma_wait3A_208 = tpu.memref_slice %arg12[%dma_wait3A_197] : memref<3x!tpu.dma_semaphore, #tpu.memory_space<semaphore_mem>> -> memref<1x!tpu.dma_semaphore, #tpu.memory_space<semaphore_mem>>
      %dma_wait3A_209 = tpu.memref_squeeze %dma_wait3A_208 : memref<1x!tpu.dma_semaphore, #tpu.memory_space<semaphore_mem>> -> memref<!tpu.dma_semaphore, #tpu.memory_space<semaphore_mem>>
      tpu.wait_indirect_dma semaphore(%dma_wait3A_209 : memref<!tpu.dma_semaphore, #tpu.memory_space<semaphore_mem>>) src(%dma_wait3A_201 : memref<100x128xf32, #tpu.memory_space<vmem>>) dst(%dma_wait3A_207 : memref<10240x128xf32, #tpu.memory_space<vmem_shared>>)
      %dma_wait3A_210 = arith.constant 1 : i32
      %dma_wait3A_211 = arith.constant 0 : i32
      %dma_wait3A_212 = arith.constant 1 : i32
      %dma_wait3A_213 = arith.constant 0 : i32
      %dma_wait3A_214 = arith.constant 0 : i32
      %dma_wait3A_215 = tpu.memref_slice %arg9[%dma_wait3A_210, %dma_wait3A_213, %dma_wait3A_214] : memref<3x100x128xf32, #tpu.memory_space<vmem>> -> memref<1x100x128xf32, #tpu.memory_space<vmem>>
      %dma_wait3A_216 = tpu.memref_squeeze %dma_wait3A_215 : memref<1x100x128xf32, #tpu.memory_space<vmem>> -> memref<100x128xf32, #tpu.memory_space<vmem>>
      %dma_wait3A_217 = arith.constant 0 : i32
      %dma_wait3A_218 = tpu.memref_slice %arg8[%dma_wait3A_211, %dma_wait3A_217] : memref<20x100xi32, #tpu.memory_space<vmem>> -> memref<1x100xi32, #tpu.memory_space<vmem>>
      %dma_wait3A_219 = tpu.memref_squeeze %dma_wait3A_218 : memref<1x100xi32, #tpu.memory_space<vmem>> -> memref<100xi32, #tpu.memory_space<vmem>>
      %dma_wait3A_220 = arith.constant 0 : i32
      %dma_wait3A_221 = arith.constant 0 : i32
      %dma_wait3A_222 = tpu.memref_slice %arg10[%dma_wait3A_220, %dma_wait3A_221] : memref<10240x128xf32, #tpu.memory_space<vmem_shared>> -> memref<10240x128xf32, #tpu.memory_space<vmem_shared>>
      %dma_wait3A_223 = tpu.memref_slice %arg12[%dma_wait3A_212] : memref<3x!tpu.dma_semaphore, #tpu.memory_space<semaphore_mem>> -> memref<1x!tpu.dma_semaphore, #tpu.memory_space<semaphore_mem>>
      %dma_wait3A_224 = tpu.memref_squeeze %dma_wait3A_223 : memref<1x!tpu.dma_semaphore, #tpu.memory_space<semaphore_mem>> -> memref<!tpu.dma_semaphore, #tpu.memory_space<semaphore_mem>>
      tpu.wait_indirect_dma semaphore(%dma_wait3A_224 : memref<!tpu.dma_semaphore, #tpu.memory_space<semaphore_mem>>) src(%dma_wait3A_216 : memref<100x128xf32, #tpu.memory_space<vmem>>) dst(%dma_wait3A_222 : memref<10240x128xf32, #tpu.memory_space<vmem_shared>>)
      %scan3A_225 = arith.constant 0 : i32
      scf.yield %scan3A_225 : i32
    }
    %scan3A_46 = arith.constant 5 : i32
    %barrier3A_47 = arith.constant 0 : index
    tpu.barrier barrier_id(%barrier3A_47)
    %mul3A_48 = arith.constant 640 : i32
    %mul3A_49 = arith.muli %arg1, %mul3A_48 : i32
    %add3A_50 = arith.constant 0 : i32
    %add3A_51 = arith.addi %mul3A_49, %add3A_50 : i32
    %run_scoped3A_52 = arith.constant 0 : i32
    "tpu.region"() ({
      %run_scoped3A_128 = tpu.sem_alloc : memref<!tpu.dma_semaphore, #tpu.memory_space<semaphore_mem>>
      %dma_start3A = arith.constant 0 : i32
      %dma_start3A_129 = arith.constant 0 : i32
      %dma_start3A_130 = tpu.memref_slice %arg9[%run_scoped3A_52, %dma_start3A, %dma_start3A_129] : memref<3x100x128xf32, #tpu.memory_space<vmem>> -> memref<1x80x128xf32, #tpu.memory_space<vmem>>
      %dma_start3A_131 = tpu.memref_squeeze %dma_start3A_130 : memref<1x80x128xf32, #tpu.memory_space<vmem>> -> memref<80x128xf32, #tpu.memory_space<vmem>>
      %dma_start3A_132 = arith.constant 0 : i32
      %dma_start3A_133 = tpu.memref_slice %arg10[%add3A_51, %dma_start3A_132] : memref<10240x128xf32, #tpu.memory_space<vmem_shared>> -> memref<80x128xf32, #tpu.memory_space<vmem_shared>>
      %dma_start3A_134 = arith.constant 0 : i32
      %dma_start3A_135 = arith.constant 0 : i32
      %dma_start3A_136 = tpu.memref_slice %arg9[%run_scoped3A_52, %dma_start3A_134, %dma_start3A_135] : memref<3x100x128xf32, #tpu.memory_space<vmem>> -> memref<1x80x128xf32, #tpu.memory_space<vmem>>
      %dma_start3A_137 = tpu.memref_squeeze %dma_start3A_136 : memref<1x80x128xf32, #tpu.memory_space<vmem>> -> memref<80x128xf32, #tpu.memory_space<vmem>>
      %dma_start3A_138 = arith.constant 0 : i32
      %dma_start3A_139 = tpu.memref_slice %arg10[%add3A_51, %dma_start3A_138] : memref<10240x128xf32, #tpu.memory_space<vmem_shared>> -> memref<80x128xf32, #tpu.memory_space<vmem_shared>>
      tpu.enqueue_dma source(%dma_start3A_139 : memref<80x128xf32, #tpu.memory_space<vmem_shared>>) target(%dma_start3A_137 : memref<80x128xf32, #tpu.memory_space<vmem>>) target_semaphore(%run_scoped3A_128 : memref<!tpu.dma_semaphore, #tpu.memory_space<semaphore_mem>>)
      %dma_wait3A = arith.constant 0 : i32
      %dma_wait3A_140 = arith.constant 0 : i32
      %dma_wait3A_141 = tpu.memref_slice %arg9[%run_scoped3A_52, %dma_wait3A, %dma_wait3A_140] : memref<3x100x128xf32, #tpu.memory_space<vmem>> -> memref<1x80x128xf32, #tpu.memory_space<vmem>>
      %dma_wait3A_142 = tpu.memref_squeeze %dma_wait3A_141 : memref<1x80x128xf32, #tpu.memory_space<vmem>> -> memref<80x128xf32, #tpu.memory_space<vmem>>
      %dma_wait3A_143 = arith.constant 0 : i32
      %dma_wait3A_144 = tpu.memref_slice %arg10[%add3A_51, %dma_wait3A_143] : memref<10240x128xf32, #tpu.memory_space<vmem_shared>> -> memref<80x128xf32, #tpu.memory_space<vmem_shared>>
      %dma_wait3A_145 = arith.constant 0 : i32
      %dma_wait3A_146 = arith.constant 0 : i32
      %dma_wait3A_147 = tpu.memref_slice %arg9[%run_scoped3A_52, %dma_wait3A_145, %dma_wait3A_146] : memref<3x100x128xf32, #tpu.memory_space<vmem>> -> memref<1x80x128xf32, #tpu.memory_space<vmem>>
      %dma_wait3A_148 = tpu.memref_squeeze %dma_wait3A_147 : memref<1x80x128xf32, #tpu.memory_space<vmem>> -> memref<80x128xf32, #tpu.memory_space<vmem>>
      %dma_wait3A_149 = arith.constant 0 : i32
      %dma_wait3A_150 = tpu.memref_slice %arg10[%add3A_51, %dma_wait3A_149] : memref<10240x128xf32, #tpu.memory_space<vmem_shared>> -> memref<80x128xf32, #tpu.memory_space<vmem_shared>>
      tpu.wait_dma2 semaphore(%run_scoped3A_128 : memref<!tpu.dma_semaphore, #tpu.memory_space<semaphore_mem>>) src(%dma_wait3A_150 : memref<80x128xf32, #tpu.memory_space<vmem_shared>>) dst(%dma_wait3A_148 : memref<80x128xf32, #tpu.memory_space<vmem>>)
      tpu.yield
    }) : () -> ()
    %mul3A_53 = arith.constant 640 : i32
    %mul3A_54 = arith.muli %arg1, %mul3A_53 : i32
    %add3A_55 = arith.constant 0 : i32
    %add3A_56 = arith.addi %mul3A_54, %add3A_55 : i32
    %run_scoped3A_57 = arith.constant 0 : i32
    "tpu.region"() ({
      %run_scoped3A_128 = tpu.sem_alloc : memref<!tpu.dma_semaphore, #tpu.memory_space<semaphore_mem>>
      %dma_start3A = arith.constant 0 : i32
      %dma_start3A_129 = arith.constant 0 : i32
      %dma_start3A_130 = tpu.memref_slice %arg9[%run_scoped3A_57, %dma_start3A, %dma_start3A_129] : memref<3x100x128xf32, #tpu.memory_space<vmem>> -> memref<1x80x128xf32, #tpu.memory_space<vmem>>
      %dma_start3A_131 = tpu.memref_squeeze %dma_start3A_130 : memref<1x80x128xf32, #tpu.memory_space<vmem>> -> memref<80x128xf32, #tpu.memory_space<vmem>>
      %dma_start3A_132 = arith.constant 0 : i32
      %dma_start3A_133 = tpu.memref_slice %arg6[%arg0, %add3A_56, %dma_start3A_132] : memref<2x10240x128xf32, #tpu.memory_space<hbm>> -> memref<1x80x128xf32, #tpu.memory_space<hbm>>
      %dma_start3A_134 = tpu.memref_squeeze %dma_start3A_133 : memref<1x80x128xf32, #tpu.memory_space<hbm>> -> memref<80x128xf32, #tpu.memory_space<hbm>>
      %dma_start3A_135 = arith.constant 0 : i32
      %dma_start3A_136 = tpu.memref_slice %arg6[%arg0, %add3A_56, %dma_start3A_135] : memref<2x10240x128xf32, #tpu.memory_space<hbm>> -> memref<1x80x128xf32, #tpu.memory_space<hbm>>
      %dma_start3A_137 = tpu.memref_squeeze %dma_start3A_136 : memref<1x80x128xf32, #tpu.memory_space<hbm>> -> memref<80x128xf32, #tpu.memory_space<hbm>>
      %dma_start3A_138 = arith.constant 0 : i32
      %dma_start3A_139 = arith.constant 0 : i32
      %dma_start3A_140 = tpu.memref_slice %arg9[%run_scoped3A_57, %dma_start3A_138, %dma_start3A_139] : memref<3x100x128xf32, #tpu.memory_space<vmem>> -> memref<1x80x128xf32, #tpu.memory_space<vmem>>
      %dma_start3A_141 = tpu.memref_squeeze %dma_start3A_140 : memref<1x80x128xf32, #tpu.memory_space<vmem>> -> memref<80x128xf32, #tpu.memory_space<vmem>>
      tpu.enqueue_dma source(%dma_start3A_141 : memref<80x128xf32, #tpu.memory_space<vmem>>) target(%dma_start3A_137 : memref<80x128xf32, #tpu.memory_space<hbm>>) target_semaphore(%run_scoped3A_128 : memref<!tpu.dma_semaphore, #tpu.memory_space<semaphore_mem>>)
      %dma_wait3A = arith.constant 0 : i32
      %dma_wait3A_142 = arith.constant 0 : i32
      %dma_wait3A_143 = tpu.memref_slice %arg9[%run_scoped3A_57, %dma_wait3A, %dma_wait3A_142] : memref<3x100x128xf32, #tpu.memory_space<vmem>> -> memref<1x80x128xf32, #tpu.memory_space<vmem>>
      %dma_wait3A_144 = tpu.memref_squeeze %dma_wait3A_143 : memref<1x80x128xf32, #tpu.memory_space<vmem>> -> memref<80x128xf32, #tpu.memory_space<vmem>>
      %dma_wait3A_145 = arith.constant 0 : i32
      %dma_wait3A_146 = tpu.memref_slice %arg6[%arg0, %add3A_56, %dma_wait3A_145] : memref<2x10240x128xf32, #tpu.memory_space<hbm>> -> memref<1x80x128xf32, #tpu.memory_space<hbm>>
      %dma_wait3A_147 = tpu.memref_squeeze %dma_wait3A_146 : memref<1x80x128xf32, #tpu.memory_space<hbm>> -> memref<80x128xf32, #tpu.memory_space<hbm>>
      %dma_wait3A_148 = arith.constant 0 : i32
      %dma_wait3A_149 = tpu.memref_slice %arg6[%arg0, %add3A_56, %dma_wait3A_148] : memref<2x10240x128xf32, #tpu.memory_space<hbm>> -> memref<1x80x128xf32, #tpu.memory_space<hbm>>
      %dma_wait3A_150 = tpu.memref_squeeze %dma_wait3A_149 : memref<1x80x128xf32, #tpu.memory_space<hbm>> -> memref<80x128xf32, #tpu.memory_space<hbm>>
      %dma_wait3A_151 = arith.constant 0 : i32
      %dma_wait3A_152 = arith.constant 0 : i32
      %dma_wait3A_153 = tpu.memref_slice %arg9[%run_scoped3A_57, %dma_wait3A_151, %dma_wait3A_152] : memref<3x100x128xf32, #tpu.memory_space<vmem>> -> memref<1x80x128xf32, #tpu.memory_space<vmem>>
      %dma_wait3A_154 = tpu.memref_squeeze %dma_wait3A_153 : memref<1x80x128xf32, #tpu.memory_space<vmem>> -> memref<80x128xf32, #tpu.memory_space<vmem>>
      tpu.wait_dma2 semaphore(%run_scoped3A_128 : memref<!tpu.dma_semaphore, #tpu.memory_space<semaphore_mem>>) src(%dma_wait3A_154 : memref<80x128xf32, #tpu.memory_space<vmem>>) dst(%dma_wait3A_150 : memref<80x128xf32, #tpu.memory_space<hbm>>)
      tpu.yield
    }) : () -> ()
    %mul3A_58 = arith.constant 640 : i32
    %mul3A_59 = arith.muli %arg1, %mul3A_58 : i32
    %add3A_60 = arith.constant 80 : i32
    %add3A_61 = arith.addi %mul3A_59, %add3A_60 : i32
    %run_scoped3A_62 = arith.constant 0 : i32
    "tpu.region"() ({
      %run_scoped3A_128 = tpu.sem_alloc : memref<!tpu.dma_semaphore, #tpu.memory_space<semaphore_mem>>
      %dma_start3A = arith.constant 0 : i32
      %dma_start3A_129 = arith.constant 0 : i32
      %dma_start3A_130 = tpu.memref_slice %arg9[%run_scoped3A_62, %dma_start3A, %dma_start3A_129] : memref<3x100x128xf32, #tpu.memory_space<vmem>> -> memref<1x80x128xf32, #tpu.memory_space<vmem>>
      %dma_start3A_131 = tpu.memref_squeeze %dma_start3A_130 : memref<1x80x128xf32, #tpu.memory_space<vmem>> -> memref<80x128xf32, #tpu.memory_space<vmem>>
      %dma_start3A_132 = arith.constant 0 : i32
      %dma_start3A_133 = tpu.memref_slice %arg10[%add3A_61, %dma_start3A_132] : memref<10240x128xf32, #tpu.memory_space<vmem_shared>> -> memref<80x128xf32, #tpu.memory_space<vmem_shared>>
      %dma_start3A_134 = arith.constant 0 : i32
      %dma_start3A_135 = arith.constant 0 : i32
      %dma_start3A_136 = tpu.memref_slice %arg9[%run_scoped3A_62, %dma_start3A_134, %dma_start3A_135] : memref<3x100x128xf32, #tpu.memory_space<vmem>> -> memref<1x80x128xf32, #tpu.memory_space<vmem>>
      %dma_start3A_137 = tpu.memref_squeeze %dma_start3A_136 : memref<1x80x128xf32, #tpu.memory_space<vmem>> -> memref<80x128xf32, #tpu.memory_space<vmem>>
      %dma_start3A_138 = arith.constant 0 : i32
      %dma_start3A_139 = tpu.memref_slice %arg10[%add3A_61, %dma_start3A_138] : memref<10240x128xf32, #tpu.memory_space<vmem_shared>> -> memref<80x128xf32, #tpu.memory_space<vmem_shared>>
      tpu.enqueue_dma source(%dma_start3A_139 : memref<80x128xf32, #tpu.memory_space<vmem_shared>>) target(%dma_start3A_137 : memref<80x128xf32, #tpu.memory_space<vmem>>) target_semaphore(%run_scoped3A_128 : memref<!tpu.dma_semaphore, #tpu.memory_space<semaphore_mem>>)
      %dma_wait3A = arith.constant 0 : i32
      %dma_wait3A_140 = arith.constant 0 : i32
      %dma_wait3A_141 = tpu.memref_slice %arg9[%run_scoped3A_62, %dma_wait3A, %dma_wait3A_140] : memref<3x100x128xf32, #tpu.memory_space<vmem>> -> memref<1x80x128xf32, #tpu.memory_space<vmem>>
      %dma_wait3A_142 = tpu.memref_squeeze %dma_wait3A_141 : memref<1x80x128xf32, #tpu.memory_space<vmem>> -> memref<80x128xf32, #tpu.memory_space<vmem>>
      %dma_wait3A_143 = arith.constant 0 : i32
      %dma_wait3A_144 = tpu.memref_slice %arg10[%add3A_61, %dma_wait3A_143] : memref<10240x128xf32, #tpu.memory_space<vmem_shared>> -> memref<80x128xf32, #tpu.memory_space<vmem_shared>>
      %dma_wait3A_145 = arith.constant 0 : i32
      %dma_wait3A_146 = arith.constant 0 : i32
      %dma_wait3A_147 = tpu.memref_slice %arg9[%run_scoped3A_62, %dma_wait3A_145, %dma_wait3A_146] : memref<3x100x128xf32, #tpu.memory_space<vmem>> -> memref<1x80x128xf32, #tpu.memory_space<vmem>>
      %dma_wait3A_148 = tpu.memref_squeeze %dma_wait3A_147 : memref<1x80x128xf32, #tpu.memory_space<vmem>> -> memref<80x128xf32, #tpu.memory_space<vmem>>
      %dma_wait3A_149 = arith.constant 0 : i32
      %dma_wait3A_150 = tpu.memref_slice %arg10[%add3A_61, %dma_wait3A_149] : memref<10240x128xf32, #tpu.memory_space<vmem_shared>> -> memref<80x128xf32, #tpu.memory_space<vmem_shared>>
      tpu.wait_dma2 semaphore(%run_scoped3A_128 : memref<!tpu.dma_semaphore, #tpu.memory_space<semaphore_mem>>) src(%dma_wait3A_150 : memref<80x128xf32, #tpu.memory_space<vmem_shared>>) dst(%dma_wait3A_148 : memref<80x128xf32, #tpu.memory_space<vmem>>)
      tpu.yield
    }) : () -> ()
    %mul3A_63 = arith.constant 640 : i32
    %mul3A_64 = arith.muli %arg1, %mul3A_63 : i32
    %add3A_65 = arith.constant 80 : i32
    %add3A_66 = arith.addi %mul3A_64, %add3A_65 : i32
    %run_scoped3A_67 = arith.constant 0 : i32
    "tpu.region"() ({
      %run_scoped3A_128 = tpu.sem_alloc : memref<!tpu.dma_semaphore, #tpu.memory_space<semaphore_mem>>
      %dma_start3A = arith.constant 0 : i32
      %dma_start3A_129 = arith.constant 0 : i32
      %dma_start3A_130 = tpu.memref_slice %arg9[%run_scoped3A_67, %dma_start3A, %dma_start3A_129] : memref<3x100x128xf32, #tpu.memory_space<vmem>> -> memref<1x80x128xf32, #tpu.memory_space<vmem>>
      %dma_start3A_131 = tpu.memref_squeeze %dma_start3A_130 : memref<1x80x128xf32, #tpu.memory_space<vmem>> -> memref<80x128xf32, #tpu.memory_space<vmem>>
      %dma_start3A_132 = arith.constant 0 : i32
      %dma_start3A_133 = tpu.memref_slice %arg6[%arg0, %add3A_66, %dma_start3A_132] : memref<2x10240x128xf32, #tpu.memory_space<hbm>> -> memref<1x80x128xf32, #tpu.memory_space<hbm>>
      %dma_start3A_134 = tpu.memref_squeeze %dma_start3A_133 : memref<1x80x128xf32, #tpu.memory_space<hbm>> -> memref<80x128xf32, #tpu.memory_space<hbm>>
      %dma_start3A_135 = arith.constant 0 : i32
      %dma_start3A_136 = tpu.memref_slice %arg6[%arg0, %add3A_66, %dma_start3A_135] : memref<2x10240x128xf32, #tpu.memory_space<hbm>> -> memref<1x80x128xf32, #tpu.memory_space<hbm>>
      %dma_start3A_137 = tpu.memref_squeeze %dma_start3A_136 : memref<1x80x128xf32, #tpu.memory_space<hbm>> -> memref<80x128xf32, #tpu.memory_space<hbm>>
      %dma_start3A_138 = arith.constant 0 : i32
      %dma_start3A_139 = arith.constant 0 : i32
      %dma_start3A_140 = tpu.memref_slice %arg9[%run_scoped3A_67, %dma_start3A_138, %dma_start3A_139] : memref<3x100x128xf32, #tpu.memory_space<vmem>> -> memref<1x80x128xf32, #tpu.memory_space<vmem>>
      %dma_start3A_141 = tpu.memref_squeeze %dma_start3A_140 : memref<1x80x128xf32, #tpu.memory_space<vmem>> -> memref<80x128xf32, #tpu.memory_space<vmem>>
      tpu.enqueue_dma source(%dma_start3A_141 : memref<80x128xf32, #tpu.memory_space<vmem>>) target(%dma_start3A_137 : memref<80x128xf32, #tpu.memory_space<hbm>>) target_semaphore(%run_scoped3A_128 : memref<!tpu.dma_semaphore, #tpu.memory_space<semaphore_mem>>)
      %dma_wait3A = arith.constant 0 : i32
      %dma_wait3A_142 = arith.constant 0 : i32
      %dma_wait3A_143 = tpu.memref_slice %arg9[%run_scoped3A_67, %dma_wait3A, %dma_wait3A_142] : memref<3x100x128xf32, #tpu.memory_space<vmem>> -> memref<1x80x128xf32, #tpu.memory_space<vmem>>
      %dma_wait3A_144 = tpu.memref_squeeze %dma_wait3A_143 : memref<1x80x128xf32, #tpu.memory_space<vmem>> -> memref<80x128xf32, #tpu.memory_space<vmem>>
      %dma_wait3A_145 = arith.constant 0 : i32
      %dma_wait3A_146 = tpu.memref_slice %arg6[%arg0, %add3A_66, %dma_wait3A_145] : memref<2x10240x128xf32, #tpu.memory_space<hbm>> -> memref<1x80x128xf32, #tpu.memory_space<hbm>>
      %dma_wait3A_147 = tpu.memref_squeeze %dma_wait3A_146 : memref<1x80x128xf32, #tpu.memory_space<hbm>> -> memref<80x128xf32, #tpu.memory_space<hbm>>
      %dma_wait3A_148 = arith.constant 0 : i32
      %dma_wait3A_149 = tpu.memref_slice %arg6[%arg0, %add3A_66, %dma_wait3A_148] : memref<2x10240x128xf32, #tpu.memory_space<hbm>> -> memref<1x80x128xf32, #tpu.memory_space<hbm>>
      %dma_wait3A_150 = tpu.memref_squeeze %dma_wait3A_149 : memref<1x80x128xf32, #tpu.memory_space<hbm>> -> memref<80x128xf32, #tpu.memory_space<hbm>>
      %dma_wait3A_151 = arith.constant 0 : i32
      %dma_wait3A_152 = arith.constant 0 : i32
      %dma_wait3A_153 = tpu.memref_slice %arg9[%run_scoped3A_67, %dma_wait3A_151, %dma_wait3A_152] : memref<3x100x128xf32, #tpu.memory_space<vmem>> -> memref<1x80x128xf32, #tpu.memory_space<vmem>>
      %dma_wait3A_154 = tpu.memref_squeeze %dma_wait3A_153 : memref<1x80x128xf32, #tpu.memory_space<vmem>> -> memref<80x128xf32, #tpu.memory_space<vmem>>
      tpu.wait_dma2 semaphore(%run_scoped3A_128 : memref<!tpu.dma_semaphore, #tpu.memory_space<semaphore_mem>>) src(%dma_wait3A_154 : memref<80x128xf32, #tpu.memory_space<vmem>>) dst(%dma_wait3A_150 : memref<80x128xf32, #tpu.memory_space<hbm>>)
      tpu.yield
    }) : () -> ()
    %mul3A_68 = arith.constant 640 : i32
    %mul3A_69 = arith.muli %arg1, %mul3A_68 : i32
    %add3A_70 = arith.constant 160 : i32
    %add3A_71 = arith.addi %mul3A_69, %add3A_70 : i32
    %run_scoped3A_72 = arith.constant 0 : i32
    "tpu.region"() ({
      %run_scoped3A_128 = tpu.sem_alloc : memref<!tpu.dma_semaphore, #tpu.memory_space<semaphore_mem>>
      %dma_start3A = arith.constant 0 : i32
      %dma_start3A_129 = arith.constant 0 : i32
      %dma_start3A_130 = tpu.memref_slice %arg9[%run_scoped3A_72, %dma_start3A, %dma_start3A_129] : memref<3x100x128xf32, #tpu.memory_space<vmem>> -> memref<1x80x128xf32, #tpu.memory_space<vmem>>
      %dma_start3A_131 = tpu.memref_squeeze %dma_start3A_130 : memref<1x80x128xf32, #tpu.memory_space<vmem>> -> memref<80x128xf32, #tpu.memory_space<vmem>>
      %dma_start3A_132 = arith.constant 0 : i32
      %dma_start3A_133 = tpu.memref_slice %arg10[%add3A_71, %dma_start3A_132] : memref<10240x128xf32, #tpu.memory_space<vmem_shared>> -> memref<80x128xf32, #tpu.memory_space<vmem_shared>>
      %dma_start3A_134 = arith.constant 0 : i32
      %dma_start3A_135 = arith.constant 0 : i32
      %dma_start3A_136 = tpu.memref_slice %arg9[%run_scoped3A_72, %dma_start3A_134, %dma_start3A_135] : memref<3x100x128xf32, #tpu.memory_space<vmem>> -> memref<1x80x128xf32, #tpu.memory_space<vmem>>
      %dma_start3A_137 = tpu.memref_squeeze %dma_start3A_136 : memref<1x80x128xf32, #tpu.memory_space<vmem>> -> memref<80x128xf32, #tpu.memory_space<vmem>>
      %dma_start3A_138 = arith.constant 0 : i32
      %dma_start3A_139 = tpu.memref_slice %arg10[%add3A_71, %dma_start3A_138] : memref<10240x128xf32, #tpu.memory_space<vmem_shared>> -> memref<80x128xf32, #tpu.memory_space<vmem_shared>>
      tpu.enqueue_dma source(%dma_start3A_139 : memref<80x128xf32, #tpu.memory_space<vmem_shared>>) target(%dma_start3A_137 : memref<80x128xf32, #tpu.memory_space<vmem>>) target_semaphore(%run_scoped3A_128 : memref<!tpu.dma_semaphore, #tpu.memory_space<semaphore_mem>>)
      %dma_wait3A = arith.constant 0 : i32
      %dma_wait3A_140 = arith.constant 0 : i32
      %dma_wait3A_141 = tpu.memref_slice %arg9[%run_scoped3A_72, %dma_wait3A, %dma_wait3A_140] : memref<3x100x128xf32, #tpu.memory_space<vmem>> -> memref<1x80x128xf32, #tpu.memory_space<vmem>>
      %dma_wait3A_142 = tpu.memref_squeeze %dma_wait3A_141 : memref<1x80x128xf32, #tpu.memory_space<vmem>> -> memref<80x128xf32, #tpu.memory_space<vmem>>
      %dma_wait3A_143 = arith.constant 0 : i32
      %dma_wait3A_144 = tpu.memref_slice %arg10[%add3A_71, %dma_wait3A_143] : memref<10240x128xf32, #tpu.memory_space<vmem_shared>> -> memref<80x128xf32, #tpu.memory_space<vmem_shared>>
      %dma_wait3A_145 = arith.constant 0 : i32
      %dma_wait3A_146 = arith.constant 0 : i32
      %dma_wait3A_147 = tpu.memref_slice %arg9[%run_scoped3A_72, %dma_wait3A_145, %dma_wait3A_146] : memref<3x100x128xf32, #tpu.memory_space<vmem>> -> memref<1x80x128xf32, #tpu.memory_space<vmem>>
      %dma_wait3A_148 = tpu.memref_squeeze %dma_wait3A_147 : memref<1x80x128xf32, #tpu.memory_space<vmem>> -> memref<80x128xf32, #tpu.memory_space<vmem>>
      %dma_wait3A_149 = arith.constant 0 : i32
      %dma_wait3A_150 = tpu.memref_slice %arg10[%add3A_71, %dma_wait3A_149] : memref<10240x128xf32, #tpu.memory_space<vmem_shared>> -> memref<80x128xf32, #tpu.memory_space<vmem_shared>>
      tpu.wait_dma2 semaphore(%run_scoped3A_128 : memref<!tpu.dma_semaphore, #tpu.memory_space<semaphore_mem>>) src(%dma_wait3A_150 : memref<80x128xf32, #tpu.memory_space<vmem_shared>>) dst(%dma_wait3A_148 : memref<80x128xf32, #tpu.memory_space<vmem>>)
      tpu.yield
    }) : () -> ()
    %mul3A_73 = arith.constant 640 : i32
    %mul3A_74 = arith.muli %arg1, %mul3A_73 : i32
    %add3A_75 = arith.constant 160 : i32
    %add3A_76 = arith.addi %mul3A_74, %add3A_75 : i32
    %run_scoped3A_77 = arith.constant 0 : i32
    "tpu.region"() ({
      %run_scoped3A_128 = tpu.sem_alloc : memref<!tpu.dma_semaphore, #tpu.memory_space<semaphore_mem>>
      %dma_start3A = arith.constant 0 : i32
      %dma_start3A_129 = arith.constant 0 : i32
      %dma_start3A_130 = tpu.memref_slice %arg9[%run_scoped3A_77, %dma_start3A, %dma_start3A_129] : memref<3x100x128xf32, #tpu.memory_space<vmem>> -> memref<1x80x128xf32, #tpu.memory_space<vmem>>
      %dma_start3A_131 = tpu.memref_squeeze %dma_start3A_130 : memref<1x80x128xf32, #tpu.memory_space<vmem>> -> memref<80x128xf32, #tpu.memory_space<vmem>>
      %dma_start3A_132 = arith.constant 0 : i32
      %dma_start3A_133 = tpu.memref_slice %arg6[%arg0, %add3A_76, %dma_start3A_132] : memref<2x10240x128xf32, #tpu.memory_space<hbm>> -> memref<1x80x128xf32, #tpu.memory_space<hbm>>
      %dma_start3A_134 = tpu.memref_squeeze %dma_start3A_133 : memref<1x80x128xf32, #tpu.memory_space<hbm>> -> memref<80x128xf32, #tpu.memory_space<hbm>>
      %dma_start3A_135 = arith.constant 0 : i32
      %dma_start3A_136 = tpu.memref_slice %arg6[%arg0, %add3A_76, %dma_start3A_135] : memref<2x10240x128xf32, #tpu.memory_space<hbm>> -> memref<1x80x128xf32, #tpu.memory_space<hbm>>
      %dma_start3A_137 = tpu.memref_squeeze %dma_start3A_136 : memref<1x80x128xf32, #tpu.memory_space<hbm>> -> memref<80x128xf32, #tpu.memory_space<hbm>>
      %dma_start3A_138 = arith.constant 0 : i32
      %dma_start3A_139 = arith.constant 0 : i32
      %dma_start3A_140 = tpu.memref_slice %arg9[%run_scoped3A_77, %dma_start3A_138, %dma_start3A_139] : memref<3x100x128xf32, #tpu.memory_space<vmem>> -> memref<1x80x128xf32, #tpu.memory_space<vmem>>
      %dma_start3A_141 = tpu.memref_squeeze %dma_start3A_140 : memref<1x80x128xf32, #tpu.memory_space<vmem>> -> memref<80x128xf32, #tpu.memory_space<vmem>>
      tpu.enqueue_dma source(%dma_start3A_141 : memref<80x128xf32, #tpu.memory_space<vmem>>) target(%dma_start3A_137 : memref<80x128xf32, #tpu.memory_space<hbm>>) target_semaphore(%run_scoped3A_128 : memref<!tpu.dma_semaphore, #tpu.memory_space<semaphore_mem>>)
      %dma_wait3A = arith.constant 0 : i32
      %dma_wait3A_142 = arith.constant 0 : i32
      %dma_wait3A_143 = tpu.memref_slice %arg9[%run_scoped3A_77, %dma_wait3A, %dma_wait3A_142] : memref<3x100x128xf32, #tpu.memory_space<vmem>> -> memref<1x80x128xf32, #tpu.memory_space<vmem>>
      %dma_wait3A_144 = tpu.memref_squeeze %dma_wait3A_143 : memref<1x80x128xf32, #tpu.memory_space<vmem>> -> memref<80x128xf32, #tpu.memory_space<vmem>>
      %dma_wait3A_145 = arith.constant 0 : i32
      %dma_wait3A_146 = tpu.memref_slice %arg6[%arg0, %add3A_76, %dma_wait3A_145] : memref<2x10240x128xf32, #tpu.memory_space<hbm>> -> memref<1x80x128xf32, #tpu.memory_space<hbm>>
      %dma_wait3A_147 = tpu.memref_squeeze %dma_wait3A_146 : memref<1x80x128xf32, #tpu.memory_space<hbm>> -> memref<80x128xf32, #tpu.memory_space<hbm>>
      %dma_wait3A_148 = arith.constant 0 : i32
      %dma_wait3A_149 = tpu.memref_slice %arg6[%arg0, %add3A_76, %dma_wait3A_148] : memref<2x10240x128xf32, #tpu.memory_space<hbm>> -> memref<1x80x128xf32, #tpu.memory_space<hbm>>
      %dma_wait3A_150 = tpu.memref_squeeze %dma_wait3A_149 : memref<1x80x128xf32, #tpu.memory_space<hbm>> -> memref<80x128xf32, #tpu.memory_space<hbm>>
      %dma_wait3A_151 = arith.constant 0 : i32
      %dma_wait3A_152 = arith.constant 0 : i32
      %dma_wait3A_153 = tpu.memref_slice %arg9[%run_scoped3A_77, %dma_wait3A_151, %dma_wait3A_152] : memref<3x100x128xf32, #tpu.memory_space<vmem>> -> memref<1x80x128xf32, #tpu.memory_space<vmem>>
      %dma_wait3A_154 = tpu.memref_squeeze %dma_wait3A_153 : memref<1x80x128xf32, #tpu.memory_space<vmem>> -> memref<80x128xf32, #tpu.memory_space<vmem>>
      tpu.wait_dma2 semaphore(%run_scoped3A_128 : memref<!tpu.dma_semaphore, #tpu.memory_space<semaphore_mem>>) src(%dma_wait3A_154 : memref<80x128xf32, #tpu.memory_space<vmem>>) dst(%dma_wait3A_150 : memref<80x128xf32, #tpu.memory_space<hbm>>)
      tpu.yield
    }) : () -> ()
    %mul3A_78 = arith.constant 640 : i32
    %mul3A_79 = arith.muli %arg1, %mul3A_78 : i32
    %add3A_80 = arith.constant 240 : i32
    %add3A_81 = arith.addi %mul3A_79, %add3A_80 : i32
    %run_scoped3A_82 = arith.constant 0 : i32
    "tpu.region"() ({
      %run_scoped3A_128 = tpu.sem_alloc : memref<!tpu.dma_semaphore, #tpu.memory_space<semaphore_mem>>
      %dma_start3A = arith.constant 0 : i32
      %dma_start3A_129 = arith.constant 0 : i32
      %dma_start3A_130 = tpu.memref_slice %arg9[%run_scoped3A_82, %dma_start3A, %dma_start3A_129] : memref<3x100x128xf32, #tpu.memory_space<vmem>> -> memref<1x80x128xf32, #tpu.memory_space<vmem>>
      %dma_start3A_131 = tpu.memref_squeeze %dma_start3A_130 : memref<1x80x128xf32, #tpu.memory_space<vmem>> -> memref<80x128xf32, #tpu.memory_space<vmem>>
      %dma_start3A_132 = arith.constant 0 : i32
      %dma_start3A_133 = tpu.memref_slice %arg10[%add3A_81, %dma_start3A_132] : memref<10240x128xf32, #tpu.memory_space<vmem_shared>> -> memref<80x128xf32, #tpu.memory_space<vmem_shared>>
      %dma_start3A_134 = arith.constant 0 : i32
      %dma_start3A_135 = arith.constant 0 : i32
      %dma_start3A_136 = tpu.memref_slice %arg9[%run_scoped3A_82, %dma_start3A_134, %dma_start3A_135] : memref<3x100x128xf32, #tpu.memory_space<vmem>> -> memref<1x80x128xf32, #tpu.memory_space<vmem>>
      %dma_start3A_137 = tpu.memref_squeeze %dma_start3A_136 : memref<1x80x128xf32, #tpu.memory_space<vmem>> -> memref<80x128xf32, #tpu.memory_space<vmem>>
      %dma_start3A_138 = arith.constant 0 : i32
      %dma_start3A_139 = tpu.memref_slice %arg10[%add3A_81, %dma_start3A_138] : memref<10240x128xf32, #tpu.memory_space<vmem_shared>> -> memref<80x128xf32, #tpu.memory_space<vmem_shared>>
      tpu.enqueue_dma source(%dma_start3A_139 : memref<80x128xf32, #tpu.memory_space<vmem_shared>>) target(%dma_start3A_137 : memref<80x128xf32, #tpu.memory_space<vmem>>) target_semaphore(%run_scoped3A_128 : memref<!tpu.dma_semaphore, #tpu.memory_space<semaphore_mem>>)
      %dma_wait3A = arith.constant 0 : i32
      %dma_wait3A_140 = arith.constant 0 : i32
      %dma_wait3A_141 = tpu.memref_slice %arg9[%run_scoped3A_82, %dma_wait3A, %dma_wait3A_140] : memref<3x100x128xf32, #tpu.memory_space<vmem>> -> memref<1x80x128xf32, #tpu.memory_space<vmem>>
      %dma_wait3A_142 = tpu.memref_squeeze %dma_wait3A_141 : memref<1x80x128xf32, #tpu.memory_space<vmem>> -> memref<80x128xf32, #tpu.memory_space<vmem>>
      %dma_wait3A_143 = arith.constant 0 : i32
      %dma_wait3A_144 = tpu.memref_slice %arg10[%add3A_81, %dma_wait3A_143] : memref<10240x128xf32, #tpu.memory_space<vmem_shared>> -> memref<80x128xf32, #tpu.memory_space<vmem_shared>>
      %dma_wait3A_145 = arith.constant 0 : i32
      %dma_wait3A_146 = arith.constant 0 : i32
      %dma_wait3A_147 = tpu.memref_slice %arg9[%run_scoped3A_82, %dma_wait3A_145, %dma_wait3A_146] : memref<3x100x128xf32, #tpu.memory_space<vmem>> -> memref<1x80x128xf32, #tpu.memory_space<vmem>>
      %dma_wait3A_148 = tpu.memref_squeeze %dma_wait3A_147 : memref<1x80x128xf32, #tpu.memory_space<vmem>> -> memref<80x128xf32, #tpu.memory_space<vmem>>
      %dma_wait3A_149 = arith.constant 0 : i32
      %dma_wait3A_150 = tpu.memref_slice %arg10[%add3A_81, %dma_wait3A_149] : memref<10240x128xf32, #tpu.memory_space<vmem_shared>> -> memref<80x128xf32, #tpu.memory_space<vmem_shared>>
      tpu.wait_dma2 semaphore(%run_scoped3A_128 : memref<!tpu.dma_semaphore, #tpu.memory_space<semaphore_mem>>) src(%dma_wait3A_150 : memref<80x128xf32, #tpu.memory_space<vmem_shared>>) dst(%dma_wait3A_148 : memref<80x128xf32, #tpu.memory_space<vmem>>)
      tpu.yield
    }) : () -> ()
    %mul3A_83 = arith.constant 640 : i32
    %mul3A_84 = arith.muli %arg1, %mul3A_83 : i32
    %add3A_85 = arith.constant 240 : i32
    %add3A_86 = arith.addi %mul3A_84, %add3A_85 : i32
    %run_scoped3A_87 = arith.constant 0 : i32
    "tpu.region"() ({
      %run_scoped3A_128 = tpu.sem_alloc : memref<!tpu.dma_semaphore, #tpu.memory_space<semaphore_mem>>
      %dma_start3A = arith.constant 0 : i32
      %dma_start3A_129 = arith.constant 0 : i32
      %dma_start3A_130 = tpu.memref_slice %arg9[%run_scoped3A_87, %dma_start3A, %dma_start3A_129] : memref<3x100x128xf32, #tpu.memory_space<vmem>> -> memref<1x80x128xf32, #tpu.memory_space<vmem>>
      %dma_start3A_131 = tpu.memref_squeeze %dma_start3A_130 : memref<1x80x128xf32, #tpu.memory_space<vmem>> -> memref<80x128xf32, #tpu.memory_space<vmem>>
      %dma_start3A_132 = arith.constant 0 : i32
      %dma_start3A_133 = tpu.memref_slice %arg6[%arg0, %add3A_86, %dma_start3A_132] : memref<2x10240x128xf32, #tpu.memory_space<hbm>> -> memref<1x80x128xf32, #tpu.memory_space<hbm>>
      %dma_start3A_134 = tpu.memref_squeeze %dma_start3A_133 : memref<1x80x128xf32, #tpu.memory_space<hbm>> -> memref<80x128xf32, #tpu.memory_space<hbm>>
      %dma_start3A_135 = arith.constant 0 : i32
      %dma_start3A_136 = tpu.memref_slice %arg6[%arg0, %add3A_86, %dma_start3A_135] : memref<2x10240x128xf32, #tpu.memory_space<hbm>> -> memref<1x80x128xf32, #tpu.memory_space<hbm>>
      %dma_start3A_137 = tpu.memref_squeeze %dma_start3A_136 : memref<1x80x128xf32, #tpu.memory_space<hbm>> -> memref<80x128xf32, #tpu.memory_space<hbm>>
      %dma_start3A_138 = arith.constant 0 : i32
      %dma_start3A_139 = arith.constant 0 : i32
      %dma_start3A_140 = tpu.memref_slice %arg9[%run_scoped3A_87, %dma_start3A_138, %dma_start3A_139] : memref<3x100x128xf32, #tpu.memory_space<vmem>> -> memref<1x80x128xf32, #tpu.memory_space<vmem>>
      %dma_start3A_141 = tpu.memref_squeeze %dma_start3A_140 : memref<1x80x128xf32, #tpu.memory_space<vmem>> -> memref<80x128xf32, #tpu.memory_space<vmem>>
      tpu.enqueue_dma source(%dma_start3A_141 : memref<80x128xf32, #tpu.memory_space<vmem>>) target(%dma_start3A_137 : memref<80x128xf32, #tpu.memory_space<hbm>>) target_semaphore(%run_scoped3A_128 : memref<!tpu.dma_semaphore, #tpu.memory_space<semaphore_mem>>)
      %dma_wait3A = arith.constant 0 : i32
      %dma_wait3A_142 = arith.constant 0 : i32
      %dma_wait3A_143 = tpu.memref_slice %arg9[%run_scoped3A_87, %dma_wait3A, %dma_wait3A_142] : memref<3x100x128xf32, #tpu.memory_space<vmem>> -> memref<1x80x128xf32, #tpu.memory_space<vmem>>
      %dma_wait3A_144 = tpu.memref_squeeze %dma_wait3A_143 : memref<1x80x128xf32, #tpu.memory_space<vmem>> -> memref<80x128xf32, #tpu.memory_space<vmem>>
      %dma_wait3A_145 = arith.constant 0 : i32
      %dma_wait3A_146 = tpu.memref_slice %arg6[%arg0, %add3A_86, %dma_wait3A_145] : memref<2x10240x128xf32, #tpu.memory_space<hbm>> -> memref<1x80x128xf32, #tpu.memory_space<hbm>>
      %dma_wait3A_147 = tpu.memref_squeeze %dma_wait3A_146 : memref<1x80x128xf32, #tpu.memory_space<hbm>> -> memref<80x128xf32, #tpu.memory_space<hbm>>
      %dma_wait3A_148 = arith.constant 0 : i32
      %dma_wait3A_149 = tpu.memref_slice %arg6[%arg0, %add3A_86, %dma_wait3A_148] : memref<2x10240x128xf32, #tpu.memory_space<hbm>> -> memref<1x80x128xf32, #tpu.memory_space<hbm>>
      %dma_wait3A_150 = tpu.memref_squeeze %dma_wait3A_149 : memref<1x80x128xf32, #tpu.memory_space<hbm>> -> memref<80x128xf32, #tpu.memory_space<hbm>>
      %dma_wait3A_151 = arith.constant 0 : i32
      %dma_wait3A_152 = arith.constant 0 : i32
      %dma_wait3A_153 = tpu.memref_slice %arg9[%run_scoped3A_87, %dma_wait3A_151, %dma_wait3A_152] : memref<3x100x128xf32, #tpu.memory_space<vmem>> -> memref<1x80x128xf32, #tpu.memory_space<vmem>>
      %dma_wait3A_154 = tpu.memref_squeeze %dma_wait3A_153 : memref<1x80x128xf32, #tpu.memory_space<vmem>> -> memref<80x128xf32, #tpu.memory_space<vmem>>
      tpu.wait_dma2 semaphore(%run_scoped3A_128 : memref<!tpu.dma_semaphore, #tpu.memory_space<semaphore_mem>>) src(%dma_wait3A_154 : memref<80x128xf32, #tpu.memory_space<vmem>>) dst(%dma_wait3A_150 : memref<80x128xf32, #tpu.memory_space<hbm>>)
      tpu.yield
    }) : () -> ()
    %mul3A_88 = arith.constant 640 : i32
    %mul3A_89 = arith.muli %arg1, %mul3A_88 : i32
    %add3A_90 = arith.constant 320 : i32
    %add3A_91 = arith.addi %mul3A_89, %add3A_90 : i32
    %run_scoped3A_92 = arith.constant 0 : i32
    "tpu.region"() ({
      %run_scoped3A_128 = tpu.sem_alloc : memref<!tpu.dma_semaphore, #tpu.memory_space<semaphore_mem>>
      %dma_start3A = arith.constant 0 : i32
      %dma_start3A_129 = arith.constant 0 : i32
      %dma_start3A_130 = tpu.memref_slice %arg9[%run_scoped3A_92, %dma_start3A, %dma_start3A_129] : memref<3x100x128xf32, #tpu.memory_space<vmem>> -> memref<1x80x128xf32, #tpu.memory_space<vmem>>
      %dma_start3A_131 = tpu.memref_squeeze %dma_start3A_130 : memref<1x80x128xf32, #tpu.memory_space<vmem>> -> memref<80x128xf32, #tpu.memory_space<vmem>>
      %dma_start3A_132 = arith.constant 0 : i32
      %dma_start3A_133 = tpu.memref_slice %arg10[%add3A_91, %dma_start3A_132] : memref<10240x128xf32, #tpu.memory_space<vmem_shared>> -> memref<80x128xf32, #tpu.memory_space<vmem_shared>>
      %dma_start3A_134 = arith.constant 0 : i32
      %dma_start3A_135 = arith.constant 0 : i32
      %dma_start3A_136 = tpu.memref_slice %arg9[%run_scoped3A_92, %dma_start3A_134, %dma_start3A_135] : memref<3x100x128xf32, #tpu.memory_space<vmem>> -> memref<1x80x128xf32, #tpu.memory_space<vmem>>
      %dma_start3A_137 = tpu.memref_squeeze %dma_start3A_136 : memref<1x80x128xf32, #tpu.memory_space<vmem>> -> memref<80x128xf32, #tpu.memory_space<vmem>>
      %dma_start3A_138 = arith.constant 0 : i32
      %dma_start3A_139 = tpu.memref_slice %arg10[%add3A_91, %dma_start3A_138] : memref<10240x128xf32, #tpu.memory_space<vmem_shared>> -> memref<80x128xf32, #tpu.memory_space<vmem_shared>>
      tpu.enqueue_dma source(%dma_start3A_139 : memref<80x128xf32, #tpu.memory_space<vmem_shared>>) target(%dma_start3A_137 : memref<80x128xf32, #tpu.memory_space<vmem>>) target_semaphore(%run_scoped3A_128 : memref<!tpu.dma_semaphore, #tpu.memory_space<semaphore_mem>>)
      %dma_wait3A = arith.constant 0 : i32
      %dma_wait3A_140 = arith.constant 0 : i32
      %dma_wait3A_141 = tpu.memref_slice %arg9[%run_scoped3A_92, %dma_wait3A, %dma_wait3A_140] : memref<3x100x128xf32, #tpu.memory_space<vmem>> -> memref<1x80x128xf32, #tpu.memory_space<vmem>>
      %dma_wait3A_142 = tpu.memref_squeeze %dma_wait3A_141 : memref<1x80x128xf32, #tpu.memory_space<vmem>> -> memref<80x128xf32, #tpu.memory_space<vmem>>
      %dma_wait3A_143 = arith.constant 0 : i32
      %dma_wait3A_144 = tpu.memref_slice %arg10[%add3A_91, %dma_wait3A_143] : memref<10240x128xf32, #tpu.memory_space<vmem_shared>> -> memref<80x128xf32, #tpu.memory_space<vmem_shared>>
      %dma_wait3A_145 = arith.constant 0 : i32
      %dma_wait3A_146 = arith.constant 0 : i32
      %dma_wait3A_147 = tpu.memref_slice %arg9[%run_scoped3A_92, %dma_wait3A_145, %dma_wait3A_146] : memref<3x100x128xf32, #tpu.memory_space<vmem>> -> memref<1x80x128xf32, #tpu.memory_space<vmem>>
      %dma_wait3A_148 = tpu.memref_squeeze %dma_wait3A_147 : memref<1x80x128xf32, #tpu.memory_space<vmem>> -> memref<80x128xf32, #tpu.memory_space<vmem>>
      %dma_wait3A_149 = arith.constant 0 : i32
      %dma_wait3A_150 = tpu.memref_slice %arg10[%add3A_91, %dma_wait3A_149] : memref<10240x128xf32, #tpu.memory_space<vmem_shared>> -> memref<80x128xf32, #tpu.memory_space<vmem_shared>>
      tpu.wait_dma2 semaphore(%run_scoped3A_128 : memref<!tpu.dma_semaphore, #tpu.memory_space<semaphore_mem>>) src(%dma_wait3A_150 : memref<80x128xf32, #tpu.memory_space<vmem_shared>>) dst(%dma_wait3A_148 : memref<80x128xf32, #tpu.memory_space<vmem>>)
      tpu.yield
    }) : () -> ()
    %mul3A_93 = arith.constant 640 : i32
    %mul3A_94 = arith.muli %arg1, %mul3A_93 : i32
    %add3A_95 = arith.constant 320 : i32
    %add3A_96 = arith.addi %mul3A_94, %add3A_95 : i32
    %run_scoped3A_97 = arith.constant 0 : i32
    "tpu.region"() ({
      %run_scoped3A_128 = tpu.sem_alloc : memref<!tpu.dma_semaphore, #tpu.memory_space<semaphore_mem>>
      %dma_start3A = arith.constant 0 : i32
      %dma_start3A_129 = arith.constant 0 : i32
      %dma_start3A_130 = tpu.memref_slice %arg9[%run_scoped3A_97, %dma_start3A, %dma_start3A_129] : memref<3x100x128xf32, #tpu.memory_space<vmem>> -> memref<1x80x128xf32, #tpu.memory_space<vmem>>
      %dma_start3A_131 = tpu.memref_squeeze %dma_start3A_130 : memref<1x80x128xf32, #tpu.memory_space<vmem>> -> memref<80x128xf32, #tpu.memory_space<vmem>>
      %dma_start3A_132 = arith.constant 0 : i32
      %dma_start3A_133 = tpu.memref_slice %arg6[%arg0, %add3A_96, %dma_start3A_132] : memref<2x10240x128xf32, #tpu.memory_space<hbm>> -> memref<1x80x128xf32, #tpu.memory_space<hbm>>
      %dma_start3A_134 = tpu.memref_squeeze %dma_start3A_133 : memref<1x80x128xf32, #tpu.memory_space<hbm>> -> memref<80x128xf32, #tpu.memory_space<hbm>>
      %dma_start3A_135 = arith.constant 0 : i32
      %dma_start3A_136 = tpu.memref_slice %arg6[%arg0, %add3A_96, %dma_start3A_135] : memref<2x10240x128xf32, #tpu.memory_space<hbm>> -> memref<1x80x128xf32, #tpu.memory_space<hbm>>
      %dma_start3A_137 = tpu.memref_squeeze %dma_start3A_136 : memref<1x80x128xf32, #tpu.memory_space<hbm>> -> memref<80x128xf32, #tpu.memory_space<hbm>>
      %dma_start3A_138 = arith.constant 0 : i32
      %dma_start3A_139 = arith.constant 0 : i32
      %dma_start3A_140 = tpu.memref_slice %arg9[%run_scoped3A_97, %dma_start3A_138, %dma_start3A_139] : memref<3x100x128xf32, #tpu.memory_space<vmem>> -> memref<1x80x128xf32, #tpu.memory_space<vmem>>
      %dma_start3A_141 = tpu.memref_squeeze %dma_start3A_140 : memref<1x80x128xf32, #tpu.memory_space<vmem>> -> memref<80x128xf32, #tpu.memory_space<vmem>>
      tpu.enqueue_dma source(%dma_start3A_141 : memref<80x128xf32, #tpu.memory_space<vmem>>) target(%dma_start3A_137 : memref<80x128xf32, #tpu.memory_space<hbm>>) target_semaphore(%run_scoped3A_128 : memref<!tpu.dma_semaphore, #tpu.memory_space<semaphore_mem>>)
      %dma_wait3A = arith.constant 0 : i32
      %dma_wait3A_142 = arith.constant 0 : i32
      %dma_wait3A_143 = tpu.memref_slice %arg9[%run_scoped3A_97, %dma_wait3A, %dma_wait3A_142] : memref<3x100x128xf32, #tpu.memory_space<vmem>> -> memref<1x80x128xf32, #tpu.memory_space<vmem>>
      %dma_wait3A_144 = tpu.memref_squeeze %dma_wait3A_143 : memref<1x80x128xf32, #tpu.memory_space<vmem>> -> memref<80x128xf32, #tpu.memory_space<vmem>>
      %dma_wait3A_145 = arith.constant 0 : i32
      %dma_wait3A_146 = tpu.memref_slice %arg6[%arg0, %add3A_96, %dma_wait3A_145] : memref<2x10240x128xf32, #tpu.memory_space<hbm>> -> memref<1x80x128xf32, #tpu.memory_space<hbm>>
      %dma_wait3A_147 = tpu.memref_squeeze %dma_wait3A_146 : memref<1x80x128xf32, #tpu.memory_space<hbm>> -> memref<80x128xf32, #tpu.memory_space<hbm>>
      %dma_wait3A_148 = arith.constant 0 : i32
      %dma_wait3A_149 = tpu.memref_slice %arg6[%arg0, %add3A_96, %dma_wait3A_148] : memref<2x10240x128xf32, #tpu.memory_space<hbm>> -> memref<1x80x128xf32, #tpu.memory_space<hbm>>
      %dma_wait3A_150 = tpu.memref_squeeze %dma_wait3A_149 : memref<1x80x128xf32, #tpu.memory_space<hbm>> -> memref<80x128xf32, #tpu.memory_space<hbm>>
      %dma_wait3A_151 = arith.constant 0 : i32
      %dma_wait3A_152 = arith.constant 0 : i32
      %dma_wait3A_153 = tpu.memref_slice %arg9[%run_scoped3A_97, %dma_wait3A_151, %dma_wait3A_152] : memref<3x100x128xf32, #tpu.memory_space<vmem>> -> memref<1x80x128xf32, #tpu.memory_space<vmem>>
      %dma_wait3A_154 = tpu.memref_squeeze %dma_wait3A_153 : memref<1x80x128xf32, #tpu.memory_space<vmem>> -> memref<80x128xf32, #tpu.memory_space<vmem>>
      tpu.wait_dma2 semaphore(%run_scoped3A_128 : memref<!tpu.dma_semaphore, #tpu.memory_space<semaphore_mem>>) src(%dma_wait3A_154 : memref<80x128xf32, #tpu.memory_space<vmem>>) dst(%dma_wait3A_150 : memref<80x128xf32, #tpu.memory_space<hbm>>)
      tpu.yield
    }) : () -> ()
    %mul3A_98 = arith.constant 640 : i32
    %mul3A_99 = arith.muli %arg1, %mul3A_98 : i32
    %add3A_100 = arith.constant 400 : i32
    %add3A_101 = arith.addi %mul3A_99, %add3A_100 : i32
    %run_scoped3A_102 = arith.constant 0 : i32
    "tpu.region"() ({
      %run_scoped3A_128 = tpu.sem_alloc : memref<!tpu.dma_semaphore, #tpu.memory_space<semaphore_mem>>
      %dma_start3A = arith.constant 0 : i32
      %dma_start3A_129 = arith.constant 0 : i32
      %dma_start3A_130 = tpu.memref_slice %arg9[%run_scoped3A_102, %dma_start3A, %dma_start3A_129] : memref<3x100x128xf32, #tpu.memory_space<vmem>> -> memref<1x80x128xf32, #tpu.memory_space<vmem>>
      %dma_start3A_131 = tpu.memref_squeeze %dma_start3A_130 : memref<1x80x128xf32, #tpu.memory_space<vmem>> -> memref<80x128xf32, #tpu.memory_space<vmem>>
      %dma_start3A_132 = arith.constant 0 : i32
      %dma_start3A_133 = tpu.memref_slice %arg10[%add3A_101, %dma_start3A_132] : memref<10240x128xf32, #tpu.memory_space<vmem_shared>> -> memref<80x128xf32, #tpu.memory_space<vmem_shared>>
      %dma_start3A_134 = arith.constant 0 : i32
      %dma_start3A_135 = arith.constant 0 : i32
      %dma_start3A_136 = tpu.memref_slice %arg9[%run_scoped3A_102, %dma_start3A_134, %dma_start3A_135] : memref<3x100x128xf32, #tpu.memory_space<vmem>> -> memref<1x80x128xf32, #tpu.memory_space<vmem>>
      %dma_start3A_137 = tpu.memref_squeeze %dma_start3A_136 : memref<1x80x128xf32, #tpu.memory_space<vmem>> -> memref<80x128xf32, #tpu.memory_space<vmem>>
      %dma_start3A_138 = arith.constant 0 : i32
      %dma_start3A_139 = tpu.memref_slice %arg10[%add3A_101, %dma_start3A_138] : memref<10240x128xf32, #tpu.memory_space<vmem_shared>> -> memref<80x128xf32, #tpu.memory_space<vmem_shared>>
      tpu.enqueue_dma source(%dma_start3A_139 : memref<80x128xf32, #tpu.memory_space<vmem_shared>>) target(%dma_start3A_137 : memref<80x128xf32, #tpu.memory_space<vmem>>) target_semaphore(%run_scoped3A_128 : memref<!tpu.dma_semaphore, #tpu.memory_space<semaphore_mem>>)
      %dma_wait3A = arith.constant 0 : i32
      %dma_wait3A_140 = arith.constant 0 : i32
      %dma_wait3A_141 = tpu.memref_slice %arg9[%run_scoped3A_102, %dma_wait3A, %dma_wait3A_140] : memref<3x100x128xf32, #tpu.memory_space<vmem>> -> memref<1x80x128xf32, #tpu.memory_space<vmem>>
      %dma_wait3A_142 = tpu.memref_squeeze %dma_wait3A_141 : memref<1x80x128xf32, #tpu.memory_space<vmem>> -> memref<80x128xf32, #tpu.memory_space<vmem>>
      %dma_wait3A_143 = arith.constant 0 : i32
      %dma_wait3A_144 = tpu.memref_slice %arg10[%add3A_101, %dma_wait3A_143] : memref<10240x128xf32, #tpu.memory_space<vmem_shared>> -> memref<80x128xf32, #tpu.memory_space<vmem_shared>>
      %dma_wait3A_145 = arith.constant 0 : i32
      %dma_wait3A_146 = arith.constant 0 : i32
      %dma_wait3A_147 = tpu.memref_slice %arg9[%run_scoped3A_102, %dma_wait3A_145, %dma_wait3A_146] : memref<3x100x128xf32, #tpu.memory_space<vmem>> -> memref<1x80x128xf32, #tpu.memory_space<vmem>>
      %dma_wait3A_148 = tpu.memref_squeeze %dma_wait3A_147 : memref<1x80x128xf32, #tpu.memory_space<vmem>> -> memref<80x128xf32, #tpu.memory_space<vmem>>
      %dma_wait3A_149 = arith.constant 0 : i32
      %dma_wait3A_150 = tpu.memref_slice %arg10[%add3A_101, %dma_wait3A_149] : memref<10240x128xf32, #tpu.memory_space<vmem_shared>> -> memref<80x128xf32, #tpu.memory_space<vmem_shared>>
      tpu.wait_dma2 semaphore(%run_scoped3A_128 : memref<!tpu.dma_semaphore, #tpu.memory_space<semaphore_mem>>) src(%dma_wait3A_150 : memref<80x128xf32, #tpu.memory_space<vmem_shared>>) dst(%dma_wait3A_148 : memref<80x128xf32, #tpu.memory_space<vmem>>)
      tpu.yield
    }) : () -> ()
    %mul3A_103 = arith.constant 640 : i32
    %mul3A_104 = arith.muli %arg1, %mul3A_103 : i32
    %add3A_105 = arith.constant 400 : i32
    %add3A_106 = arith.addi %mul3A_104, %add3A_105 : i32
    %run_scoped3A_107 = arith.constant 0 : i32
    "tpu.region"() ({
      %run_scoped3A_128 = tpu.sem_alloc : memref<!tpu.dma_semaphore, #tpu.memory_space<semaphore_mem>>
      %dma_start3A = arith.constant 0 : i32
      %dma_start3A_129 = arith.constant 0 : i32
      %dma_start3A_130 = tpu.memref_slice %arg9[%run_scoped3A_107, %dma_start3A, %dma_start3A_129] : memref<3x100x128xf32, #tpu.memory_space<vmem>> -> memref<1x80x128xf32, #tpu.memory_space<vmem>>
      %dma_start3A_131 = tpu.memref_squeeze %dma_start3A_130 : memref<1x80x128xf32, #tpu.memory_space<vmem>> -> memref<80x128xf32, #tpu.memory_space<vmem>>
      %dma_start3A_132 = arith.constant 0 : i32
      %dma_start3A_133 = tpu.memref_slice %arg6[%arg0, %add3A_106, %dma_start3A_132] : memref<2x10240x128xf32, #tpu.memory_space<hbm>> -> memref<1x80x128xf32, #tpu.memory_space<hbm>>
      %dma_start3A_134 = tpu.memref_squeeze %dma_start3A_133 : memref<1x80x128xf32, #tpu.memory_space<hbm>> -> memref<80x128xf32, #tpu.memory_space<hbm>>
      %dma_start3A_135 = arith.constant 0 : i32
      %dma_start3A_136 = tpu.memref_slice %arg6[%arg0, %add3A_106, %dma_start3A_135] : memref<2x10240x128xf32, #tpu.memory_space<hbm>> -> memref<1x80x128xf32, #tpu.memory_space<hbm>>
      %dma_start3A_137 = tpu.memref_squeeze %dma_start3A_136 : memref<1x80x128xf32, #tpu.memory_space<hbm>> -> memref<80x128xf32, #tpu.memory_space<hbm>>
      %dma_start3A_138 = arith.constant 0 : i32
      %dma_start3A_139 = arith.constant 0 : i32
      %dma_start3A_140 = tpu.memref_slice %arg9[%run_scoped3A_107, %dma_start3A_138, %dma_start3A_139] : memref<3x100x128xf32, #tpu.memory_space<vmem>> -> memref<1x80x128xf32, #tpu.memory_space<vmem>>
      %dma_start3A_141 = tpu.memref_squeeze %dma_start3A_140 : memref<1x80x128xf32, #tpu.memory_space<vmem>> -> memref<80x128xf32, #tpu.memory_space<vmem>>
      tpu.enqueue_dma source(%dma_start3A_141 : memref<80x128xf32, #tpu.memory_space<vmem>>) target(%dma_start3A_137 : memref<80x128xf32, #tpu.memory_space<hbm>>) target_semaphore(%run_scoped3A_128 : memref<!tpu.dma_semaphore, #tpu.memory_space<semaphore_mem>>)
      %dma_wait3A = arith.constant 0 : i32
      %dma_wait3A_142 = arith.constant 0 : i32
      %dma_wait3A_143 = tpu.memref_slice %arg9[%run_scoped3A_107, %dma_wait3A, %dma_wait3A_142] : memref<3x100x128xf32, #tpu.memory_space<vmem>> -> memref<1x80x128xf32, #tpu.memory_space<vmem>>
      %dma_wait3A_144 = tpu.memref_squeeze %dma_wait3A_143 : memref<1x80x128xf32, #tpu.memory_space<vmem>> -> memref<80x128xf32, #tpu.memory_space<vmem>>
      %dma_wait3A_145 = arith.constant 0 : i32
      %dma_wait3A_146 = tpu.memref_slice %arg6[%arg0, %add3A_106, %dma_wait3A_145] : memref<2x10240x128xf32, #tpu.memory_space<hbm>> -> memref<1x80x128xf32, #tpu.memory_space<hbm>>
      %dma_wait3A_147 = tpu.memref_squeeze %dma_wait3A_146 : memref<1x80x128xf32, #tpu.memory_space<hbm>> -> memref<80x128xf32, #tpu.memory_space<hbm>>
      %dma_wait3A_148 = arith.constant 0 : i32
      %dma_wait3A_149 = tpu.memref_slice %arg6[%arg0, %add3A_106, %dma_wait3A_148] : memref<2x10240x128xf32, #tpu.memory_space<hbm>> -> memref<1x80x128xf32, #tpu.memory_space<hbm>>
      %dma_wait3A_150 = tpu.memref_squeeze %dma_wait3A_149 : memref<1x80x128xf32, #tpu.memory_space<hbm>> -> memref<80x128xf32, #tpu.memory_space<hbm>>
      %dma_wait3A_151 = arith.constant 0 : i32
      %dma_wait3A_152 = arith.constant 0 : i32
      %dma_wait3A_153 = tpu.memref_slice %arg9[%run_scoped3A_107, %dma_wait3A_151, %dma_wait3A_152] : memref<3x100x128xf32, #tpu.memory_space<vmem>> -> memref<1x80x128xf32, #tpu.memory_space<vmem>>
      %dma_wait3A_154 = tpu.memref_squeeze %dma_wait3A_153 : memref<1x80x128xf32, #tpu.memory_space<vmem>> -> memref<80x128xf32, #tpu.memory_space<vmem>>
      tpu.wait_dma2 semaphore(%run_scoped3A_128 : memref<!tpu.dma_semaphore, #tpu.memory_space<semaphore_mem>>) src(%dma_wait3A_154 : memref<80x128xf32, #tpu.memory_space<vmem>>) dst(%dma_wait3A_150 : memref<80x128xf32, #tpu.memory_space<hbm>>)
      tpu.yield
    }) : () -> ()
    %mul3A_108 = arith.constant 640 : i32
    %mul3A_109 = arith.muli %arg1, %mul3A_108 : i32
    %add3A_110 = arith.constant 480 : i32
    %add3A_111 = arith.addi %mul3A_109, %add3A_110 : i32
    %run_scoped3A_112 = arith.constant 0 : i32
    "tpu.region"() ({
      %run_scoped3A_128 = tpu.sem_alloc : memref<!tpu.dma_semaphore, #tpu.memory_space<semaphore_mem>>
      %dma_start3A = arith.constant 0 : i32
      %dma_start3A_129 = arith.constant 0 : i32
      %dma_start3A_130 = tpu.memref_slice %arg9[%run_scoped3A_112, %dma_start3A, %dma_start3A_129] : memref<3x100x128xf32, #tpu.memory_space<vmem>> -> memref<1x80x128xf32, #tpu.memory_space<vmem>>
      %dma_start3A_131 = tpu.memref_squeeze %dma_start3A_130 : memref<1x80x128xf32, #tpu.memory_space<vmem>> -> memref<80x128xf32, #tpu.memory_space<vmem>>
      %dma_start3A_132 = arith.constant 0 : i32
      %dma_start3A_133 = tpu.memref_slice %arg10[%add3A_111, %dma_start3A_132] : memref<10240x128xf32, #tpu.memory_space<vmem_shared>> -> memref<80x128xf32, #tpu.memory_space<vmem_shared>>
      %dma_start3A_134 = arith.constant 0 : i32
      %dma_start3A_135 = arith.constant 0 : i32
      %dma_start3A_136 = tpu.memref_slice %arg9[%run_scoped3A_112, %dma_start3A_134, %dma_start3A_135] : memref<3x100x128xf32, #tpu.memory_space<vmem>> -> memref<1x80x128xf32, #tpu.memory_space<vmem>>
      %dma_start3A_137 = tpu.memref_squeeze %dma_start3A_136 : memref<1x80x128xf32, #tpu.memory_space<vmem>> -> memref<80x128xf32, #tpu.memory_space<vmem>>
      %dma_start3A_138 = arith.constant 0 : i32
      %dma_start3A_139 = tpu.memref_slice %arg10[%add3A_111, %dma_start3A_138] : memref<10240x128xf32, #tpu.memory_space<vmem_shared>> -> memref<80x128xf32, #tpu.memory_space<vmem_shared>>
      tpu.enqueue_dma source(%dma_start3A_139 : memref<80x128xf32, #tpu.memory_space<vmem_shared>>) target(%dma_start3A_137 : memref<80x128xf32, #tpu.memory_space<vmem>>) target_semaphore(%run_scoped3A_128 : memref<!tpu.dma_semaphore, #tpu.memory_space<semaphore_mem>>)
      %dma_wait3A = arith.constant 0 : i32
      %dma_wait3A_140 = arith.constant 0 : i32
      %dma_wait3A_141 = tpu.memref_slice %arg9[%run_scoped3A_112, %dma_wait3A, %dma_wait3A_140] : memref<3x100x128xf32, #tpu.memory_space<vmem>> -> memref<1x80x128xf32, #tpu.memory_space<vmem>>
      %dma_wait3A_142 = tpu.memref_squeeze %dma_wait3A_141 : memref<1x80x128xf32, #tpu.memory_space<vmem>> -> memref<80x128xf32, #tpu.memory_space<vmem>>
      %dma_wait3A_143 = arith.constant 0 : i32
      %dma_wait3A_144 = tpu.memref_slice %arg10[%add3A_111, %dma_wait3A_143] : memref<10240x128xf32, #tpu.memory_space<vmem_shared>> -> memref<80x128xf32, #tpu.memory_space<vmem_shared>>
      %dma_wait3A_145 = arith.constant 0 : i32
      %dma_wait3A_146 = arith.constant 0 : i32
      %dma_wait3A_147 = tpu.memref_slice %arg9[%run_scoped3A_112, %dma_wait3A_145, %dma_wait3A_146] : memref<3x100x128xf32, #tpu.memory_space<vmem>> -> memref<1x80x128xf32, #tpu.memory_space<vmem>>
      %dma_wait3A_148 = tpu.memref_squeeze %dma_wait3A_147 : memref<1x80x128xf32, #tpu.memory_space<vmem>> -> memref<80x128xf32, #tpu.memory_space<vmem>>
      %dma_wait3A_149 = arith.constant 0 : i32
      %dma_wait3A_150 = tpu.memref_slice %arg10[%add3A_111, %dma_wait3A_149] : memref<10240x128xf32, #tpu.memory_space<vmem_shared>> -> memref<80x128xf32, #tpu.memory_space<vmem_shared>>
      tpu.wait_dma2 semaphore(%run_scoped3A_128 : memref<!tpu.dma_semaphore, #tpu.memory_space<semaphore_mem>>) src(%dma_wait3A_150 : memref<80x128xf32, #tpu.memory_space<vmem_shared>>) dst(%dma_wait3A_148 : memref<80x128xf32, #tpu.memory_space<vmem>>)
      tpu.yield
    }) : () -> ()
    %mul3A_113 = arith.constant 640 : i32
    %mul3A_114 = arith.muli %arg1, %mul3A_113 : i32
    %add3A_115 = arith.constant 480 : i32
    %add3A_116 = arith.addi %mul3A_114, %add3A_115 : i32
    %run_scoped3A_117 = arith.constant 0 : i32
    "tpu.region"() ({
      %run_scoped3A_128 = tpu.sem_alloc : memref<!tpu.dma_semaphore, #tpu.memory_space<semaphore_mem>>
      %dma_start3A = arith.constant 0 : i32
      %dma_start3A_129 = arith.constant 0 : i32
      %dma_start3A_130 = tpu.memref_slice %arg9[%run_scoped3A_117, %dma_start3A, %dma_start3A_129] : memref<3x100x128xf32, #tpu.memory_space<vmem>> -> memref<1x80x128xf32, #tpu.memory_space<vmem>>
      %dma_start3A_131 = tpu.memref_squeeze %dma_start3A_130 : memref<1x80x128xf32, #tpu.memory_space<vmem>> -> memref<80x128xf32, #tpu.memory_space<vmem>>
      %dma_start3A_132 = arith.constant 0 : i32
      %dma_start3A_133 = tpu.memref_slice %arg6[%arg0, %add3A_116, %dma_start3A_132] : memref<2x10240x128xf32, #tpu.memory_space<hbm>> -> memref<1x80x128xf32, #tpu.memory_space<hbm>>
      %dma_start3A_134 = tpu.memref_squeeze %dma_start3A_133 : memref<1x80x128xf32, #tpu.memory_space<hbm>> -> memref<80x128xf32, #tpu.memory_space<hbm>>
      %dma_start3A_135 = arith.constant 0 : i32
      %dma_start3A_136 = tpu.memref_slice %arg6[%arg0, %add3A_116, %dma_start3A_135] : memref<2x10240x128xf32, #tpu.memory_space<hbm>> -> memref<1x80x128xf32, #tpu.memory_space<hbm>>
      %dma_start3A_137 = tpu.memref_squeeze %dma_start3A_136 : memref<1x80x128xf32, #tpu.memory_space<hbm>> -> memref<80x128xf32, #tpu.memory_space<hbm>>
      %dma_start3A_138 = arith.constant 0 : i32
      %dma_start3A_139 = arith.constant 0 : i32
      %dma_start3A_140 = tpu.memref_slice %arg9[%run_scoped3A_117, %dma_start3A_138, %dma_start3A_139] : memref<3x100x128xf32, #tpu.memory_space<vmem>> -> memref<1x80x128xf32, #tpu.memory_space<vmem>>
      %dma_start3A_141 = tpu.memref_squeeze %dma_start3A_140 : memref<1x80x128xf32, #tpu.memory_space<vmem>> -> memref<80x128xf32, #tpu.memory_space<vmem>>
      tpu.enqueue_dma source(%dma_start3A_141 : memref<80x128xf32, #tpu.memory_space<vmem>>) target(%dma_start3A_137 : memref<80x128xf32, #tpu.memory_space<hbm>>) target_semaphore(%run_scoped3A_128 : memref<!tpu.dma_semaphore, #tpu.memory_space<semaphore_mem>>)
      %dma_wait3A = arith.constant 0 : i32
      %dma_wait3A_142 = arith.constant 0 : i32
      %dma_wait3A_143 = tpu.memref_slice %arg9[%run_scoped3A_117, %dma_wait3A, %dma_wait3A_142] : memref<3x100x128xf32, #tpu.memory_space<vmem>> -> memref<1x80x128xf32, #tpu.memory_space<vmem>>
      %dma_wait3A_144 = tpu.memref_squeeze %dma_wait3A_143 : memref<1x80x128xf32, #tpu.memory_space<vmem>> -> memref<80x128xf32, #tpu.memory_space<vmem>>
      %dma_wait3A_145 = arith.constant 0 : i32
      %dma_wait3A_146 = tpu.memref_slice %arg6[%arg0, %add3A_116, %dma_wait3A_145] : memref<2x10240x128xf32, #tpu.memory_space<hbm>> -> memref<1x80x128xf32, #tpu.memory_space<hbm>>
      %dma_wait3A_147 = tpu.memref_squeeze %dma_wait3A_146 : memref<1x80x128xf32, #tpu.memory_space<hbm>> -> memref<80x128xf32, #tpu.memory_space<hbm>>
      %dma_wait3A_148 = arith.constant 0 : i32
      %dma_wait3A_149 = tpu.memref_slice %arg6[%arg0, %add3A_116, %dma_wait3A_148] : memref<2x10240x128xf32, #tpu.memory_space<hbm>> -> memref<1x80x128xf32, #tpu.memory_space<hbm>>
      %dma_wait3A_150 = tpu.memref_squeeze %dma_wait3A_149 : memref<1x80x128xf32, #tpu.memory_space<hbm>> -> memref<80x128xf32, #tpu.memory_space<hbm>>
      %dma_wait3A_151 = arith.constant 0 : i32
      %dma_wait3A_152 = arith.constant 0 : i32
      %dma_wait3A_153 = tpu.memref_slice %arg9[%run_scoped3A_117, %dma_wait3A_151, %dma_wait3A_152] : memref<3x100x128xf32, #tpu.memory_space<vmem>> -> memref<1x80x128xf32, #tpu.memory_space<vmem>>
      %dma_wait3A_154 = tpu.memref_squeeze %dma_wait3A_153 : memref<1x80x128xf32, #tpu.memory_space<vmem>> -> memref<80x128xf32, #tpu.memory_space<vmem>>
      tpu.wait_dma2 semaphore(%run_scoped3A_128 : memref<!tpu.dma_semaphore, #tpu.memory_space<semaphore_mem>>) src(%dma_wait3A_154 : memref<80x128xf32, #tpu.memory_space<vmem>>) dst(%dma_wait3A_150 : memref<80x128xf32, #tpu.memory_space<hbm>>)
      tpu.yield
    }) : () -> ()
    %mul3A_118 = arith.constant 640 : i32
    %mul3A_119 = arith.muli %arg1, %mul3A_118 : i32
    %add3A_120 = arith.constant 560 : i32
    %add3A_121 = arith.addi %mul3A_119, %add3A_120 : i32
    %run_scoped3A_122 = arith.constant 0 : i32
    "tpu.region"() ({
      %run_scoped3A_128 = tpu.sem_alloc : memref<!tpu.dma_semaphore, #tpu.memory_space<semaphore_mem>>
      %dma_start3A = arith.constant 0 : i32
      %dma_start3A_129 = arith.constant 0 : i32
      %dma_start3A_130 = tpu.memref_slice %arg9[%run_scoped3A_122, %dma_start3A, %dma_start3A_129] : memref<3x100x128xf32, #tpu.memory_space<vmem>> -> memref<1x80x128xf32, #tpu.memory_space<vmem>>
      %dma_start3A_131 = tpu.memref_squeeze %dma_start3A_130 : memref<1x80x128xf32, #tpu.memory_space<vmem>> -> memref<80x128xf32, #tpu.memory_space<vmem>>
      %dma_start3A_132 = arith.constant 0 : i32
      %dma_start3A_133 = tpu.memref_slice %arg10[%add3A_121, %dma_start3A_132] : memref<10240x128xf32, #tpu.memory_space<vmem_shared>> -> memref<80x128xf32, #tpu.memory_space<vmem_shared>>
      %dma_start3A_134 = arith.constant 0 : i32
      %dma_start3A_135 = arith.constant 0 : i32
      %dma_start3A_136 = tpu.memref_slice %arg9[%run_scoped3A_122, %dma_start3A_134, %dma_start3A_135] : memref<3x100x128xf32, #tpu.memory_space<vmem>> -> memref<1x80x128xf32, #tpu.memory_space<vmem>>
      %dma_start3A_137 = tpu.memref_squeeze %dma_start3A_136 : memref<1x80x128xf32, #tpu.memory_space<vmem>> -> memref<80x128xf32, #tpu.memory_space<vmem>>
      %dma_start3A_138 = arith.constant 0 : i32
      %dma_start3A_139 = tpu.memref_slice %arg10[%add3A_121, %dma_start3A_138] : memref<10240x128xf32, #tpu.memory_space<vmem_shared>> -> memref<80x128xf32, #tpu.memory_space<vmem_shared>>
      tpu.enqueue_dma source(%dma_start3A_139 : memref<80x128xf32, #tpu.memory_space<vmem_shared>>) target(%dma_start3A_137 : memref<80x128xf32, #tpu.memory_space<vmem>>) target_semaphore(%run_scoped3A_128 : memref<!tpu.dma_semaphore, #tpu.memory_space<semaphore_mem>>)
      %dma_wait3A = arith.constant 0 : i32
      %dma_wait3A_140 = arith.constant 0 : i32
      %dma_wait3A_141 = tpu.memref_slice %arg9[%run_scoped3A_122, %dma_wait3A, %dma_wait3A_140] : memref<3x100x128xf32, #tpu.memory_space<vmem>> -> memref<1x80x128xf32, #tpu.memory_space<vmem>>
      %dma_wait3A_142 = tpu.memref_squeeze %dma_wait3A_141 : memref<1x80x128xf32, #tpu.memory_space<vmem>> -> memref<80x128xf32, #tpu.memory_space<vmem>>
      %dma_wait3A_143 = arith.constant 0 : i32
      %dma_wait3A_144 = tpu.memref_slice %arg10[%add3A_121, %dma_wait3A_143] : memref<10240x128xf32, #tpu.memory_space<vmem_shared>> -> memref<80x128xf32, #tpu.memory_space<vmem_shared>>
      %dma_wait3A_145 = arith.constant 0 : i32
      %dma_wait3A_146 = arith.constant 0 : i32
      %dma_wait3A_147 = tpu.memref_slice %arg9[%run_scoped3A_122, %dma_wait3A_145, %dma_wait3A_146] : memref<3x100x128xf32, #tpu.memory_space<vmem>> -> memref<1x80x128xf32, #tpu.memory_space<vmem>>
      %dma_wait3A_148 = tpu.memref_squeeze %dma_wait3A_147 : memref<1x80x128xf32, #tpu.memory_space<vmem>> -> memref<80x128xf32, #tpu.memory_space<vmem>>
      %dma_wait3A_149 = arith.constant 0 : i32
      %dma_wait3A_150 = tpu.memref_slice %arg10[%add3A_121, %dma_wait3A_149] : memref<10240x128xf32, #tpu.memory_space<vmem_shared>> -> memref<80x128xf32, #tpu.memory_space<vmem_shared>>
      tpu.wait_dma2 semaphore(%run_scoped3A_128 : memref<!tpu.dma_semaphore, #tpu.memory_space<semaphore_mem>>) src(%dma_wait3A_150 : memref<80x128xf32, #tpu.memory_space<vmem_shared>>) dst(%dma_wait3A_148 : memref<80x128xf32, #tpu.memory_space<vmem>>)
      tpu.yield
    }) : () -> ()
    %mul3A_123 = arith.constant 640 : i32
    %mul3A_124 = arith.muli %arg1, %mul3A_123 : i32
    %add3A_125 = arith.constant 560 : i32
    %add3A_126 = arith.addi %mul3A_124, %add3A_125 : i32
    %run_scoped3A_127 = arith.constant 0 : i32
    "tpu.region"() ({
      %run_scoped3A_128 = tpu.sem_alloc : memref<!tpu.dma_semaphore, #tpu.memory_space<semaphore_mem>>
      %dma_start3A = arith.constant 0 : i32
      %dma_start3A_129 = arith.constant 0 : i32
      %dma_start3A_130 = tpu.memref_slice %arg9[%run_scoped3A_127, %dma_start3A, %dma_start3A_129] : memref<3x100x128xf32, #tpu.memory_space<vmem>> -> memref<1x80x128xf32, #tpu.memory_space<vmem>>
      %dma_start3A_131 = tpu.memref_squeeze %dma_start3A_130 : memref<1x80x128xf32, #tpu.memory_space<vmem>> -> memref<80x128xf32, #tpu.memory_space<vmem>>
      %dma_start3A_132 = arith.constant 0 : i32
      %dma_start3A_133 = tpu.memref_slice %arg6[%arg0, %add3A_126, %dma_start3A_132] : memref<2x10240x128xf32, #tpu.memory_space<hbm>> -> memref<1x80x128xf32, #tpu.memory_space<hbm>>
      %dma_start3A_134 = tpu.memref_squeeze %dma_start3A_133 : memref<1x80x128xf32, #tpu.memory_space<hbm>> -> memref<80x128xf32, #tpu.memory_space<hbm>>
      %dma_start3A_135 = arith.constant 0 : i32
      %dma_start3A_136 = tpu.memref_slice %arg6[%arg0, %add3A_126, %dma_start3A_135] : memref<2x10240x128xf32, #tpu.memory_space<hbm>> -> memref<1x80x128xf32, #tpu.memory_space<hbm>>
      %dma_start3A_137 = tpu.memref_squeeze %dma_start3A_136 : memref<1x80x128xf32, #tpu.memory_space<hbm>> -> memref<80x128xf32, #tpu.memory_space<hbm>>
      %dma_start3A_138 = arith.constant 0 : i32
      %dma_start3A_139 = arith.constant 0 : i32
      %dma_start3A_140 = tpu.memref_slice %arg9[%run_scoped3A_127, %dma_start3A_138, %dma_start3A_139] : memref<3x100x128xf32, #tpu.memory_space<vmem>> -> memref<1x80x128xf32, #tpu.memory_space<vmem>>
      %dma_start3A_141 = tpu.memref_squeeze %dma_start3A_140 : memref<1x80x128xf32, #tpu.memory_space<vmem>> -> memref<80x128xf32, #tpu.memory_space<vmem>>
      tpu.enqueue_dma source(%dma_start3A_141 : memref<80x128xf32, #tpu.memory_space<vmem>>) target(%dma_start3A_137 : memref<80x128xf32, #tpu.memory_space<hbm>>) target_semaphore(%run_scoped3A_128 : memref<!tpu.dma_semaphore, #tpu.memory_space<semaphore_mem>>)
      %dma_wait3A = arith.constant 0 : i32
      %dma_wait3A_142 = arith.constant 0 : i32
      %dma_wait3A_143 = tpu.memref_slice %arg9[%run_scoped3A_127, %dma_wait3A, %dma_wait3A_142] : memref<3x100x128xf32, #tpu.memory_space<vmem>> -> memref<1x80x128xf32, #tpu.memory_space<vmem>>
      %dma_wait3A_144 = tpu.memref_squeeze %dma_wait3A_143 : memref<1x80x128xf32, #tpu.memory_space<vmem>> -> memref<80x128xf32, #tpu.memory_space<vmem>>
      %dma_wait3A_145 = arith.constant 0 : i32
      %dma_wait3A_146 = tpu.memref_slice %arg6[%arg0, %add3A_126, %dma_wait3A_145] : memref<2x10240x128xf32, #tpu.memory_space<hbm>> -> memref<1x80x128xf32, #tpu.memory_space<hbm>>
      %dma_wait3A_147 = tpu.memref_squeeze %dma_wait3A_146 : memref<1x80x128xf32, #tpu.memory_space<hbm>> -> memref<80x128xf32, #tpu.memory_space<hbm>>
      %dma_wait3A_148 = arith.constant 0 : i32
      %dma_wait3A_149 = tpu.memref_slice %arg6[%arg0, %add3A_126, %dma_wait3A_148] : memref<2x10240x128xf32, #tpu.memory_space<hbm>> -> memref<1x80x128xf32, #tpu.memory_space<hbm>>
      %dma_wait3A_150 = tpu.memref_squeeze %dma_wait3A_149 : memref<1x80x128xf32, #tpu.memory_space<hbm>> -> memref<80x128xf32, #tpu.memory_space<hbm>>
      %dma_wait3A_151 = arith.constant 0 : i32
      %dma_wait3A_152 = arith.constant 0 : i32
      %dma_wait3A_153 = tpu.memref_slice %arg9[%run_scoped3A_127, %dma_wait3A_151, %dma_wait3A_152] : memref<3x100x128xf32, #tpu.memory_space<vmem>> -> memref<1x80x128xf32, #tpu.memory_space<vmem>>
      %dma_wait3A_154 = tpu.memref_squeeze %dma_wait3A_153 : memref<1x80x128xf32, #tpu.memory_space<vmem>> -> memref<80x128xf32, #tpu.memory_space<vmem>>
      tpu.wait_dma2 semaphore(%run_scoped3A_128 : memref<!tpu.dma_semaphore, #tpu.memory_space<semaphore_mem>>) src(%dma_wait3A_154 : memref<80x128xf32, #tpu.memory_space<vmem>>) dst(%dma_wait3A_150 : memref<80x128xf32, #tpu.memory_space<hbm>>)
      tpu.yield
    }) : () -> ()
    return
  }
}

module attributes {stable_mosaic.version = 14 : i64} {
  func.func @_proj_body(%arg0: i32, %arg1: memref<1000x128xf32, #tpu.memory_space<vmem>>, %arg2: memref<128x128xf32, #tpu.memory_space<vmem>>, %arg3: memref<1x128xf32, #tpu.memory_space<vmem>>, %arg4: memref<128x128xf32, #tpu.memory_space<vmem>>, %arg5: memref<1x32x1000xf32, #tpu.memory_space<vmem>>, %arg6: memref<1000x128xf32, #tpu.memory_space<vmem>>) attributes {dimension_semantics = [#tpu.dimension_semantics<arbitrary>], iteration_bounds = array<i64: 10>, scalar_prefetch = 0 : i64, scratch_operands = 0 : i64, tpu.core_type = #tpu.core_type<tc>, window_params = [{transform_indices = @transform_0, window_bounds = array<i64: 1000, 128>}, {pipeline_mode = #tpu.pipeline_mode<synchronous>, transform_indices = @transform_1, window_bounds = array<i64: 128, 128>}, {pipeline_mode = #tpu.pipeline_mode<synchronous>, transform_indices = @transform_2, window_bounds = array<i64: 1, 128>}, {pipeline_mode = #tpu.pipeline_mode<synchronous>, transform_indices = @transform_3, window_bounds = array<i64: 128, 128>}, {transform_indices = @transform_4, window_bounds = array<i64: 1, 32, 1000>}, {transform_indices = @transform_5, window_bounds = array<i64: 1000, 128>}]} {
    %get3A = arith.constant 0 : index
    %get3A_0 = arith.constant 0 : index
    %get3A_1 = vector.load %arg1[%get3A, %get3A_0] : memref<1000x128xf32, #tpu.memory_space<vmem>>, vector<1000x128xf32>
    %get3A_2 = arith.constant 0 : index
    %get3A_3 = arith.constant 0 : index
    %get3A_4 = vector.load %arg2[%get3A_2, %get3A_3] : memref<128x128xf32, #tpu.memory_space<vmem>>, vector<128x128xf32>
    %dot_general3A = arith.constant dense<0.000000e+00> : vector<1000x128xf32>
    %dot_general3A_5 = tpu.matmul %get3A_1, %get3A_4, %dot_general3A {dimension_numbers = #tpu.dot_dimension_numbers<[1], [0], [0], [1], [0, 0, 1, 1], [], []>, transpose_lhs_hint = false} : vector<1000x128xf32>, vector<128x128xf32>, vector<1000x128xf32> -> vector<1000x128xf32>
    %get3A_6 = arith.constant 0 : index
    %get3A_7 = arith.constant 0 : index
    %get3A_8 = vector.load %arg3[%get3A_6, %get3A_7] : memref<1x128xf32, #tpu.memory_space<vmem>>, vector<1x128xf32>
    %add3A = vector.broadcast %get3A_8 : vector<1x128xf32> to vector<1000x128xf32>
    %add3A_9 = arith.addf %dot_general3A_5, %add3A : vector<1000x128xf32>
    %get3A_10 = arith.constant 0 : index
    %get3A_11 = arith.constant 0 : index
    %get3A_12 = vector.load %arg4[%get3A_10, %get3A_11] : memref<128x128xf32, #tpu.memory_space<vmem>>, vector<128x128xf32>
    %dot_general3A_13 = arith.constant dense<0.000000e+00> : vector<1000x128xf32>
    %dot_general3A_14 = tpu.matmul %add3A_9, %get3A_12, %dot_general3A_13 {dimension_numbers = #tpu.dot_dimension_numbers<[1], [0], [0], [1], [0, 0, 1, 1], [], []>, transpose_lhs_hint = false} : vector<1000x128xf32>, vector<128x128xf32>, vector<1000x128xf32> -> vector<1000x128xf32>
    %get3A_15 = arith.constant 0 : index
    %get3A_16 = arith.constant 0 : index
    %get3A_17 = arith.constant 0 : index
    %get3A_18 = vector.load %arg5[%get3A_15, %get3A_16, %get3A_17] : memref<1x32x1000xf32, #tpu.memory_space<vmem>>, vector<1x32x1000xf32>
    %squeeze3A = vector.shape_cast %get3A_18 : vector<1x32x1000xf32> to vector<32x1000xf32>
    %reduce_sum3A = arith.constant dense<0.000000e+00> : vector<1000xf32>
    %reduce_sum3A_19 = vector.multi_reduction <add>, %squeeze3A, %reduce_sum3A [0] : vector<32x1000xf32> to vector<1000xf32>
    %add3A_20 = arith.constant 1.000000e+00 : f32
    %add3A_21 = vector.broadcast %add3A_20 : f32 to vector<1000xf32>
    %add3A_22 = arith.addf %add3A_21, %reduce_sum3A_19 : vector<1000xf32>
    %max3A = arith.constant 1.000000e+00 : f32
    %max3A_23 = vector.broadcast %max3A : f32 to vector<1000xf32>
    %max3A_24 = arith.maximumf %add3A_22, %max3A_23 : vector<1000xf32>
    %rsqrt3A = math.rsqrt %max3A_24 : vector<1000xf32>
    %broadcast_in_dim3A = vector.shape_cast %rsqrt3A : vector<1000xf32> to vector<1000x1xf32>
    %mul3A = vector.broadcast %broadcast_in_dim3A : vector<1000x1xf32> to vector<1000x128xf32>
    %mul3A_25 = arith.mulf %dot_general3A_14, %mul3A : vector<1000x128xf32>
    %swap3A = arith.constant 0 : index
    %swap3A_26 = arith.constant 0 : index
    %swap3A_27 = vector.load %arg6[%swap3A, %swap3A_26] : memref<1000x128xf32, #tpu.memory_space<vmem>>, vector<1000x128xf32>
    tpu.vector_store %arg6[%swap3A, %swap3A_26], %mul3A_25 {strides = array<i32>} : memref<1000x128xf32, #tpu.memory_space<vmem>>, vector<1000x128xf32>,
    return
  }
  func.func @transform_0(%arg0: i32) -> (i32, i32) {
    %c0_i32 = arith.constant 0 : i32
    %c0_i32_0 = arith.constant 0 : i32
    return %arg0, %c0_i32 : i32, i32
  }
  func.func @transform_1(%arg0: i32) -> (i32, i32) {
    %c0_i32 = arith.constant 0 : i32
    %c0_i32_0 = arith.constant 0 : i32
    %c0_i32_1 = arith.constant 0 : i32
    return %c0_i32, %c0_i32_0 : i32, i32
  }
  func.func @transform_2(%arg0: i32) -> (i32, i32) {
    %c0_i32 = arith.constant 0 : i32
    %c0_i32_0 = arith.constant 0 : i32
    %c0_i32_1 = arith.constant 0 : i32
    return %c0_i32, %c0_i32_0 : i32, i32
  }
  func.func @transform_3(%arg0: i32) -> (i32, i32) {
    %c0_i32 = arith.constant 0 : i32
    %c0_i32_0 = arith.constant 0 : i32
    %c0_i32_1 = arith.constant 0 : i32
    return %c0_i32, %c0_i32_0 : i32, i32
  }
  func.func @transform_4(%arg0: i32) -> (i32, i32, i32) {
    %c0_i32 = arith.constant 0 : i32
    %c0_i32_0 = arith.constant 0 : i32
    %c0_i32_1 = arith.constant 0 : i32
    return %arg0, %c0_i32, %c0_i32_0 : i32, i32, i32
  }
  func.func @transform_5(%arg0: i32) -> (i32, i32) {
    %c0_i32 = arith.constant 0 : i32
    %c0_i32_0 = arith.constant 0 : i32
    return %arg0, %c0_i32 : i32, i32
  }
}

module attributes {stable_mosaic.version = 14 : i64} {
  func.func @_mid_body(%arg0: i32, %arg1: memref<2x1000x128xf32, #tpu.memory_space<vmem>>, %arg2: memref<1000x128xf32, #tpu.memory_space<vmem>>, %arg3: memref<1x32x1000xf32, #tpu.memory_space<vmem>>, %arg4: memref<1x128xf32, #tpu.memory_space<vmem>>, %arg5: memref<1x128xf32, #tpu.memory_space<vmem>>, %arg6: memref<128x128xf32, #tpu.memory_space<vmem>>, %arg7: memref<1000x128xf32, #tpu.memory_space<vmem>>) attributes {dimension_semantics = [#tpu.dimension_semantics<arbitrary>], iteration_bounds = array<i64: 10>, scalar_prefetch = 0 : i64, scratch_operands = 0 : i64, tpu.core_type = #tpu.core_type<tc>, window_params = [{transform_indices = @transform_0, window_bounds = array<i64: 2, 1000, 128>}, {transform_indices = @transform_1, window_bounds = array<i64: 1000, 128>}, {transform_indices = @transform_2, window_bounds = array<i64: 1, 32, 1000>}, {pipeline_mode = #tpu.pipeline_mode<synchronous>, transform_indices = @transform_3, window_bounds = array<i64: 1, 128>}, {pipeline_mode = #tpu.pipeline_mode<synchronous>, transform_indices = @transform_4, window_bounds = array<i64: 1, 128>}, {pipeline_mode = #tpu.pipeline_mode<synchronous>, transform_indices = @transform_5, window_bounds = array<i64: 128, 128>}, {transform_indices = @transform_6, window_bounds = array<i64: 1000, 128>}]} {
    %get3A = arith.constant 0 : index
    %get3A_0 = arith.constant 0 : index
    %get3A_1 = arith.constant 0 : index
    %get3A_2 = vector.load %arg3[%get3A, %get3A_0, %get3A_1] : memref<1x32x1000xf32, #tpu.memory_space<vmem>>, vector<1x32x1000xf32>
    %squeeze3A = vector.shape_cast %get3A_2 : vector<1x32x1000xf32> to vector<32x1000xf32>
    %reduce_sum3A = arith.constant dense<0.000000e+00> : vector<1000xf32>
    %reduce_sum3A_3 = vector.multi_reduction <add>, %squeeze3A, %reduce_sum3A [0] : vector<32x1000xf32> to vector<1000xf32>
    %add3A = arith.constant 1.000000e+00 : f32
    %add3A_4 = vector.broadcast %add3A : f32 to vector<1000xf32>
    %add3A_5 = arith.addf %add3A_4, %reduce_sum3A_3 : vector<1000xf32>
    %max3A = arith.constant 1.000000e+00 : f32
    %max3A_6 = vector.broadcast %max3A : f32 to vector<1000xf32>
    %max3A_7 = arith.maximumf %add3A_5, %max3A_6 : vector<1000xf32>
    %rsqrt3A = math.rsqrt %max3A_7 : vector<1000xf32>
    %broadcast_in_dim3A = vector.shape_cast %rsqrt3A : vector<1000xf32> to vector<1000x1xf32>
    %get3A_8 = arith.constant 0 : index
    %get3A_9 = arith.constant 0 : index
    %get3A_10 = arith.constant 0 : index
    %get3A_11 = vector.load %arg1[%get3A_8, %get3A_9, %get3A_10] : memref<2x1000x128xf32, #tpu.memory_space<vmem>>, vector<1x1000x128xf32>
    %get3A_12 = vector.shape_cast %get3A_11 : vector<1x1000x128xf32> to vector<1000x128xf32>
    %get3A_13 = arith.constant 1 : index
    %get3A_14 = arith.constant 0 : index
    %get3A_15 = arith.constant 0 : index
    %get3A_16 = vector.load %arg1[%get3A_13, %get3A_14, %get3A_15] : memref<2x1000x128xf32, #tpu.memory_space<vmem>>, vector<1x1000x128xf32>
    %get3A_17 = vector.shape_cast %get3A_16 : vector<1x1000x128xf32> to vector<1000x128xf32>
    %add3A_18 = arith.addf %get3A_12, %get3A_17 : vector<1000x128xf32>
    %get3A_19 = arith.constant 0 : index
    %get3A_20 = arith.constant 0 : index
    %get3A_21 = vector.load %arg2[%get3A_19, %get3A_20] : memref<1000x128xf32, #tpu.memory_space<vmem>>, vector<1000x128xf32>
    %add3A_22 = arith.addf %add3A_18, %get3A_21 : vector<1000x128xf32>
    %mul3A = vector.broadcast %broadcast_in_dim3A : vector<1000x1xf32> to vector<1000x128xf32>
    %mul3A_23 = arith.mulf %add3A_22, %mul3A : vector<1000x128xf32>
    %get3A_24 = arith.constant 0 : index
    %get3A_25 = arith.constant 0 : index
    %get3A_26 = vector.load %arg4[%get3A_24, %get3A_25] : memref<1x128xf32, #tpu.memory_space<vmem>>, vector<1x128xf32>
    %mul3A_27 = vector.broadcast %get3A_26 : vector<1x128xf32> to vector<1000x128xf32>
    %mul3A_28 = arith.mulf %mul3A_23, %mul3A_27 : vector<1000x128xf32>
    %get3A_29 = arith.constant 0 : index
    %get3A_30 = arith.constant 0 : index
    %get3A_31 = vector.load %arg5[%get3A_29, %get3A_30] : memref<1x128xf32, #tpu.memory_space<vmem>>, vector<1x128xf32>
    %add3A_32 = vector.broadcast %get3A_31 : vector<1x128xf32> to vector<1000x128xf32>
    %add3A_33 = arith.addf %mul3A_28, %add3A_32 : vector<1000x128xf32>
    %max3A_34 = arith.constant 0.000000e+00 : f32
    %max3A_35 = vector.broadcast %max3A_34 : f32 to vector<1000x128xf32>
    %max3A_36 = arith.maximumf %add3A_33, %max3A_35 : vector<1000x128xf32>
    %get3A_37 = arith.constant 0 : index
    %get3A_38 = arith.constant 0 : index
    %get3A_39 = vector.load %arg6[%get3A_37, %get3A_38] : memref<128x128xf32, #tpu.memory_space<vmem>>, vector<128x128xf32>
    %dot_general3A = arith.constant dense<0.000000e+00> : vector<1000x128xf32>
    %dot_general3A_40 = tpu.matmul %max3A_36, %get3A_39, %dot_general3A {dimension_numbers = #tpu.dot_dimension_numbers<[1], [0], [0], [1], [0, 0, 1, 1], [], []>, transpose_lhs_hint = false} : vector<1000x128xf32>, vector<128x128xf32>, vector<1000x128xf32> -> vector<1000x128xf32>
    %mul3A_41 = vector.broadcast %broadcast_in_dim3A : vector<1000x1xf32> to vector<1000x128xf32>
    %mul3A_42 = arith.mulf %dot_general3A_40, %mul3A_41 : vector<1000x128xf32>
    %swap3A = arith.constant 0 : index
    %swap3A_43 = arith.constant 0 : index
    %swap3A_44 = vector.load %arg7[%swap3A, %swap3A_43] : memref<1000x128xf32, #tpu.memory_space<vmem>>, vector<1000x128xf32>
    tpu.vector_store %arg7[%swap3A, %swap3A_43], %mul3A_42 {strides = array<i32>} : memref<1000x128xf32, #tpu.memory_space<vmem>>, vector<1000x128xf32>,
    return
  }
  func.func @transform_0(%arg0: i32) -> (i32, i32, i32) {
    %c0_i32 = arith.constant 0 : i32
    %c0_i32_0 = arith.constant 0 : i32
    %c0_i32_1 = arith.constant 0 : i32
    return %c0_i32, %arg0, %c0_i32_0 : i32, i32, i32
  }
  func.func @transform_1(%arg0: i32) -> (i32, i32) {
    %c0_i32 = arith.constant 0 : i32
    %c0_i32_0 = arith.constant 0 : i32
    return %arg0, %c0_i32 : i32, i32
  }
  func.func @transform_2(%arg0: i32) -> (i32, i32, i32) {
    %c0_i32 = arith.constant 0 : i32
    %c0_i32_0 = arith.constant 0 : i32
    %c0_i32_1 = arith.constant 0 : i32
    return %arg0, %c0_i32, %c0_i32_0 : i32, i32, i32
  }
  func.func @transform_3(%arg0: i32) -> (i32, i32) {
    %c0_i32 = arith.constant 0 : i32
    %c0_i32_0 = arith.constant 0 : i32
    %c0_i32_1 = arith.constant 0 : i32
    return %c0_i32, %c0_i32_0 : i32, i32
  }
  func.func @transform_4(%arg0: i32) -> (i32, i32) {
    %c0_i32 = arith.constant 0 : i32
    %c0_i32_0 = arith.constant 0 : i32
    %c0_i32_1 = arith.constant 0 : i32
    return %c0_i32, %c0_i32_0 : i32, i32
  }
  func.func @transform_5(%arg0: i32) -> (i32, i32) {
    %c0_i32 = arith.constant 0 : i32
    %c0_i32_0 = arith.constant 0 : i32
    %c0_i32_1 = arith.constant 0 : i32
    return %c0_i32, %c0_i32_0 : i32, i32
  }
  func.func @transform_6(%arg0: i32) -> (i32, i32) {
    %c0_i32 = arith.constant 0 : i32
    %c0_i32_0 = arith.constant 0 : i32
    return %arg0, %c0_i32 : i32, i32
  }
}

module attributes {stable_mosaic.version = 14 : i64} {
  func.func @_final_body(%arg0: i32, %arg1: memref<2x1000x128xf32, #tpu.memory_space<vmem>>, %arg2: memref<1000x128xf32, #tpu.memory_space<vmem>>, %arg3: memref<1x32x1000xf32, #tpu.memory_space<vmem>>, %arg4: memref<1x128xf32, #tpu.memory_space<vmem>>, %arg5: memref<1x128xf32, #tpu.memory_space<vmem>>, %arg6: memref<128x64xf32, #tpu.memory_space<vmem>>, %arg7: memref<1x64xf32, #tpu.memory_space<vmem>>, %arg8: memref<1000x64xf32, #tpu.memory_space<vmem>>) attributes {dimension_semantics = [#tpu.dimension_semantics<arbitrary>], iteration_bounds = array<i64: 10>, scalar_prefetch = 0 : i64, scratch_operands = 0 : i64, tpu.core_type = #tpu.core_type<tc>, window_params = [{transform_indices = @transform_0, window_bounds = array<i64: 2, 1000, 128>}, {transform_indices = @transform_1, window_bounds = array<i64: 1000, 128>}, {transform_indices = @transform_2, window_bounds = array<i64: 1, 32, 1000>}, {pipeline_mode = #tpu.pipeline_mode<synchronous>, transform_indices = @transform_3, window_bounds = array<i64: 1, 128>}, {pipeline_mode = #tpu.pipeline_mode<synchronous>, transform_indices = @transform_4, window_bounds = array<i64: 1, 128>}, {pipeline_mode = #tpu.pipeline_mode<synchronous>, transform_indices = @transform_5, window_bounds = array<i64: 128, 64>}, {pipeline_mode = #tpu.pipeline_mode<synchronous>, transform_indices = @transform_6, window_bounds = array<i64: 1, 64>}, {transform_indices = @transform_7, window_bounds = array<i64: 1000, 64>}]} {
    %get3A = arith.constant 0 : index
    %get3A_0 = arith.constant 0 : index
    %get3A_1 = arith.constant 0 : index
    %get3A_2 = vector.load %arg3[%get3A, %get3A_0, %get3A_1] : memref<1x32x1000xf32, #tpu.memory_space<vmem>>, vector<1x32x1000xf32>
    %squeeze3A = vector.shape_cast %get3A_2 : vector<1x32x1000xf32> to vector<32x1000xf32>
    %reduce_sum3A = arith.constant dense<0.000000e+00> : vector<1000xf32>
    %reduce_sum3A_3 = vector.multi_reduction <add>, %squeeze3A, %reduce_sum3A [0] : vector<32x1000xf32> to vector<1000xf32>
    %add3A = arith.constant 1.000000e+00 : f32
    %add3A_4 = vector.broadcast %add3A : f32 to vector<1000xf32>
    %add3A_5 = arith.addf %add3A_4, %reduce_sum3A_3 : vector<1000xf32>
    %max3A = arith.constant 1.000000e+00 : f32
    %max3A_6 = vector.broadcast %max3A : f32 to vector<1000xf32>
    %max3A_7 = arith.maximumf %add3A_5, %max3A_6 : vector<1000xf32>
    %rsqrt3A = math.rsqrt %max3A_7 : vector<1000xf32>
    %broadcast_in_dim3A = vector.shape_cast %rsqrt3A : vector<1000xf32> to vector<1000x1xf32>
    %get3A_8 = arith.constant 0 : index
    %get3A_9 = arith.constant 0 : index
    %get3A_10 = arith.constant 0 : index
    %get3A_11 = vector.load %arg1[%get3A_8, %get3A_9, %get3A_10] : memref<2x1000x128xf32, #tpu.memory_space<vmem>>, vector<1x1000x128xf32>
    %get3A_12 = vector.shape_cast %get3A_11 : vector<1x1000x128xf32> to vector<1000x128xf32>
    %get3A_13 = arith.constant 1 : index
    %get3A_14 = arith.constant 0 : index
    %get3A_15 = arith.constant 0 : index
    %get3A_16 = vector.load %arg1[%get3A_13, %get3A_14, %get3A_15] : memref<2x1000x128xf32, #tpu.memory_space<vmem>>, vector<1x1000x128xf32>
    %get3A_17 = vector.shape_cast %get3A_16 : vector<1x1000x128xf32> to vector<1000x128xf32>
    %add3A_18 = arith.addf %get3A_12, %get3A_17 : vector<1000x128xf32>
    %get3A_19 = arith.constant 0 : index
    %get3A_20 = arith.constant 0 : index
    %get3A_21 = vector.load %arg2[%get3A_19, %get3A_20] : memref<1000x128xf32, #tpu.memory_space<vmem>>, vector<1000x128xf32>
    %add3A_22 = arith.addf %add3A_18, %get3A_21 : vector<1000x128xf32>
    %mul3A = vector.broadcast %broadcast_in_dim3A : vector<1000x1xf32> to vector<1000x128xf32>
    %mul3A_23 = arith.mulf %add3A_22, %mul3A : vector<1000x128xf32>
    %get3A_24 = arith.constant 0 : index
    %get3A_25 = arith.constant 0 : index
    %get3A_26 = vector.load %arg4[%get3A_24, %get3A_25] : memref<1x128xf32, #tpu.memory_space<vmem>>, vector<1x128xf32>
    %mul3A_27 = vector.broadcast %get3A_26 : vector<1x128xf32> to vector<1000x128xf32>
    %mul3A_28 = arith.mulf %mul3A_23, %mul3A_27 : vector<1000x128xf32>
    %get3A_29 = arith.constant 0 : index
    %get3A_30 = arith.constant 0 : index
    %get3A_31 = vector.load %arg5[%get3A_29, %get3A_30] : memref<1x128xf32, #tpu.memory_space<vmem>>, vector<1x128xf32>
    %add3A_32 = vector.broadcast %get3A_31 : vector<1x128xf32> to vector<1000x128xf32>
    %add3A_33 = arith.addf %mul3A_28, %add3A_32 : vector<1000x128xf32>
    %max3A_34 = arith.constant 0.000000e+00 : f32
    %max3A_35 = vector.broadcast %max3A_34 : f32 to vector<1000x128xf32>
    %max3A_36 = arith.maximumf %add3A_33, %max3A_35 : vector<1000x128xf32>
    %get3A_37 = arith.constant 0 : index
    %get3A_38 = arith.constant 0 : index
    %get3A_39 = vector.load %arg6[%get3A_37, %get3A_38] : memref<128x64xf32, #tpu.memory_space<vmem>>, vector<128x64xf32>
    %dot_general3A = arith.constant dense<0.000000e+00> : vector<1000x64xf32>
    %dot_general3A_40 = tpu.matmul %max3A_36, %get3A_39, %dot_general3A {dimension_numbers = #tpu.dot_dimension_numbers<[1], [0], [0], [1], [0, 0, 1, 1], [], []>, transpose_lhs_hint = false} : vector<1000x128xf32>, vector<128x64xf32>, vector<1000x64xf32> -> vector<1000x64xf32>
    %get3A_41 = arith.constant 0 : index
    %get3A_42 = arith.constant 0 : index
    %get3A_43 = vector.load %arg7[%get3A_41, %get3A_42] : memref<1x64xf32, #tpu.memory_space<vmem>>, vector<1x64xf32>
    %add3A_44 = vector.broadcast %get3A_43 : vector<1x64xf32> to vector<1000x64xf32>
    %add3A_45 = arith.addf %dot_general3A_40, %add3A_44 : vector<1000x64xf32>
    %reduce_max3A = arith.constant dense<0xFF800000> : vector<1000xf32>
    %reduce_max3A_46 = vector.multi_reduction <maximumf>, %add3A_45, %reduce_max3A [1] : vector<1000x64xf32> to vector<1000xf32>
    %broadcast_in_dim3A_47 = vector.shape_cast %reduce_max3A_46 : vector<1000xf32> to vector<1000x1xf32>
    %sub3A = vector.broadcast %broadcast_in_dim3A_47 : vector<1000x1xf32> to vector<1000x64xf32>
    %sub3A_48 = arith.subf %add3A_45, %sub3A : vector<1000x64xf32>
    %exp3A = math.exp %sub3A_48 : vector<1000x64xf32>
    %reduce_sum3A_49 = arith.constant dense<0.000000e+00> : vector<1000xf32>
    %reduce_sum3A_50 = vector.multi_reduction <add>, %exp3A, %reduce_sum3A_49 [1] : vector<1000x64xf32> to vector<1000xf32>
    %broadcast_in_dim3A_51 = vector.shape_cast %reduce_sum3A_50 : vector<1000xf32> to vector<1000x1xf32>
    %log3A = math.log %broadcast_in_dim3A_51 : vector<1000x1xf32>
    %add3A_52 = arith.addf %log3A, %broadcast_in_dim3A_47 : vector<1000x1xf32>
    %sub3A_53 = vector.broadcast %add3A_52 : vector<1000x1xf32> to vector<1000x64xf32>
    %sub3A_54 = arith.subf %add3A_45, %sub3A_53 : vector<1000x64xf32>
    %swap3A = arith.constant 0 : index
    %swap3A_55 = arith.constant 0 : index
    %swap3A_56 = vector.load %arg8[%swap3A, %swap3A_55] : memref<1000x64xf32, #tpu.memory_space<vmem>>, vector<1000x64xf32>
    tpu.vector_store %arg8[%swap3A, %swap3A_55], %sub3A_54 {strides = array<i32>} : memref<1000x64xf32, #tpu.memory_space<vmem>>, vector<1000x64xf32>,
    return
  }
  func.func @transform_0(%arg0: i32) -> (i32, i32, i32) {
    %c0_i32 = arith.constant 0 : i32
    %c0_i32_0 = arith.constant 0 : i32
    %c0_i32_1 = arith.constant 0 : i32
    return %c0_i32, %arg0, %c0_i32_0 : i32, i32, i32
  }
  func.func @transform_1(%arg0: i32) -> (i32, i32) {
    %c0_i32 = arith.constant 0 : i32
    %c0_i32_0 = arith.constant 0 : i32
    return %arg0, %c0_i32 : i32, i32
  }
  func.func @transform_2(%arg0: i32) -> (i32, i32, i32) {
    %c0_i32 = arith.constant 0 : i32
    %c0_i32_0 = arith.constant 0 : i32
    %c0_i32_1 = arith.constant 0 : i32
    return %arg0, %c0_i32, %c0_i32_0 : i32, i32, i32
  }
  func.func @transform_3(%arg0: i32) -> (i32, i32) {
    %c0_i32 = arith.constant 0 : i32
    %c0_i32_0 = arith.constant 0 : i32
    %c0_i32_1 = arith.constant 0 : i32
    return %c0_i32, %c0_i32_0 : i32, i32
  }
  func.func @transform_4(%arg0: i32) -> (i32, i32) {
    %c0_i32 = arith.constant 0 : i32
    %c0_i32_0 = arith.constant 0 : i32
    %c0_i32_1 = arith.constant 0 : i32
    return %c0_i32, %c0_i32_0 : i32, i32
  }
  func.func @transform_5(%arg0: i32) -> (i32, i32) {
    %c0_i32 = arith.constant 0 : i32
    %c0_i32_0 = arith.constant 0 : i32
    %c0_i32_1 = arith.constant 0 : i32
    return %c0_i32, %c0_i32_0 : i32, i32
  }
  func.func @transform_6(%arg0: i32) -> (i32, i32) {
    %c0_i32 = arith.constant 0 : i32
    %c0_i32_0 = arith.constant 0 : i32
    %c0_i32_1 = arith.constant 0 : i32
    return %c0_i32, %c0_i32_0 : i32, i32
  }
  func.func @transform_7(%arg0: i32) -> (i32, i32) {
    %c0_i32 = arith.constant 0 : i32
    %c0_i32_0 = arith.constant 0 : i32
    return %arg0, %c0_i32 : i32, i32
  }
}

</mosaic_0001>

<sc_bundles>
// kernel: kernel.11.cloned.1.call-start
scs
__scs_entry_jumppad:
0x0: {  	(pc) =	sbr.rel $0x88, $3  }
0x1: {  	(tag) =	ssettag $0x0;
	lr =	simm.s32 $0x1  }
0x2: {  	[smem:$0x3F90] =	sst lr;
	_ =	strace $0xD0000000  }
0x3: {  	_ = 	snop  }
0x4: {  	_ = 	snop  }
0x5: {  	_ = 	snop  }
0x6: {  	_ = 	snop  }
0x7: {  	_ = 	snop  }
__scs_overlays_trampoline_lowered:
0x8: {  	[smem:$0x3F9F] =	sst s0  }
0x9: {  	[smem:$0x3FA0] =	sst s1  }
0xa: {  	[smem:$0x3FA1] =	sst s2  }
0xb: {  	[smem:$0x3FA2] =	sst s3  }
0xc: {  	[smem:$0x3FA3] =	sst s4  }
0xd: {  	[smem:$0x3FA4] =	sst s5  }
0xe: {  	[smem:$0x3FA5] =	sst s6  }
0xf: {  	[smem:$0x3FA6] =	sst s7  }
0x10: {  	[smem:$0x3FA7] =	sst s8  }
0x11: {  	[smem:$0x3FA8] =	sst s9;
	s0 =	simm.s32 @!p0 $0x0  }
0x12: {  	s1 =	sld [smem:$0x3F8E];
	s0 =	simm.s32 @p0 $0x1  }
0x13: {  	[smem:$0x3FA9] =	sst s0;
	s0 =	simm.s32 @!p1 $0x0  }
0x14: {  	s2 =	sld [smem:$0x3F8D];
	s0 =	simm.s32 @p1 $0x1  }
0x15: {  	[smem:$0x3FAA] =	sst s0;
	s0 =	simm.s32 @!p2 $0x0  }
0x16: {  	s3 =	sld [smem:$0x3FDB];
	s0 =	simm.s32 @p2 $0x1  }
0x17: {  	s4 =	simm.s32 $0x1BF5;
	[smem:$0x3FAC] =	sst s0  }
0x18: {  	s0 =	sld [smem:$0x3F8F];
	_ =	swait.ge [sflag:s4], $0x0  }
0x19: {  	s7 =	sld [smem:$0x3F90]  }
0x1a: {  	s8 =	sadd.s32 $0xFFFFE003, lr  }
0x1b: {  	s9 =	sadd.s32 $0xFFFFFEF7, lr;
	s5 =	simm.s32 $0xFFFFFFFF;
	p2 =	slt.u32 s8, $0xFFFFF086  }
0x1c: {  	p1 =	slt.u32 s9, $0xF7A;
	s5 =	simm.s32 @!p2 $0x0  }
0x1d: {  	s5 =	simm.s32 @p1 $0x1;
	p0 =	seq.s32 s7, s2  }
0x1e: {  	s7 =	smul.u32 @!p0 $0xF7A, s2;
	p2 =	seq.s32 @!p0 s5, $0x0  }
0x1f: {  	s9 =	smul.u32 $0xF7A, s1;
	s8 =	simm.s32 @!p0 $0x1BF5;
	p2 =	por !p2, p0  }
0x20: {  	[sflag:s8] =	ssyncset.s32 @!p0 $0xFFFFF086;
	s6 =	sadd.s32 @!p0 s3, s7;
	s7 =	simm.s32 @!p0 $0x108  }
0x21: {  	s3 =	sadd.s32 s3, s9;
	s6 =	sadd.s32 @!p0 $0x88, s6;
	s7 =	simm.s32 @p2 $0x1082  }
0x22: {  	[simem:s7], [sflag:s8] =	dma.local @!p0 [hbm:s6], $0xF7A  }
0x23: {  	s9 =	sor.u32 $0xD0000000, s2;
	s6 =	simm.s32 $0x108;
	_ =	swait.ge @!p0 [sflag:s8], $0x0  }
0x24: {  	s3 =	sadd.s32 $0x88, s3;
	s6 =	simm.s32 @!p1 $0x1082;
	[sflag:s4] =	ssyncset.s32 $0xFFFFF086  }
0x25: {  	[simem:s6], [sflag:s4] =	dma.local [hbm:s3], $0xF7A  }
0x26: {  	[smem:$0x3F90] =	sst s1;
	(tag) =	ssettag s2;
	_ =	strace s9  }
0x27: {  	s1 =	sld [smem:$0x3FA0]  }
0x28: {  	s2 =	sld [smem:$0x3FA1]  }
0x29: {  	s4 =	sld [smem:$0x3FA3]  }
0x2a: {  	p0 =	seq.s32 s5, $0x0;
	s5 =	sld [smem:$0x3FA4]  }
0x2b: {  	s6 =	sld [smem:$0x3FA5]  }
0x2c: {  	s7 =	sld [smem:$0x3FA6]  }
0x2d: {  	s3 =	simm.s32 $0x108;
	s8 =	sld [smem:$0x3FA7]  }
0x2e: {  	s3 =	simm.s32 @!p0 $0x1082;
	s9 =	sld [smem:$0x3FA8]  }
0x2f: {  	lr =	sadd.s32 s0, s3;
	s0 =	sld [smem:$0x3F9F]  }
0x30: {  	s3 =	sld [smem:$0x3FA2]  }
0x31: {  	[smem:$0x3FAB] =	sst s10  }
0x32: {  	s10 =	sld [smem:$0x3FA9];
	_ =	sdelay $0x3  }
0x33: {  	p0 =	seq.s32 s10, $0x1;
	s10 =	sld [smem:$0x3FAB];
	_ =	sdelay $0x3  }
0x34: {  	[smem:$0x3FAB] =	sst s10  }
0x35: {  	s10 =	sld [smem:$0x3FAA];
	_ =	sdelay $0x3  }
0x36: {  	p1 =	seq.s32 s10, $0x1;
	s10 =	sld [smem:$0x3FAB];
	_ =	sdelay $0x3  }
0x37: {  	[smem:$0x3FAB] =	sst s10  }
0x38: {  	s10 =	sld [smem:$0x3FAC]  }
0x39: {  	_ = 	snop;
	(pc) =	sbr.ind lr, $3  }
0x3a: {  	_ = 	snop  }
0x3b: {  	_ = 	snop  }
0x3c: {  	p2 =	seq.s32 s10, $0x1;
	s10 =	sld [smem:$0x3FAB]  }
0x3d: {  	_ =	shalt  }
0x3e: {  	_ =	shalt  }
0x3f: {  	_ =	shalt  }
0x40: {  	_ =	shalt  }
0x41: {  	_ =	shalt  }
0x42: {  	_ =	shalt  }
0x43: {  	_ =	shalt  }
0x44: {  	_ =	shalt  }
0x45: {  	_ =	shalt  }
0x46: {  	_ =	shalt  }
0x47: {  	_ =	shalt  }
0x48: {  	_ =	shalt  }
0x49: {  	_ =	shalt  }
0x4a: {  	_ =	shalt  }
0x4b: {  	_ =	shalt  }
0x4c: {  	_ =	shalt  }
0x4d: {  	_ =	shalt  }
0x4e: {  	_ =	shalt  }
0x4f: {  	_ =	shalt  }
0x50: {  	_ =	shalt  }
0x51: {  	_ =	shalt  }
0x52: {  	_ =	shalt  }
0x53: {  	_ =	shalt  }
0x54: {  	_ =	shalt  }
0x55: {  	_ =	shalt  }
0x56: {  	_ =	shalt  }
0x57: {  	_ =	shalt  }
0x58: {  	_ =	shalt  }
0x59: {  	_ =	shalt  }
0x5a: {  	_ =	shalt  }
0x5b: {  	_ =	shalt  }
0x5c: {  	_ =	shalt  }
0x5d: {  	_ =	shalt  }
0x5e: {  	_ =	shalt  }
0x5f: {  	_ =	shalt  }
0x60: {  	_ =	shalt  }
0x61: {  	_ =	shalt  }
0x62: {  	_ =	shalt  }
0x63: {  	_ =	shalt  }
0x64: {  	_ =	shalt  }
0x65: {  	_ =	shalt  }
0x66: {  	_ =	shalt  }
0x67: {  	_ =	shalt  }
0x68: {  	_ =	shalt  }
0x69: {  	_ =	shalt  }
0x6a: {  	_ =	shalt  }
0x6b: {  	_ =	shalt  }
0x6c: {  	_ =	shalt  }
0x6d: {  	_ =	shalt  }
0x6e: {  	_ =	shalt  }
0x6f: {  	_ =	shalt  }
0x70: {  	_ =	shalt  }
0x71: {  	_ =	shalt  }
0x72: {  	_ =	shalt  }
0x73: {  	_ =	shalt  }
0x74: {  	_ =	shalt  }
0x75: {  	_ =	shalt  }
0x76: {  	_ =	shalt  }
0x77: {  	_ =	shalt  }
0x78: {  	_ =	shalt  }
0x79: {  	_ =	shalt  }
0x7a: {  	_ =	shalt  }
0x7b: {  	_ =	shalt  }
0x7c: {  	_ =	shalt  }
0x7d: {  	_ =	shalt  }
0x7e: {  	_ =	shalt  }
0x7f: {  	_ =	shalt  }
0x80: {  	_ =	shalt  }
0x81: {  	_ =	shalt  }
0x82: {  	_ =	shalt  }
0x83: {  	_ =	shalt  }
0x84: {  	_ =	shalt  }
0x85: {  	_ =	shalt  }
0x86: {  	_ =	shalt  }
0x87: {  	_ =	shalt  }
.Lfunc_end0:
.L_simem_size_0:
called_computation.1_lowered:
.L_overlay_start_0:
0x88: {  	s2 =	sld [smem:$0x3FD9]  }
0x89: {  	s3 =	sld [smem:$0x3FFE];
	_ =	sdelay $0x1  }
0x8a: {  	s1 =	srdreg.scid  }
0x8b: {  	s0 =	sand.u32 $0x1, s1  }
0x8c: {  	s17 =	sshll.u32 s0, $0xA;
	s2 =	sadd.s32 s3, s2  }
0x8d: {  	s2 =	sadd.s32 s2, s17  }
0x8e: {  	[smem:$0x3FB7] =	sst s2  }
0x8f: {  	_ = 	snop  }
0x90: {  	s2 =	sld [smem:$0x3FD0];
	(tm) =	ssettm $0x1  }
0x91: {  	s18 =	sld [smem:$0x3FFB];
	_ =	sdelay $0x3  }
0x92: {  	_ =	strace s18  }
0x93: {  	s3 =	sld [smem:$0x3FFC];
	_ =	sdelay $0x3  }
0x94: {  	_ =	strace s3  }
0x95: {  	s3 =	sld [smem:$0x3FFD];
	_ =	sdelay $0x3  }
0x96: {  	_ =	strace s3  }
0x97: {  	_ =	strace $0x8FFFFFFF  }
0x98: {  	s19 =	sld [smem:$0x3FDB];
	_ =	sdelay $0x1  }
0x99: {  	s4 =	simm.s32 $_scs_section_size  }
0x9a: {  	s5 =	simm.s32 $_size__tile_overlayer_lowered;
	s6 =	simm.s32 $_tile_overlayer_lowered  }
0x9b: {  	s22 =	simm.s32 $0x1BFF;
	s21 =	sshll.u32 s6, $0x1;
	s3 =	sadd.s32 s4, s19  }
0x9c: {  	s7 =	simm.s32 $0x0;
	s20 =	sshll.u32 s5, $0x1;
	s5 =	sadd.s32 s21, s3  }
0x9d: {  	[timem:s7], [sflag:s22] =	dma.local [hbm:s5], s20  }
0x9e: {  	_ =	swait.ge [sflag:s22], s20  }
0x9f: {  	s4 =	ssub.s32 $0x0, s20;
	[sflag:s22] =	ssyncset.done $0x0  }
0xa0: {  	[sflag:s22] =	ssyncadd.s32 s4;
	_ =	sdelay $0x1  }
0xa1: {  	s23 =	simm.s32 $0x1B8B  }
0xa2: {  	_ =	swait.ge [sflag:s23], $0x1  }
0xa3: {  	[sflag:s23] =	ssyncset.done $0x0  }
0xa4: {  	s25 =	simm.s32 $0x1B8E;
	s24 =	sld [smem:$0x3FFE];
	[sflag:s23] =	ssyncadd.s32 $0xFFFFFFFF  }
0xa5: {  	s26 =	simm.s32 $execute0_lowered;
	[smem:$0x3FD2] =	sst s25  }
0xa6: {  	s5 =	sshll.u32 s26, $0x1;
	_ =	strace $0x80000049;
	[dreg:$0x1] =	wrdreg $0xFFFFFFFF  }
0xa7: {  	s28 =	simm.s32 $_size_execute0_lowered;
	s3 =	sadd.s32 s3, s5;
	[dreg:$0x0] =	wrdreg $0x0  }
0xa8: {  	s5 =	sshll.u32 s28, $0x1;
	[dreg:$0x2] =	wrdreg s3  }
0xa9: {  	[dreg:$0x3] =	wrdreg s5  }
0xaa: {  	[dreg:$0x4] =	wrdreg $0xC0  }
0xab: {  	_ =	task [dreg:s7], $0x5FFFF  }
0xac: {  	[dreg:$0x1] =	wrdreg $0xFFFFFFFF  }
0xad: {  	[dreg:$0x0] =	wrdreg $0x60  }
0xae: {  	[dreg:$0x2] =	wrdreg s24  }
0xaf: {  	[dreg:$0x3] =	wrdreg s2  }
0xb0: {  	[dreg:$0x4] =	wrdreg $0xB4000  }
0xb1: {  	[dreg:$0x5] =	wrdreg $0x9  }
0xb2: {  	_ =	task.clear_ibuf [dreg:s7], $0x6FFFF;
	_ =	strace $0x90000049  }
0xb3: {  	s29 =	simm.s32 $0x9;
	_ =	strace $0x8000004B  }
0xb4: {  	_ =	swait.ge [sflag:s29], $0x1  }
0xb5: {  	[sflag:s29] =	ssyncadd.s32 $0xFFFFFFFF  }
0xb6: {  	_ =	strace $0x9000004B  }
0xb7: {  	_ =	sfence  }
0xb8: {  	s30 =	sld [smem:$0x0];
	_ =	sdelay $0x2  }
0xb9: {  	s31 =	sshll.u32 s1, $0xD;
	s1 =	sshrl.u32 s1, $0x2  }
0xba: {  	s3 =	sand.u32 $0x4000, s31;
	s1 =	sadd.s32 s1, s30  }
0xbb: {  	s0 =	sor.u32 s3, s0;
	s1 =	sshll.u32 s1, $0x11  }
0xbc: {  	s0 =	sor.u32 s1, s0  }
0xbd: {  	s0 =	sadd.s32 $0x8F2B, s0  }
0xbe: {  	[sflag:s0] =	ssyncadd.remote.s32 $0x1  }
0xbf: {  	_ =	sfence.sel $0xFFFF  }
0xc0: {  	[dreg:$0x0] =	wrdreg $0xFFFFFFFF;
	(pc) =	sbr.abs _section_cstart, $3  }
0xc1: {  	[dreg:$0x1] =	wrdreg $0xFFFFFFFF  }
0xc2: {  	_ =	task.clear_ibuf [dreg:s7], $0x2FFFF;
	_ =	strace $0x9FFFFFFF  }
0xc3: {  	(tm) =	ssettm $0x7FFFFFFF  }
tec
execute0_lowered:
.L_overlay_start_1:
0x0: {  	(tag) =	ssettag $0x1  }
0x1: {  	s0 =	rddreg [dreg:$0x0]  }
0x2: {  	s1 =	rddreg [dreg:$0x1]  }
0x3: {  	s2 =	rddreg [dreg:$0x2];
	s4 =	simm.s32 $0x0  }
0x4: {  	s3 =	srdreg.scid;
	s20 =	stileid.u32;
	s28 =	simm.s32 $0x7  }
0x5: {  	s29 =	simm.s32 $0x64;
	s30 =	simm.s32 $0x80;
	s31 =	simm.s32 $0x4C00  }
0x6: {  	[smem:$0x7FF] =	sst s4;
	s3 =	sand.u32 $0x1, s3;
	s7 =	smul.u32 $0x50000, s20  }
0x7: {  	s5 =	sadd.s32 $0x26600, s0;
	s9 =	smul.u32 $0x14000, s20;
	s10 =	sadd.s32 $0x4D800, s0  }
0x8: {  	_ =	strace $0x8000004A;
	s6 =	ssub.s32 $0x2, s3;
	s23 =	smul.u32 $0x140000, s3  }
0x9: {  	s3 =	sshll.u32 s3, $0x4;
	s8 =	sshrl.u32 s6, $0x1;
	s11 =	sor.u32 $0x2800, s9  }
0xa: {  	s12 =	sadd.s32 $0x5000, s9;
	s13 =	sadd.s32 $0x7800, s9;
	s15 =	sadd.s32 $0xA000, s9  }
0xb: {  	s16 =	sadd.s32 $0xC800, s9;
	s17 =	sadd.s32 $0xF000, s9;
	s6 =	ssub.s32 s6, s8  }
0xc: {  	s14 =	sadd.s32 s9, s23;
	s18 =	sadd.s32 s23, s11;
	s9 =	sadd.s32 $0x11800, s9  }
0xd: {  	s25 =	sadd.s32 s23, s12;
	s26 =	sadd.s32 s23, s13;
	s19 =	sadd.s32 s23, s15  }
0xe: {  	s21 =	sadd.s32 s23, s16;
	s22 =	sadd.s32 s23, s17;
	s11 =	sadd.s32 s11, s2  }
0xf: {  	s12 =	sadd.s32 s12, s2;
	s13 =	sadd.s32 s13, s2;
	[dreg:$0xd] =	wrdreg s11  }
0x10: {  	s15 =	sadd.s32 s15, s2;
	s16 =	sadd.s32 s16, s2;
	[dreg:$0xe] =	wrdreg s12  }
0x11: {  	s17 =	sadd.s32 s17, s2;
	s14 =	sshrl.u32 s14, $0x3;
	[dreg:$0xf] =	wrdreg s13  }
0x12: {  	s24 =	sshrl.u32 s18, $0x3;
	s18 =	sshrl.u32 s26, $0x3;
	[dreg:$0x10] =	wrdreg s15  }
0x13: {  	s19 =	sshrl.u32 s19, $0x3;
	s8 =	sadd.s32 s23, s9;
	[dreg:$0x11] =	wrdreg s16  }
0x14: {  	s26 =	smax.u32 s6, $0x1;
	s6 =	simm.s32 $0x6;
	[dreg:$0x12] =	wrdreg s17  }
0x15: {  	s14 =	sadd.s32 s10, s14;
	s18 =	sadd.s32 s10, s18;
	[dreg:$0x14] =	wrdreg s26  }
0x16: {  	s8 =	sshrl.u32 s8, $0x3;
	s26 =	simm.s32 $0x1800;
	[dreg:$0x4] =	wrdreg s14  }
0x17: {  	s14 =	sadd.s32 s10, s24;
	[dreg:$0x7] =	wrdreg s18;
	s18 =	sshrl.u32 s22, $0x3  }
0x18: {  	s8 =	sadd.s32 s10, s8;
	s24 =	sor.u32 s20, s3;
	s3 =	simm.s32 $0x8000  }
0x19: {  	[dreg:$0x5] =	wrdreg s14;
	s14 =	sshrl.u32 s25, $0x3;
	s23 =	sadd.s32 s10, s18  }
0x1a: {  	[dreg:$0xb] =	wrdreg s8;
	s25 =	sshrl.u32 s7, $0x2;
	s24 =	smul.u32 $0x3C00, s24  }
0x1b: {  	s7 =	simm.s32 $0x4;
	s14 =	sadd.s32 s10, s14;
	[dreg:$0xa] =	wrdreg s23  }
0x1c: {  	s8 =	simm.s32 $0x5;
	[dreg:$0x6] =	wrdreg s14;
	s14 =	sadd.s32 s10, s19  }
0x1d: {  	s19 =	sadd.s32 s9, s2;
	[dreg:$0x8] =	wrdreg s14;
	s14 =	sshrl.u32 s21, $0x3  }
0x1e: {  	s18 =	sadd.s32 s25, s2;
	[dreg:$0x13] =	wrdreg s19;
	s14 =	sadd.s32 s10, s14  }
0x1f: {  	[dreg:$0x9] =	wrdreg s14;
	s14 =	sadd.s32 $0x17600, s0;
	s0 =	sadd.s32 $0x3A00, s0  }
0x20: {  	s9 =	simm.s32 $0x0;
	[dreg:$0xc] =	wrdreg s0;
	s0 =	simm.s32 $0x100  }
.LBB2_1:
0x21: {  	s10 =	rddreg [dreg:$0xc]  }
0x22: {  	[tilespmem:s26], [sflag:$0x7] =	stream.linear.gather [hbm4b:s10+s4], $0x2800, $0x38;
	[tilespmem:$0x1F400] =	vst v63  }
0x23: {  	_ =	swait.ge [sflag:s28], $0x2800  }
0x24: {  	[sflag:s28] =	ssyncset.done $0x0  }
0x25: {  	[sflag:s28] =	ssyncadd.s32 $0xFFFFD800  }
0x26: {  	[spmem:s18] =	stream.linear.scatter [tilespmem:s26], [sflag:$0x7], $0x2800, $0x38;
	[tilespmem:$0x1F400] =	vst v63  }
0x27: {  	_ =	swait.ge [sflag:s28], $0x2800  }
0x28: {  	[sflag:s28] =	ssyncset.done $0x0  }
0x29: {  	[sflag:s28] =	ssyncadd.s32 $0xFFFFD800  }
0x2a: {  	[spmem:s11] =	stream.linear.scatter [tilespmem:s26], [sflag:$0x7], $0x2800, $0x38;
	[tilespmem:$0x1F400] =	vst v63  }
0x2b: {  	_ =	swait.ge [sflag:s28], $0x2800  }
0x2c: {  	[sflag:s28] =	ssyncset.done $0x0  }
0x2d: {  	[sflag:s28] =	ssyncadd.s32 $0xFFFFD800  }
0x2e: {  	[spmem:s12] =	stream.linear.scatter [tilespmem:s26], [sflag:$0x7], $0x2800, $0x38;
	[tilespmem:$0x1F400] =	vst v63  }
0x2f: {  	_ =	swait.ge [sflag:s28], $0x2800  }
0x30: {  	[sflag:s28] =	ssyncset.done $0x0  }
0x31: {  	[sflag:s28] =	ssyncadd.s32 $0xFFFFD800  }
0x32: {  	[spmem:s13] =	stream.linear.scatter [tilespmem:s26], [sflag:$0x7], $0x2800, $0x38;
	[tilespmem:$0x1F400] =	vst v63  }
0x33: {  	_ =	swait.ge [sflag:s28], $0x2800  }
0x34: {  	[sflag:s28] =	ssyncset.done $0x0  }
0x35: {  	[sflag:s28] =	ssyncadd.s32 $0xFFFFD800  }
0x36: {  	[spmem:s15] =	stream.linear.scatter [tilespmem:s26], [sflag:$0x7], $0x2800, $0x38;
	[tilespmem:$0x1F400] =	vst v63  }
0x37: {  	_ =	swait.ge [sflag:s28], $0x2800  }
0x38: {  	[sflag:s28] =	ssyncset.done $0x0  }
0x39: {  	[sflag:s28] =	ssyncadd.s32 $0xFFFFD800  }
0x3a: {  	[spmem:s16] =	stream.linear.scatter [tilespmem:s26], [sflag:$0x7], $0x2800, $0x38;
	[tilespmem:$0x1F400] =	vst v63  }
0x3b: {  	_ =	swait.ge [sflag:s28], $0x2800  }
0x3c: {  	[sflag:s28] =	ssyncset.done $0x0  }
0x3d: {  	[sflag:s28] =	ssyncadd.s32 $0xFFFFD800  }
0x3e: {  	[spmem:s17] =	stream.linear.scatter [tilespmem:s26], [sflag:$0x7], $0x2800, $0x38;
	[tilespmem:$0x1F400] =	vst v63  }
0x3f: {  	_ =	swait.ge [sflag:s28], $0x2800  }
0x40: {  	[sflag:s28] =	ssyncset.done $0x0  }
0x41: {  	[sflag:s28] =	ssyncadd.s32 $0xFFFFD800  }
0x42: {  	[spmem:s19] =	stream.linear.scatter [tilespmem:s26], [sflag:$0x7], $0x2800, $0x38;
	[tilespmem:$0x1F400] =	vst v63  }
0x43: {  	_ =	swait.ge [sflag:s28], $0x2800  }
0x44: {  	[sflag:s28] =	ssyncset.done $0x0  }
0x45: {  	[sflag:s28] =	ssyncadd.s32 $0xFFFFD800  }
0x46: {  	s23 =	smov.u32 s18;
	s10 =	simm.s32 $0x0;
	[bflag:$0x0] =	sbarrier.arrive $0xFFFF  }
.LBB2_2:
0x47: {  	s11 =	smul.u32 $0xC00, s10;
	_ =	sdelay $0x1  }
0x48: {  	s11 =	sadd.s32 s24, s11  }
0x49: {  	s11 =	sshrl.u32 s11, $0x3  }
0x4a: {  	s13 =	simm.s32 $0x0;
	s12 =	sadd.s32 s1, s11  }
0x4b: {  	[tilespmem:s13], [sflag:$0x7] =	stream.linear.gather [hbm4b:s12+s13], $0xA00, $0x38;
	[tilespmem:$0x1F400] =	vst v63  }
0x4c: {  	_ =	swait.ge [sflag:s28], $0xA00  }
0x4d: {  	s16 =	simm.s32 $0xC00;
	[sflag:s28] =	ssyncset.done $0x0  }
0x4e: {  	s19 =	smul.u32 $0xAB, s13;
	s11 =	sadd.s32 s14, s11;
	[sflag:s28] =	ssyncadd.s32 $0xFFFFF600  }
0x4f: {  	[tilespmem:s16], [sflag:$0x7] =	stream.linear.gather [hbm4b:s11+s13], $0xA00, $0x38;
	[tilespmem:$0x1F400] =	vst v63  }
0x50: {  	s12 =	simm.s32 $0x1;
	s11 =	sshrl.u32 s19, $0x9;
	_ =	swait.ge [sflag:s28], $0xA00  }
0x51: {  	s18 =	smul.u32 $0xAB, s12;
	s11 =	sand.u32 $0x7F, s11;
	[sflag:s28] =	ssyncset.done $0x0  }
0x52: {  	s11 =	smul.u32 $0x3, s11;
	[sflag:s28] =	ssyncadd.s32 $0xFFFFF600  }
0x53: {  	[tilespmem:s26], [sflag:$0x1] =	stream.indirect.gather [hbm4b:s5+s29], $0x80, s13, s29, $0xb8;
	[tilespmem:$0x1F400] =	vst v63  }
0x54: {  	s11 =	ssub.s32 $0x0, s11  }
0x55: {  	p0 =	por $0x0, $0x0;
	s21 =	sshrl.u32 s18, $0x9;
	s20 =	sand.u32 $0xFF, s11  }
0x56: {  	[tilespmem:s31], [sflag:$0x2] =	stream.indirect.gather [hbm4b:s5+s29], $0x80, s30, s29, $0xb8;
	[tilespmem:$0x1F400] =	vst v63  }
0x57: {  	s22 =	sand.u32 $0x7F, s21;
	s17 =	smul.u32 $0xD000, s20;
	s15 =	sadd.s32 $0x1, s20  }
0x58: {  	[tilespmem:s3], [sflag:$0x3] =	stream.indirect.gather [hbm4b:s5+s29], $0x80, s0, s29, $0xb8;
	[tilespmem:$0x1F400] =	vst v63  }
0x59: {  	s19 =	smul.u32 $0x3, s22;
	s13 =	simm.s32 $0xC80;
	_ =	swait.ge [sflag:s15], $0x3200  }
0x5a: {  	s11 =	simm.s32 $0x180;
	s17 =	sshrl.u32 s17, $0x2;
	[sflag:s15] =	ssyncset.done $0x0  }
0x5b: {  	s18 =	sor.u32 $0x4, s20;
	s25 =	sadd.s32 $0x1800, s17;
	[sflag:s15] =	ssyncadd.s32 $0xFFFFCE00  }
0x5c: {  	[spmem:s2] =	stream.indirect.scatter.add.f32 [tilespmem:s25], [sflag:s18], $0x80, s16, s29, $0xb8;
	[tilespmem:$0x1F400] =	vst v63  }
0x5d: {  	s17 =	simm.s32 $0x180;
	s16 =	simm.s32 $0x2;
	_ =	swait.ge @!p0 [sflag:s18], $0x3200  }
.LBB2_3:
0x5e: {  	[sflag:s18] =	ssyncset.done @!p0 $0x0;
	s11 =	sadd.s32 $0x80, s11;
	s20 =	smov.u32 s12  }
0x5f: {  	s12 =	smov.u32 s16;
	s16 =	sadd.s32 $0x1, s16;
	s21 =	smov.u32 s15  }
0x60: {  	p1 =	sne.s32 s16, $0x14;
	s15 =	ssub.s32 s20, s19;
	[sflag:s18] =	ssyncadd.s32 @!p0 $0xFFFFCE00  }
0x61: {  	s19 =	simm.s32 @!p0 $0x64;
	s18 =	sand.u32 $0xFF, s15  }
0x62: {  	s15 =	sadd.s32 $0x1, s18;
	s22 =	smul.u32 $0xD000, s18  }
0x63: {  	[tilespmem:s25], [sflag:s21] =	stream.indirect.gather @!p0 [hbm4b:s5+s19], $0x80, s17, s19, $0xb8;
	[tilespmem:$0x1F400] =	vst v63  }
0x64: {  	s19 =	smul.u32 $0xAB, s12;
	s17 =	smov.u32 s11;
	s21 =	sshrl.u32 s22, $0x2  }
.Ltmp0:
0x65: {  	_ =	swait.ge [sflag:s15], $0x3200;
	s25 =	sadd.s32 $0x1800, s21;
	(pc) =	sbr.rel @p1 .LBB2_3-.Ltmp0, $4  }
0x66: {  	s18 =	sor.u32 $0x4, s18;
	s19 =	sshrl.u32 s19, $0x9;
	[sflag:s15] =	ssyncset.done $0x0  }
0x67: {  	p0 =	sgt.u32 s20, $0x10;
	s19 =	sand.u32 $0x7F, s19;
	[sflag:s15] =	ssyncadd.s32 $0xFFFFCE00  }
0x68: {  	[spmem:s2] =	stream.indirect.scatter.add.f32 [tilespmem:s25], [sflag:s18], $0x80, s13, s29, $0xb8;
	[tilespmem:$0x1F400] =	vst v63  }
0x69: {  	s19 =	smul.u32 $0x3, s19;
	s13 =	sadd.s32 $0x80, s13;
	_ =	swait.ge @!p0 [sflag:s18], $0x3200  }
0x6a: {  	_ = 	snop  }
0x6b: {  	[sflag:s18] =	ssyncset.done @!p0 $0x0;
	s16 =	ssub.s32 s12, s19  }
0x6c: {  	[sflag:s18] =	ssyncadd.s32 @!p0 $0xFFFFCE00;
	s18 =	simm.s32 @!p0 $0x64;
	s16 =	sand.u32 $0xFF, s16  }
0x6d: {  	[tilespmem:s25], [sflag:s15] =	stream.indirect.gather @!p0 [hbm4b:s5+s18], $0x80, s17, s18, $0xb8;
	[tilespmem:$0x1F400] =	vst v63  }
0x6e: {  	s19 =	sadd.s32 $0x1, s16;
	s20 =	smul.u32 $0xD000, s16  }
0x6f: {  	_ =	swait.ge [sflag:s19], $0x3200  }
0x70: {  	p0 =	sgt.u32 s12, $0x10;
	s25 =	sshrl.u32 s20, $0x2;
	[sflag:s19] =	ssyncset.done $0x0  }
0x71: {  	s16 =	sor.u32 $0x4, s16;
	s15 =	sadd.s32 $0x1800, s25;
	[sflag:s19] =	ssyncadd.s32 $0xFFFFCE00  }
0x72: {  	[spmem:s2] =	stream.indirect.scatter.add.f32 [tilespmem:s15], [sflag:s16], $0x80, s13, s29, $0xb8;
	[tilespmem:$0x1F400] =	vst v63  }
0x73: {  	_ =	swait.ge @!p0 [sflag:s16], $0x3200  }
0x74: {  	[sflag:s16] =	ssyncset.done @!p0 $0x0  }
0x75: {  	s11 =	sadd.s32 $0x80, s11;
	s12 =	simm.s32 @!p0 $0x64;
	[sflag:s16] =	ssyncadd.s32 @!p0 $0xFFFFCE00  }
0x76: {  	[tilespmem:s15], [sflag:s19] =	stream.indirect.gather @!p0 [hbm4b:s5+s12], $0x80, s11, s12, $0xb8;
	[tilespmem:$0x1F400] =	vst v63  }
0x77: {  	_ =	swait.ge [sflag:s6], $0x3200  }
0x78: {  	[sflag:s6] =	ssyncset.done $0x0  }
0x79: {  	s10 =	sadd.s32 $0x1, s10;
	[sflag:s6] =	ssyncadd.s32 $0xFFFFCE00  }
0x7a: {  	p0 =	sne.s32 s10, $0x5;
	_ =	swait.ge [sflag:s7], $0x3200  }
.Ltmp1:
0x7b: {  	[sflag:s7] =	ssyncset.done $0x0;
	(pc) =	sbr.rel @p0 .LBB2_2-.Ltmp1, $4  }
0x7c: {  	[sflag:s7] =	ssyncadd.s32 $0xFFFFCE00  }
0x7d: {  	_ =	swait.ge [sflag:s8], $0x3200  }
0x7e: {  	[sflag:s8] =	ssyncset.done $0x0  }
0x7f: {  	[sflag:s8] =	ssyncadd.s32 $0xFFFFCE00  }
0x80: {  	[bflag:$0x0] =	sbarrier.arrive $0xFFFF  }
0x81: {  	[tilespmem:s26], [sflag:$0x7] =	stream.linear.gather [spmem:s23], $0x2800, $0x38;
	[tilespmem:$0x1F400] =	vst v63  }
0x82: {  	_ =	swait.ge [sflag:s28], $0x2800  }
0x83: {  	[sflag:s28] =	ssyncset.done $0x0  }
0x84: {  	s10 =	rddreg [dreg:$0x4];
	[sflag:s28] =	ssyncadd.s32 $0xFFFFD800  }
0x85: {  	[hbm4b:s10+s4] =	stream.linear.scatter [tilespmem:s26], [sflag:$0x7], $0x2800, $0x38;
	[tilespmem:$0x1F400] =	vst v63  }
0x86: {  	_ =	swait.ge [sflag:s28], $0x2800  }
0x87: {  	[sflag:s28] =	ssyncset.done $0x0  }
0x88: {  	s11 =	rddreg [dreg:$0xd];
	[sflag:s28] =	ssyncadd.s32 $0xFFFFD800  }
0x89: {  	[tilespmem:s26], [sflag:$0x7] =	stream.linear.gather [spmem:s11], $0x2800, $0x38;
	[tilespmem:$0x1F400] =	vst v63  }
0x8a: {  	_ =	swait.ge [sflag:s28], $0x2800  }
0x8b: {  	[sflag:s28] =	ssyncset.done $0x0  }
0x8c: {  	s16 =	rddreg [dreg:$0x5];
	[sflag:s28] =	ssyncadd.s32 $0xFFFFD800  }
0x8d: {  	[hbm4b:s16+s4] =	stream.linear.scatter [tilespmem:s26], [sflag:$0x7], $0x2800, $0x38;
	[tilespmem:$0x1F400] =	vst v63  }
0x8e: {  	_ =	swait.ge [sflag:s28], $0x2800  }
0x8f: {  	[sflag:s28] =	ssyncset.done $0x0  }
0x90: {  	s12 =	rddreg [dreg:$0xe];
	[sflag:s28] =	ssyncadd.s32 $0xFFFFD800  }
0x91: {  	[tilespmem:s26], [sflag:$0x7] =	stream.linear.gather [spmem:s12], $0x2800, $0x38;
	[tilespmem:$0x1F400] =	vst v63  }
0x92: {  	_ =	swait.ge [sflag:s28], $0x2800  }
0x93: {  	[sflag:s28] =	ssyncset.done $0x0  }
0x94: {  	s17 =	rddreg [dreg:$0x6];
	[sflag:s28] =	ssyncadd.s32 $0xFFFFD800  }
0x95: {  	[hbm4b:s17+s4] =	stream.linear.scatter [tilespmem:s26], [sflag:$0x7], $0x2800, $0x38;
	[tilespmem:$0x1F400] =	vst v63  }
0x96: {  	_ =	swait.ge [sflag:s28], $0x2800  }
0x97: {  	[sflag:s28] =	ssyncset.done $0x0  }
0x98: {  	s13 =	rddreg [dreg:$0xf];
	[sflag:s28] =	ssyncadd.s32 $0xFFFFD800  }
0x99: {  	[tilespmem:s26], [sflag:$0x7] =	stream.linear.gather [spmem:s13], $0x2800, $0x38;
	[tilespmem:$0x1F400] =	vst v63  }
0x9a: {  	_ =	swait.ge [sflag:s28], $0x2800  }
0x9b: {  	[sflag:s28] =	ssyncset.done $0x0  }
0x9c: {  	s19 =	rddreg [dreg:$0x7];
	[sflag:s28] =	ssyncadd.s32 $0xFFFFD800  }
0x9d: {  	[hbm4b:s19+s4] =	stream.linear.scatter [tilespmem:s26], [sflag:$0x7], $0x2800, $0x38;
	[tilespmem:$0x1F400] =	vst v63  }
0x9e: {  	_ =	swait.ge [sflag:s28], $0x2800  }
0x9f: {  	[sflag:s28] =	ssyncset.done $0x0  }
0xa0: {  	s15 =	rddreg [dreg:$0x10];
	[sflag:s28] =	ssyncadd.s32 $0xFFFFD800  }
0xa1: {  	[tilespmem:s26], [sflag:$0x7] =	stream.linear.gather [spmem:s15], $0x2800, $0x38;
	[tilespmem:$0x1F400] =	vst v63  }
0xa2: {  	_ =	swait.ge [sflag:s28], $0x2800  }
0xa3: {  	[sflag:s28] =	ssyncset.done $0x0  }
0xa4: {  	s20 =	rddreg [dreg:$0x8];
	[sflag:s28] =	ssyncadd.s32 $0xFFFFD800  }
0xa5: {  	[hbm4b:s20+s4] =	stream.linear.scatter [tilespmem:s26], [sflag:$0x7], $0x2800, $0x38;
	[tilespmem:$0x1F400] =	vst v63  }
0xa6: {  	_ =	swait.ge [sflag:s28], $0x2800  }
0xa7: {  	[sflag:s28] =	ssyncset.done $0x0  }
0xa8: {  	s16 =	rddreg [dreg:$0x11];
	[sflag:s28] =	ssyncadd.s32 $0xFFFFD800  }
0xa9: {  	[tilespmem:s26], [sflag:$0x7] =	stream.linear.gather [spmem:s16], $0x2800, $0x38;
	[tilespmem:$0x1F400] =	vst v63  }
0xaa: {  	_ =	swait.ge [sflag:s28], $0x2800  }
0xab: {  	[sflag:s28] =	ssyncset.done $0x0  }
0xac: {  	s21 =	rddreg [dreg:$0x9];
	[sflag:s28] =	ssyncadd.s32 $0xFFFFD800  }
0xad: {  	[hbm4b:s21+s4] =	stream.linear.scatter [tilespmem:s26], [sflag:$0x7], $0x2800, $0x38;
	[tilespmem:$0x1F400] =	vst v63  }
0xae: {  	_ =	swait.ge [sflag:s28], $0x2800  }
0xaf: {  	[sflag:s28] =	ssyncset.done $0x0  }
0xb0: {  	s17 =	rddreg [dreg:$0x12];
	[sflag:s28] =	ssyncadd.s32 $0xFFFFD800  }
0xb1: {  	[tilespmem:s26], [sflag:$0x7] =	stream.linear.gather [spmem:s17], $0x2800, $0x38;
	[tilespmem:$0x1F400] =	vst v63  }
0xb2: {  	_ =	swait.ge [sflag:s28], $0x2800  }
0xb3: {  	[sflag:s28] =	ssyncset.done $0x0  }
0xb4: {  	s22 =	rddreg [dreg:$0xa];
	[sflag:s28] =	ssyncadd.s32 $0xFFFFD800  }
0xb5: {  	[hbm4b:s22+s4] =	stream.linear.scatter [tilespmem:s26], [sflag:$0x7], $0x2800, $0x38;
	[tilespmem:$0x1F400] =	vst v63  }
0xb6: {  	_ =	swait.ge [sflag:s28], $0x2800  }
0xb7: {  	[sflag:s28] =	ssyncset.done $0x0  }
0xb8: {  	s19 =	rddreg [dreg:$0x13];
	[sflag:s28] =	ssyncadd.s32 $0xFFFFD800  }
0xb9: {  	[tilespmem:s26], [sflag:$0x7] =	stream.linear.gather [spmem:s19], $0x2800, $0x38;
	[tilespmem:$0x1F400] =	vst v63  }
0xba: {  	_ =	swait.ge [sflag:s28], $0x2800  }
0xbb: {  	[sflag:s28] =	ssyncset.done $0x0  }
0xbc: {  	s18 =	smov.u32 s23;
	s23 =	rddreg [dreg:$0xb];
	[sflag:s28] =	ssyncadd.s32 $0xFFFFD800  }
0xbd: {  	[hbm4b:s23+s4] =	stream.linear.scatter [tilespmem:s26], [sflag:$0x7], $0x2800, $0x38;
	[tilespmem:$0x1F400] =	vst v63  }
0xbe: {  	_ =	swait.ge [sflag:s28], $0x2800  }
0xbf: {  	s9 =	sadd.s32 $0x1, s9;
	s25 =	rddreg [dreg:$0x14]  }
0xc0: {  	p0 =	sne.s32 s9, s25  }
.Ltmp2:
0xc1: {  	_ = 	snop;
	(pc) =	sbr.rel @p0 .LBB2_1-.Ltmp2, $3  }
0xc2: {  	_ =	sdelay $0x1  }
0xc3: {  	[sflag:s28] =	ssyncset.done $0x0  }
0xc4: {  	[sflag:s28] =	ssyncadd.s32 $0xFFFFD800  }
0xc5: {  	_ =	sfence.sel $0x180000  }
0xc6: {  	[bflag:$0x0] =	sbarrier.arrive $0xFFFF  }
0xc7: {  	_ =	strace $0x9000004A  }
0xc8: {  	s0 =	stileid.u32;
	[bflag:$0x2] =	sbarrier.arrive $0xFFFF  }
0xc9: {  	p0 =	sne.s32 s0, $0x0;
	s0 =	rddreg [dreg:$0x3]  }
0xca: {  	s0 =	sadd.s32 @!p0 $0x100000, s0  }
0xcb: {  	[sflag:s0] =	ssyncadd.tile.s32 @!p0 $0x1;
	_ =	shalt  }
.Lfunc_end2:
_tile_overlayer_lowered:
.L_overlay_start_2:
0xcc: {  	(tag) =	ssettag $0x2  }
0xcd: {  	s0 =	rddreg [dreg:$0x0];
	s2 =	stileid.u32  }
0xce: {  	s1 =	rddreg [dreg:$0x1];
	p0 =	sne.s32 s2, $0x0  }
0xcf: {  	s3 =	rddreg [dreg:$0x2];
	[bflag:$0x3] =	sbarrier.arrive $0xFFFF;
	s2 =	simm.s32 @!p0 $0x1C07  }
0xd0: {  	[timem:s3], [sflag:s2] =	dma.local @!p0 [hbm:s0], s1  }
0xd1: {  	s0 =	simm.s32 @!p0 $0x7  }
0xd2: {  	_ =	swait.ge @!p0 [sflag:s0], s1  }
0xd3: {  	s1 =	ssub.s32 @!p0 $0x0, s1;
	[sflag:s0] =	ssyncset.done @!p0 $0x0  }
0xd4: {  	[sflag:s0] =	ssyncadd.s32 @!p0 s1  }
0xd5: {  	[bflag:$0x3] =	sbarrier.arrive $0xFFFF  }
0xd6: {  	_ =	shalt  }

// kernel: kernel.14.cloned.1.call-start
scs
__scs_entry_jumppad:
0x0: {  	(pc) =	sbr.rel $0x88, $3  }
0x1: {  	(tag) =	ssettag $0x0;
	lr =	simm.s32 $0x1  }
0x2: {  	[smem:$0x3F90] =	sst lr;
	_ =	strace $0xD0000000  }
0x3: {  	_ = 	snop  }
0x4: {  	_ = 	snop  }
0x5: {  	_ = 	snop  }
0x6: {  	_ = 	snop  }
0x7: {  	_ = 	snop  }
__scs_overlays_trampoline_lowered:
0x8: {  	[smem:$0x3F9F] =	sst s0  }
0x9: {  	[smem:$0x3FA0] =	sst s1  }
0xa: {  	[smem:$0x3FA1] =	sst s2  }
0xb: {  	[smem:$0x3FA2] =	sst s3  }
0xc: {  	[smem:$0x3FA3] =	sst s4  }
0xd: {  	[smem:$0x3FA4] =	sst s5  }
0xe: {  	[smem:$0x3FA5] =	sst s6  }
0xf: {  	[smem:$0x3FA6] =	sst s7  }
0x10: {  	[smem:$0x3FA7] =	sst s8  }
0x11: {  	[smem:$0x3FA8] =	sst s9;
	s0 =	simm.s32 @!p0 $0x0  }
0x12: {  	s1 =	sld [smem:$0x3F8E];
	s0 =	simm.s32 @p0 $0x1  }
0x13: {  	[smem:$0x3FA9] =	sst s0;
	s0 =	simm.s32 @!p1 $0x0  }
0x14: {  	s2 =	sld [smem:$0x3F8D];
	s0 =	simm.s32 @p1 $0x1  }
0x15: {  	[smem:$0x3FAA] =	sst s0;
	s0 =	simm.s32 @!p2 $0x0  }
0x16: {  	s3 =	sld [smem:$0x3FDB];
	s0 =	simm.s32 @p2 $0x1  }
0x17: {  	s4 =	simm.s32 $0x1BF5;
	[smem:$0x3FAC] =	sst s0  }
0x18: {  	s0 =	sld [smem:$0x3F8F];
	_ =	swait.ge [sflag:s4], $0x0  }
0x19: {  	s7 =	sld [smem:$0x3F90]  }
0x1a: {  	s8 =	sadd.s32 $0xFFFFE003, lr  }
0x1b: {  	s9 =	sadd.s32 $0xFFFFFEF7, lr;
	s5 =	simm.s32 $0xFFFFFFFF;
	p2 =	slt.u32 s8, $0xFFFFF086  }
0x1c: {  	p1 =	slt.u32 s9, $0xF7A;
	s5 =	simm.s32 @!p2 $0x0  }
0x1d: {  	s5 =	simm.s32 @p1 $0x1;
	p0 =	seq.s32 s7, s2  }
0x1e: {  	s7 =	smul.u32 @!p0 $0xF7A, s2;
	p2 =	seq.s32 @!p0 s5, $0x0  }
0x1f: {  	s9 =	smul.u32 $0xF7A, s1;
	s8 =	simm.s32 @!p0 $0x1BF5;
	p2 =	por !p2, p0  }
0x20: {  	[sflag:s8] =	ssyncset.s32 @!p0 $0xFFFFF086;
	s6 =	sadd.s32 @!p0 s3, s7;
	s7 =	simm.s32 @!p0 $0x108  }
0x21: {  	s3 =	sadd.s32 s3, s9;
	s6 =	sadd.s32 @!p0 $0x88, s6;
	s7 =	simm.s32 @p2 $0x1082  }
0x22: {  	[simem:s7], [sflag:s8] =	dma.local @!p0 [hbm:s6], $0xF7A  }
0x23: {  	s9 =	sor.u32 $0xD0000000, s2;
	s6 =	simm.s32 $0x108;
	_ =	swait.ge @!p0 [sflag:s8], $0x0  }
0x24: {  	s3 =	sadd.s32 $0x88, s3;
	s6 =	simm.s32 @!p1 $0x1082;
	[sflag:s4] =	ssyncset.s32 $0xFFFFF086  }
0x25: {  	[simem:s6], [sflag:s4] =	dma.local [hbm:s3], $0xF7A  }
0x26: {  	[smem:$0x3F90] =	sst s1;
	(tag) =	ssettag s2;
	_ =	strace s9  }
0x27: {  	s1 =	sld [smem:$0x3FA0]  }
0x28: {  	s2 =	sld [smem:$0x3FA1]  }
0x29: {  	s4 =	sld [smem:$0x3FA3]  }
0x2a: {  	p0 =	seq.s32 s5, $0x0;
	s5 =	sld [smem:$0x3FA4]  }
0x2b: {  	s6 =	sld [smem:$0x3FA5]  }
0x2c: {  	s7 =	sld [smem:$0x3FA6]  }
0x2d: {  	s3 =	simm.s32 $0x108;
	s8 =	sld [smem:$0x3FA7]  }
0x2e: {  	s3 =	simm.s32 @!p0 $0x1082;
	s9 =	sld [smem:$0x3FA8]  }
0x2f: {  	lr =	sadd.s32 s0, s3;
	s0 =	sld [smem:$0x3F9F]  }
0x30: {  	s3 =	sld [smem:$0x3FA2]  }
0x31: {  	[smem:$0x3FAB] =	sst s10  }
0x32: {  	s10 =	sld [smem:$0x3FA9];
	_ =	sdelay $0x3  }
0x33: {  	p0 =	seq.s32 s10, $0x1;
	s10 =	sld [smem:$0x3FAB];
	_ =	sdelay $0x3  }
0x34: {  	[smem:$0x3FAB] =	sst s10  }
0x35: {  	s10 =	sld [smem:$0x3FAA];
	_ =	sdelay $0x3  }
0x36: {  	p1 =	seq.s32 s10, $0x1;
	s10 =	sld [smem:$0x3FAB];
	_ =	sdelay $0x3  }
0x37: {  	[smem:$0x3FAB] =	sst s10  }
0x38: {  	s10 =	sld [smem:$0x3FAC]  }
0x39: {  	_ = 	snop;
	(pc) =	sbr.ind lr, $3  }
0x3a: {  	_ = 	snop  }
0x3b: {  	_ = 	snop  }
0x3c: {  	p2 =	seq.s32 s10, $0x1;
	s10 =	sld [smem:$0x3FAB]  }
0x3d: {  	_ =	shalt  }
0x3e: {  	_ =	shalt  }
0x3f: {  	_ =	shalt  }
0x40: {  	_ =	shalt  }
0x41: {  	_ =	shalt  }
0x42: {  	_ =	shalt  }
0x43: {  	_ =	shalt  }
0x44: {  	_ =	shalt  }
0x45: {  	_ =	shalt  }
0x46: {  	_ =	shalt  }
0x47: {  	_ =	shalt  }
0x48: {  	_ =	shalt  }
0x49: {  	_ =	shalt  }
0x4a: {  	_ =	shalt  }
0x4b: {  	_ =	shalt  }
0x4c: {  	_ =	shalt  }
0x4d: {  	_ =	shalt  }
0x4e: {  	_ =	shalt  }
0x4f: {  	_ =	shalt  }
0x50: {  	_ =	shalt  }
0x51: {  	_ =	shalt  }
0x52: {  	_ =	shalt  }
0x53: {  	_ =	shalt  }
0x54: {  	_ =	shalt  }
0x55: {  	_ =	shalt  }
0x56: {  	_ =	shalt  }
0x57: {  	_ =	shalt  }
0x58: {  	_ =	shalt  }
0x59: {  	_ =	shalt  }
0x5a: {  	_ =	shalt  }
0x5b: {  	_ =	shalt  }
0x5c: {  	_ =	shalt  }
0x5d: {  	_ =	shalt  }
0x5e: {  	_ =	shalt  }
0x5f: {  	_ =	shalt  }
0x60: {  	_ =	shalt  }
0x61: {  	_ =	shalt  }
0x62: {  	_ =	shalt  }
0x63: {  	_ =	shalt  }
0x64: {  	_ =	shalt  }
0x65: {  	_ =	shalt  }
0x66: {  	_ =	shalt  }
0x67: {  	_ =	shalt  }
0x68: {  	_ =	shalt  }
0x69: {  	_ =	shalt  }
0x6a: {  	_ =	shalt  }
0x6b: {  	_ =	shalt  }
0x6c: {  	_ =	shalt  }
0x6d: {  	_ =	shalt  }
0x6e: {  	_ =	shalt  }
0x6f: {  	_ =	shalt  }
0x70: {  	_ =	shalt  }
0x71: {  	_ =	shalt  }
0x72: {  	_ =	shalt  }
0x73: {  	_ =	shalt  }
0x74: {  	_ =	shalt  }
0x75: {  	_ =	shalt  }
0x76: {  	_ =	shalt  }
0x77: {  	_ =	shalt  }
0x78: {  	_ =	shalt  }
0x79: {  	_ =	shalt  }
0x7a: {  	_ =	shalt  }
0x7b: {  	_ =	shalt  }
0x7c: {  	_ =	shalt  }
0x7d: {  	_ =	shalt  }
0x7e: {  	_ =	shalt  }
0x7f: {  	_ =	shalt  }
0x80: {  	_ =	shalt  }
0x81: {  	_ =	shalt  }
0x82: {  	_ =	shalt  }
0x83: {  	_ =	shalt  }
0x84: {  	_ =	shalt  }
0x85: {  	_ =	shalt  }
0x86: {  	_ =	shalt  }
0x87: {  	_ =	shalt  }
.Lfunc_end0:
.L_simem_size_0:
called_computation.2_lowered:
.L_overlay_start_0:
0x88: {  	s2 =	sld [smem:$0x3FD9]  }
0x89: {  	s3 =	sld [smem:$0x3FFE];
	_ =	sdelay $0x1  }
0x8a: {  	s1 =	srdreg.scid  }
0x8b: {  	s0 =	sand.u32 $0x1, s1  }
0x8c: {  	s17 =	sshll.u32 s0, $0xA;
	s2 =	sadd.s32 s3, s2  }
0x8d: {  	s2 =	sadd.s32 s2, s17  }
0x8e: {  	[smem:$0x3FB7] =	sst s2  }
0x8f: {  	_ = 	snop  }
0x90: {  	s2 =	sld [smem:$0x3FD0];
	(tm) =	ssettm $0x1  }
0x91: {  	s18 =	sld [smem:$0x3FFB];
	_ =	sdelay $0x3  }
0x92: {  	_ =	strace s18  }
0x93: {  	s3 =	sld [smem:$0x3FFC];
	_ =	sdelay $0x3  }
0x94: {  	_ =	strace s3  }
0x95: {  	s3 =	sld [smem:$0x3FFD];
	_ =	sdelay $0x3  }
0x96: {  	_ =	strace s3  }
0x97: {  	_ =	strace $0x8FFFFFFF  }
0x98: {  	s19 =	sld [smem:$0x3FDB];
	_ =	sdelay $0x1  }
0x99: {  	s4 =	simm.s32 $_scs_section_size  }
0x9a: {  	s5 =	simm.s32 $_size__tile_overlayer_lowered;
	s6 =	simm.s32 $_tile_overlayer_lowered  }
0x9b: {  	s22 =	simm.s32 $0x1BFF;
	s21 =	sshll.u32 s6, $0x1;
	s3 =	sadd.s32 s4, s19  }
0x9c: {  	s7 =	simm.s32 $0x0;
	s20 =	sshll.u32 s5, $0x1;
	s5 =	sadd.s32 s21, s3  }
0x9d: {  	[timem:s7], [sflag:s22] =	dma.local [hbm:s5], s20  }
0x9e: {  	_ =	swait.ge [sflag:s22], s20  }
0x9f: {  	s4 =	ssub.s32 $0x0, s20;
	[sflag:s22] =	ssyncset.done $0x0  }
0xa0: {  	[sflag:s22] =	ssyncadd.s32 s4;
	_ =	sdelay $0x1  }
0xa1: {  	s23 =	simm.s32 $0x1B8B  }
0xa2: {  	_ =	swait.ge [sflag:s23], $0x1  }
0xa3: {  	[sflag:s23] =	ssyncset.done $0x0  }
0xa4: {  	s25 =	simm.s32 $0x1B8E;
	s24 =	sld [smem:$0x3FFE];
	[sflag:s23] =	ssyncadd.s32 $0xFFFFFFFF  }
0xa5: {  	s26 =	simm.s32 $execute0_lowered;
	[smem:$0x3FD2] =	sst s25  }
0xa6: {  	s5 =	sshll.u32 s26, $0x1;
	_ =	strace $0x8000004C;
	[dreg:$0x1] =	wrdreg $0xFFFFFFFF  }
0xa7: {  	s28 =	simm.s32 $_size_execute0_lowered;
	s3 =	sadd.s32 s3, s5;
	[dreg:$0x0] =	wrdreg $0x0  }
0xa8: {  	s5 =	sshll.u32 s28, $0x1;
	[dreg:$0x2] =	wrdreg s3  }
0xa9: {  	[dreg:$0x3] =	wrdreg s5  }
0xaa: {  	[dreg:$0x4] =	wrdreg $0xC0  }
0xab: {  	_ =	task [dreg:s7], $0x5FFFF  }
0xac: {  	[dreg:$0x1] =	wrdreg $0xFFFFFFFF  }
0xad: {  	[dreg:$0x0] =	wrdreg $0x60  }
0xae: {  	[dreg:$0x2] =	wrdreg s24  }
0xaf: {  	[dreg:$0x3] =	wrdreg s2  }
0xb0: {  	[dreg:$0x4] =	wrdreg $0xB4000  }
0xb1: {  	[dreg:$0x5] =	wrdreg $0x9  }
0xb2: {  	_ =	task.clear_ibuf [dreg:s7], $0x6FFFF;
	_ =	strace $0x9000004C  }
0xb3: {  	s29 =	simm.s32 $0x9;
	_ =	strace $0x8000004E  }
0xb4: {  	_ =	swait.ge [sflag:s29], $0x1  }
0xb5: {  	[sflag:s29] =	ssyncadd.s32 $0xFFFFFFFF  }
0xb6: {  	_ =	strace $0x9000004E  }
0xb7: {  	_ =	sfence  }
0xb8: {  	s30 =	sld [smem:$0x0];
	_ =	sdelay $0x2  }
0xb9: {  	s31 =	sshll.u32 s1, $0xD;
	s1 =	sshrl.u32 s1, $0x2  }
0xba: {  	s3 =	sand.u32 $0x4000, s31;
	s1 =	sadd.s32 s1, s30  }
0xbb: {  	s0 =	sor.u32 s3, s0;
	s1 =	sshll.u32 s1, $0x11  }
0xbc: {  	s0 =	sor.u32 s1, s0  }
0xbd: {  	s0 =	sadd.s32 $0x8F2B, s0  }
0xbe: {  	[sflag:s0] =	ssyncadd.remote.s32 $0x1  }
0xbf: {  	_ =	sfence.sel $0xFFFF  }
0xc0: {  	[dreg:$0x0] =	wrdreg $0xFFFFFFFF;
	(pc) =	sbr.abs _section_cstart, $3  }
0xc1: {  	[dreg:$0x1] =	wrdreg $0xFFFFFFFF  }
0xc2: {  	_ =	task.clear_ibuf [dreg:s7], $0x2FFFF;
	_ =	strace $0x9FFFFFFF  }
0xc3: {  	(tm) =	ssettm $0x7FFFFFFF  }
tec
execute0_lowered:
.L_overlay_start_1:
0x0: {  	(tag) =	ssettag $0x1  }
0x1: {  	s0 =	rddreg [dreg:$0x0]  }
0x2: {  	s1 =	rddreg [dreg:$0x1]  }
0x3: {  	s2 =	rddreg [dreg:$0x2];
	s4 =	simm.s32 $0x0  }
0x4: {  	s3 =	srdreg.scid;
	s20 =	stileid.u32;
	s28 =	simm.s32 $0x7  }
0x5: {  	s29 =	simm.s32 $0x64;
	s30 =	simm.s32 $0x80;
	s31 =	simm.s32 $0x4C00  }
0x6: {  	[smem:$0x7FF] =	sst s4;
	s3 =	sand.u32 $0x1, s3;
	s7 =	smul.u32 $0x50000, s20  }
0x7: {  	s5 =	sadd.s32 $0x26600, s0;
	s9 =	smul.u32 $0x14000, s20;
	s10 =	sadd.s32 $0x4D800, s0  }
0x8: {  	_ =	strace $0x8000004D;
	s6 =	ssub.s32 $0x2, s3;
	s23 =	smul.u32 $0x140000, s3  }
0x9: {  	s3 =	sshll.u32 s3, $0x4;
	s8 =	sshrl.u32 s6, $0x1;
	s11 =	sor.u32 $0x2800, s9  }
0xa: {  	s12 =	sadd.s32 $0x5000, s9;
	s13 =	sadd.s32 $0x7800, s9;
	s15 =	sadd.s32 $0xA000, s9  }
0xb: {  	s16 =	sadd.s32 $0xC800, s9;
	s17 =	sadd.s32 $0xF000, s9;
	s6 =	ssub.s32 s6, s8  }
0xc: {  	s14 =	sadd.s32 s9, s23;
	s18 =	sadd.s32 s23, s11;
	s9 =	sadd.s32 $0x11800, s9  }
0xd: {  	s25 =	sadd.s32 s23, s12;
	s26 =	sadd.s32 s23, s13;
	s19 =	sadd.s32 s23, s15  }
0xe: {  	s21 =	sadd.s32 s23, s16;
	s22 =	sadd.s32 s23, s17;
	s11 =	sadd.s32 s11, s2  }
0xf: {  	s12 =	sadd.s32 s12, s2;
	s13 =	sadd.s32 s13, s2;
	[dreg:$0xd] =	wrdreg s11  }
0x10: {  	s15 =	sadd.s32 s15, s2;
	s16 =	sadd.s32 s16, s2;
	[dreg:$0xe] =	wrdreg s12  }
0x11: {  	s17 =	sadd.s32 s17, s2;
	s14 =	sshrl.u32 s14, $0x3;
	[dreg:$0xf] =	wrdreg s13  }
0x12: {  	s24 =	sshrl.u32 s18, $0x3;
	s18 =	sshrl.u32 s26, $0x3;
	[dreg:$0x10] =	wrdreg s15  }
0x13: {  	s19 =	sshrl.u32 s19, $0x3;
	s8 =	sadd.s32 s23, s9;
	[dreg:$0x11] =	wrdreg s16  }
0x14: {  	s26 =	smax.u32 s6, $0x1;
	s6 =	simm.s32 $0x6;
	[dreg:$0x12] =	wrdreg s17  }
0x15: {  	s14 =	sadd.s32 s10, s14;
	s18 =	sadd.s32 s10, s18;
	[dreg:$0x14] =	wrdreg s26  }
0x16: {  	s8 =	sshrl.u32 s8, $0x3;
	s26 =	simm.s32 $0x1800;
	[dreg:$0x4] =	wrdreg s14  }
0x17: {  	s14 =	sadd.s32 s10, s24;
	[dreg:$0x7] =	wrdreg s18;
	s18 =	sshrl.u32 s22, $0x3  }
0x18: {  	s8 =	sadd.s32 s10, s8;
	s24 =	sor.u32 s20, s3;
	s3 =	simm.s32 $0x8000  }
0x19: {  	[dreg:$0x5] =	wrdreg s14;
	s14 =	sshrl.u32 s25, $0x3;
	s23 =	sadd.s32 s10, s18  }
0x1a: {  	[dreg:$0xb] =	wrdreg s8;
	s25 =	sshrl.u32 s7, $0x2;
	s24 =	smul.u32 $0x3C00, s24  }
0x1b: {  	s7 =	simm.s32 $0x4;
	s14 =	sadd.s32 s10, s14;
	[dreg:$0xa] =	wrdreg s23  }
0x1c: {  	s8 =	simm.s32 $0x5;
	[dreg:$0x6] =	wrdreg s14;
	s14 =	sadd.s32 s10, s19  }
0x1d: {  	s19 =	sadd.s32 s9, s2;
	[dreg:$0x8] =	wrdreg s14;
	s14 =	sshrl.u32 s21, $0x3  }
0x1e: {  	s18 =	sadd.s32 s25, s2;
	[dreg:$0x13] =	wrdreg s19;
	s14 =	sadd.s32 s10, s14  }
0x1f: {  	[dreg:$0x9] =	wrdreg s14;
	s14 =	sadd.s32 $0x17600, s0;
	s0 =	sadd.s32 $0x3A00, s0  }
0x20: {  	s9 =	simm.s32 $0x0;
	[dreg:$0xc] =	wrdreg s0;
	s0 =	simm.s32 $0x100  }
.LBB2_1:
0x21: {  	s10 =	rddreg [dreg:$0xc]  }
0x22: {  	[tilespmem:s26], [sflag:$0x7] =	stream.linear.gather [hbm4b:s10+s4], $0x2800, $0x38;
	[tilespmem:$0x1F400] =	vst v63  }
0x23: {  	_ =	swait.ge [sflag:s28], $0x2800  }
0x24: {  	[sflag:s28] =	ssyncset.done $0x0  }
0x25: {  	[sflag:s28] =	ssyncadd.s32 $0xFFFFD800  }
0x26: {  	[spmem:s18] =	stream.linear.scatter [tilespmem:s26], [sflag:$0x7], $0x2800, $0x38;
	[tilespmem:$0x1F400] =	vst v63  }
0x27: {  	_ =	swait.ge [sflag:s28], $0x2800  }
0x28: {  	[sflag:s28] =	ssyncset.done $0x0  }
0x29: {  	[sflag:s28] =	ssyncadd.s32 $0xFFFFD800  }
0x2a: {  	[spmem:s11] =	stream.linear.scatter [tilespmem:s26], [sflag:$0x7], $0x2800, $0x38;
	[tilespmem:$0x1F400] =	vst v63  }
0x2b: {  	_ =	swait.ge [sflag:s28], $0x2800  }
0x2c: {  	[sflag:s28] =	ssyncset.done $0x0  }
0x2d: {  	[sflag:s28] =	ssyncadd.s32 $0xFFFFD800  }
0x2e: {  	[spmem:s12] =	stream.linear.scatter [tilespmem:s26], [sflag:$0x7], $0x2800, $0x38;
	[tilespmem:$0x1F400] =	vst v63  }
0x2f: {  	_ =	swait.ge [sflag:s28], $0x2800  }
0x30: {  	[sflag:s28] =	ssyncset.done $0x0  }
0x31: {  	[sflag:s28] =	ssyncadd.s32 $0xFFFFD800  }
0x32: {  	[spmem:s13] =	stream.linear.scatter [tilespmem:s26], [sflag:$0x7], $0x2800, $0x38;
	[tilespmem:$0x1F400] =	vst v63  }
0x33: {  	_ =	swait.ge [sflag:s28], $0x2800  }
0x34: {  	[sflag:s28] =	ssyncset.done $0x0  }
0x35: {  	[sflag:s28] =	ssyncadd.s32 $0xFFFFD800  }
0x36: {  	[spmem:s15] =	stream.linear.scatter [tilespmem:s26], [sflag:$0x7], $0x2800, $0x38;
	[tilespmem:$0x1F400] =	vst v63  }
0x37: {  	_ =	swait.ge [sflag:s28], $0x2800  }
0x38: {  	[sflag:s28] =	ssyncset.done $0x0  }
0x39: {  	[sflag:s28] =	ssyncadd.s32 $0xFFFFD800  }
0x3a: {  	[spmem:s16] =	stream.linear.scatter [tilespmem:s26], [sflag:$0x7], $0x2800, $0x38;
	[tilespmem:$0x1F400] =	vst v63  }
0x3b: {  	_ =	swait.ge [sflag:s28], $0x2800  }
0x3c: {  	[sflag:s28] =	ssyncset.done $0x0  }
0x3d: {  	[sflag:s28] =	ssyncadd.s32 $0xFFFFD800  }
0x3e: {  	[spmem:s17] =	stream.linear.scatter [tilespmem:s26], [sflag:$0x7], $0x2800, $0x38;
	[tilespmem:$0x1F400] =	vst v63  }
0x3f: {  	_ =	swait.ge [sflag:s28], $0x2800  }
0x40: {  	[sflag:s28] =	ssyncset.done $0x0  }
0x41: {  	[sflag:s28] =	ssyncadd.s32 $0xFFFFD800  }
0x42: {  	[spmem:s19] =	stream.linear.scatter [tilespmem:s26], [sflag:$0x7], $0x2800, $0x38;
	[tilespmem:$0x1F400] =	vst v63  }
0x43: {  	_ =	swait.ge [sflag:s28], $0x2800  }
0x44: {  	[sflag:s28] =	ssyncset.done $0x0  }
0x45: {  	[sflag:s28] =	ssyncadd.s32 $0xFFFFD800  }
0x46: {  	s23 =	smov.u32 s18;
	s10 =	simm.s32 $0x0;
	[bflag:$0x0] =	sbarrier.arrive $0xFFFF  }
.LBB2_2:
0x47: {  	s11 =	smul.u32 $0xC00, s10;
	_ =	sdelay $0x1  }
0x48: {  	s11 =	sadd.s32 s24, s11  }
0x49: {  	s11 =	sshrl.u32 s11, $0x3  }
0x4a: {  	s13 =	simm.s32 $0x0;
	s12 =	sadd.s32 s1, s11  }
0x4b: {  	[tilespmem:s13], [sflag:$0x7] =	stream.linear.gather [hbm4b:s12+s13], $0xA00, $0x38;
	[tilespmem:$0x1F400] =	vst v63  }
0x4c: {  	_ =	swait.ge [sflag:s28], $0xA00  }
0x4d: {  	s16 =	simm.s32 $0xC00;
	[sflag:s28] =	ssyncset.done $0x0  }
0x4e: {  	s19 =	smul.u32 $0xAB, s13;
	s11 =	sadd.s32 s14, s11;
	[sflag:s28] =	ssyncadd.s32 $0xFFFFF600  }
0x4f: {  	[tilespmem:s16], [sflag:$0x7] =	stream.linear.gather [hbm4b:s11+s13], $0xA00, $0x38;
	[tilespmem:$0x1F400] =	vst v63  }
0x50: {  	s12 =	simm.s32 $0x1;
	s11 =	sshrl.u32 s19, $0x9;
	_ =	swait.ge [sflag:s28], $0xA00  }
0x51: {  	s18 =	smul.u32 $0xAB, s12;
	s11 =	sand.u32 $0x7F, s11;
	[sflag:s28] =	ssyncset.done $0x0  }
0x52: {  	s11 =	smul.u32 $0x3, s11;
	[sflag:s28] =	ssyncadd.s32 $0xFFFFF600  }
0x53: {  	[tilespmem:s26], [sflag:$0x1] =	stream.indirect.gather [hbm4b:s5+s29], $0x80, s13, s29, $0xb8;
	[tilespmem:$0x1F400] =	vst v63  }
0x54: {  	s11 =	ssub.s32 $0x0, s11  }
0x55: {  	p0 =	por $0x0, $0x0;
	s21 =	sshrl.u32 s18, $0x9;
	s20 =	sand.u32 $0xFF, s11  }
0x56: {  	[tilespmem:s31], [sflag:$0x2] =	stream.indirect.gather [hbm4b:s5+s29], $0x80, s30, s29, $0xb8;
	[tilespmem:$0x1F400] =	vst v63  }
0x57: {  	s22 =	sand.u32 $0x7F, s21;
	s17 =	smul.u32 $0xD000, s20;
	s15 =	sadd.s32 $0x1, s20  }
0x58: {  	[tilespmem:s3], [sflag:$0x3] =	stream.indirect.gather [hbm4b:s5+s29], $0x80, s0, s29, $0xb8;
	[tilespmem:$0x1F400] =	vst v63  }
0x59: {  	s19 =	smul.u32 $0x3, s22;
	s13 =	simm.s32 $0xC80;
	_ =	swait.ge [sflag:s15], $0x3200  }
0x5a: {  	s11 =	simm.s32 $0x180;
	s17 =	sshrl.u32 s17, $0x2;
	[sflag:s15] =	ssyncset.done $0x0  }
0x5b: {  	s18 =	sor.u32 $0x4, s20;
	s25 =	sadd.s32 $0x1800, s17;
	[sflag:s15] =	ssyncadd.s32 $0xFFFFCE00  }
0x5c: {  	[spmem:s2] =	stream.indirect.scatter.add.f32 [tilespmem:s25], [sflag:s18], $0x80, s16, s29, $0xb8;
	[tilespmem:$0x1F400] =	vst v63  }
0x5d: {  	s17 =	simm.s32 $0x180;
	s16 =	simm.s32 $0x2;
	_ =	swait.ge @!p0 [sflag:s18], $0x3200  }
.LBB2_3:
0x5e: {  	[sflag:s18] =	ssyncset.done @!p0 $0x0;
	s11 =	sadd.s32 $0x80, s11;
	s20 =	smov.u32 s12  }
0x5f: {  	s12 =	smov.u32 s16;
	s16 =	sadd.s32 $0x1, s16;
	s21 =	smov.u32 s15  }
0x60: {  	p1 =	sne.s32 s16, $0x14;
	s15 =	ssub.s32 s20, s19;
	[sflag:s18] =	ssyncadd.s32 @!p0 $0xFFFFCE00  }
0x61: {  	s19 =	simm.s32 @!p0 $0x64;
	s18 =	sand.u32 $0xFF, s15  }
0x62: {  	s15 =	sadd.s32 $0x1, s18;
	s22 =	smul.u32 $0xD000, s18  }
0x63: {  	[tilespmem:s25], [sflag:s21] =	stream.indirect.gather @!p0 [hbm4b:s5+s19], $0x80, s17, s19, $0xb8;
	[tilespmem:$0x1F400] =	vst v63  }
0x64: {  	s19 =	smul.u32 $0xAB, s12;
	s17 =	smov.u32 s11;
	s21 =	sshrl.u32 s22, $0x2  }
.Ltmp0:
0x65: {  	_ =	swait.ge [sflag:s15], $0x3200;
	s25 =	sadd.s32 $0x1800, s21;
	(pc) =	sbr.rel @p1 .LBB2_3-.Ltmp0, $4  }
0x66: {  	s18 =	sor.u32 $0x4, s18;
	s19 =	sshrl.u32 s19, $0x9;
	[sflag:s15] =	ssyncset.done $0x0  }
0x67: {  	p0 =	sgt.u32 s20, $0x10;
	s19 =	sand.u32 $0x7F, s19;
	[sflag:s15] =	ssyncadd.s32 $0xFFFFCE00  }
0x68: {  	[spmem:s2] =	stream.indirect.scatter.add.f32 [tilespmem:s25], [sflag:s18], $0x80, s13, s29, $0xb8;
	[tilespmem:$0x1F400] =	vst v63  }
0x69: {  	s19 =	smul.u32 $0x3, s19;
	s13 =	sadd.s32 $0x80, s13;
	_ =	swait.ge @!p0 [sflag:s18], $0x3200  }
0x6a: {  	_ = 	snop  }
0x6b: {  	[sflag:s18] =	ssyncset.done @!p0 $0x0;
	s16 =	ssub.s32 s12, s19  }
0x6c: {  	[sflag:s18] =	ssyncadd.s32 @!p0 $0xFFFFCE00;
	s18 =	simm.s32 @!p0 $0x64;
	s16 =	sand.u32 $0xFF, s16  }
0x6d: {  	[tilespmem:s25], [sflag:s15] =	stream.indirect.gather @!p0 [hbm4b:s5+s18], $0x80, s17, s18, $0xb8;
	[tilespmem:$0x1F400] =	vst v63  }
0x6e: {  	s19 =	sadd.s32 $0x1, s16;
	s20 =	smul.u32 $0xD000, s16  }
0x6f: {  	_ =	swait.ge [sflag:s19], $0x3200  }
0x70: {  	p0 =	sgt.u32 s12, $0x10;
	s25 =	sshrl.u32 s20, $0x2;
	[sflag:s19] =	ssyncset.done $0x0  }
0x71: {  	s16 =	sor.u32 $0x4, s16;
	s15 =	sadd.s32 $0x1800, s25;
	[sflag:s19] =	ssyncadd.s32 $0xFFFFCE00  }
0x72: {  	[spmem:s2] =	stream.indirect.scatter.add.f32 [tilespmem:s15], [sflag:s16], $0x80, s13, s29, $0xb8;
	[tilespmem:$0x1F400] =	vst v63  }
0x73: {  	_ =	swait.ge @!p0 [sflag:s16], $0x3200  }
0x74: {  	[sflag:s16] =	ssyncset.done @!p0 $0x0  }
0x75: {  	s11 =	sadd.s32 $0x80, s11;
	s12 =	simm.s32 @!p0 $0x64;
	[sflag:s16] =	ssyncadd.s32 @!p0 $0xFFFFCE00  }
0x76: {  	[tilespmem:s15], [sflag:s19] =	stream.indirect.gather @!p0 [hbm4b:s5+s12], $0x80, s11, s12, $0xb8;
	[tilespmem:$0x1F400] =	vst v63  }
0x77: {  	_ =	swait.ge [sflag:s6], $0x3200  }
0x78: {  	[sflag:s6] =	ssyncset.done $0x0  }
0x79: {  	s10 =	sadd.s32 $0x1, s10;
	[sflag:s6] =	ssyncadd.s32 $0xFFFFCE00  }
0x7a: {  	p0 =	sne.s32 s10, $0x5;
	_ =	swait.ge [sflag:s7], $0x3200  }
.Ltmp1:
0x7b: {  	[sflag:s7] =	ssyncset.done $0x0;
	(pc) =	sbr.rel @p0 .LBB2_2-.Ltmp1, $4  }
0x7c: {  	[sflag:s7] =	ssyncadd.s32 $0xFFFFCE00  }
0x7d: {  	_ =	swait.ge [sflag:s8], $0x3200  }
0x7e: {  	[sflag:s8] =	ssyncset.done $0x0  }
0x7f: {  	[sflag:s8] =	ssyncadd.s32 $0xFFFFCE00  }
0x80: {  	[bflag:$0x0] =	sbarrier.arrive $0xFFFF  }
0x81: {  	[tilespmem:s26], [sflag:$0x7] =	stream.linear.gather [spmem:s23], $0x2800, $0x38;
	[tilespmem:$0x1F400] =	vst v63  }
0x82: {  	_ =	swait.ge [sflag:s28], $0x2800  }
0x83: {  	[sflag:s28] =	ssyncset.done $0x0  }
0x84: {  	s10 =	rddreg [dreg:$0x4];
	[sflag:s28] =	ssyncadd.s32 $0xFFFFD800  }
0x85: {  	[hbm4b:s10+s4] =	stream.linear.scatter [tilespmem:s26], [sflag:$0x7], $0x2800, $0x38;
	[tilespmem:$0x1F400] =	vst v63  }
0x86: {  	_ =	swait.ge [sflag:s28], $0x2800  }
0x87: {  	[sflag:s28] =	ssyncset.done $0x0  }
0x88: {  	s11 =	rddreg [dreg:$0xd];
	[sflag:s28] =	ssyncadd.s32 $0xFFFFD800  }
0x89: {  	[tilespmem:s26], [sflag:$0x7] =	stream.linear.gather [spmem:s11], $0x2800, $0x38;
	[tilespmem:$0x1F400] =	vst v63  }
0x8a: {  	_ =	swait.ge [sflag:s28], $0x2800  }
0x8b: {  	[sflag:s28] =	ssyncset.done $0x0  }
0x8c: {  	s16 =	rddreg [dreg:$0x5];
	[sflag:s28] =	ssyncadd.s32 $0xFFFFD800  }
0x8d: {  	[hbm4b:s16+s4] =	stream.linear.scatter [tilespmem:s26], [sflag:$0x7], $0x2800, $0x38;
	[tilespmem:$0x1F400] =	vst v63  }
0x8e: {  	_ =	swait.ge [sflag:s28], $0x2800  }
0x8f: {  	[sflag:s28] =	ssyncset.done $0x0  }
0x90: {  	s12 =	rddreg [dreg:$0xe];
	[sflag:s28] =	ssyncadd.s32 $0xFFFFD800  }
0x91: {  	[tilespmem:s26], [sflag:$0x7] =	stream.linear.gather [spmem:s12], $0x2800, $0x38;
	[tilespmem:$0x1F400] =	vst v63  }
0x92: {  	_ =	swait.ge [sflag:s28], $0x2800  }
0x93: {  	[sflag:s28] =	ssyncset.done $0x0  }
0x94: {  	s17 =	rddreg [dreg:$0x6];
	[sflag:s28] =	ssyncadd.s32 $0xFFFFD800  }
0x95: {  	[hbm4b:s17+s4] =	stream.linear.scatter [tilespmem:s26], [sflag:$0x7], $0x2800, $0x38;
	[tilespmem:$0x1F400] =	vst v63  }
0x96: {  	_ =	swait.ge [sflag:s28], $0x2800  }
0x97: {  	[sflag:s28] =	ssyncset.done $0x0  }
0x98: {  	s13 =	rddreg [dreg:$0xf];
	[sflag:s28] =	ssyncadd.s32 $0xFFFFD800  }
0x99: {  	[tilespmem:s26], [sflag:$0x7] =	stream.linear.gather [spmem:s13], $0x2800, $0x38;
	[tilespmem:$0x1F400] =	vst v63  }
0x9a: {  	_ =	swait.ge [sflag:s28], $0x2800  }
0x9b: {  	[sflag:s28] =	ssyncset.done $0x0  }
0x9c: {  	s19 =	rddreg [dreg:$0x7];
	[sflag:s28] =	ssyncadd.s32 $0xFFFFD800  }
0x9d: {  	[hbm4b:s19+s4] =	stream.linear.scatter [tilespmem:s26], [sflag:$0x7], $0x2800, $0x38;
	[tilespmem:$0x1F400] =	vst v63  }
0x9e: {  	_ =	swait.ge [sflag:s28], $0x2800  }
0x9f: {  	[sflag:s28] =	ssyncset.done $0x0  }
0xa0: {  	s15 =	rddreg [dreg:$0x10];
	[sflag:s28] =	ssyncadd.s32 $0xFFFFD800  }
0xa1: {  	[tilespmem:s26], [sflag:$0x7] =	stream.linear.gather [spmem:s15], $0x2800, $0x38;
	[tilespmem:$0x1F400] =	vst v63  }
0xa2: {  	_ =	swait.ge [sflag:s28], $0x2800  }
0xa3: {  	[sflag:s28] =	ssyncset.done $0x0  }
0xa4: {  	s20 =	rddreg [dreg:$0x8];
	[sflag:s28] =	ssyncadd.s32 $0xFFFFD800  }
0xa5: {  	[hbm4b:s20+s4] =	stream.linear.scatter [tilespmem:s26], [sflag:$0x7], $0x2800, $0x38;
	[tilespmem:$0x1F400] =	vst v63  }
0xa6: {  	_ =	swait.ge [sflag:s28], $0x2800  }
0xa7: {  	[sflag:s28] =	ssyncset.done $0x0  }
0xa8: {  	s16 =	rddreg [dreg:$0x11];
	[sflag:s28] =	ssyncadd.s32 $0xFFFFD800  }
0xa9: {  	[tilespmem:s26], [sflag:$0x7] =	stream.linear.gather [spmem:s16], $0x2800, $0x38;
	[tilespmem:$0x1F400] =	vst v63  }
0xaa: {  	_ =	swait.ge [sflag:s28], $0x2800  }
0xab: {  	[sflag:s28] =	ssyncset.done $0x0  }
0xac: {  	s21 =	rddreg [dreg:$0x9];
	[sflag:s28] =	ssyncadd.s32 $0xFFFFD800  }
0xad: {  	[hbm4b:s21+s4] =	stream.linear.scatter [tilespmem:s26], [sflag:$0x7], $0x2800, $0x38;
	[tilespmem:$0x1F400] =	vst v63  }
0xae: {  	_ =	swait.ge [sflag:s28], $0x2800  }
0xaf: {  	[sflag:s28] =	ssyncset.done $0x0  }
0xb0: {  	s17 =	rddreg [dreg:$0x12];
	[sflag:s28] =	ssyncadd.s32 $0xFFFFD800  }
0xb1: {  	[tilespmem:s26], [sflag:$0x7] =	stream.linear.gather [spmem:s17], $0x2800, $0x38;
	[tilespmem:$0x1F400] =	vst v63  }
0xb2: {  	_ =	swait.ge [sflag:s28], $0x2800  }
0xb3: {  	[sflag:s28] =	ssyncset.done $0x0  }
0xb4: {  	s22 =	rddreg [dreg:$0xa];
	[sflag:s28] =	ssyncadd.s32 $0xFFFFD800  }
0xb5: {  	[hbm4b:s22+s4] =	stream.linear.scatter [tilespmem:s26], [sflag:$0x7], $0x2800, $0x38;
	[tilespmem:$0x1F400] =	vst v63  }
0xb6: {  	_ =	swait.ge [sflag:s28], $0x2800  }
0xb7: {  	[sflag:s28] =	ssyncset.done $0x0  }
0xb8: {  	s19 =	rddreg [dreg:$0x13];
	[sflag:s28] =	ssyncadd.s32 $0xFFFFD800  }
0xb9: {  	[tilespmem:s26], [sflag:$0x7] =	stream.linear.gather [spmem:s19], $0x2800, $0x38;
	[tilespmem:$0x1F400] =	vst v63  }
0xba: {  	_ =	swait.ge [sflag:s28], $0x2800  }
0xbb: {  	[sflag:s28] =	ssyncset.done $0x0  }
0xbc: {  	s18 =	smov.u32 s23;
	s23 =	rddreg [dreg:$0xb];
	[sflag:s28] =	ssyncadd.s32 $0xFFFFD800  }
0xbd: {  	[hbm4b:s23+s4] =	stream.linear.scatter [tilespmem:s26], [sflag:$0x7], $0x2800, $0x38;
	[tilespmem:$0x1F400] =	vst v63  }
0xbe: {  	_ =	swait.ge [sflag:s28], $0x2800  }
0xbf: {  	s9 =	sadd.s32 $0x1, s9;
	s25 =	rddreg [dreg:$0x14]  }
0xc0: {  	p0 =	sne.s32 s9, s25  }
.Ltmp2:
0xc1: {  	_ = 	snop;
	(pc) =	sbr.rel @p0 .LBB2_1-.Ltmp2, $3  }
0xc2: {  	_ =	sdelay $0x1  }
0xc3: {  	[sflag:s28] =	ssyncset.done $0x0  }
0xc4: {  	[sflag:s28] =	ssyncadd.s32 $0xFFFFD800  }
0xc5: {  	_ =	sfence.sel $0x180000  }
0xc6: {  	[bflag:$0x0] =	sbarrier.arrive $0xFFFF  }
0xc7: {  	_ =	strace $0x9000004D  }
0xc8: {  	s0 =	stileid.u32;
	[bflag:$0x2] =	sbarrier.arrive $0xFFFF  }
0xc9: {  	p0 =	sne.s32 s0, $0x0;
	s0 =	rddreg [dreg:$0x3]  }
0xca: {  	s0 =	sadd.s32 @!p0 $0x100000, s0  }
0xcb: {  	[sflag:s0] =	ssyncadd.tile.s32 @!p0 $0x1;
	_ =	shalt  }
.Lfunc_end2:
_tile_overlayer_lowered:
.L_overlay_start_2:
0xcc: {  	(tag) =	ssettag $0x2  }
0xcd: {  	s0 =	rddreg [dreg:$0x0];
	s2 =	stileid.u32  }
0xce: {  	s1 =	rddreg [dreg:$0x1];
	p0 =	sne.s32 s2, $0x0  }
0xcf: {  	s3 =	rddreg [dreg:$0x2];
	[bflag:$0x3] =	sbarrier.arrive $0xFFFF;
	s2 =	simm.s32 @!p0 $0x1C07  }
0xd0: {  	[timem:s3], [sflag:s2] =	dma.local @!p0 [hbm:s0], s1  }
0xd1: {  	s0 =	simm.s32 @!p0 $0x7  }
0xd2: {  	_ =	swait.ge @!p0 [sflag:s0], s1  }
0xd3: {  	s1 =	ssub.s32 @!p0 $0x0, s1;
	[sflag:s0] =	ssyncset.done @!p0 $0x0  }
0xd4: {  	[sflag:s0] =	ssyncadd.s32 @!p0 s1  }
0xd5: {  	[bflag:$0x3] =	sbarrier.arrive $0xFFFF  }
0xd6: {  	_ =	shalt  }

// kernel: kernel.8.cloned.1.call-start
scs
__scs_entry_jumppad:
0x0: {  	(pc) =	sbr.rel $0x88, $3  }
0x1: {  	(tag) =	ssettag $0x0;
	lr =	simm.s32 $0x1  }
0x2: {  	[smem:$0x3F90] =	sst lr;
	_ =	strace $0xD0000000  }
0x3: {  	_ = 	snop  }
0x4: {  	_ = 	snop  }
0x5: {  	_ = 	snop  }
0x6: {  	_ = 	snop  }
0x7: {  	_ = 	snop  }
__scs_overlays_trampoline_lowered:
0x8: {  	[smem:$0x3F9F] =	sst s0  }
0x9: {  	[smem:$0x3FA0] =	sst s1  }
0xa: {  	[smem:$0x3FA1] =	sst s2  }
0xb: {  	[smem:$0x3FA2] =	sst s3  }
0xc: {  	[smem:$0x3FA3] =	sst s4  }
0xd: {  	[smem:$0x3FA4] =	sst s5  }
0xe: {  	[smem:$0x3FA5] =	sst s6  }
0xf: {  	[smem:$0x3FA6] =	sst s7  }
0x10: {  	[smem:$0x3FA7] =	sst s8  }
0x11: {  	[smem:$0x3FA8] =	sst s9;
	s0 =	simm.s32 @!p0 $0x0  }
0x12: {  	s1 =	sld [smem:$0x3F8E];
	s0 =	simm.s32 @p0 $0x1  }
0x13: {  	[smem:$0x3FA9] =	sst s0;
	s0 =	simm.s32 @!p1 $0x0  }
0x14: {  	s2 =	sld [smem:$0x3F8D];
	s0 =	simm.s32 @p1 $0x1  }
0x15: {  	[smem:$0x3FAA] =	sst s0;
	s0 =	simm.s32 @!p2 $0x0  }
0x16: {  	s3 =	sld [smem:$0x3FDB];
	s0 =	simm.s32 @p2 $0x1  }
0x17: {  	s4 =	simm.s32 $0x1BF5;
	[smem:$0x3FAC] =	sst s0  }
0x18: {  	s0 =	sld [smem:$0x3F8F];
	_ =	swait.ge [sflag:s4], $0x0  }
0x19: {  	s7 =	sld [smem:$0x3F90]  }
0x1a: {  	s8 =	sadd.s32 $0xFFFFE003, lr  }
0x1b: {  	s9 =	sadd.s32 $0xFFFFFEF7, lr;
	s5 =	simm.s32 $0xFFFFFFFF;
	p2 =	slt.u32 s8, $0xFFFFF086  }
0x1c: {  	p1 =	slt.u32 s9, $0xF7A;
	s5 =	simm.s32 @!p2 $0x0  }
0x1d: {  	s5 =	simm.s32 @p1 $0x1;
	p0 =	seq.s32 s7, s2  }
0x1e: {  	s7 =	smul.u32 @!p0 $0xF7A, s2;
	p2 =	seq.s32 @!p0 s5, $0x0  }
0x1f: {  	s9 =	smul.u32 $0xF7A, s1;
	s8 =	simm.s32 @!p0 $0x1BF5;
	p2 =	por !p2, p0  }
0x20: {  	[sflag:s8] =	ssyncset.s32 @!p0 $0xFFFFF086;
	s6 =	sadd.s32 @!p0 s3, s7;
	s7 =	simm.s32 @!p0 $0x108  }
0x21: {  	s3 =	sadd.s32 s3, s9;
	s6 =	sadd.s32 @!p0 $0x88, s6;
	s7 =	simm.s32 @p2 $0x1082  }
0x22: {  	[simem:s7], [sflag:s8] =	dma.local @!p0 [hbm:s6], $0xF7A  }
0x23: {  	s9 =	sor.u32 $0xD0000000, s2;
	s6 =	simm.s32 $0x108;
	_ =	swait.ge @!p0 [sflag:s8], $0x0  }
0x24: {  	s3 =	sadd.s32 $0x88, s3;
	s6 =	simm.s32 @!p1 $0x1082;
	[sflag:s4] =	ssyncset.s32 $0xFFFFF086  }
0x25: {  	[simem:s6], [sflag:s4] =	dma.local [hbm:s3], $0xF7A  }
0x26: {  	[smem:$0x3F90] =	sst s1;
	(tag) =	ssettag s2;
	_ =	strace s9  }
0x27: {  	s1 =	sld [smem:$0x3FA0]  }
0x28: {  	s2 =	sld [smem:$0x3FA1]  }
0x29: {  	s4 =	sld [smem:$0x3FA3]  }
0x2a: {  	p0 =	seq.s32 s5, $0x0;
	s5 =	sld [smem:$0x3FA4]  }
0x2b: {  	s6 =	sld [smem:$0x3FA5]  }
0x2c: {  	s7 =	sld [smem:$0x3FA6]  }
0x2d: {  	s3 =	simm.s32 $0x108;
	s8 =	sld [smem:$0x3FA7]  }
0x2e: {  	s3 =	simm.s32 @!p0 $0x1082;
	s9 =	sld [smem:$0x3FA8]  }
0x2f: {  	lr =	sadd.s32 s0, s3;
	s0 =	sld [smem:$0x3F9F]  }
0x30: {  	s3 =	sld [smem:$0x3FA2]  }
0x31: {  	[smem:$0x3FAB] =	sst s10  }
0x32: {  	s10 =	sld [smem:$0x3FA9];
	_ =	sdelay $0x3  }
0x33: {  	p0 =	seq.s32 s10, $0x1;
	s10 =	sld [smem:$0x3FAB];
	_ =	sdelay $0x3  }
0x34: {  	[smem:$0x3FAB] =	sst s10  }
0x35: {  	s10 =	sld [smem:$0x3FAA];
	_ =	sdelay $0x3  }
0x36: {  	p1 =	seq.s32 s10, $0x1;
	s10 =	sld [smem:$0x3FAB];
	_ =	sdelay $0x3  }
0x37: {  	[smem:$0x3FAB] =	sst s10  }
0x38: {  	s10 =	sld [smem:$0x3FAC]  }
0x39: {  	_ = 	snop;
	(pc) =	sbr.ind lr, $3  }
0x3a: {  	_ = 	snop  }
0x3b: {  	_ = 	snop  }
0x3c: {  	p2 =	seq.s32 s10, $0x1;
	s10 =	sld [smem:$0x3FAB]  }
0x3d: {  	_ =	shalt  }
0x3e: {  	_ =	shalt  }
0x3f: {  	_ =	shalt  }
0x40: {  	_ =	shalt  }
0x41: {  	_ =	shalt  }
0x42: {  	_ =	shalt  }
0x43: {  	_ =	shalt  }
0x44: {  	_ =	shalt  }
0x45: {  	_ =	shalt  }
0x46: {  	_ =	shalt  }
0x47: {  	_ =	shalt  }
0x48: {  	_ =	shalt  }
0x49: {  	_ =	shalt  }
0x4a: {  	_ =	shalt  }
0x4b: {  	_ =	shalt  }
0x4c: {  	_ =	shalt  }
0x4d: {  	_ =	shalt  }
0x4e: {  	_ =	shalt  }
0x4f: {  	_ =	shalt  }
0x50: {  	_ =	shalt  }
0x51: {  	_ =	shalt  }
0x52: {  	_ =	shalt  }
0x53: {  	_ =	shalt  }
0x54: {  	_ =	shalt  }
0x55: {  	_ =	shalt  }
0x56: {  	_ =	shalt  }
0x57: {  	_ =	shalt  }
0x58: {  	_ =	shalt  }
0x59: {  	_ =	shalt  }
0x5a: {  	_ =	shalt  }
0x5b: {  	_ =	shalt  }
0x5c: {  	_ =	shalt  }
0x5d: {  	_ =	shalt  }
0x5e: {  	_ =	shalt  }
0x5f: {  	_ =	shalt  }
0x60: {  	_ =	shalt  }
0x61: {  	_ =	shalt  }
0x62: {  	_ =	shalt  }
0x63: {  	_ =	shalt  }
0x64: {  	_ =	shalt  }
0x65: {  	_ =	shalt  }
0x66: {  	_ =	shalt  }
0x67: {  	_ =	shalt  }
0x68: {  	_ =	shalt  }
0x69: {  	_ =	shalt  }
0x6a: {  	_ =	shalt  }
0x6b: {  	_ =	shalt  }
0x6c: {  	_ =	shalt  }
0x6d: {  	_ =	shalt  }
0x6e: {  	_ =	shalt  }
0x6f: {  	_ =	shalt  }
0x70: {  	_ =	shalt  }
0x71: {  	_ =	shalt  }
0x72: {  	_ =	shalt  }
0x73: {  	_ =	shalt  }
0x74: {  	_ =	shalt  }
0x75: {  	_ =	shalt  }
0x76: {  	_ =	shalt  }
0x77: {  	_ =	shalt  }
0x78: {  	_ =	shalt  }
0x79: {  	_ =	shalt  }
0x7a: {  	_ =	shalt  }
0x7b: {  	_ =	shalt  }
0x7c: {  	_ =	shalt  }
0x7d: {  	_ =	shalt  }
0x7e: {  	_ =	shalt  }
0x7f: {  	_ =	shalt  }
0x80: {  	_ =	shalt  }
0x81: {  	_ =	shalt  }
0x82: {  	_ =	shalt  }
0x83: {  	_ =	shalt  }
0x84: {  	_ =	shalt  }
0x85: {  	_ =	shalt  }
0x86: {  	_ =	shalt  }
0x87: {  	_ =	shalt  }
.Lfunc_end0:
.L_simem_size_0:
called_computation_lowered:
.L_overlay_start_0:
0x88: {  	s2 =	sld [smem:$0x3FD9]  }
0x89: {  	s3 =	sld [smem:$0x3FFE];
	_ =	sdelay $0x1  }
0x8a: {  	s1 =	srdreg.scid  }
0x8b: {  	s0 =	sand.u32 $0x1, s1  }
0x8c: {  	s16 =	sshll.u32 s0, $0xA;
	s2 =	sadd.s32 s3, s2  }
0x8d: {  	s2 =	sadd.s32 s2, s16  }
0x8e: {  	[smem:$0x3FB7] =	sst s2  }
0x8f: {  	_ = 	snop  }
0x90: {  	(tm) =	ssettm $0x1  }
0x91: {  	s17 =	sld [smem:$0x3FFB];
	_ =	sdelay $0x3  }
0x92: {  	_ =	strace s17  }
0x93: {  	s2 =	sld [smem:$0x3FFC];
	_ =	sdelay $0x3  }
0x94: {  	_ =	strace s2  }
0x95: {  	s2 =	sld [smem:$0x3FFD];
	_ =	sdelay $0x3  }
0x96: {  	_ =	strace s2  }
0x97: {  	_ =	strace $0x8FFFFFFF  }
0x98: {  	s18 =	sld [smem:$0x3FDB];
	_ =	sdelay $0x1  }
0x99: {  	s19 =	simm.s32 $_scs_section_size  }
0x9a: {  	s4 =	simm.s32 $_size__tile_overlayer_lowered;
	s5 =	simm.s32 $_tile_overlayer_lowered  }
0x9b: {  	s22 =	simm.s32 $0x1BFF;
	s21 =	sshll.u32 s5, $0x1;
	s2 =	sadd.s32 s19, s18  }
0x9c: {  	s6 =	simm.s32 $0x0;
	s20 =	sshll.u32 s4, $0x1;
	s4 =	sadd.s32 s21, s2  }
0x9d: {  	[timem:s6], [sflag:s22] =	dma.local [hbm:s4], s20  }
0x9e: {  	_ =	swait.ge [sflag:s22], s20  }
0x9f: {  	s3 =	ssub.s32 $0x0, s20;
	[sflag:s22] =	ssyncset.done $0x0  }
0xa0: {  	[sflag:s22] =	ssyncadd.s32 s3;
	_ =	sdelay $0x1  }
0xa1: {  	s23 =	simm.s32 $0x1B8B  }
0xa2: {  	_ =	swait.ge [sflag:s23], $0x1  }
0xa3: {  	[sflag:s23] =	ssyncset.done $0x0  }
0xa4: {  	s25 =	simm.s32 $0x1B8E;
	s24 =	sld [smem:$0x3FFE];
	[sflag:s23] =	ssyncadd.s32 $0xFFFFFFFF  }
0xa5: {  	s26 =	simm.s32 $execute0_lowered;
	[smem:$0x3FD2] =	sst s25  }
0xa6: {  	s4 =	sshll.u32 s26, $0x1;
	_ =	strace $0x80000046;
	[dreg:$0x1] =	wrdreg $0xFFFFFFFF  }
0xa7: {  	s28 =	simm.s32 $_size_execute0_lowered;
	s2 =	sadd.s32 s2, s4;
	[dreg:$0x0] =	wrdreg $0x0  }
0xa8: {  	s4 =	sshll.u32 s28, $0x1;
	[dreg:$0x2] =	wrdreg s2  }
0xa9: {  	[dreg:$0x3] =	wrdreg s4  }
0xaa: {  	[dreg:$0x4] =	wrdreg $0xC0  }
0xab: {  	_ =	task [dreg:s6], $0x5FFFF  }
0xac: {  	[dreg:$0x1] =	wrdreg $0xFFFFFFFF  }
0xad: {  	[dreg:$0x0] =	wrdreg $0x60  }
0xae: {  	[dreg:$0x2] =	wrdreg s24  }
0xaf: {  	[dreg:$0x3] =	wrdreg $0x9  }
0xb0: {  	_ =	task.clear_ibuf [dreg:s6], $0x4FFFF;
	_ =	strace $0x90000046  }
0xb1: {  	s29 =	simm.s32 $0x9;
	_ =	strace $0x80000048  }
0xb2: {  	_ =	swait.ge [sflag:s29], $0x1  }
0xb3: {  	[sflag:s29] =	ssyncadd.s32 $0xFFFFFFFF  }
0xb4: {  	_ =	strace $0x90000048  }
0xb5: {  	_ =	sfence  }
0xb6: {  	s30 =	sld [smem:$0x0];
	_ =	sdelay $0x2  }
0xb7: {  	s31 =	sshll.u32 s1, $0xD;
	s1 =	sshrl.u32 s1, $0x2  }
0xb8: {  	s3 =	sand.u32 $0x4000, s31;
	s1 =	sadd.s32 s1, s30  }
0xb9: {  	s0 =	sor.u32 s3, s0;
	s1 =	sshll.u32 s1, $0x11  }
0xba: {  	s0 =	sor.u32 s1, s0  }
0xbb: {  	s0 =	sadd.s32 $0x8F2B, s0  }
0xbc: {  	[sflag:s0] =	ssyncadd.remote.s32 $0x1  }
0xbd: {  	_ =	sfence.sel $0xFFFF  }
0xbe: {  	[dreg:$0x0] =	wrdreg $0xFFFFFFFF;
	(pc) =	sbr.abs _section_cstart, $3  }
0xbf: {  	[dreg:$0x1] =	wrdreg $0xFFFFFFFF  }
0xc0: {  	_ =	task.clear_ibuf [dreg:s6], $0x2FFFF;
	_ =	strace $0x9FFFFFFF  }
0xc1: {  	(tm) =	ssettm $0x7FFFFFFF  }
tec
execute0_lowered:
.L_overlay_start_1:
0x0: {  	(tag) =	ssettag $0x1  }
0x1: {  	s0 =	srdreg.scid  }
0x2: {  	s5 =	rddreg [dreg:$0x0];
	s3 =	sand.u32 $0x1, s0  }
0x3: {  	s2 =	simm.s32 $0x0;
	s0 =	stileid.u32;
	s1 =	sshll.u32 s3, $0x4  }
0x4: {  	s8 =	simm.s32 $0x80;
	s9 =	simm.s32 $0x400;
	s4 =	sor.u32 s0, s1  }
0x5: {  	s10 =	simm.s32 $0x0;
	[smem:$0x7FF] =	sst s2;
	s1 =	sshrl.u32 s4, $0x3  }
0x6: {  	s7 =	sshll.u32 s0, $0x7;
	s3 =	ssub.s32 $0x2, s3;
	s6 =	smul.u32 $0x13C00, s1  }
0x7: {  	s7 =	sand.u32 $0x380, s7;
	s31 =	sshrl.u32 s3, $0x1;
	s4 =	smul.u32 $0x4E2, s4  }
0x8: {  	s1 =	rddreg [dreg:$0x1];
	_ =	strace $0x80000047;
	s6 =	sor.u32 s7, s6  }
0x9: {  	s4 =	sadd.s32 s4, s5;
	s7 =	simm.s32 $0x2780;
	s6 =	sshrl.u32 s6, $0x3  }
0xa: {  	s5 =	sadd.s32 s6, s5;
	s6 =	ssub.s32 s3, s31;
	s3 =	sadd.s32 $0x3A00, s4  }
0xb: {  	v0 =	vimm.f32 $0.0e+00;
	v1 =	vimm.f32 $1.000000000e+00;
	s4 =	sadd.s32 $0xD800, s5;
	s5 =	smax.u32 s6, $0x1;
	s6 =	simm.s32 $0x1  }
.LBB2_1:
0xc: {  	[tilespmem:s2], [sflag:$0x1] =	stream.linear.gather [hbm4b:s3+s2], $0x2710, $0x38;
	[tilespmem:$0x4F00] =	vst v63  }
0xd: {  	_ =	swait.ge [sflag:s6], $0x2710  }
0xe: {  	[sflag:s6] =	ssyncset.done $0x0  }
0xf: {  	s11 =	simm.s32 $0x27C0;
	[sflag:s6] =	ssyncadd.s32 $0xFFFFD8F0  }
0x10: {  	[tilespmem:s11+$0xFFFFFFC0] =	vst v0  }
0x11: {  	[tilespmem:s11+$0x30] =	vst v0  }
0x12: {  	[tilespmem:s11+$0x20] =	vst v0  }
0x13: {  	[tilespmem:s11+$0x10] =	vst v0  }
0x14: {  	[tilespmem:s11+$0x0] =	vst v0  }
0x15: {  	[tilespmem:s11+$0xFFFFFFF0] =	vst v0  }
0x16: {  	s12 =	simm.s32 $0x0;
	[tilespmem:s11+$0xFFFFFFE0] =	vst v0  }
.LBB2_2:
0x17: {  	s12 =	sadd.s32 $0x8, s12;
	[tilespmem:s11+$0xFFFFFFD0] =	vst v0;
	s11 =	sadd.s32 $0x80, s11  }
0x18: {  	[tilespmem:s11+$0xFFFFFFC0] =	vst v0;
	p0 =	slt.u32 s12, $0x268  }
0x19: {  	[tilespmem:s11+$0x30] =	vst v0  }
.Ltmp0:
0x1a: {  	[tilespmem:s11+$0x20] =	vst v0;
	(pc) =	sbr.rel @p0 .LBB2_2-.Ltmp0, $4  }
0x1b: {  	[tilespmem:s11+$0x10] =	vst v0  }
0x1c: {  	[tilespmem:s11+$0x0] =	vst v0  }
0x1d: {  	[tilespmem:s11+$0xFFFFFFF0] =	vst v0  }
0x1e: {  	[tilespmem:s11+$0xFFFFFFE0] =	vst v0  }
0x1f: {  	[tilespmem:s11+$0xFFFFFFD0] =	vst v0  }
0x20: {  	s11 =	simm.s32 $0xFFFFFFF8;
	s12 =	simm.s32 $0x40;
	[tilespmem:$0x4E80] =	vst v0  }
.LBB2_4:
0x21: {  	v2 =	vld [tilespmem:s12+$0xFFFFFFC0];
	_ =	sdelay $0x7  }
0x22: {  	[tilespmem:v2+s7+$0x0] =	vst.idx.add.f32.msk $0xffff, v1  }
0x23: {  	v2 =	vld [tilespmem:s12+$0xFFFFFFD0];
	_ =	sdelay $0x7  }
0x24: {  	[tilespmem:v2+s7+$0x0] =	vst.idx.add.f32.msk $0xffff, v1  }
0x25: {  	v2 =	vld [tilespmem:s12+$0xFFFFFFE0];
	_ =	sdelay $0x7  }
0x26: {  	[tilespmem:v2+s7+$0x0] =	vst.idx.add.f32.msk $0xffff, v1  }
0x27: {  	v2 =	vld [tilespmem:s12+$0xFFFFFFF0];
	_ =	sdelay $0x7  }
0x28: {  	[tilespmem:v2+s7+$0x0] =	vst.idx.add.f32.msk $0xffff, v1  }
0x29: {  	v2 =	vld [tilespmem:s12+$0x0];
	_ =	sdelay $0x7  }
0x2a: {  	[tilespmem:v2+s7+$0x0] =	vst.idx.add.f32.msk $0xffff, v1  }
0x2b: {  	v2 =	vld [tilespmem:s12+$0x10];
	_ =	sdelay $0x7  }
0x2c: {  	[tilespmem:v2+s7+$0x0] =	vst.idx.add.f32.msk $0xffff, v1  }
0x2d: {  	v2 =	vld [tilespmem:s12+$0x20];
	_ =	sdelay $0x7  }
0x2e: {  	[tilespmem:v2+s7+$0x0] =	vst.idx.add.f32.msk $0xffff, v1  }
0x2f: {  	v2 =	vld [tilespmem:s12+$0x30];
	_ =	sdelay $0x1  }
0x30: {  	s11 =	sadd.s32 $0x8, s11  }
0x31: {  	p0 =	slt.u32 s11, $0x268  }
.Ltmp1:
0x32: {  	_ = 	snop;
	(pc) =	sbr.rel @p0 .LBB2_4-.Ltmp1, $2  }
0x33: {  	_ =	sdelay $0x2  }
0x34: {  	s12 =	sadd.s32 $0x80, s12;
	[tilespmem:v2+s7+$0x0] =	vst.idx.add.f32.msk $0xffff, v1  }
0x35: {  	v2 =	vld [tilespmem:$0x2700];
	_ =	sdelay $0x5  }
0x36: {  	s10 =	sadd.s32 $0x1, s10  }
0x37: {  	p0 =	sne.s32 s10, s5  }
.Ltmp2:
0x38: {  	[tilespmem:v2+s7+$0x0] =	vst.idx.add.f32.msk $0xffff, v1;
	(pc) =	sbr.rel @p0 .LBB2_1-.Ltmp2, $4  }
0x39: {  	[hbm4b:s4+s8] =	stream.strided.scatter [tilespmem:s7], [sflag:$0x1], $0x2780, s9, s8, $0x38;
	[tilespmem:$0x4F00] =	vst v63  }
0x3a: {  	_ =	swait.ge [sflag:s6], $0x2780  }
0x3b: {  	[sflag:s6] =	ssyncset.done $0x0  }
0x3c: {  	[sflag:s6] =	ssyncadd.s32 $0xFFFFD880  }
0x3d: {  	_ =	sfence.sel $0x180000  }
0x3e: {  	[bflag:$0x0] =	sbarrier.arrive $0xFFFF  }
0x3f: {  	p0 =	sne.s32 s0, $0x0;
	_ =	strace $0x90000047  }
0x40: {  	s0 =	sadd.s32 @!p0 $0x100000, s1;
	[bflag:$0x2] =	sbarrier.arrive $0xFFFF  }
0x41: {  	[sflag:s0] =	ssyncadd.tile.s32 @!p0 $0x1;
	_ =	shalt  }
.Lfunc_end2:
_tile_overlayer_lowered:
.L_overlay_start_2:
0x42: {  	(tag) =	ssettag $0x2  }
0x43: {  	s0 =	rddreg [dreg:$0x0];
	s2 =	stileid.u32  }
0x44: {  	s1 =	rddreg [dreg:$0x1];
	p0 =	sne.s32 s2, $0x0  }
0x45: {  	s3 =	rddreg [dreg:$0x2];
	[bflag:$0x3] =	sbarrier.arrive $0xFFFF;
	s2 =	simm.s32 @!p0 $0x1C01  }
0x46: {  	[timem:s3], [sflag:s2] =	dma.local @!p0 [hbm:s0], s1  }
0x47: {  	s0 =	simm.s32 @!p0 $0x1  }
0x48: {  	_ =	swait.ge @!p0 [sflag:s0], s1  }
0x49: {  	s1 =	ssub.s32 @!p0 $0x0, s1;
	[sflag:s0] =	ssyncset.done @!p0 $0x0  }
0x4a: {  	[sflag:s0] =	ssyncadd.s32 @!p0 s1  }
0x4b: {  	[bflag:$0x3] =	sbarrier.arrive $0xFFFF  }
0x4c: {  	_ =	shalt  }

</sc_bundles>
